<compile_context>
chip_gen: v7x
topology: tpu7x:2x2x1
jax: 0.10.2.dev20260603
libtpu: 0.0.44.dev20260713+nightly
codegen_flags: <defaults>
</compile_context>

<pallas_src>
import functools

import jax
import jax.numpy as jnp
from jax import lax
from jax.experimental import pallas as pl
from jax.experimental.pallas import tpu as pltpu
from jax.experimental.pallas import tpu_sc as plsc

N_NODES = 10000
N_EDGES = 160000
_NW = 32
_GCHUNK = 40
_SCHUNK = 80
_EBLOCK = 800
_NROWS_CP = 1000


def _leaky(x):
    return jnp.where(x >= 0, x, 0.01 * x)


def _dot(a, b):
    return jnp.dot(a, b, preferred_element_type=jnp.float32)


def _pack_cols(t):
    w = t.shape[1]
    pair = jnp.stack([t[:, : w // 2], t[:, w // 2:]], axis=-1)
    return jax.lax.bitcast_convert_type(pair, jnp.int32)


def _unpack_cols(x):
    lo = jax.lax.bitcast_convert_type(jnp.left_shift(x, 16), jnp.float32)
    hi = jax.lax.bitcast_convert_type(
        jnp.bitwise_and(x, jnp.int32(-65536)), jnp.float32)
    return jnp.concatenate([lo, hi], axis=1)



def _mlp_body(n_layers):
    def body(*refs):
        x_ref = refs[0]
        out_ref = refs[-1]
        h = x_ref[...]
        for i in range(n_layers):
            w = refs[1 + 2 * i][...]
            b = refs[2 + 2 * i][...]
            h = _leaky(_dot(h, w) + b)
        out_ref[...] = h
    return body


def _run_mlp(x, Ws, bs, block):
    rows, din = x.shape
    nl = len(Ws)
    dout = Ws[-1].shape[1]
    in_specs = [pl.BlockSpec((block, din), lambda i: (i, 0))]
    args = [x]
    for w, b in zip(Ws, bs):
        in_specs.append(pl.BlockSpec(w.shape, lambda i: (0, 0)))
        args.append(w)
        in_specs.append(pl.BlockSpec((1, b.shape[0]), lambda i: (0, 0)))
        args.append(b.reshape(1, -1))
    return pl.pallas_call(
        _mlp_body(nl),
        grid=(rows // block,),
        in_specs=in_specs,
        out_specs=pl.BlockSpec((block, dout), lambda i: (i, 0)),
        out_shape=jax.ShapeDtypeStruct((rows, dout), jnp.float32),
    )(*args)


def _node_proj(h_n, wa, wcat, block=400):
    n = h_n.shape[0]
    da = wa.shape[1]
    dc = wcat.shape[1]

    def body(h_ref, a_ref, c_ref, u_ref, t_ref):
        h = h_ref[...]
        u_ref[...] = _dot(h, a_ref[...]).astype(jnp.bfloat16)
        t_ref[...] = _dot(h, c_ref[...]).astype(jnp.bfloat16)

    return pl.pallas_call(
        body,
        grid=(n // block,),
        in_specs=[
            pl.BlockSpec((block, h_n.shape[1]), lambda i: (i, 0)),
            pl.BlockSpec(wa.shape, lambda i: (0, 0)),
            pl.BlockSpec(wcat.shape, lambda i: (0, 0)),
        ],
        out_specs=[
            pl.BlockSpec((block, da), lambda i: (i, 0)),
            pl.BlockSpec((block, dc), lambda i: (i, 0)),
        ],
        out_shape=[
            jax.ShapeDtypeStruct((n, da), jnp.bfloat16),
            jax.ShapeDtypeStruct((n, dc), jnp.bfloat16),
        ],
    )(h_n, wa, wcat)


def _node_update(flow, wn, bn, block=1000):
    def body(f_ref, w_ref, b_ref, o_ref):
        o_ref[...] = jnp.maximum(_dot(f_ref[...], w_ref[...]) + b_ref[...], 0.0)

    n, d = flow.shape
    dout = wn.shape[1]
    return pl.pallas_call(
        body,
        grid=(n // block,),
        in_specs=[
            pl.BlockSpec((block, d), lambda i: (i, 0)),
            pl.BlockSpec(wn.shape, lambda i: (0, 0)),
            pl.BlockSpec((1, dout), lambda i: (0, 0)),
        ],
        out_specs=pl.BlockSpec((block, dout), lambda i: (i, 0)),
        out_shape=jax.ShapeDtypeStruct((n, dout), jnp.float32),
    )(flow, wn, bn.reshape(1, -1))



def _edge_step1(gs, gd, ie, src2, dst2, ew, fw):
    nb = N_EDGES // _EBLOCK

    def body(gs_r, gd_r, ie_r, s_r, d_r,
             cc, b1, w2, b2, w3, b3, w4, b4,
             do, bo1, wo2, bo2, di, bi1, wi2, bi2,
             he_out, f_out):
        gdb = _unpack_cols(gd_r[...])
        z = (_unpack_cols(gs_r[...]) + gdb[:, :1024]
             + _dot(ie_r[...], cc[...]) + b1[...])
        a = _leaky(z)
        a = _leaky(_dot(a, w2[...]) + b2[...])
        a = _leaky(_dot(a, w3[...]) + b3[...])
        hen = _leaky(_dot(a, w4[...]) + b4[...])
        he_out[...] = hen
        zo = gdb[:, 1024:2048] + _dot(hen, do[...]) + bo1[...]
        fo = _leaky(_dot(_leaky(zo), wo2[...]) + bo2[...])
        zi = gdb[:, 2048:] + _dot(hen, di[...]) + bi1[...]
        fi = _leaky(_dot(_leaky(zi), wi2[...]) + bi2[...])
        s = s_r[...]
        d = d_r[...]
        fo = jnp.where(s < d, fo, 0.0)
        fi = jnp.where(s > d, fi, 0.0)
        f_out[...] = jnp.concatenate([fi, fo], axis=1)

    wargs = [ew["Ccomb"], ew["b1"], ew["W2"], ew["b2"], ew["W3"], ew["b3"],
             ew["W4"], ew["b4"],
             fw["Do"], fw["bo1"], fw["Wo2"], fw["bo2"],
             fw["Di"], fw["bi1"], fw["Wi2"], fw["bi2"]]
    w_specs = [pl.BlockSpec(w.shape, lambda i: (0,) * w.ndim) for w in wargs]
    return pl.pallas_call(
        body,
        grid=(nb,),
        in_specs=[
            pl.BlockSpec((_EBLOCK, 512), lambda i: (i, 0)),
            pl.BlockSpec((_EBLOCK, 1536), lambda i: (i, 0)),
            pl.BlockSpec((_EBLOCK, 256), lambda i: (i, 0)),
            pl.BlockSpec((_EBLOCK, 1), lambda i: (i, 0)),
            pl.BlockSpec((_EBLOCK, 1), lambda i: (i, 0)),
        ] + w_specs,
        out_specs=[
            pl.BlockSpec((_EBLOCK, 256), lambda i: (i, 0)),
            pl.BlockSpec((_EBLOCK, 1024), lambda i: (i, 0)),
        ],
        out_shape=[
            jax.ShapeDtypeStruct((N_EDGES, 256), jnp.float32),
            jax.ShapeDtypeStruct((N_EDGES, 1024), jnp.float32),
        ],
    )(gs, gd, ie, src2, dst2, *wargs)


def _edge_step2(gs, gdv, ie, he, ew, cw):
    nb = N_EDGES // _EBLOCK

    def body(gs_r, gdv_r, ie_r, he_r,
             c1, c2, b1, w2, b2, w3, b3, w4, b4,
             k1, kb1, k2, kb2, k3, kb3, k4, kb4,
             cls_out):
        z = (_unpack_cols(gs_r[...]) + _unpack_cols(gdv_r[...])
             + _dot(ie_r[...], c1[...]) + _dot(he_r[...], c2[...]) + b1[...])
        a = _leaky(z)
        a = _leaky(_dot(a, w2[...]) + b2[...])
        a = _leaky(_dot(a, w3[...]) + b3[...])
        hen = _leaky(_dot(a, w4[...]) + b4[...])
        c = _leaky(_dot(hen, k1[...]) + kb1[...])
        c = _leaky(_dot(c, k2[...]) + kb2[...])
        c = _leaky(_dot(c, k3[...]) + kb3[...])
        cls_out[...] = _leaky(_dot(c, k4[...]) + kb4[...])

    wargs = [ew["C1"], ew["C2"], ew["b1"], ew["W2"], ew["b2"], ew["W3"],
             ew["b3"], ew["W4"], ew["b4"],
             cw["W"][0], cw["b"][0].reshape(1, -1),
             cw["W"][1], cw["b"][1].reshape(1, -1),
             cw["W"][2], cw["b"][2].reshape(1, -1),
             cw["W"][3], cw["b"][3].reshape(1, -1)]
    w_specs = [pl.BlockSpec(w.shape, lambda i: (0,) * w.ndim) for w in wargs]
    return pl.pallas_call(
        body,
        grid=(nb,),
        in_specs=[
            pl.BlockSpec((_EBLOCK, 512), lambda i: (i, 0)),
            pl.BlockSpec((_EBLOCK, 512), lambda i: (i, 0)),
            pl.BlockSpec((_EBLOCK, 256), lambda i: (i, 0)),
            pl.BlockSpec((_EBLOCK, 256), lambda i: (i, 0)),
        ] + w_specs,
        out_specs=pl.BlockSpec((_EBLOCK, 256), lambda i: (i, 0)),
        out_shape=jax.ShapeDtypeStruct((N_EDGES, 256), jnp.float32),
    )(gs, gdv, ie, he, *wargs)



def _sc_gather(table, idx3, width):
    iters = idx3.shape[1]
    per_w = iters * _GCHUNK
    rows = _NW * per_w
    dt = table.dtype
    dbuf = width <= 512
    mesh = plsc.VectorSubcoreMesh(core_axis_name="c", subcore_axis_name="s")
    scratch = [pltpu.VMEM((iters, _GCHUNK), jnp.int32),
               pltpu.VMEM((_GCHUNK, width), dt),
               pltpu.SemaphoreType.DMA]
    if dbuf:
        scratch += [pltpu.VMEM((_GCHUNK, width), dt), pltpu.SemaphoreType.DMA]

    @functools.partial(
        pl.kernel,
        mesh=mesh,
        out_type=jax.ShapeDtypeStruct((rows, width), dt),
        scratch_types=scratch,
    )
    def gk(table_hbm, idx_hbm, out_hbm, idx_v, rows_a, sem_a, *rest):
        wid = lax.axis_index("s") * 2 + lax.axis_index("c")
        base = wid * per_w
        pltpu.sync_copy(idx_hbm.at[wid], idx_v)

        if dbuf:
            rows_b, sem_b = rest

            def pair(j, carry):
                i0 = j * 2
                e0 = pl.multiple_of(base + i0 * _GCHUNK, 8)
                e1 = pl.multiple_of(base + (i0 + 1) * _GCHUNK, 8)
                ca = pltpu.async_copy(table_hbm.at[idx_v.at[i0]], rows_a, sem_a)
                cb = pltpu.async_copy(table_hbm.at[idx_v.at[i0 + 1]], rows_b,
                                      sem_b)
                ca.wait()
                pltpu.sync_copy(rows_a, out_hbm.at[pl.ds(e0, _GCHUNK)])
                cb.wait()
                pltpu.sync_copy(rows_b, out_hbm.at[pl.ds(e1, _GCHUNK)])
                return carry

            lax.fori_loop(0, iters // 2, pair, 0)
            if iters % 2:
                et = pl.multiple_of(base + (iters - 1) * _GCHUNK, 8)
                pltpu.async_copy(
                    table_hbm.at[idx_v.at[iters - 1]], rows_a, sem_a).wait()
                pltpu.sync_copy(rows_a, out_hbm.at[pl.ds(et, _GCHUNK)])
        else:
            def step(i, carry):
                e0 = pl.multiple_of(base + i * _GCHUNK, 8)
                pltpu.async_copy(table_hbm.at[idx_v.at[i]], rows_a, sem_a).wait()
                pltpu.sync_copy(rows_a, out_hbm.at[pl.ds(e0, _GCHUNK)])
                return carry

            lax.fori_loop(0, iters, step, 0)

    return gk(table, idx3)


def _sc_scatter_sum(f, idx3, zeros_tile):
    iters = idx3.shape[1]
    per_tile = iters * _SCHUNK
    mesh = plsc.VectorSubcoreMesh(core_axis_name="c", subcore_axis_name="s")

    @functools.partial(
        pl.kernel,
        mesh=mesh,
        out_type=jax.ShapeDtypeStruct((N_NODES, 1024), jnp.float32),
        scratch_types=[
            pltpu.VMEM((iters, _SCHUNK), jnp.int32),
            pltpu.VMEM((_SCHUNK, 128), jnp.float32),
            pltpu.VMEM((_SCHUNK, 128), jnp.float32),
            pltpu.VMEM_SHARED((N_NODES, 128), jnp.float32),
            pltpu.SemaphoreType.DMA,
            pltpu.SemaphoreType.DMA,
        ],
    )
    def sk(f_hbm, idx_hbm, z_hbm, out_hbm, idx_v, val_a, val_b, shared,
           sem_a, sem_b):
        c = lax.axis_index("c")
        s = lax.axis_index("s")
        r0 = pl.multiple_of(s * _NROWS_CP, 8)
        pltpu.sync_copy(idx_hbm.at[s], idx_v)
        for cc in range(4):
            col0 = pl.multiple_of((c * 4 + cc) * 128, 128)

            @pl.when(s < 10)
            def _zero():
                pltpu.sync_copy(z_hbm, shared.at[pl.ds(r0, _NROWS_CP)])

            plsc.subcore_barrier()

            def pair(j, carry):
                i0 = j * 2
                e0 = pl.multiple_of(s * per_tile + i0 * _SCHUNK, 8)
                e1 = pl.multiple_of(s * per_tile + (i0 + 1) * _SCHUNK, 8)
                ca = pltpu.async_copy(
                    f_hbm.at[pl.ds(e0, _SCHUNK), pl.ds(col0, 128)], val_a,
                    sem_a)
                cb = pltpu.async_copy(
                    f_hbm.at[pl.ds(e1, _SCHUNK), pl.ds(col0, 128)], val_b,
                    sem_b)
                ca.wait()
                pltpu.sync_copy(val_a, shared.at[idx_v.at[i0]], add=True)
                cb.wait()
                pltpu.sync_copy(val_b, shared.at[idx_v.at[i0 + 1]], add=True)
                return carry

            lax.fori_loop(0, iters // 2, pair, 0)
            if iters % 2:
                et = pl.multiple_of(s * per_tile + (iters - 1) * _SCHUNK, 8)
                pltpu.async_copy(
                    f_hbm.at[pl.ds(et, _SCHUNK), pl.ds(col0, 128)], val_a,
                    sem_a).wait()
                pltpu.sync_copy(val_a, shared.at[idx_v.at[iters - 1]],
                                add=True)
            plsc.subcore_barrier()

            @pl.when(s < 10)
            def _copy_out():
                pltpu.sync_copy(
                    shared.at[pl.ds(r0, _NROWS_CP)],
                    out_hbm.at[pl.ds(r0, _NROWS_CP), pl.ds(col0, 128)])

            plsc.subcore_barrier()

    return sk(f, idx3, zeros_tile)



def kernel(x, edge_index, edge_attr, params):
    p = params
    src = edge_index[0]
    dst = edge_index[1]

    h_e0 = _run_mlp(edge_attr, p["enc_edge"]["W"], p["enc_edge"]["b"], 640)
    h_n = _run_mlp(x, p["enc_node"]["W"], p["enc_node"]["b"], 1000)
    init_e = h_e0

    w1 = p["edge_model"]["W"][0]
    wa, wb = w1[0:1024], w1[1024:2048]
    c1, c2 = w1[2048:2304], w1[2304:2560]
    ew = {
        "C1": c1, "C2": c2, "Ccomb": c1 + c2,
        "b1": p["edge_model"]["b"][0].reshape(1, -1),
        "W2": p["edge_model"]["W"][1], "b2": p["edge_model"]["b"][1].reshape(1, -1),
        "W3": p["edge_model"]["W"][2], "b3": p["edge_model"]["b"][2].reshape(1, -1),
        "W4": p["edge_model"]["W"][3], "b4": p["edge_model"]["b"][3].reshape(1, -1),
    }
    wfo1, wfi1 = p["flow_out"]["W"][0], p["flow_in"]["W"][0]
    fw = {
        "Do": wfo1[1024:], "bo1": p["flow_out"]["b"][0].reshape(1, -1),
        "Wo2": p["flow_out"]["W"][1], "bo2": p["flow_out"]["b"][1].reshape(1, -1),
        "Di": wfi1[1024:], "bi1": p["flow_in"]["b"][0].reshape(1, -1),
        "Wi2": p["flow_in"]["W"][1], "bi2": p["flow_in"]["b"][1].reshape(1, -1),
    }
    wcat1 = jnp.concatenate([wb, wfo1[:1024], wfi1[:1024]], axis=1)

    src2 = src.reshape(N_EDGES, 1)
    dst2 = dst.reshape(N_EDGES, 1)
    src_g = src.reshape(_NW, N_EDGES // _NW // _GCHUNK, _GCHUNK)
    dst_g = dst.reshape(_NW, N_EDGES // _NW // _GCHUNK, _GCHUNK)
    src_s = src.reshape(16, N_EDGES // 16 // _SCHUNK, _SCHUNK)
    zeros_tile = jnp.zeros((_NROWS_CP, 128), jnp.float32)

    u, td = _node_proj(h_n, wa, wcat1)
    gs = _sc_gather(_pack_cols(u), src_g, 512)
    gd = _sc_gather(_pack_cols(td), dst_g, 1536)
    h_e, f = _edge_step1(gs, gd, init_e, src2, dst2, ew, fw)
    flow = _sc_scatter_sum(f, src_s, zeros_tile)
    h_n = _node_update(flow, p["node_mlp"]["W"][0], p["node_mlp"]["b"][0])

    u2, v2 = _node_proj(h_n, wa, wb)
    gs2 = _sc_gather(_pack_cols(u2), src_g, 512)
    gd2 = _sc_gather(_pack_cols(v2), dst_g, 512)
    out = _edge_step2(gs2, gd2, init_e, h_e, ew, p["classifier"])
    return out

# --- scband reference (transcript-rebuilt; emitter-appended) ---
"""Pipeline reference for scband-tss-42047729828008 (READ-ONLY COPY).

The authoritative reference and input builder live on the scoring server;
editing this copy changes nothing except your own understanding.
"""

import jax, jax.numpy as jnp
import numpy as np

N_NODES = 10000
N_EDGES = 160000
NODE_IN = 209
EDGE_IN = 6


def _mlp_params(key, dims):
    Ws, bs = [], []
    for i in range(len(dims) - 1):
        k = jax.random.fold_in(key, i)
        Ws.append(jax.random.normal(k, (dims[i], dims[i + 1]), dtype=jnp.float32) * (1.0 / np.sqrt(dims[i])))
        bs.append(jnp.zeros((dims[i + 1],), jnp.float32))
    return {"W": Ws, "b": bs}


def _mlp(x, p):
    # Linear -> BatchNorm(eval: identity with running_mean=0, running_var=1, gamma=1, beta=0)
    # -> LeakyReLU(0.01) -> Dropout(eval: identity), repeated per layer.
    for W, b in zip(p["W"], p["b"]):
        x = x @ W + b
        x = jnp.where(x >= 0, x, 0.01 * x)
    return x


def setup_inputs(seed: int = 0) -> dict:
    key = jax.random.key(seed)
    x = jax.random.normal(jax.random.fold_in(key, 1), (N_NODES, NODE_IN), dtype=jnp.float32)
    edge_index = jax.random.randint(jax.random.fold_in(key, 2), (2, N_EDGES), 0, N_NODES, dtype=jnp.int32)
    edge_attr = jax.random.normal(jax.random.fold_in(key, 3), (N_EDGES, EDGE_IN), dtype=jnp.float32)
    params = {
        "enc_node": _mlp_params(jax.random.fold_in(key, 10), [209, 256, 512, 512, 1024, 1024]),
        "enc_edge": _mlp_params(jax.random.fold_in(key, 11), [6, 32, 64, 128, 256, 256]),
        "edge_model": _mlp_params(jax.random.fold_in(key, 12), [2560, 1024, 512, 512, 256]),
        "flow_in": _mlp_params(jax.random.fold_in(key, 13), [1280, 1024, 512]),
        "flow_out": _mlp_params(jax.random.fold_in(key, 14), [1280, 1024, 512]),
        "node_mlp": _mlp_params(jax.random.fold_in(key, 15), [1024, 1024]),
        "classifier": _mlp_params(jax.random.fold_in(key, 16), [256, 256, 512, 256, 256]),
    }
    return {"x": x, "edge_index": edge_index, "edge_attr": edge_attr, "params": params}


def reference(x, edge_index, edge_attr, params):
    src = edge_index[0]
    dst = edge_index[1]
    n = x.shape[0]
    # Encoder (MLPGraphIndependent)
    h_e = _mlp(edge_attr, params["enc_edge"])
    h_n = _mlp(x, params["enc_node"])
    init_e = h_e  # reattach_initial_edges=True; reattach_initial_nodes=False
    num_enc_steps = 2
    num_class_steps = 1
    first_class_step = num_enc_steps - num_class_steps + 1  # = 2
    out = None
    for step in range(1, num_enc_steps + 1):
        e_cat = jnp.concatenate([init_e, h_e], axis=1)  # [E, 512]
        # EdgeModel: cat(source, target, edge_attr) -> edge_mlp
        edge_inp = jnp.concatenate([h_n[src], h_n[dst], e_cat], axis=1)  # [E, 2560]
        h_e = _mlp(edge_inp, params["edge_model"])  # [E, 256]
        # NodeModel: masked indexing replaced by mask-multiply + segment_sum (sum agg -> exact)
        mask_out = (src < dst).astype(x.dtype)[:, None]
        mask_in = (src > dst).astype(x.dtype)[:, None]
        node_inp = jnp.concatenate([h_n[dst], h_e], axis=1)  # [E, 1280]
        fo = _mlp(node_inp, params["flow_out"]) * mask_out
        fi = _mlp(node_inp, params["flow_in"]) * mask_in
        agg_out = jax.ops.segment_sum(fo, src, num_segments=n)
        agg_in = jax.ops.segment_sum(fi, src, num_segments=n)
        flow = jnp.concatenate([agg_in, agg_out], axis=1)  # [N, 1024]
        h_n = jnp.maximum(flow @ params["node_mlp"]["W"][0] + params["node_mlp"]["b"][0], 0.0)
        if step >= first_class_step:
            out = _mlp(h_e, params["classifier"])  # [E, 256]
    return out

if __name__ == "__main__":
    import jax
    _d = setup_inputs()
    print(jax.jit(kernel)(*tuple(_d.values())))

</pallas_src>

<mosaic_0001>
#map = affine_map<(d0, d1) -> (0, 0)>
#map1 = affine_map<(d0, d1) -> (0, 0, 0)>
module attributes {stable_mosaic.version = 14 : i64} {
  func.func @gk(%arg0: i32, %arg1: i32, %arg2: memref<10000x512xi32, #tpu.memory_space<hbm>>, %arg3: memref<32x125x40xi32, #tpu.memory_space<hbm>>, %arg4: memref<160000x512xi32, #tpu.memory_space<hbm>>, %arg5: memref<125x40xi32, #tpu.memory_space<vmem>>, %arg6: memref<40x512xi32, #tpu.memory_space<vmem>>, %arg7: memref<!tpu.dma_semaphore, #tpu.memory_space<semaphore_mem>>, %arg8: memref<40x512xi32, #tpu.memory_space<vmem>>, %arg9: memref<!tpu.dma_semaphore, #tpu.memory_space<semaphore_mem>>) attributes {dimension_semantics = [#tpu.dimension_semantics<core_parallel>, #tpu.dimension_semantics<subcore_parallel>], iteration_bounds = array<i64: 2, 16>, scalar_prefetch = 0 : i64, scratch_operands = 5 : i64, tpu.core_type = #tpu.core_type<sc_vector_subcore>, window_params = [{transform_indices = #map}, {transform_indices = #map1}, {transform_indices = #map}]} {
    %mul3A = arith.constant 2 : i32
    %mul3A_0 = arith.muli %arg1, %mul3A : i32
    %add3A = arith.addi %mul3A_0, %arg0 : i32
    %mul3A_1 = arith.constant 5000 : i32
    %mul3A_2 = arith.muli %add3A, %mul3A_1 : i32
    "tpu.region"() ({
      %run_scoped3A = tpu.sem_alloc : memref<!tpu.dma_semaphore, #tpu.memory_space<semaphore_mem>>
      %dma_start3A_22 = arith.constant 0 : i32
      %dma_start3A_23 = arith.constant 0 : i32
      %dma_start3A_24 = tpu.memref_slice %arg3[%add3A, %dma_start3A_22, %dma_start3A_23] : memref<32x125x40xi32, #tpu.memory_space<hbm>> -> memref<1x125x40xi32, #tpu.memory_space<hbm>>
      %dma_start3A_25 = tpu.memref_squeeze %dma_start3A_24 : memref<1x125x40xi32, #tpu.memory_space<hbm>> -> memref<125x40xi32, #tpu.memory_space<hbm>>
      %dma_start3A_26 = arith.constant 0 : i32
      %dma_start3A_27 = arith.constant 0 : i32
      %dma_start3A_28 = tpu.memref_slice %arg3[%add3A, %dma_start3A_26, %dma_start3A_27] : memref<32x125x40xi32, #tpu.memory_space<hbm>> -> memref<1x125x40xi32, #tpu.memory_space<hbm>>
      %dma_start3A_29 = tpu.memref_squeeze %dma_start3A_28 : memref<1x125x40xi32, #tpu.memory_space<hbm>> -> memref<125x40xi32, #tpu.memory_space<hbm>>
      tpu.enqueue_dma source(%dma_start3A_29 : memref<125x40xi32, #tpu.memory_space<hbm>>) target(%arg5 : memref<125x40xi32, #tpu.memory_space<vmem>>) target_semaphore(%run_scoped3A : memref<!tpu.dma_semaphore, #tpu.memory_space<semaphore_mem>>)
      %dma_wait3A_30 = arith.constant 0 : i32
      %dma_wait3A_31 = arith.constant 0 : i32
      %dma_wait3A_32 = tpu.memref_slice %arg3[%add3A, %dma_wait3A_30, %dma_wait3A_31] : memref<32x125x40xi32, #tpu.memory_space<hbm>> -> memref<1x125x40xi32, #tpu.memory_space<hbm>>
      %dma_wait3A_33 = tpu.memref_squeeze %dma_wait3A_32 : memref<1x125x40xi32, #tpu.memory_space<hbm>> -> memref<125x40xi32, #tpu.memory_space<hbm>>
      %dma_wait3A_34 = arith.constant 0 : i32
      %dma_wait3A_35 = arith.constant 0 : i32
      %dma_wait3A_36 = tpu.memref_slice %arg3[%add3A, %dma_wait3A_34, %dma_wait3A_35] : memref<32x125x40xi32, #tpu.memory_space<hbm>> -> memref<1x125x40xi32, #tpu.memory_space<hbm>>
      %dma_wait3A_37 = tpu.memref_squeeze %dma_wait3A_36 : memref<1x125x40xi32, #tpu.memory_space<hbm>> -> memref<125x40xi32, #tpu.memory_space<hbm>>
      tpu.wait_dma2 semaphore(%run_scoped3A : memref<!tpu.dma_semaphore, #tpu.memory_space<semaphore_mem>>) src(%dma_wait3A_37 : memref<125x40xi32, #tpu.memory_space<hbm>>) dst(%arg5 : memref<125x40xi32, #tpu.memory_space<vmem>>)
      tpu.yield
    }) : () -> ()
    %scan3A = arith.constant 0 : i32
    %scan3A_3 = arith.constant 0 : i32
    %scan3A_4 = arith.constant 62 : i32
    %scan3A_5 = arith.addi %scan3A_3, %scan3A_4 : i32
    %scan3A_6 = arith.constant 1 : i32
    scf.for %scan3A_22 = %scan3A_3 to %scan3A_5 step %scan3A_6  : i32 {
      %mul3A_23 = arith.constant 2 : i32
      %mul3A_24 = arith.muli %scan3A_22, %mul3A_23 : i32
      %mul3A_25 = arith.constant 40 : i32
      %mul3A_26 = arith.muli %mul3A_24, %mul3A_25 : i32
      %add3A_27 = arith.addi %mul3A_2, %mul3A_26 : i32
      %multiple_of3A_28 = tpu.assume_multiple %add3A_27, 8 : i32
      %add3A_29 = arith.constant 1 : i32
      %add3A_30 = arith.addi %mul3A_24, %add3A_29 : i32
      %mul3A_31 = arith.constant 40 : i32
      %mul3A_32 = arith.muli %add3A_30, %mul3A_31 : i32
      %add3A_33 = arith.addi %mul3A_2, %mul3A_32 : i32
      %multiple_of3A_34 = tpu.assume_multiple %add3A_33, 8 : i32
      %dma_start3A_35 = arith.constant 0 : i32
      %dma_start3A_36 = tpu.memref_slice %arg5[%mul3A_24, %dma_start3A_35] : memref<125x40xi32, #tpu.memory_space<vmem>> -> memref<1x40xi32, #tpu.memory_space<vmem>>
      %dma_start3A_37 = tpu.memref_squeeze %dma_start3A_36 : memref<1x40xi32, #tpu.memory_space<vmem>> -> memref<40xi32, #tpu.memory_space<vmem>>
      %dma_start3A_38 = arith.constant 0 : i32
      %dma_start3A_39 = arith.constant 0 : i32
      %dma_start3A_40 = tpu.memref_slice %arg2[%dma_start3A_38, %dma_start3A_39] : memref<10000x512xi32, #tpu.memory_space<hbm>> -> memref<10000x512xi32, #tpu.memory_space<hbm>>
      tpu.enqueue_indirect_dma source(%dma_start3A_40 : memref<10000x512xi32, #tpu.memory_space<hbm>>) target(%arg6 : memref<40x512xi32, #tpu.memory_space<vmem>>) offsets(%dma_start3A_37 : memref<40xi32, #tpu.memory_space<vmem>>) semaphore(%arg7 : memref<!tpu.dma_semaphore, #tpu.memory_space<semaphore_mem>>)
      %add3A_41 = arith.constant 1 : i32
      %add3A_42 = arith.addi %mul3A_24, %add3A_41 : i32
      %dma_start3A_43 = arith.constant 0 : i32
      %dma_start3A_44 = tpu.memref_slice %arg5[%add3A_42, %dma_start3A_43] : memref<125x40xi32, #tpu.memory_space<vmem>> -> memref<1x40xi32, #tpu.memory_space<vmem>>
      %dma_start3A_45 = tpu.memref_squeeze %dma_start3A_44 : memref<1x40xi32, #tpu.memory_space<vmem>> -> memref<40xi32, #tpu.memory_space<vmem>>
      %dma_start3A_46 = arith.constant 0 : i32
      %dma_start3A_47 = arith.constant 0 : i32
      %dma_start3A_48 = tpu.memref_slice %arg2[%dma_start3A_46, %dma_start3A_47] : memref<10000x512xi32, #tpu.memory_space<hbm>> -> memref<10000x512xi32, #tpu.memory_space<hbm>>
      tpu.enqueue_indirect_dma source(%dma_start3A_48 : memref<10000x512xi32, #tpu.memory_space<hbm>>) target(%arg8 : memref<40x512xi32, #tpu.memory_space<vmem>>) offsets(%dma_start3A_45 : memref<40xi32, #tpu.memory_space<vmem>>) semaphore(%arg9 : memref<!tpu.dma_semaphore, #tpu.memory_space<semaphore_mem>>)
      %dma_wait3A_49 = arith.constant 0 : i32
      %dma_wait3A_50 = tpu.memref_slice %arg5[%mul3A_24, %dma_wait3A_49] : memref<125x40xi32, #tpu.memory_space<vmem>> -> memref<1x40xi32, #tpu.memory_space<vmem>>
      %dma_wait3A_51 = tpu.memref_squeeze %dma_wait3A_50 : memref<1x40xi32, #tpu.memory_space<vmem>> -> memref<40xi32, #tpu.memory_space<vmem>>
      %dma_wait3A_52 = arith.constant 0 : i32
      %dma_wait3A_53 = arith.constant 0 : i32
      %dma_wait3A_54 = tpu.memref_slice %arg2[%dma_wait3A_52, %dma_wait3A_53] : memref<10000x512xi32, #tpu.memory_space<hbm>> -> memref<10000x512xi32, #tpu.memory_space<hbm>>
      tpu.wait_indirect_dma semaphore(%arg7 : memref<!tpu.dma_semaphore, #tpu.memory_space<semaphore_mem>>) src(%dma_wait3A_54 : memref<10000x512xi32, #tpu.memory_space<hbm>>) dst(%arg6 : memref<40x512xi32, #tpu.memory_space<vmem>>)
      "tpu.region"() ({
        %run_scoped3A = tpu.sem_alloc : memref<!tpu.dma_semaphore, #tpu.memory_space<semaphore_mem>>
        %dma_start3A_61 = arith.constant 0 : i32
        %dma_start3A_62 = tpu.memref_slice %arg4[%multiple_of3A_28, %dma_start3A_61] : memref<160000x512xi32, #tpu.memory_space<hbm>> -> memref<40x512xi32, #tpu.memory_space<hbm>>
        %dma_start3A_63 = arith.constant 0 : i32
        %dma_start3A_64 = tpu.memref_slice %arg4[%multiple_of3A_28, %dma_start3A_63] : memref<160000x512xi32, #tpu.memory_space<hbm>> -> memref<40x512xi32, #tpu.memory_space<hbm>>
        tpu.enqueue_dma source(%arg6 : memref<40x512xi32, #tpu.memory_space<vmem>>) target(%dma_start3A_64 : memref<40x512xi32, #tpu.memory_space<hbm>>) target_semaphore(%run_scoped3A : memref<!tpu.dma_semaphore, #tpu.memory_space<semaphore_mem>>)
        %dma_wait3A_65 = arith.constant 0 : i32
        %dma_wait3A_66 = tpu.memref_slice %arg4[%multiple_of3A_28, %dma_wait3A_65] : memref<160000x512xi32, #tpu.memory_space<hbm>> -> memref<40x512xi32, #tpu.memory_space<hbm>>
        %dma_wait3A_67 = arith.constant 0 : i32
        %dma_wait3A_68 = tpu.memref_slice %arg4[%multiple_of3A_28, %dma_wait3A_67] : memref<160000x512xi32, #tpu.memory_space<hbm>> -> memref<40x512xi32, #tpu.memory_space<hbm>>
        tpu.wait_dma2 semaphore(%run_scoped3A : memref<!tpu.dma_semaphore, #tpu.memory_space<semaphore_mem>>) src(%arg6 : memref<40x512xi32, #tpu.memory_space<vmem>>) dst(%dma_wait3A_68 : memref<40x512xi32, #tpu.memory_space<hbm>>)
        tpu.yield
      }) : () -> ()
      %dma_wait3A_55 = arith.constant 0 : i32
      %dma_wait3A_56 = tpu.memref_slice %arg5[%add3A_42, %dma_wait3A_55] : memref<125x40xi32, #tpu.memory_space<vmem>> -> memref<1x40xi32, #tpu.memory_space<vmem>>
      %dma_wait3A_57 = tpu.memref_squeeze %dma_wait3A_56 : memref<1x40xi32, #tpu.memory_space<vmem>> -> memref<40xi32, #tpu.memory_space<vmem>>
      %dma_wait3A_58 = arith.constant 0 : i32
      %dma_wait3A_59 = arith.constant 0 : i32
      %dma_wait3A_60 = tpu.memref_slice %arg2[%dma_wait3A_58, %dma_wait3A_59] : memref<10000x512xi32, #tpu.memory_space<hbm>> -> memref<10000x512xi32, #tpu.memory_space<hbm>>
      tpu.wait_indirect_dma semaphore(%arg9 : memref<!tpu.dma_semaphore, #tpu.memory_space<semaphore_mem>>) src(%dma_wait3A_60 : memref<10000x512xi32, #tpu.memory_space<hbm>>) dst(%arg8 : memref<40x512xi32, #tpu.memory_space<vmem>>)
      "tpu.region"() ({
        %run_scoped3A = tpu.sem_alloc : memref<!tpu.dma_semaphore, #tpu.memory_space<semaphore_mem>>
        %dma_start3A_61 = arith.constant 0 : i32
        %dma_start3A_62 = tpu.memref_slice %arg4[%multiple_of3A_34, %dma_start3A_61] : memref<160000x512xi32, #tpu.memory_space<hbm>> -> memref<40x512xi32, #tpu.memory_space<hbm>>
        %dma_start3A_63 = arith.constant 0 : i32
        %dma_start3A_64 = tpu.memref_slice %arg4[%multiple_of3A_34, %dma_start3A_63] : memref<160000x512xi32, #tpu.memory_space<hbm>> -> memref<40x512xi32, #tpu.memory_space<hbm>>
        tpu.enqueue_dma source(%arg8 : memref<40x512xi32, #tpu.memory_space<vmem>>) target(%dma_start3A_64 : memref<40x512xi32, #tpu.memory_space<hbm>>) target_semaphore(%run_scoped3A : memref<!tpu.dma_semaphore, #tpu.memory_space<semaphore_mem>>)
        %dma_wait3A_65 = arith.constant 0 : i32
        %dma_wait3A_66 = tpu.memref_slice %arg4[%multiple_of3A_34, %dma_wait3A_65] : memref<160000x512xi32, #tpu.memory_space<hbm>> -> memref<40x512xi32, #tpu.memory_space<hbm>>
        %dma_wait3A_67 = arith.constant 0 : i32
        %dma_wait3A_68 = tpu.memref_slice %arg4[%multiple_of3A_34, %dma_wait3A_67] : memref<160000x512xi32, #tpu.memory_space<hbm>> -> memref<40x512xi32, #tpu.memory_space<hbm>>
        tpu.wait_dma2 semaphore(%run_scoped3A : memref<!tpu.dma_semaphore, #tpu.memory_space<semaphore_mem>>) src(%arg8 : memref<40x512xi32, #tpu.memory_space<vmem>>) dst(%dma_wait3A_68 : memref<40x512xi32, #tpu.memory_space<hbm>>)
        tpu.yield
      }) : () -> ()
    }
    %scan3A_7 = arith.constant 62 : i32
    %add3A_8 = arith.constant 4960 : i32
    %add3A_9 = arith.addi %mul3A_2, %add3A_8 : i32
    %multiple_of3A = tpu.assume_multiple %add3A_9, 8 : i32
    %dma_start3A = arith.constant 124 : i32
    %dma_start3A_10 = arith.constant 0 : i32
    %dma_start3A_11 = tpu.memref_slice %arg5[%dma_start3A, %dma_start3A_10] : memref<125x40xi32, #tpu.memory_space<vmem>> -> memref<1x40xi32, #tpu.memory_space<vmem>>
    %dma_start3A_12 = tpu.memref_squeeze %dma_start3A_11 : memref<1x40xi32, #tpu.memory_space<vmem>> -> memref<40xi32, #tpu.memory_space<vmem>>
    %dma_start3A_13 = arith.constant 0 : i32
    %dma_start3A_14 = arith.constant 0 : i32
    %dma_start3A_15 = tpu.memref_slice %arg2[%dma_start3A_13, %dma_start3A_14] : memref<10000x512xi32, #tpu.memory_space<hbm>> -> memref<10000x512xi32, #tpu.memory_space<hbm>>
    tpu.enqueue_indirect_dma source(%dma_start3A_15 : memref<10000x512xi32, #tpu.memory_space<hbm>>) target(%arg6 : memref<40x512xi32, #tpu.memory_space<vmem>>) offsets(%dma_start3A_12 : memref<40xi32, #tpu.memory_space<vmem>>) semaphore(%arg7 : memref<!tpu.dma_semaphore, #tpu.memory_space<semaphore_mem>>)
    %dma_wait3A = arith.constant 124 : i32
    %dma_wait3A_16 = arith.constant 0 : i32
    %dma_wait3A_17 = tpu.memref_slice %arg5[%dma_wait3A, %dma_wait3A_16] : memref<125x40xi32, #tpu.memory_space<vmem>> -> memref<1x40xi32, #tpu.memory_space<vmem>>
    %dma_wait3A_18 = tpu.memref_squeeze %dma_wait3A_17 : memref<1x40xi32, #tpu.memory_space<vmem>> -> memref<40xi32, #tpu.memory_space<vmem>>
    %dma_wait3A_19 = arith.constant 0 : i32
    %dma_wait3A_20 = arith.constant 0 : i32
    %dma_wait3A_21 = tpu.memref_slice %arg2[%dma_wait3A_19, %dma_wait3A_20] : memref<10000x512xi32, #tpu.memory_space<hbm>> -> memref<10000x512xi32, #tpu.memory_space<hbm>>
    tpu.wait_indirect_dma semaphore(%arg7 : memref<!tpu.dma_semaphore, #tpu.memory_space<semaphore_mem>>) src(%dma_wait3A_21 : memref<10000x512xi32, #tpu.memory_space<hbm>>) dst(%arg6 : memref<40x512xi32, #tpu.memory_space<vmem>>)
    "tpu.region"() ({
      %run_scoped3A = tpu.sem_alloc : memref<!tpu.dma_semaphore, #tpu.memory_space<semaphore_mem>>
      %dma_start3A_22 = arith.constant 0 : i32
      %dma_start3A_23 = tpu.memref_slice %arg4[%multiple_of3A, %dma_start3A_22] : memref<160000x512xi32, #tpu.memory_space<hbm>> -> memref<40x512xi32, #tpu.memory_space<hbm>>
      %dma_start3A_24 = arith.constant 0 : i32
      %dma_start3A_25 = tpu.memref_slice %arg4[%multiple_of3A, %dma_start3A_24] : memref<160000x512xi32, #tpu.memory_space<hbm>> -> memref<40x512xi32, #tpu.memory_space<hbm>>
      tpu.enqueue_dma source(%arg6 : memref<40x512xi32, #tpu.memory_space<vmem>>) target(%dma_start3A_25 : memref<40x512xi32, #tpu.memory_space<hbm>>) target_semaphore(%run_scoped3A : memref<!tpu.dma_semaphore, #tpu.memory_space<semaphore_mem>>)
      %dma_wait3A_26 = arith.constant 0 : i32
      %dma_wait3A_27 = tpu.memref_slice %arg4[%multiple_of3A, %dma_wait3A_26] : memref<160000x512xi32, #tpu.memory_space<hbm>> -> memref<40x512xi32, #tpu.memory_space<hbm>>
      %dma_wait3A_28 = arith.constant 0 : i32
      %dma_wait3A_29 = tpu.memref_slice %arg4[%multiple_of3A, %dma_wait3A_28] : memref<160000x512xi32, #tpu.memory_space<hbm>> -> memref<40x512xi32, #tpu.memory_space<hbm>>
      tpu.wait_dma2 semaphore(%run_scoped3A : memref<!tpu.dma_semaphore, #tpu.memory_space<semaphore_mem>>) src(%arg6 : memref<40x512xi32, #tpu.memory_space<vmem>>) dst(%dma_wait3A_29 : memref<40x512xi32, #tpu.memory_space<hbm>>)
      tpu.yield
    }) : () -> ()
    return
  }
}

#map = affine_map<(d0, d1) -> (0, 0)>
#map1 = affine_map<(d0, d1) -> (0, 0, 0)>
module attributes {stable_mosaic.version = 14 : i64} {
  func.func @sk(%arg0: i32, %arg1: i32, %arg2: memref<160000x1024xf32, #tpu.memory_space<hbm>>, %arg3: memref<16x125x80xi32, #tpu.memory_space<hbm>>, %arg4: memref<1000x128xf32, #tpu.memory_space<hbm>>, %arg5: memref<10000x1024xf32, #tpu.memory_space<hbm>>, %arg6: memref<125x80xi32, #tpu.memory_space<vmem>>, %arg7: memref<80x128xf32, #tpu.memory_space<vmem>>, %arg8: memref<80x128xf32, #tpu.memory_space<vmem>>, %arg9: memref<10000x128xf32, #tpu.memory_space<vmem_shared>>, %arg10: memref<!tpu.dma_semaphore, #tpu.memory_space<semaphore_mem>>, %arg11: memref<!tpu.dma_semaphore, #tpu.memory_space<semaphore_mem>>) attributes {dimension_semantics = [#tpu.dimension_semantics<core_parallel>, #tpu.dimension_semantics<subcore_parallel>], iteration_bounds = array<i64: 2, 16>, scalar_prefetch = 0 : i64, scratch_operands = 6 : i64, tpu.core_type = #tpu.core_type<sc_vector_subcore>, window_params = [{transform_indices = #map}, {transform_indices = #map1}, {transform_indices = #map}, {transform_indices = #map}]} {
    %mul3A = arith.constant 1000 : i32
    %mul3A_0 = arith.muli %arg1, %mul3A : i32
    %multiple_of3A = tpu.assume_multiple %mul3A_0, 8 : i32
    "tpu.region"() ({
      %run_scoped3A_136 = tpu.sem_alloc : memref<!tpu.dma_semaphore, #tpu.memory_space<semaphore_mem>>
      %dma_start3A_137 = arith.constant 0 : i32
      %dma_start3A_138 = arith.constant 0 : i32
      %dma_start3A_139 = tpu.memref_slice %arg3[%arg1, %dma_start3A_137, %dma_start3A_138] : memref<16x125x80xi32, #tpu.memory_space<hbm>> -> memref<1x125x80xi32, #tpu.memory_space<hbm>>
      %dma_start3A_140 = tpu.memref_squeeze %dma_start3A_139 : memref<1x125x80xi32, #tpu.memory_space<hbm>> -> memref<125x80xi32, #tpu.memory_space<hbm>>
      %dma_start3A_141 = arith.constant 0 : i32
      %dma_start3A_142 = arith.constant 0 : i32
      %dma_start3A_143 = tpu.memref_slice %arg3[%arg1, %dma_start3A_141, %dma_start3A_142] : memref<16x125x80xi32, #tpu.memory_space<hbm>> -> memref<1x125x80xi32, #tpu.memory_space<hbm>>
      %dma_start3A_144 = tpu.memref_squeeze %dma_start3A_143 : memref<1x125x80xi32, #tpu.memory_space<hbm>> -> memref<125x80xi32, #tpu.memory_space<hbm>>
      tpu.enqueue_dma source(%dma_start3A_144 : memref<125x80xi32, #tpu.memory_space<hbm>>) target(%arg6 : memref<125x80xi32, #tpu.memory_space<vmem>>) target_semaphore(%run_scoped3A_136 : memref<!tpu.dma_semaphore, #tpu.memory_space<semaphore_mem>>)
      %dma_wait3A_145 = arith.constant 0 : i32
      %dma_wait3A_146 = arith.constant 0 : i32
      %dma_wait3A_147 = tpu.memref_slice %arg3[%arg1, %dma_wait3A_145, %dma_wait3A_146] : memref<16x125x80xi32, #tpu.memory_space<hbm>> -> memref<1x125x80xi32, #tpu.memory_space<hbm>>
      %dma_wait3A_148 = tpu.memref_squeeze %dma_wait3A_147 : memref<1x125x80xi32, #tpu.memory_space<hbm>> -> memref<125x80xi32, #tpu.memory_space<hbm>>
      %dma_wait3A_149 = arith.constant 0 : i32
      %dma_wait3A_150 = arith.constant 0 : i32
      %dma_wait3A_151 = tpu.memref_slice %arg3[%arg1, %dma_wait3A_149, %dma_wait3A_150] : memref<16x125x80xi32, #tpu.memory_space<hbm>> -> memref<1x125x80xi32, #tpu.memory_space<hbm>>
      %dma_wait3A_152 = tpu.memref_squeeze %dma_wait3A_151 : memref<1x125x80xi32, #tpu.memory_space<hbm>> -> memref<125x80xi32, #tpu.memory_space<hbm>>
      tpu.wait_dma2 semaphore(%run_scoped3A_136 : memref<!tpu.dma_semaphore, #tpu.memory_space<semaphore_mem>>) src(%dma_wait3A_152 : memref<125x80xi32, #tpu.memory_space<hbm>>) dst(%arg6 : memref<125x80xi32, #tpu.memory_space<vmem>>)
      tpu.yield
    }) : () -> ()
    %mul3A_1 = arith.constant 4 : i32
    %mul3A_2 = arith.muli %arg0, %mul3A_1 : i32
    %add3A = arith.constant 0 : i32
    %add3A_3 = arith.addi %mul3A_2, %add3A : i32
    %mul3A_4 = arith.constant 128 : i32
    %mul3A_5 = arith.muli %add3A_3, %mul3A_4 : i32
    %multiple_of3A_6 = tpu.assume_multiple %mul3A_5, 128 : i32
    %lt3A = arith.constant 10 : i32
    %lt3A_7 = arith.cmpi slt, %arg1, %lt3A : i32
    %convert_element_type3A = arith.extui %lt3A_7 : i1 to i32
    %cond3A = arith.constant 0 : i32
    %cond3A_8 = arith.cmpi ne, %convert_element_type3A, %cond3A : i32
    scf.if %cond3A_8 {
      "tpu.region"() ({
        %run_scoped3A_136 = tpu.sem_alloc : memref<!tpu.dma_semaphore, #tpu.memory_space<semaphore_mem>>
        %dma_start3A_137 = arith.constant 0 : i32
        %dma_start3A_138 = tpu.memref_slice %arg9[%multiple_of3A, %dma_start3A_137] : memref<10000x128xf32, #tpu.memory_space<vmem_shared>> -> memref<1000x128xf32, #tpu.memory_space<vmem_shared>>
        tpu.enqueue_dma source(%arg4 : memref<1000x128xf32, #tpu.memory_space<hbm>>) target(%dma_start3A_138 : memref<1000x128xf32, #tpu.memory_space<vmem_shared>>) target_semaphore(%run_scoped3A_136 : memref<!tpu.dma_semaphore, #tpu.memory_space<semaphore_mem>>)
        %dma_wait3A_139 = arith.constant 0 : i32
        %dma_wait3A_140 = tpu.memref_slice %arg9[%multiple_of3A, %dma_wait3A_139] : memref<10000x128xf32, #tpu.memory_space<vmem_shared>> -> memref<1000x128xf32, #tpu.memory_space<vmem_shared>>
        tpu.wait_dma2 semaphore(%run_scoped3A_136 : memref<!tpu.dma_semaphore, #tpu.memory_space<semaphore_mem>>) src(%arg4 : memref<1000x128xf32, #tpu.memory_space<hbm>>) dst(%dma_wait3A_140 : memref<1000x128xf32, #tpu.memory_space<vmem_shared>>)
        tpu.yield
      }) : () -> ()
    } else {
    }
    %barrier3A = arith.constant 0 : index
    tpu.barrier barrier_id(%barrier3A)
    %scan3A = arith.constant 0 : i32
    %scan3A_9 = arith.constant 0 : i32
    %scan3A_10 = arith.constant 62 : i32
    %scan3A_11 = arith.addi %scan3A_9, %scan3A_10 : i32
    %scan3A_12 = arith.constant 1 : i32
    scf.for %scan3A_136 = %scan3A_9 to %scan3A_11 step %scan3A_12  : i32 {
      %mul3A_137 = arith.constant 2 : i32
      %mul3A_138 = arith.muli %scan3A_136, %mul3A_137 : i32
      %mul3A_139 = arith.constant 10000 : i32
      %mul3A_140 = arith.muli %arg1, %mul3A_139 : i32
      %mul3A_141 = arith.constant 80 : i32
      %mul3A_142 = arith.muli %mul3A_138, %mul3A_141 : i32
      %add3A_143 = arith.addi %mul3A_140, %mul3A_142 : i32
      %multiple_of3A_144 = tpu.assume_multiple %add3A_143, 8 : i32
      %mul3A_145 = arith.constant 10000 : i32
      %mul3A_146 = arith.muli %arg1, %mul3A_145 : i32
      %add3A_147 = arith.constant 1 : i32
      %add3A_148 = arith.addi %mul3A_138, %add3A_147 : i32
      %mul3A_149 = arith.constant 80 : i32
      %mul3A_150 = arith.muli %add3A_148, %mul3A_149 : i32
      %add3A_151 = arith.addi %mul3A_146, %mul3A_150 : i32
      %multiple_of3A_152 = tpu.assume_multiple %add3A_151, 8 : i32
      %dma_start3A_153 = tpu.memref_slice %arg2[%multiple_of3A_144, %multiple_of3A_6] : memref<160000x1024xf32, #tpu.memory_space<hbm>> -> memref<80x128xf32, #tpu.memory_space<hbm>>
      %dma_start3A_154 = tpu.memref_slice %arg2[%multiple_of3A_144, %multiple_of3A_6] : memref<160000x1024xf32, #tpu.memory_space<hbm>> -> memref<80x128xf32, #tpu.memory_space<hbm>>
      tpu.enqueue_dma source(%dma_start3A_154 : memref<80x128xf32, #tpu.memory_space<hbm>>) target(%arg7 : memref<80x128xf32, #tpu.memory_space<vmem>>) target_semaphore(%arg10 : memref<!tpu.dma_semaphore, #tpu.memory_space<semaphore_mem>>)
      %dma_start3A_155 = tpu.memref_slice %arg2[%multiple_of3A_152, %multiple_of3A_6] : memref<160000x1024xf32, #tpu.memory_space<hbm>> -> memref<80x128xf32, #tpu.memory_space<hbm>>
      %dma_start3A_156 = tpu.memref_slice %arg2[%multiple_of3A_152, %multiple_of3A_6] : memref<160000x1024xf32, #tpu.memory_space<hbm>> -> memref<80x128xf32, #tpu.memory_space<hbm>>
      tpu.enqueue_dma source(%dma_start3A_156 : memref<80x128xf32, #tpu.memory_space<hbm>>) target(%arg8 : memref<80x128xf32, #tpu.memory_space<vmem>>) target_semaphore(%arg11 : memref<!tpu.dma_semaphore, #tpu.memory_space<semaphore_mem>>)
      %dma_wait3A_157 = tpu.memref_slice %arg2[%multiple_of3A_144, %multiple_of3A_6] : memref<160000x1024xf32, #tpu.memory_space<hbm>> -> memref<80x128xf32, #tpu.memory_space<hbm>>
      %dma_wait3A_158 = tpu.memref_slice %arg2[%multiple_of3A_144, %multiple_of3A_6] : memref<160000x1024xf32, #tpu.memory_space<hbm>> -> memref<80x128xf32, #tpu.memory_space<hbm>>
      tpu.wait_dma2 semaphore(%arg10 : memref<!tpu.dma_semaphore, #tpu.memory_space<semaphore_mem>>) src(%dma_wait3A_158 : memref<80x128xf32, #tpu.memory_space<hbm>>) dst(%arg7 : memref<80x128xf32, #tpu.memory_space<vmem>>)
      "tpu.region"() ({
        %run_scoped3A_163 = tpu.sem_alloc : memref<!tpu.dma_semaphore, #tpu.memory_space<semaphore_mem>>
        %dma_start3A_164 = arith.constant 0 : i32
        %dma_start3A_165 = tpu.memref_slice %arg6[%mul3A_138, %dma_start3A_164] : memref<125x80xi32, #tpu.memory_space<vmem>> -> memref<1x80xi32, #tpu.memory_space<vmem>>
        %dma_start3A_166 = tpu.memref_squeeze %dma_start3A_165 : memref<1x80xi32, #tpu.memory_space<vmem>> -> memref<80xi32, #tpu.memory_space<vmem>>
        %dma_start3A_167 = arith.constant 0 : i32
        %dma_start3A_168 = arith.constant 0 : i32
        %dma_start3A_169 = tpu.memref_slice %arg9[%dma_start3A_167, %dma_start3A_168] : memref<10000x128xf32, #tpu.memory_space<vmem_shared>> -> memref<10000x128xf32, #tpu.memory_space<vmem_shared>>
        tpu.enqueue_indirect_dma source(%arg7 : memref<80x128xf32, #tpu.memory_space<vmem>>) target(%dma_start3A_169 : memref<10000x128xf32, #tpu.memory_space<vmem_shared>>) offsets(%dma_start3A_166 : memref<80xi32, #tpu.memory_space<vmem>>) semaphore(%run_scoped3A_163 : memref<!tpu.dma_semaphore, #tpu.memory_space<semaphore_mem>>) {add = true}
        %dma_wait3A_170 = arith.constant 0 : i32
        %dma_wait3A_171 = tpu.memref_slice %arg6[%mul3A_138, %dma_wait3A_170] : memref<125x80xi32, #tpu.memory_space<vmem>> -> memref<1x80xi32, #tpu.memory_space<vmem>>
        %dma_wait3A_172 = tpu.memref_squeeze %dma_wait3A_171 : memref<1x80xi32, #tpu.memory_space<vmem>> -> memref<80xi32, #tpu.memory_space<vmem>>
        %dma_wait3A_173 = arith.constant 0 : i32
        %dma_wait3A_174 = arith.constant 0 : i32
        %dma_wait3A_175 = tpu.memref_slice %arg9[%dma_wait3A_173, %dma_wait3A_174] : memref<10000x128xf32, #tpu.memory_space<vmem_shared>> -> memref<10000x128xf32, #tpu.memory_space<vmem_shared>>
        tpu.wait_indirect_dma semaphore(%run_scoped3A_163 : memref<!tpu.dma_semaphore, #tpu.memory_space<semaphore_mem>>) src(%arg7 : memref<80x128xf32, #tpu.memory_space<vmem>>) dst(%dma_wait3A_175 : memref<10000x128xf32, #tpu.memory_space<vmem_shared>>)
        tpu.yield
      }) : () -> ()
      %dma_wait3A_159 = tpu.memref_slice %arg2[%multiple_of3A_152, %multiple_of3A_6] : memref<160000x1024xf32, #tpu.memory_space<hbm>> -> memref<80x128xf32, #tpu.memory_space<hbm>>
      %dma_wait3A_160 = tpu.memref_slice %arg2[%multiple_of3A_152, %multiple_of3A_6] : memref<160000x1024xf32, #tpu.memory_space<hbm>> -> memref<80x128xf32, #tpu.memory_space<hbm>>
      tpu.wait_dma2 semaphore(%arg11 : memref<!tpu.dma_semaphore, #tpu.memory_space<semaphore_mem>>) src(%dma_wait3A_160 : memref<80x128xf32, #tpu.memory_space<hbm>>) dst(%arg8 : memref<80x128xf32, #tpu.memory_space<vmem>>)
      %add3A_161 = arith.constant 1 : i32
      %add3A_162 = arith.addi %mul3A_138, %add3A_161 : i32
      "tpu.region"() ({
        %run_scoped3A_163 = tpu.sem_alloc : memref<!tpu.dma_semaphore, #tpu.memory_space<semaphore_mem>>
        %dma_start3A_164 = arith.constant 0 : i32
        %dma_start3A_165 = tpu.memref_slice %arg6[%add3A_162, %dma_start3A_164] : memref<125x80xi32, #tpu.memory_space<vmem>> -> memref<1x80xi32, #tpu.memory_space<vmem>>
        %dma_start3A_166 = tpu.memref_squeeze %dma_start3A_165 : memref<1x80xi32, #tpu.memory_space<vmem>> -> memref<80xi32, #tpu.memory_space<vmem>>
        %dma_start3A_167 = arith.constant 0 : i32
        %dma_start3A_168 = arith.constant 0 : i32
        %dma_start3A_169 = tpu.memref_slice %arg9[%dma_start3A_167, %dma_start3A_168] : memref<10000x128xf32, #tpu.memory_space<vmem_shared>> -> memref<10000x128xf32, #tpu.memory_space<vmem_shared>>
        tpu.enqueue_indirect_dma source(%arg8 : memref<80x128xf32, #tpu.memory_space<vmem>>) target(%dma_start3A_169 : memref<10000x128xf32, #tpu.memory_space<vmem_shared>>) offsets(%dma_start3A_166 : memref<80xi32, #tpu.memory_space<vmem>>) semaphore(%run_scoped3A_163 : memref<!tpu.dma_semaphore, #tpu.memory_space<semaphore_mem>>) {add = true}
        %dma_wait3A_170 = arith.constant 0 : i32
        %dma_wait3A_171 = tpu.memref_slice %arg6[%add3A_162, %dma_wait3A_170] : memref<125x80xi32, #tpu.memory_space<vmem>> -> memref<1x80xi32, #tpu.memory_space<vmem>>
        %dma_wait3A_172 = tpu.memref_squeeze %dma_wait3A_171 : memref<1x80xi32, #tpu.memory_space<vmem>> -> memref<80xi32, #tpu.memory_space<vmem>>
        %dma_wait3A_173 = arith.constant 0 : i32
        %dma_wait3A_174 = arith.constant 0 : i32
        %dma_wait3A_175 = tpu.memref_slice %arg9[%dma_wait3A_173, %dma_wait3A_174] : memref<10000x128xf32, #tpu.memory_space<vmem_shared>> -> memref<10000x128xf32, #tpu.memory_space<vmem_shared>>
        tpu.wait_indirect_dma semaphore(%run_scoped3A_163 : memref<!tpu.dma_semaphore, #tpu.memory_space<semaphore_mem>>) src(%arg8 : memref<80x128xf32, #tpu.memory_space<vmem>>) dst(%dma_wait3A_175 : memref<10000x128xf32, #tpu.memory_space<vmem_shared>>)
        tpu.yield
      }) : () -> ()
    }
    %scan3A_13 = arith.constant 62 : i32
    %mul3A_14 = arith.constant 10000 : i32
    %mul3A_15 = arith.muli %arg1, %mul3A_14 : i32
    %add3A_16 = arith.constant 9920 : i32
    %add3A_17 = arith.addi %mul3A_15, %add3A_16 : i32
    %multiple_of3A_18 = tpu.assume_multiple %add3A_17, 8 : i32
    %dma_start3A = tpu.memref_slice %arg2[%multiple_of3A_18, %multiple_of3A_6] : memref<160000x1024xf32, #tpu.memory_space<hbm>> -> memref<80x128xf32, #tpu.memory_space<hbm>>
    %dma_start3A_19 = tpu.memref_slice %arg2[%multiple_of3A_18, %multiple_of3A_6] : memref<160000x1024xf32, #tpu.memory_space<hbm>> -> memref<80x128xf32, #tpu.memory_space<hbm>>
    tpu.enqueue_dma source(%dma_start3A_19 : memref<80x128xf32, #tpu.memory_space<hbm>>) target(%arg7 : memref<80x128xf32, #tpu.memory_space<vmem>>) target_semaphore(%arg10 : memref<!tpu.dma_semaphore, #tpu.memory_space<semaphore_mem>>)
    %dma_wait3A = tpu.memref_slice %arg2[%multiple_of3A_18, %multiple_of3A_6] : memref<160000x1024xf32, #tpu.memory_space<hbm>> -> memref<80x128xf32, #tpu.memory_space<hbm>>
    %dma_wait3A_20 = tpu.memref_slice %arg2[%multiple_of3A_18, %multiple_of3A_6] : memref<160000x1024xf32, #tpu.memory_space<hbm>> -> memref<80x128xf32, #tpu.memory_space<hbm>>
    tpu.wait_dma2 semaphore(%arg10 : memref<!tpu.dma_semaphore, #tpu.memory_space<semaphore_mem>>) src(%dma_wait3A_20 : memref<80x128xf32, #tpu.memory_space<hbm>>) dst(%arg7 : memref<80x128xf32, #tpu.memory_space<vmem>>)
    %run_scoped3A = arith.constant 124 : i32
    "tpu.region"() ({
      %run_scoped3A_136 = tpu.sem_alloc : memref<!tpu.dma_semaphore, #tpu.memory_space<semaphore_mem>>
      %dma_start3A_137 = arith.constant 0 : i32
      %dma_start3A_138 = tpu.memref_slice %arg6[%run_scoped3A, %dma_start3A_137] : memref<125x80xi32, #tpu.memory_space<vmem>> -> memref<1x80xi32, #tpu.memory_space<vmem>>
      %dma_start3A_139 = tpu.memref_squeeze %dma_start3A_138 : memref<1x80xi32, #tpu.memory_space<vmem>> -> memref<80xi32, #tpu.memory_space<vmem>>
      %dma_start3A_140 = arith.constant 0 : i32
      %dma_start3A_141 = arith.constant 0 : i32
      %dma_start3A_142 = tpu.memref_slice %arg9[%dma_start3A_140, %dma_start3A_141] : memref<10000x128xf32, #tpu.memory_space<vmem_shared>> -> memref<10000x128xf32, #tpu.memory_space<vmem_shared>>
      tpu.enqueue_indirect_dma source(%arg7 : memref<80x128xf32, #tpu.memory_space<vmem>>) target(%dma_start3A_142 : memref<10000x128xf32, #tpu.memory_space<vmem_shared>>) offsets(%dma_start3A_139 : memref<80xi32, #tpu.memory_space<vmem>>) semaphore(%run_scoped3A_136 : memref<!tpu.dma_semaphore, #tpu.memory_space<semaphore_mem>>) {add = true}
      %dma_wait3A_143 = arith.constant 0 : i32
      %dma_wait3A_144 = tpu.memref_slice %arg6[%run_scoped3A, %dma_wait3A_143] : memref<125x80xi32, #tpu.memory_space<vmem>> -> memref<1x80xi32, #tpu.memory_space<vmem>>
      %dma_wait3A_145 = tpu.memref_squeeze %dma_wait3A_144 : memref<1x80xi32, #tpu.memory_space<vmem>> -> memref<80xi32, #tpu.memory_space<vmem>>
      %dma_wait3A_146 = arith.constant 0 : i32
      %dma_wait3A_147 = arith.constant 0 : i32
      %dma_wait3A_148 = tpu.memref_slice %arg9[%dma_wait3A_146, %dma_wait3A_147] : memref<10000x128xf32, #tpu.memory_space<vmem_shared>> -> memref<10000x128xf32, #tpu.memory_space<vmem_shared>>
      tpu.wait_indirect_dma semaphore(%run_scoped3A_136 : memref<!tpu.dma_semaphore, #tpu.memory_space<semaphore_mem>>) src(%arg7 : memref<80x128xf32, #tpu.memory_space<vmem>>) dst(%dma_wait3A_148 : memref<10000x128xf32, #tpu.memory_space<vmem_shared>>)
      tpu.yield
    }) : () -> ()
    %barrier3A_21 = arith.constant 0 : index
    tpu.barrier barrier_id(%barrier3A_21)
    %lt3A_22 = arith.constant 10 : i32
    %lt3A_23 = arith.cmpi slt, %arg1, %lt3A_22 : i32
    %convert_element_type3A_24 = arith.extui %lt3A_23 : i1 to i32
    %cond3A_25 = arith.constant 0 : i32
    %cond3A_26 = arith.cmpi ne, %convert_element_type3A_24, %cond3A_25 : i32
    scf.if %cond3A_26 {
      "tpu.region"() ({
        %run_scoped3A_136 = tpu.sem_alloc : memref<!tpu.dma_semaphore, #tpu.memory_space<semaphore_mem>>
        %dma_start3A_137 = tpu.memref_slice %arg5[%multiple_of3A, %multiple_of3A_6] : memref<10000x1024xf32, #tpu.memory_space<hbm>> -> memref<1000x128xf32, #tpu.memory_space<hbm>>
        %dma_start3A_138 = arith.constant 0 : i32
        %dma_start3A_139 = tpu.memref_slice %arg9[%multiple_of3A, %dma_start3A_138] : memref<10000x128xf32, #tpu.memory_space<vmem_shared>> -> memref<1000x128xf32, #tpu.memory_space<vmem_shared>>
        tpu.enqueue_dma source(%dma_start3A_139 : memref<1000x128xf32, #tpu.memory_space<vmem_shared>>) target(%dma_start3A_137 : memref<1000x128xf32, #tpu.memory_space<hbm>>) target_semaphore(%run_scoped3A_136 : memref<!tpu.dma_semaphore, #tpu.memory_space<semaphore_mem>>)
        %dma_wait3A_140 = tpu.memref_slice %arg5[%multiple_of3A, %multiple_of3A_6] : memref<10000x1024xf32, #tpu.memory_space<hbm>> -> memref<1000x128xf32, #tpu.memory_space<hbm>>
        %dma_wait3A_141 = arith.constant 0 : i32
        %dma_wait3A_142 = tpu.memref_slice %arg9[%multiple_of3A, %dma_wait3A_141] : memref<10000x128xf32, #tpu.memory_space<vmem_shared>> -> memref<1000x128xf32, #tpu.memory_space<vmem_shared>>
        tpu.wait_dma2 semaphore(%run_scoped3A_136 : memref<!tpu.dma_semaphore, #tpu.memory_space<semaphore_mem>>) src(%dma_wait3A_142 : memref<1000x128xf32, #tpu.memory_space<vmem_shared>>) dst(%dma_wait3A_140 : memref<1000x128xf32, #tpu.memory_space<hbm>>)
        tpu.yield
      }) : () -> ()
    } else {
    }
    %barrier3A_27 = arith.constant 0 : index
    tpu.barrier barrier_id(%barrier3A_27)
    %mul3A_28 = arith.constant 4 : i32
    %mul3A_29 = arith.muli %arg0, %mul3A_28 : i32
    %add3A_30 = arith.constant 1 : i32
    %add3A_31 = arith.addi %mul3A_29, %add3A_30 : i32
    %mul3A_32 = arith.constant 128 : i32
    %mul3A_33 = arith.muli %add3A_31, %mul3A_32 : i32
    %multiple_of3A_34 = tpu.assume_multiple %mul3A_33, 128 : i32
    %lt3A_35 = arith.constant 10 : i32
    %lt3A_36 = arith.cmpi slt, %arg1, %lt3A_35 : i32
    %convert_element_type3A_37 = arith.extui %lt3A_36 : i1 to i32
    %cond3A_38 = arith.constant 0 : i32
    %cond3A_39 = arith.cmpi ne, %convert_element_type3A_37, %cond3A_38 : i32
    scf.if %cond3A_39 {
      "tpu.region"() ({
        %run_scoped3A_136 = tpu.sem_alloc : memref<!tpu.dma_semaphore, #tpu.memory_space<semaphore_mem>>
        %dma_start3A_137 = arith.constant 0 : i32
        %dma_start3A_138 = tpu.memref_slice %arg9[%multiple_of3A, %dma_start3A_137] : memref<10000x128xf32, #tpu.memory_space<vmem_shared>> -> memref<1000x128xf32, #tpu.memory_space<vmem_shared>>
        tpu.enqueue_dma source(%arg4 : memref<1000x128xf32, #tpu.memory_space<hbm>>) target(%dma_start3A_138 : memref<1000x128xf32, #tpu.memory_space<vmem_shared>>) target_semaphore(%run_scoped3A_136 : memref<!tpu.dma_semaphore, #tpu.memory_space<semaphore_mem>>)
        %dma_wait3A_139 = arith.constant 0 : i32
        %dma_wait3A_140 = tpu.memref_slice %arg9[%multiple_of3A, %dma_wait3A_139] : memref<10000x128xf32, #tpu.memory_space<vmem_shared>> -> memref<1000x128xf32, #tpu.memory_space<vmem_shared>>
        tpu.wait_dma2 semaphore(%run_scoped3A_136 : memref<!tpu.dma_semaphore, #tpu.memory_space<semaphore_mem>>) src(%arg4 : memref<1000x128xf32, #tpu.memory_space<hbm>>) dst(%dma_wait3A_140 : memref<1000x128xf32, #tpu.memory_space<vmem_shared>>)
        tpu.yield
      }) : () -> ()
    } else {
    }
    %barrier3A_40 = arith.constant 0 : index
    tpu.barrier barrier_id(%barrier3A_40)
    %scan3A_41 = arith.constant 0 : i32
    %scan3A_42 = arith.constant 0 : i32
    %scan3A_43 = arith.constant 62 : i32
    %scan3A_44 = arith.addi %scan3A_42, %scan3A_43 : i32
    %scan3A_45 = arith.constant 1 : i32
    scf.for %scan3A_136 = %scan3A_42 to %scan3A_44 step %scan3A_45  : i32 {
      %mul3A_137 = arith.constant 2 : i32
      %mul3A_138 = arith.muli %scan3A_136, %mul3A_137 : i32
      %mul3A_139 = arith.constant 10000 : i32
      %mul3A_140 = arith.muli %arg1, %mul3A_139 : i32
      %mul3A_141 = arith.constant 80 : i32
      %mul3A_142 = arith.muli %mul3A_138, %mul3A_141 : i32
      %add3A_143 = arith.addi %mul3A_140, %mul3A_142 : i32
      %multiple_of3A_144 = tpu.assume_multiple %add3A_143, 8 : i32
      %mul3A_145 = arith.constant 10000 : i32
      %mul3A_146 = arith.muli %arg1, %mul3A_145 : i32
      %add3A_147 = arith.constant 1 : i32
      %add3A_148 = arith.addi %mul3A_138, %add3A_147 : i32
      %mul3A_149 = arith.constant 80 : i32
      %mul3A_150 = arith.muli %add3A_148, %mul3A_149 : i32
      %add3A_151 = arith.addi %mul3A_146, %mul3A_150 : i32
      %multiple_of3A_152 = tpu.assume_multiple %add3A_151, 8 : i32
      %dma_start3A_153 = tpu.memref_slice %arg2[%multiple_of3A_144, %multiple_of3A_34] : memref<160000x1024xf32, #tpu.memory_space<hbm>> -> memref<80x128xf32, #tpu.memory_space<hbm>>
      %dma_start3A_154 = tpu.memref_slice %arg2[%multiple_of3A_144, %multiple_of3A_34] : memref<160000x1024xf32, #tpu.memory_space<hbm>> -> memref<80x128xf32, #tpu.memory_space<hbm>>
      tpu.enqueue_dma source(%dma_start3A_154 : memref<80x128xf32, #tpu.memory_space<hbm>>) target(%arg7 : memref<80x128xf32, #tpu.memory_space<vmem>>) target_semaphore(%arg10 : memref<!tpu.dma_semaphore, #tpu.memory_space<semaphore_mem>>)
      %dma_start3A_155 = tpu.memref_slice %arg2[%multiple_of3A_152, %multiple_of3A_34] : memref<160000x1024xf32, #tpu.memory_space<hbm>> -> memref<80x128xf32, #tpu.memory_space<hbm>>
      %dma_start3A_156 = tpu.memref_slice %arg2[%multiple_of3A_152, %multiple_of3A_34] : memref<160000x1024xf32, #tpu.memory_space<hbm>> -> memref<80x128xf32, #tpu.memory_space<hbm>>
      tpu.enqueue_dma source(%dma_start3A_156 : memref<80x128xf32, #tpu.memory_space<hbm>>) target(%arg8 : memref<80x128xf32, #tpu.memory_space<vmem>>) target_semaphore(%arg11 : memref<!tpu.dma_semaphore, #tpu.memory_space<semaphore_mem>>)
      %dma_wait3A_157 = tpu.memref_slice %arg2[%multiple_of3A_144, %multiple_of3A_34] : memref<160000x1024xf32, #tpu.memory_space<hbm>> -> memref<80x128xf32, #tpu.memory_space<hbm>>
      %dma_wait3A_158 = tpu.memref_slice %arg2[%multiple_of3A_144, %multiple_of3A_34] : memref<160000x1024xf32, #tpu.memory_space<hbm>> -> memref<80x128xf32, #tpu.memory_space<hbm>>
      tpu.wait_dma2 semaphore(%arg10 : memref<!tpu.dma_semaphore, #tpu.memory_space<semaphore_mem>>) src(%dma_wait3A_158 : memref<80x128xf32, #tpu.memory_space<hbm>>) dst(%arg7 : memref<80x128xf32, #tpu.memory_space<vmem>>)
      "tpu.region"() ({
        %run_scoped3A_163 = tpu.sem_alloc : memref<!tpu.dma_semaphore, #tpu.memory_space<semaphore_mem>>
        %dma_start3A_164 = arith.constant 0 : i32
        %dma_start3A_165 = tpu.memref_slice %arg6[%mul3A_138, %dma_start3A_164] : memref<125x80xi32, #tpu.memory_space<vmem>> -> memref<1x80xi32, #tpu.memory_space<vmem>>
        %dma_start3A_166 = tpu.memref_squeeze %dma_start3A_165 : memref<1x80xi32, #tpu.memory_space<vmem>> -> memref<80xi32, #tpu.memory_space<vmem>>
        %dma_start3A_167 = arith.constant 0 : i32
        %dma_start3A_168 = arith.constant 0 : i32
        %dma_start3A_169 = tpu.memref_slice %arg9[%dma_start3A_167, %dma_start3A_168] : memref<10000x128xf32, #tpu.memory_space<vmem_shared>> -> memref<10000x128xf32, #tpu.memory_space<vmem_shared>>
        tpu.enqueue_indirect_dma source(%arg7 : memref<80x128xf32, #tpu.memory_space<vmem>>) target(%dma_start3A_169 : memref<10000x128xf32, #tpu.memory_space<vmem_shared>>) offsets(%dma_start3A_166 : memref<80xi32, #tpu.memory_space<vmem>>) semaphore(%run_scoped3A_163 : memref<!tpu.dma_semaphore, #tpu.memory_space<semaphore_mem>>) {add = true}
        %dma_wait3A_170 = arith.constant 0 : i32
        %dma_wait3A_171 = tpu.memref_slice %arg6[%mul3A_138, %dma_wait3A_170] : memref<125x80xi32, #tpu.memory_space<vmem>> -> memref<1x80xi32, #tpu.memory_space<vmem>>
        %dma_wait3A_172 = tpu.memref_squeeze %dma_wait3A_171 : memref<1x80xi32, #tpu.memory_space<vmem>> -> memref<80xi32, #tpu.memory_space<vmem>>
        %dma_wait3A_173 = arith.constant 0 : i32
        %dma_wait3A_174 = arith.constant 0 : i32
        %dma_wait3A_175 = tpu.memref_slice %arg9[%dma_wait3A_173, %dma_wait3A_174] : memref<10000x128xf32, #tpu.memory_space<vmem_shared>> -> memref<10000x128xf32, #tpu.memory_space<vmem_shared>>
        tpu.wait_indirect_dma semaphore(%run_scoped3A_163 : memref<!tpu.dma_semaphore, #tpu.memory_space<semaphore_mem>>) src(%arg7 : memref<80x128xf32, #tpu.memory_space<vmem>>) dst(%dma_wait3A_175 : memref<10000x128xf32, #tpu.memory_space<vmem_shared>>)
        tpu.yield
      }) : () -> ()
      %dma_wait3A_159 = tpu.memref_slice %arg2[%multiple_of3A_152, %multiple_of3A_34] : memref<160000x1024xf32, #tpu.memory_space<hbm>> -> memref<80x128xf32, #tpu.memory_space<hbm>>
      %dma_wait3A_160 = tpu.memref_slice %arg2[%multiple_of3A_152, %multiple_of3A_34] : memref<160000x1024xf32, #tpu.memory_space<hbm>> -> memref<80x128xf32, #tpu.memory_space<hbm>>
      tpu.wait_dma2 semaphore(%arg11 : memref<!tpu.dma_semaphore, #tpu.memory_space<semaphore_mem>>) src(%dma_wait3A_160 : memref<80x128xf32, #tpu.memory_space<hbm>>) dst(%arg8 : memref<80x128xf32, #tpu.memory_space<vmem>>)
      %add3A_161 = arith.constant 1 : i32
      %add3A_162 = arith.addi %mul3A_138, %add3A_161 : i32
      "tpu.region"() ({
        %run_scoped3A_163 = tpu.sem_alloc : memref<!tpu.dma_semaphore, #tpu.memory_space<semaphore_mem>>
        %dma_start3A_164 = arith.constant 0 : i32
        %dma_start3A_165 = tpu.memref_slice %arg6[%add3A_162, %dma_start3A_164] : memref<125x80xi32, #tpu.memory_space<vmem>> -> memref<1x80xi32, #tpu.memory_space<vmem>>
        %dma_start3A_166 = tpu.memref_squeeze %dma_start3A_165 : memref<1x80xi32, #tpu.memory_space<vmem>> -> memref<80xi32, #tpu.memory_space<vmem>>
        %dma_start3A_167 = arith.constant 0 : i32
        %dma_start3A_168 = arith.constant 0 : i32
        %dma_start3A_169 = tpu.memref_slice %arg9[%dma_start3A_167, %dma_start3A_168] : memref<10000x128xf32, #tpu.memory_space<vmem_shared>> -> memref<10000x128xf32, #tpu.memory_space<vmem_shared>>
        tpu.enqueue_indirect_dma source(%arg8 : memref<80x128xf32, #tpu.memory_space<vmem>>) target(%dma_start3A_169 : memref<10000x128xf32, #tpu.memory_space<vmem_shared>>) offsets(%dma_start3A_166 : memref<80xi32, #tpu.memory_space<vmem>>) semaphore(%run_scoped3A_163 : memref<!tpu.dma_semaphore, #tpu.memory_space<semaphore_mem>>) {add = true}
        %dma_wait3A_170 = arith.constant 0 : i32
        %dma_wait3A_171 = tpu.memref_slice %arg6[%add3A_162, %dma_wait3A_170] : memref<125x80xi32, #tpu.memory_space<vmem>> -> memref<1x80xi32, #tpu.memory_space<vmem>>
        %dma_wait3A_172 = tpu.memref_squeeze %dma_wait3A_171 : memref<1x80xi32, #tpu.memory_space<vmem>> -> memref<80xi32, #tpu.memory_space<vmem>>
        %dma_wait3A_173 = arith.constant 0 : i32
        %dma_wait3A_174 = arith.constant 0 : i32
        %dma_wait3A_175 = tpu.memref_slice %arg9[%dma_wait3A_173, %dma_wait3A_174] : memref<10000x128xf32, #tpu.memory_space<vmem_shared>> -> memref<10000x128xf32, #tpu.memory_space<vmem_shared>>
        tpu.wait_indirect_dma semaphore(%run_scoped3A_163 : memref<!tpu.dma_semaphore, #tpu.memory_space<semaphore_mem>>) src(%arg8 : memref<80x128xf32, #tpu.memory_space<vmem>>) dst(%dma_wait3A_175 : memref<10000x128xf32, #tpu.memory_space<vmem_shared>>)
        tpu.yield
      }) : () -> ()
    }
    %scan3A_46 = arith.constant 62 : i32
    %mul3A_47 = arith.constant 10000 : i32
    %mul3A_48 = arith.muli %arg1, %mul3A_47 : i32
    %add3A_49 = arith.constant 9920 : i32
    %add3A_50 = arith.addi %mul3A_48, %add3A_49 : i32
    %multiple_of3A_51 = tpu.assume_multiple %add3A_50, 8 : i32
    %dma_start3A_52 = tpu.memref_slice %arg2[%multiple_of3A_51, %multiple_of3A_34] : memref<160000x1024xf32, #tpu.memory_space<hbm>> -> memref<80x128xf32, #tpu.memory_space<hbm>>
    %dma_start3A_53 = tpu.memref_slice %arg2[%multiple_of3A_51, %multiple_of3A_34] : memref<160000x1024xf32, #tpu.memory_space<hbm>> -> memref<80x128xf32, #tpu.memory_space<hbm>>
    tpu.enqueue_dma source(%dma_start3A_53 : memref<80x128xf32, #tpu.memory_space<hbm>>) target(%arg7 : memref<80x128xf32, #tpu.memory_space<vmem>>) target_semaphore(%arg10 : memref<!tpu.dma_semaphore, #tpu.memory_space<semaphore_mem>>)
    %dma_wait3A_54 = tpu.memref_slice %arg2[%multiple_of3A_51, %multiple_of3A_34] : memref<160000x1024xf32, #tpu.memory_space<hbm>> -> memref<80x128xf32, #tpu.memory_space<hbm>>
    %dma_wait3A_55 = tpu.memref_slice %arg2[%multiple_of3A_51, %multiple_of3A_34] : memref<160000x1024xf32, #tpu.memory_space<hbm>> -> memref<80x128xf32, #tpu.memory_space<hbm>>
    tpu.wait_dma2 semaphore(%arg10 : memref<!tpu.dma_semaphore, #tpu.memory_space<semaphore_mem>>) src(%dma_wait3A_55 : memref<80x128xf32, #tpu.memory_space<hbm>>) dst(%arg7 : memref<80x128xf32, #tpu.memory_space<vmem>>)
    %run_scoped3A_56 = arith.constant 124 : i32
    "tpu.region"() ({
      %run_scoped3A_136 = tpu.sem_alloc : memref<!tpu.dma_semaphore, #tpu.memory_space<semaphore_mem>>
      %dma_start3A_137 = arith.constant 0 : i32
      %dma_start3A_138 = tpu.memref_slice %arg6[%run_scoped3A_56, %dma_start3A_137] : memref<125x80xi32, #tpu.memory_space<vmem>> -> memref<1x80xi32, #tpu.memory_space<vmem>>
      %dma_start3A_139 = tpu.memref_squeeze %dma_start3A_138 : memref<1x80xi32, #tpu.memory_space<vmem>> -> memref<80xi32, #tpu.memory_space<vmem>>
      %dma_start3A_140 = arith.constant 0 : i32
      %dma_start3A_141 = arith.constant 0 : i32
      %dma_start3A_142 = tpu.memref_slice %arg9[%dma_start3A_140, %dma_start3A_141] : memref<10000x128xf32, #tpu.memory_space<vmem_shared>> -> memref<10000x128xf32, #tpu.memory_space<vmem_shared>>
      tpu.enqueue_indirect_dma source(%arg7 : memref<80x128xf32, #tpu.memory_space<vmem>>) target(%dma_start3A_142 : memref<10000x128xf32, #tpu.memory_space<vmem_shared>>) offsets(%dma_start3A_139 : memref<80xi32, #tpu.memory_space<vmem>>) semaphore(%run_scoped3A_136 : memref<!tpu.dma_semaphore, #tpu.memory_space<semaphore_mem>>) {add = true}
      %dma_wait3A_143 = arith.constant 0 : i32
      %dma_wait3A_144 = tpu.memref_slice %arg6[%run_scoped3A_56, %dma_wait3A_143] : memref<125x80xi32, #tpu.memory_space<vmem>> -> memref<1x80xi32, #tpu.memory_space<vmem>>
      %dma_wait3A_145 = tpu.memref_squeeze %dma_wait3A_144 : memref<1x80xi32, #tpu.memory_space<vmem>> -> memref<80xi32, #tpu.memory_space<vmem>>
      %dma_wait3A_146 = arith.constant 0 : i32
      %dma_wait3A_147 = arith.constant 0 : i32
      %dma_wait3A_148 = tpu.memref_slice %arg9[%dma_wait3A_146, %dma_wait3A_147] : memref<10000x128xf32, #tpu.memory_space<vmem_shared>> -> memref<10000x128xf32, #tpu.memory_space<vmem_shared>>
      tpu.wait_indirect_dma semaphore(%run_scoped3A_136 : memref<!tpu.dma_semaphore, #tpu.memory_space<semaphore_mem>>) src(%arg7 : memref<80x128xf32, #tpu.memory_space<vmem>>) dst(%dma_wait3A_148 : memref<10000x128xf32, #tpu.memory_space<vmem_shared>>)
      tpu.yield
    }) : () -> ()
    %barrier3A_57 = arith.constant 0 : index
    tpu.barrier barrier_id(%barrier3A_57)
    %lt3A_58 = arith.constant 10 : i32
    %lt3A_59 = arith.cmpi slt, %arg1, %lt3A_58 : i32
    %convert_element_type3A_60 = arith.extui %lt3A_59 : i1 to i32
    %cond3A_61 = arith.constant 0 : i32
    %cond3A_62 = arith.cmpi ne, %convert_element_type3A_60, %cond3A_61 : i32
    scf.if %cond3A_62 {
      "tpu.region"() ({
        %run_scoped3A_136 = tpu.sem_alloc : memref<!tpu.dma_semaphore, #tpu.memory_space<semaphore_mem>>
        %dma_start3A_137 = tpu.memref_slice %arg5[%multiple_of3A, %multiple_of3A_34] : memref<10000x1024xf32, #tpu.memory_space<hbm>> -> memref<1000x128xf32, #tpu.memory_space<hbm>>
        %dma_start3A_138 = arith.constant 0 : i32
        %dma_start3A_139 = tpu.memref_slice %arg9[%multiple_of3A, %dma_start3A_138] : memref<10000x128xf32, #tpu.memory_space<vmem_shared>> -> memref<1000x128xf32, #tpu.memory_space<vmem_shared>>
        tpu.enqueue_dma source(%dma_start3A_139 : memref<1000x128xf32, #tpu.memory_space<vmem_shared>>) target(%dma_start3A_137 : memref<1000x128xf32, #tpu.memory_space<hbm>>) target_semaphore(%run_scoped3A_136 : memref<!tpu.dma_semaphore, #tpu.memory_space<semaphore_mem>>)
        %dma_wait3A_140 = tpu.memref_slice %arg5[%multiple_of3A, %multiple_of3A_34] : memref<10000x1024xf32, #tpu.memory_space<hbm>> -> memref<1000x128xf32, #tpu.memory_space<hbm>>
        %dma_wait3A_141 = arith.constant 0 : i32
        %dma_wait3A_142 = tpu.memref_slice %arg9[%multiple_of3A, %dma_wait3A_141] : memref<10000x128xf32, #tpu.memory_space<vmem_shared>> -> memref<1000x128xf32, #tpu.memory_space<vmem_shared>>
        tpu.wait_dma2 semaphore(%run_scoped3A_136 : memref<!tpu.dma_semaphore, #tpu.memory_space<semaphore_mem>>) src(%dma_wait3A_142 : memref<1000x128xf32, #tpu.memory_space<vmem_shared>>) dst(%dma_wait3A_140 : memref<1000x128xf32, #tpu.memory_space<hbm>>)
        tpu.yield
      }) : () -> ()
    } else {
    }
    %barrier3A_63 = arith.constant 0 : index
    tpu.barrier barrier_id(%barrier3A_63)
    %mul3A_64 = arith.constant 4 : i32
    %mul3A_65 = arith.muli %arg0, %mul3A_64 : i32
    %add3A_66 = arith.constant 2 : i32
    %add3A_67 = arith.addi %mul3A_65, %add3A_66 : i32
    %mul3A_68 = arith.constant 128 : i32
    %mul3A_69 = arith.muli %add3A_67, %mul3A_68 : i32
    %multiple_of3A_70 = tpu.assume_multiple %mul3A_69, 128 : i32
    %lt3A_71 = arith.constant 10 : i32
    %lt3A_72 = arith.cmpi slt, %arg1, %lt3A_71 : i32
    %convert_element_type3A_73 = arith.extui %lt3A_72 : i1 to i32
    %cond3A_74 = arith.constant 0 : i32
    %cond3A_75 = arith.cmpi ne, %convert_element_type3A_73, %cond3A_74 : i32
    scf.if %cond3A_75 {
      "tpu.region"() ({
        %run_scoped3A_136 = tpu.sem_alloc : memref<!tpu.dma_semaphore, #tpu.memory_space<semaphore_mem>>
        %dma_start3A_137 = arith.constant 0 : i32
        %dma_start3A_138 = tpu.memref_slice %arg9[%multiple_of3A, %dma_start3A_137] : memref<10000x128xf32, #tpu.memory_space<vmem_shared>> -> memref<1000x128xf32, #tpu.memory_space<vmem_shared>>
        tpu.enqueue_dma source(%arg4 : memref<1000x128xf32, #tpu.memory_space<hbm>>) target(%dma_start3A_138 : memref<1000x128xf32, #tpu.memory_space<vmem_shared>>) target_semaphore(%run_scoped3A_136 : memref<!tpu.dma_semaphore, #tpu.memory_space<semaphore_mem>>)
        %dma_wait3A_139 = arith.constant 0 : i32
        %dma_wait3A_140 = tpu.memref_slice %arg9[%multiple_of3A, %dma_wait3A_139] : memref<10000x128xf32, #tpu.memory_space<vmem_shared>> -> memref<1000x128xf32, #tpu.memory_space<vmem_shared>>
        tpu.wait_dma2 semaphore(%run_scoped3A_136 : memref<!tpu.dma_semaphore, #tpu.memory_space<semaphore_mem>>) src(%arg4 : memref<1000x128xf32, #tpu.memory_space<hbm>>) dst(%dma_wait3A_140 : memref<1000x128xf32, #tpu.memory_space<vmem_shared>>)
        tpu.yield
      }) : () -> ()
    } else {
    }
    %barrier3A_76 = arith.constant 0 : index
    tpu.barrier barrier_id(%barrier3A_76)
    %scan3A_77 = arith.constant 0 : i32
    %scan3A_78 = arith.constant 0 : i32
    %scan3A_79 = arith.constant 62 : i32
    %scan3A_80 = arith.addi %scan3A_78, %scan3A_79 : i32
    %scan3A_81 = arith.constant 1 : i32
    scf.for %scan3A_136 = %scan3A_78 to %scan3A_80 step %scan3A_81  : i32 {
      %mul3A_137 = arith.constant 2 : i32
      %mul3A_138 = arith.muli %scan3A_136, %mul3A_137 : i32
      %mul3A_139 = arith.constant 10000 : i32
      %mul3A_140 = arith.muli %arg1, %mul3A_139 : i32
      %mul3A_141 = arith.constant 80 : i32
      %mul3A_142 = arith.muli %mul3A_138, %mul3A_141 : i32
      %add3A_143 = arith.addi %mul3A_140, %mul3A_142 : i32
      %multiple_of3A_144 = tpu.assume_multiple %add3A_143, 8 : i32
      %mul3A_145 = arith.constant 10000 : i32
      %mul3A_146 = arith.muli %arg1, %mul3A_145 : i32
      %add3A_147 = arith.constant 1 : i32
      %add3A_148 = arith.addi %mul3A_138, %add3A_147 : i32
      %mul3A_149 = arith.constant 80 : i32
      %mul3A_150 = arith.muli %add3A_148, %mul3A_149 : i32
      %add3A_151 = arith.addi %mul3A_146, %mul3A_150 : i32
      %multiple_of3A_152 = tpu.assume_multiple %add3A_151, 8 : i32
      %dma_start3A_153 = tpu.memref_slice %arg2[%multiple_of3A_144, %multiple_of3A_70] : memref<160000x1024xf32, #tpu.memory_space<hbm>> -> memref<80x128xf32, #tpu.memory_space<hbm>>
      %dma_start3A_154 = tpu.memref_slice %arg2[%multiple_of3A_144, %multiple_of3A_70] : memref<160000x1024xf32, #tpu.memory_space<hbm>> -> memref<80x128xf32, #tpu.memory_space<hbm>>
      tpu.enqueue_dma source(%dma_start3A_154 : memref<80x128xf32, #tpu.memory_space<hbm>>) target(%arg7 : memref<80x128xf32, #tpu.memory_space<vmem>>) target_semaphore(%arg10 : memref<!tpu.dma_semaphore, #tpu.memory_space<semaphore_mem>>)
      %dma_start3A_155 = tpu.memref_slice %arg2[%multiple_of3A_152, %multiple_of3A_70] : memref<160000x1024xf32, #tpu.memory_space<hbm>> -> memref<80x128xf32, #tpu.memory_space<hbm>>
      %dma_start3A_156 = tpu.memref_slice %arg2[%multiple_of3A_152, %multiple_of3A_70] : memref<160000x1024xf32, #tpu.memory_space<hbm>> -> memref<80x128xf32, #tpu.memory_space<hbm>>
      tpu.enqueue_dma source(%dma_start3A_156 : memref<80x128xf32, #tpu.memory_space<hbm>>) target(%arg8 : memref<80x128xf32, #tpu.memory_space<vmem>>) target_semaphore(%arg11 : memref<!tpu.dma_semaphore, #tpu.memory_space<semaphore_mem>>)
      %dma_wait3A_157 = tpu.memref_slice %arg2[%multiple_of3A_144, %multiple_of3A_70] : memref<160000x1024xf32, #tpu.memory_space<hbm>> -> memref<80x128xf32, #tpu.memory_space<hbm>>
      %dma_wait3A_158 = tpu.memref_slice %arg2[%multiple_of3A_144, %multiple_of3A_70] : memref<160000x1024xf32, #tpu.memory_space<hbm>> -> memref<80x128xf32, #tpu.memory_space<hbm>>
      tpu.wait_dma2 semaphore(%arg10 : memref<!tpu.dma_semaphore, #tpu.memory_space<semaphore_mem>>) src(%dma_wait3A_158 : memref<80x128xf32, #tpu.memory_space<hbm>>) dst(%arg7 : memref<80x128xf32, #tpu.memory_space<vmem>>)
      "tpu.region"() ({
        %run_scoped3A_163 = tpu.sem_alloc : memref<!tpu.dma_semaphore, #tpu.memory_space<semaphore_mem>>
        %dma_start3A_164 = arith.constant 0 : i32
        %dma_start3A_165 = tpu.memref_slice %arg6[%mul3A_138, %dma_start3A_164] : memref<125x80xi32, #tpu.memory_space<vmem>> -> memref<1x80xi32, #tpu.memory_space<vmem>>
        %dma_start3A_166 = tpu.memref_squeeze %dma_start3A_165 : memref<1x80xi32, #tpu.memory_space<vmem>> -> memref<80xi32, #tpu.memory_space<vmem>>
        %dma_start3A_167 = arith.constant 0 : i32
        %dma_start3A_168 = arith.constant 0 : i32
        %dma_start3A_169 = tpu.memref_slice %arg9[%dma_start3A_167, %dma_start3A_168] : memref<10000x128xf32, #tpu.memory_space<vmem_shared>> -> memref<10000x128xf32, #tpu.memory_space<vmem_shared>>
        tpu.enqueue_indirect_dma source(%arg7 : memref<80x128xf32, #tpu.memory_space<vmem>>) target(%dma_start3A_169 : memref<10000x128xf32, #tpu.memory_space<vmem_shared>>) offsets(%dma_start3A_166 : memref<80xi32, #tpu.memory_space<vmem>>) semaphore(%run_scoped3A_163 : memref<!tpu.dma_semaphore, #tpu.memory_space<semaphore_mem>>) {add = true}
        %dma_wait3A_170 = arith.constant 0 : i32
        %dma_wait3A_171 = tpu.memref_slice %arg6[%mul3A_138, %dma_wait3A_170] : memref<125x80xi32, #tpu.memory_space<vmem>> -> memref<1x80xi32, #tpu.memory_space<vmem>>
        %dma_wait3A_172 = tpu.memref_squeeze %dma_wait3A_171 : memref<1x80xi32, #tpu.memory_space<vmem>> -> memref<80xi32, #tpu.memory_space<vmem>>
        %dma_wait3A_173 = arith.constant 0 : i32
        %dma_wait3A_174 = arith.constant 0 : i32
        %dma_wait3A_175 = tpu.memref_slice %arg9[%dma_wait3A_173, %dma_wait3A_174] : memref<10000x128xf32, #tpu.memory_space<vmem_shared>> -> memref<10000x128xf32, #tpu.memory_space<vmem_shared>>
        tpu.wait_indirect_dma semaphore(%run_scoped3A_163 : memref<!tpu.dma_semaphore, #tpu.memory_space<semaphore_mem>>) src(%arg7 : memref<80x128xf32, #tpu.memory_space<vmem>>) dst(%dma_wait3A_175 : memref<10000x128xf32, #tpu.memory_space<vmem_shared>>)
        tpu.yield
      }) : () -> ()
      %dma_wait3A_159 = tpu.memref_slice %arg2[%multiple_of3A_152, %multiple_of3A_70] : memref<160000x1024xf32, #tpu.memory_space<hbm>> -> memref<80x128xf32, #tpu.memory_space<hbm>>
      %dma_wait3A_160 = tpu.memref_slice %arg2[%multiple_of3A_152, %multiple_of3A_70] : memref<160000x1024xf32, #tpu.memory_space<hbm>> -> memref<80x128xf32, #tpu.memory_space<hbm>>
      tpu.wait_dma2 semaphore(%arg11 : memref<!tpu.dma_semaphore, #tpu.memory_space<semaphore_mem>>) src(%dma_wait3A_160 : memref<80x128xf32, #tpu.memory_space<hbm>>) dst(%arg8 : memref<80x128xf32, #tpu.memory_space<vmem>>)
      %add3A_161 = arith.constant 1 : i32
      %add3A_162 = arith.addi %mul3A_138, %add3A_161 : i32
      "tpu.region"() ({
        %run_scoped3A_163 = tpu.sem_alloc : memref<!tpu.dma_semaphore, #tpu.memory_space<semaphore_mem>>
        %dma_start3A_164 = arith.constant 0 : i32
        %dma_start3A_165 = tpu.memref_slice %arg6[%add3A_162, %dma_start3A_164] : memref<125x80xi32, #tpu.memory_space<vmem>> -> memref<1x80xi32, #tpu.memory_space<vmem>>
        %dma_start3A_166 = tpu.memref_squeeze %dma_start3A_165 : memref<1x80xi32, #tpu.memory_space<vmem>> -> memref<80xi32, #tpu.memory_space<vmem>>
        %dma_start3A_167 = arith.constant 0 : i32
        %dma_start3A_168 = arith.constant 0 : i32
        %dma_start3A_169 = tpu.memref_slice %arg9[%dma_start3A_167, %dma_start3A_168] : memref<10000x128xf32, #tpu.memory_space<vmem_shared>> -> memref<10000x128xf32, #tpu.memory_space<vmem_shared>>
        tpu.enqueue_indirect_dma source(%arg8 : memref<80x128xf32, #tpu.memory_space<vmem>>) target(%dma_start3A_169 : memref<10000x128xf32, #tpu.memory_space<vmem_shared>>) offsets(%dma_start3A_166 : memref<80xi32, #tpu.memory_space<vmem>>) semaphore(%run_scoped3A_163 : memref<!tpu.dma_semaphore, #tpu.memory_space<semaphore_mem>>) {add = true}
        %dma_wait3A_170 = arith.constant 0 : i32
        %dma_wait3A_171 = tpu.memref_slice %arg6[%add3A_162, %dma_wait3A_170] : memref<125x80xi32, #tpu.memory_space<vmem>> -> memref<1x80xi32, #tpu.memory_space<vmem>>
        %dma_wait3A_172 = tpu.memref_squeeze %dma_wait3A_171 : memref<1x80xi32, #tpu.memory_space<vmem>> -> memref<80xi32, #tpu.memory_space<vmem>>
        %dma_wait3A_173 = arith.constant 0 : i32
        %dma_wait3A_174 = arith.constant 0 : i32
        %dma_wait3A_175 = tpu.memref_slice %arg9[%dma_wait3A_173, %dma_wait3A_174] : memref<10000x128xf32, #tpu.memory_space<vmem_shared>> -> memref<10000x128xf32, #tpu.memory_space<vmem_shared>>
        tpu.wait_indirect_dma semaphore(%run_scoped3A_163 : memref<!tpu.dma_semaphore, #tpu.memory_space<semaphore_mem>>) src(%arg8 : memref<80x128xf32, #tpu.memory_space<vmem>>) dst(%dma_wait3A_175 : memref<10000x128xf32, #tpu.memory_space<vmem_shared>>)
        tpu.yield
      }) : () -> ()
    }
    %scan3A_82 = arith.constant 62 : i32
    %mul3A_83 = arith.constant 10000 : i32
    %mul3A_84 = arith.muli %arg1, %mul3A_83 : i32
    %add3A_85 = arith.constant 9920 : i32
    %add3A_86 = arith.addi %mul3A_84, %add3A_85 : i32
    %multiple_of3A_87 = tpu.assume_multiple %add3A_86, 8 : i32
    %dma_start3A_88 = tpu.memref_slice %arg2[%multiple_of3A_87, %multiple_of3A_70] : memref<160000x1024xf32, #tpu.memory_space<hbm>> -> memref<80x128xf32, #tpu.memory_space<hbm>>
    %dma_start3A_89 = tpu.memref_slice %arg2[%multiple_of3A_87, %multiple_of3A_70] : memref<160000x1024xf32, #tpu.memory_space<hbm>> -> memref<80x128xf32, #tpu.memory_space<hbm>>
    tpu.enqueue_dma source(%dma_start3A_89 : memref<80x128xf32, #tpu.memory_space<hbm>>) target(%arg7 : memref<80x128xf32, #tpu.memory_space<vmem>>) target_semaphore(%arg10 : memref<!tpu.dma_semaphore, #tpu.memory_space<semaphore_mem>>)
    %dma_wait3A_90 = tpu.memref_slice %arg2[%multiple_of3A_87, %multiple_of3A_70] : memref<160000x1024xf32, #tpu.memory_space<hbm>> -> memref<80x128xf32, #tpu.memory_space<hbm>>
    %dma_wait3A_91 = tpu.memref_slice %arg2[%multiple_of3A_87, %multiple_of3A_70] : memref<160000x1024xf32, #tpu.memory_space<hbm>> -> memref<80x128xf32, #tpu.memory_space<hbm>>
    tpu.wait_dma2 semaphore(%arg10 : memref<!tpu.dma_semaphore, #tpu.memory_space<semaphore_mem>>) src(%dma_wait3A_91 : memref<80x128xf32, #tpu.memory_space<hbm>>) dst(%arg7 : memref<80x128xf32, #tpu.memory_space<vmem>>)
    %run_scoped3A_92 = arith.constant 124 : i32
    "tpu.region"() ({
      %run_scoped3A_136 = tpu.sem_alloc : memref<!tpu.dma_semaphore, #tpu.memory_space<semaphore_mem>>
      %dma_start3A_137 = arith.constant 0 : i32
      %dma_start3A_138 = tpu.memref_slice %arg6[%run_scoped3A_92, %dma_start3A_137] : memref<125x80xi32, #tpu.memory_space<vmem>> -> memref<1x80xi32, #tpu.memory_space<vmem>>
      %dma_start3A_139 = tpu.memref_squeeze %dma_start3A_138 : memref<1x80xi32, #tpu.memory_space<vmem>> -> memref<80xi32, #tpu.memory_space<vmem>>
      %dma_start3A_140 = arith.constant 0 : i32
      %dma_start3A_141 = arith.constant 0 : i32
      %dma_start3A_142 = tpu.memref_slice %arg9[%dma_start3A_140, %dma_start3A_141] : memref<10000x128xf32, #tpu.memory_space<vmem_shared>> -> memref<10000x128xf32, #tpu.memory_space<vmem_shared>>
      tpu.enqueue_indirect_dma source(%arg7 : memref<80x128xf32, #tpu.memory_space<vmem>>) target(%dma_start3A_142 : memref<10000x128xf32, #tpu.memory_space<vmem_shared>>) offsets(%dma_start3A_139 : memref<80xi32, #tpu.memory_space<vmem>>) semaphore(%run_scoped3A_136 : memref<!tpu.dma_semaphore, #tpu.memory_space<semaphore_mem>>) {add = true}
      %dma_wait3A_143 = arith.constant 0 : i32
      %dma_wait3A_144 = tpu.memref_slice %arg6[%run_scoped3A_92, %dma_wait3A_143] : memref<125x80xi32, #tpu.memory_space<vmem>> -> memref<1x80xi32, #tpu.memory_space<vmem>>
      %dma_wait3A_145 = tpu.memref_squeeze %dma_wait3A_144 : memref<1x80xi32, #tpu.memory_space<vmem>> -> memref<80xi32, #tpu.memory_space<vmem>>
      %dma_wait3A_146 = arith.constant 0 : i32
      %dma_wait3A_147 = arith.constant 0 : i32
      %dma_wait3A_148 = tpu.memref_slice %arg9[%dma_wait3A_146, %dma_wait3A_147] : memref<10000x128xf32, #tpu.memory_space<vmem_shared>> -> memref<10000x128xf32, #tpu.memory_space<vmem_shared>>
      tpu.wait_indirect_dma semaphore(%run_scoped3A_136 : memref<!tpu.dma_semaphore, #tpu.memory_space<semaphore_mem>>) src(%arg7 : memref<80x128xf32, #tpu.memory_space<vmem>>) dst(%dma_wait3A_148 : memref<10000x128xf32, #tpu.memory_space<vmem_shared>>)
      tpu.yield
    }) : () -> ()
    %barrier3A_93 = arith.constant 0 : index
    tpu.barrier barrier_id(%barrier3A_93)
    %lt3A_94 = arith.constant 10 : i32
    %lt3A_95 = arith.cmpi slt, %arg1, %lt3A_94 : i32
    %convert_element_type3A_96 = arith.extui %lt3A_95 : i1 to i32
    %cond3A_97 = arith.constant 0 : i32
    %cond3A_98 = arith.cmpi ne, %convert_element_type3A_96, %cond3A_97 : i32
    scf.if %cond3A_98 {
      "tpu.region"() ({
        %run_scoped3A_136 = tpu.sem_alloc : memref<!tpu.dma_semaphore, #tpu.memory_space<semaphore_mem>>
        %dma_start3A_137 = tpu.memref_slice %arg5[%multiple_of3A, %multiple_of3A_70] : memref<10000x1024xf32, #tpu.memory_space<hbm>> -> memref<1000x128xf32, #tpu.memory_space<hbm>>
        %dma_start3A_138 = arith.constant 0 : i32
        %dma_start3A_139 = tpu.memref_slice %arg9[%multiple_of3A, %dma_start3A_138] : memref<10000x128xf32, #tpu.memory_space<vmem_shared>> -> memref<1000x128xf32, #tpu.memory_space<vmem_shared>>
        tpu.enqueue_dma source(%dma_start3A_139 : memref<1000x128xf32, #tpu.memory_space<vmem_shared>>) target(%dma_start3A_137 : memref<1000x128xf32, #tpu.memory_space<hbm>>) target_semaphore(%run_scoped3A_136 : memref<!tpu.dma_semaphore, #tpu.memory_space<semaphore_mem>>)
        %dma_wait3A_140 = tpu.memref_slice %arg5[%multiple_of3A, %multiple_of3A_70] : memref<10000x1024xf32, #tpu.memory_space<hbm>> -> memref<1000x128xf32, #tpu.memory_space<hbm>>
        %dma_wait3A_141 = arith.constant 0 : i32
        %dma_wait3A_142 = tpu.memref_slice %arg9[%multiple_of3A, %dma_wait3A_141] : memref<10000x128xf32, #tpu.memory_space<vmem_shared>> -> memref<1000x128xf32, #tpu.memory_space<vmem_shared>>
        tpu.wait_dma2 semaphore(%run_scoped3A_136 : memref<!tpu.dma_semaphore, #tpu.memory_space<semaphore_mem>>) src(%dma_wait3A_142 : memref<1000x128xf32, #tpu.memory_space<vmem_shared>>) dst(%dma_wait3A_140 : memref<1000x128xf32, #tpu.memory_space<hbm>>)
        tpu.yield
      }) : () -> ()
    } else {
    }
    %barrier3A_99 = arith.constant 0 : index
    tpu.barrier barrier_id(%barrier3A_99)
    %mul3A_100 = arith.constant 4 : i32
    %mul3A_101 = arith.muli %arg0, %mul3A_100 : i32
    %add3A_102 = arith.constant 3 : i32
    %add3A_103 = arith.addi %mul3A_101, %add3A_102 : i32
    %mul3A_104 = arith.constant 128 : i32
    %mul3A_105 = arith.muli %add3A_103, %mul3A_104 : i32
    %multiple_of3A_106 = tpu.assume_multiple %mul3A_105, 128 : i32
    %lt3A_107 = arith.constant 10 : i32
    %lt3A_108 = arith.cmpi slt, %arg1, %lt3A_107 : i32
    %convert_element_type3A_109 = arith.extui %lt3A_108 : i1 to i32
    %cond3A_110 = arith.constant 0 : i32
    %cond3A_111 = arith.cmpi ne, %convert_element_type3A_109, %cond3A_110 : i32
    scf.if %cond3A_111 {
      "tpu.region"() ({
        %run_scoped3A_136 = tpu.sem_alloc : memref<!tpu.dma_semaphore, #tpu.memory_space<semaphore_mem>>
        %dma_start3A_137 = arith.constant 0 : i32
        %dma_start3A_138 = tpu.memref_slice %arg9[%multiple_of3A, %dma_start3A_137] : memref<10000x128xf32, #tpu.memory_space<vmem_shared>> -> memref<1000x128xf32, #tpu.memory_space<vmem_shared>>
        tpu.enqueue_dma source(%arg4 : memref<1000x128xf32, #tpu.memory_space<hbm>>) target(%dma_start3A_138 : memref<1000x128xf32, #tpu.memory_space<vmem_shared>>) target_semaphore(%run_scoped3A_136 : memref<!tpu.dma_semaphore, #tpu.memory_space<semaphore_mem>>)
        %dma_wait3A_139 = arith.constant 0 : i32
        %dma_wait3A_140 = tpu.memref_slice %arg9[%multiple_of3A, %dma_wait3A_139] : memref<10000x128xf32, #tpu.memory_space<vmem_shared>> -> memref<1000x128xf32, #tpu.memory_space<vmem_shared>>
        tpu.wait_dma2 semaphore(%run_scoped3A_136 : memref<!tpu.dma_semaphore, #tpu.memory_space<semaphore_mem>>) src(%arg4 : memref<1000x128xf32, #tpu.memory_space<hbm>>) dst(%dma_wait3A_140 : memref<1000x128xf32, #tpu.memory_space<vmem_shared>>)
        tpu.yield
      }) : () -> ()
    } else {
    }
    %barrier3A_112 = arith.constant 0 : index
    tpu.barrier barrier_id(%barrier3A_112)
    %scan3A_113 = arith.constant 0 : i32
    %scan3A_114 = arith.constant 0 : i32
    %scan3A_115 = arith.constant 62 : i32
    %scan3A_116 = arith.addi %scan3A_114, %scan3A_115 : i32
    %scan3A_117 = arith.constant 1 : i32
    scf.for %scan3A_136 = %scan3A_114 to %scan3A_116 step %scan3A_117  : i32 {
      %mul3A_137 = arith.constant 2 : i32
      %mul3A_138 = arith.muli %scan3A_136, %mul3A_137 : i32
      %mul3A_139 = arith.constant 10000 : i32
      %mul3A_140 = arith.muli %arg1, %mul3A_139 : i32
      %mul3A_141 = arith.constant 80 : i32
      %mul3A_142 = arith.muli %mul3A_138, %mul3A_141 : i32
      %add3A_143 = arith.addi %mul3A_140, %mul3A_142 : i32
      %multiple_of3A_144 = tpu.assume_multiple %add3A_143, 8 : i32
      %mul3A_145 = arith.constant 10000 : i32
      %mul3A_146 = arith.muli %arg1, %mul3A_145 : i32
      %add3A_147 = arith.constant 1 : i32
      %add3A_148 = arith.addi %mul3A_138, %add3A_147 : i32
      %mul3A_149 = arith.constant 80 : i32
      %mul3A_150 = arith.muli %add3A_148, %mul3A_149 : i32
      %add3A_151 = arith.addi %mul3A_146, %mul3A_150 : i32
      %multiple_of3A_152 = tpu.assume_multiple %add3A_151, 8 : i32
      %dma_start3A_153 = tpu.memref_slice %arg2[%multiple_of3A_144, %multiple_of3A_106] : memref<160000x1024xf32, #tpu.memory_space<hbm>> -> memref<80x128xf32, #tpu.memory_space<hbm>>
      %dma_start3A_154 = tpu.memref_slice %arg2[%multiple_of3A_144, %multiple_of3A_106] : memref<160000x1024xf32, #tpu.memory_space<hbm>> -> memref<80x128xf32, #tpu.memory_space<hbm>>
      tpu.enqueue_dma source(%dma_start3A_154 : memref<80x128xf32, #tpu.memory_space<hbm>>) target(%arg7 : memref<80x128xf32, #tpu.memory_space<vmem>>) target_semaphore(%arg10 : memref<!tpu.dma_semaphore, #tpu.memory_space<semaphore_mem>>)
      %dma_start3A_155 = tpu.memref_slice %arg2[%multiple_of3A_152, %multiple_of3A_106] : memref<160000x1024xf32, #tpu.memory_space<hbm>> -> memref<80x128xf32, #tpu.memory_space<hbm>>
      %dma_start3A_156 = tpu.memref_slice %arg2[%multiple_of3A_152, %multiple_of3A_106] : memref<160000x1024xf32, #tpu.memory_space<hbm>> -> memref<80x128xf32, #tpu.memory_space<hbm>>
      tpu.enqueue_dma source(%dma_start3A_156 : memref<80x128xf32, #tpu.memory_space<hbm>>) target(%arg8 : memref<80x128xf32, #tpu.memory_space<vmem>>) target_semaphore(%arg11 : memref<!tpu.dma_semaphore, #tpu.memory_space<semaphore_mem>>)
      %dma_wait3A_157 = tpu.memref_slice %arg2[%multiple_of3A_144, %multiple_of3A_106] : memref<160000x1024xf32, #tpu.memory_space<hbm>> -> memref<80x128xf32, #tpu.memory_space<hbm>>
      %dma_wait3A_158 = tpu.memref_slice %arg2[%multiple_of3A_144, %multiple_of3A_106] : memref<160000x1024xf32, #tpu.memory_space<hbm>> -> memref<80x128xf32, #tpu.memory_space<hbm>>
      tpu.wait_dma2 semaphore(%arg10 : memref<!tpu.dma_semaphore, #tpu.memory_space<semaphore_mem>>) src(%dma_wait3A_158 : memref<80x128xf32, #tpu.memory_space<hbm>>) dst(%arg7 : memref<80x128xf32, #tpu.memory_space<vmem>>)
      "tpu.region"() ({
        %run_scoped3A_163 = tpu.sem_alloc : memref<!tpu.dma_semaphore, #tpu.memory_space<semaphore_mem>>
        %dma_start3A_164 = arith.constant 0 : i32
        %dma_start3A_165 = tpu.memref_slice %arg6[%mul3A_138, %dma_start3A_164] : memref<125x80xi32, #tpu.memory_space<vmem>> -> memref<1x80xi32, #tpu.memory_space<vmem>>
        %dma_start3A_166 = tpu.memref_squeeze %dma_start3A_165 : memref<1x80xi32, #tpu.memory_space<vmem>> -> memref<80xi32, #tpu.memory_space<vmem>>
        %dma_start3A_167 = arith.constant 0 : i32
        %dma_start3A_168 = arith.constant 0 : i32
        %dma_start3A_169 = tpu.memref_slice %arg9[%dma_start3A_167, %dma_start3A_168] : memref<10000x128xf32, #tpu.memory_space<vmem_shared>> -> memref<10000x128xf32, #tpu.memory_space<vmem_shared>>
        tpu.enqueue_indirect_dma source(%arg7 : memref<80x128xf32, #tpu.memory_space<vmem>>) target(%dma_start3A_169 : memref<10000x128xf32, #tpu.memory_space<vmem_shared>>) offsets(%dma_start3A_166 : memref<80xi32, #tpu.memory_space<vmem>>) semaphore(%run_scoped3A_163 : memref<!tpu.dma_semaphore, #tpu.memory_space<semaphore_mem>>) {add = true}
        %dma_wait3A_170 = arith.constant 0 : i32
        %dma_wait3A_171 = tpu.memref_slice %arg6[%mul3A_138, %dma_wait3A_170] : memref<125x80xi32, #tpu.memory_space<vmem>> -> memref<1x80xi32, #tpu.memory_space<vmem>>
        %dma_wait3A_172 = tpu.memref_squeeze %dma_wait3A_171 : memref<1x80xi32, #tpu.memory_space<vmem>> -> memref<80xi32, #tpu.memory_space<vmem>>
        %dma_wait3A_173 = arith.constant 0 : i32
        %dma_wait3A_174 = arith.constant 0 : i32
        %dma_wait3A_175 = tpu.memref_slice %arg9[%dma_wait3A_173, %dma_wait3A_174] : memref<10000x128xf32, #tpu.memory_space<vmem_shared>> -> memref<10000x128xf32, #tpu.memory_space<vmem_shared>>
        tpu.wait_indirect_dma semaphore(%run_scoped3A_163 : memref<!tpu.dma_semaphore, #tpu.memory_space<semaphore_mem>>) src(%arg7 : memref<80x128xf32, #tpu.memory_space<vmem>>) dst(%dma_wait3A_175 : memref<10000x128xf32, #tpu.memory_space<vmem_shared>>)
        tpu.yield
      }) : () -> ()
      %dma_wait3A_159 = tpu.memref_slice %arg2[%multiple_of3A_152, %multiple_of3A_106] : memref<160000x1024xf32, #tpu.memory_space<hbm>> -> memref<80x128xf32, #tpu.memory_space<hbm>>
      %dma_wait3A_160 = tpu.memref_slice %arg2[%multiple_of3A_152, %multiple_of3A_106] : memref<160000x1024xf32, #tpu.memory_space<hbm>> -> memref<80x128xf32, #tpu.memory_space<hbm>>
      tpu.wait_dma2 semaphore(%arg11 : memref<!tpu.dma_semaphore, #tpu.memory_space<semaphore_mem>>) src(%dma_wait3A_160 : memref<80x128xf32, #tpu.memory_space<hbm>>) dst(%arg8 : memref<80x128xf32, #tpu.memory_space<vmem>>)
      %add3A_161 = arith.constant 1 : i32
      %add3A_162 = arith.addi %mul3A_138, %add3A_161 : i32
      "tpu.region"() ({
        %run_scoped3A_163 = tpu.sem_alloc : memref<!tpu.dma_semaphore, #tpu.memory_space<semaphore_mem>>
        %dma_start3A_164 = arith.constant 0 : i32
        %dma_start3A_165 = tpu.memref_slice %arg6[%add3A_162, %dma_start3A_164] : memref<125x80xi32, #tpu.memory_space<vmem>> -> memref<1x80xi32, #tpu.memory_space<vmem>>
        %dma_start3A_166 = tpu.memref_squeeze %dma_start3A_165 : memref<1x80xi32, #tpu.memory_space<vmem>> -> memref<80xi32, #tpu.memory_space<vmem>>
        %dma_start3A_167 = arith.constant 0 : i32
        %dma_start3A_168 = arith.constant 0 : i32
        %dma_start3A_169 = tpu.memref_slice %arg9[%dma_start3A_167, %dma_start3A_168] : memref<10000x128xf32, #tpu.memory_space<vmem_shared>> -> memref<10000x128xf32, #tpu.memory_space<vmem_shared>>
        tpu.enqueue_indirect_dma source(%arg8 : memref<80x128xf32, #tpu.memory_space<vmem>>) target(%dma_start3A_169 : memref<10000x128xf32, #tpu.memory_space<vmem_shared>>) offsets(%dma_start3A_166 : memref<80xi32, #tpu.memory_space<vmem>>) semaphore(%run_scoped3A_163 : memref<!tpu.dma_semaphore, #tpu.memory_space<semaphore_mem>>) {add = true}
        %dma_wait3A_170 = arith.constant 0 : i32
        %dma_wait3A_171 = tpu.memref_slice %arg6[%add3A_162, %dma_wait3A_170] : memref<125x80xi32, #tpu.memory_space<vmem>> -> memref<1x80xi32, #tpu.memory_space<vmem>>
        %dma_wait3A_172 = tpu.memref_squeeze %dma_wait3A_171 : memref<1x80xi32, #tpu.memory_space<vmem>> -> memref<80xi32, #tpu.memory_space<vmem>>
        %dma_wait3A_173 = arith.constant 0 : i32
        %dma_wait3A_174 = arith.constant 0 : i32
        %dma_wait3A_175 = tpu.memref_slice %arg9[%dma_wait3A_173, %dma_wait3A_174] : memref<10000x128xf32, #tpu.memory_space<vmem_shared>> -> memref<10000x128xf32, #tpu.memory_space<vmem_shared>>
        tpu.wait_indirect_dma semaphore(%run_scoped3A_163 : memref<!tpu.dma_semaphore, #tpu.memory_space<semaphore_mem>>) src(%arg8 : memref<80x128xf32, #tpu.memory_space<vmem>>) dst(%dma_wait3A_175 : memref<10000x128xf32, #tpu.memory_space<vmem_shared>>)
        tpu.yield
      }) : () -> ()
    }
    %scan3A_118 = arith.constant 62 : i32
    %mul3A_119 = arith.constant 10000 : i32
    %mul3A_120 = arith.muli %arg1, %mul3A_119 : i32
    %add3A_121 = arith.constant 9920 : i32
    %add3A_122 = arith.addi %mul3A_120, %add3A_121 : i32
    %multiple_of3A_123 = tpu.assume_multiple %add3A_122, 8 : i32
    %dma_start3A_124 = tpu.memref_slice %arg2[%multiple_of3A_123, %multiple_of3A_106] : memref<160000x1024xf32, #tpu.memory_space<hbm>> -> memref<80x128xf32, #tpu.memory_space<hbm>>
    %dma_start3A_125 = tpu.memref_slice %arg2[%multiple_of3A_123, %multiple_of3A_106] : memref<160000x1024xf32, #tpu.memory_space<hbm>> -> memref<80x128xf32, #tpu.memory_space<hbm>>
    tpu.enqueue_dma source(%dma_start3A_125 : memref<80x128xf32, #tpu.memory_space<hbm>>) target(%arg7 : memref<80x128xf32, #tpu.memory_space<vmem>>) target_semaphore(%arg10 : memref<!tpu.dma_semaphore, #tpu.memory_space<semaphore_mem>>)
    %dma_wait3A_126 = tpu.memref_slice %arg2[%multiple_of3A_123, %multiple_of3A_106] : memref<160000x1024xf32, #tpu.memory_space<hbm>> -> memref<80x128xf32, #tpu.memory_space<hbm>>
    %dma_wait3A_127 = tpu.memref_slice %arg2[%multiple_of3A_123, %multiple_of3A_106] : memref<160000x1024xf32, #tpu.memory_space<hbm>> -> memref<80x128xf32, #tpu.memory_space<hbm>>
    tpu.wait_dma2 semaphore(%arg10 : memref<!tpu.dma_semaphore, #tpu.memory_space<semaphore_mem>>) src(%dma_wait3A_127 : memref<80x128xf32, #tpu.memory_space<hbm>>) dst(%arg7 : memref<80x128xf32, #tpu.memory_space<vmem>>)
    %run_scoped3A_128 = arith.constant 124 : i32
    "tpu.region"() ({
      %run_scoped3A_136 = tpu.sem_alloc : memref<!tpu.dma_semaphore, #tpu.memory_space<semaphore_mem>>
      %dma_start3A_137 = arith.constant 0 : i32
      %dma_start3A_138 = tpu.memref_slice %arg6[%run_scoped3A_128, %dma_start3A_137] : memref<125x80xi32, #tpu.memory_space<vmem>> -> memref<1x80xi32, #tpu.memory_space<vmem>>
      %dma_start3A_139 = tpu.memref_squeeze %dma_start3A_138 : memref<1x80xi32, #tpu.memory_space<vmem>> -> memref<80xi32, #tpu.memory_space<vmem>>
      %dma_start3A_140 = arith.constant 0 : i32
      %dma_start3A_141 = arith.constant 0 : i32
      %dma_start3A_142 = tpu.memref_slice %arg9[%dma_start3A_140, %dma_start3A_141] : memref<10000x128xf32, #tpu.memory_space<vmem_shared>> -> memref<10000x128xf32, #tpu.memory_space<vmem_shared>>
      tpu.enqueue_indirect_dma source(%arg7 : memref<80x128xf32, #tpu.memory_space<vmem>>) target(%dma_start3A_142 : memref<10000x128xf32, #tpu.memory_space<vmem_shared>>) offsets(%dma_start3A_139 : memref<80xi32, #tpu.memory_space<vmem>>) semaphore(%run_scoped3A_136 : memref<!tpu.dma_semaphore, #tpu.memory_space<semaphore_mem>>) {add = true}
      %dma_wait3A_143 = arith.constant 0 : i32
      %dma_wait3A_144 = tpu.memref_slice %arg6[%run_scoped3A_128, %dma_wait3A_143] : memref<125x80xi32, #tpu.memory_space<vmem>> -> memref<1x80xi32, #tpu.memory_space<vmem>>
      %dma_wait3A_145 = tpu.memref_squeeze %dma_wait3A_144 : memref<1x80xi32, #tpu.memory_space<vmem>> -> memref<80xi32, #tpu.memory_space<vmem>>
      %dma_wait3A_146 = arith.constant 0 : i32
      %dma_wait3A_147 = arith.constant 0 : i32
      %dma_wait3A_148 = tpu.memref_slice %arg9[%dma_wait3A_146, %dma_wait3A_147] : memref<10000x128xf32, #tpu.memory_space<vmem_shared>> -> memref<10000x128xf32, #tpu.memory_space<vmem_shared>>
      tpu.wait_indirect_dma semaphore(%run_scoped3A_136 : memref<!tpu.dma_semaphore, #tpu.memory_space<semaphore_mem>>) src(%arg7 : memref<80x128xf32, #tpu.memory_space<vmem>>) dst(%dma_wait3A_148 : memref<10000x128xf32, #tpu.memory_space<vmem_shared>>)
      tpu.yield
    }) : () -> ()
    %barrier3A_129 = arith.constant 0 : index
    tpu.barrier barrier_id(%barrier3A_129)
    %lt3A_130 = arith.constant 10 : i32
    %lt3A_131 = arith.cmpi slt, %arg1, %lt3A_130 : i32
    %convert_element_type3A_132 = arith.extui %lt3A_131 : i1 to i32
    %cond3A_133 = arith.constant 0 : i32
    %cond3A_134 = arith.cmpi ne, %convert_element_type3A_132, %cond3A_133 : i32
    scf.if %cond3A_134 {
      "tpu.region"() ({
        %run_scoped3A_136 = tpu.sem_alloc : memref<!tpu.dma_semaphore, #tpu.memory_space<semaphore_mem>>
        %dma_start3A_137 = tpu.memref_slice %arg5[%multiple_of3A, %multiple_of3A_106] : memref<10000x1024xf32, #tpu.memory_space<hbm>> -> memref<1000x128xf32, #tpu.memory_space<hbm>>
        %dma_start3A_138 = arith.constant 0 : i32
        %dma_start3A_139 = tpu.memref_slice %arg9[%multiple_of3A, %dma_start3A_138] : memref<10000x128xf32, #tpu.memory_space<vmem_shared>> -> memref<1000x128xf32, #tpu.memory_space<vmem_shared>>
        tpu.enqueue_dma source(%dma_start3A_139 : memref<1000x128xf32, #tpu.memory_space<vmem_shared>>) target(%dma_start3A_137 : memref<1000x128xf32, #tpu.memory_space<hbm>>) target_semaphore(%run_scoped3A_136 : memref<!tpu.dma_semaphore, #tpu.memory_space<semaphore_mem>>)
        %dma_wait3A_140 = tpu.memref_slice %arg5[%multiple_of3A, %multiple_of3A_106] : memref<10000x1024xf32, #tpu.memory_space<hbm>> -> memref<1000x128xf32, #tpu.memory_space<hbm>>
        %dma_wait3A_141 = arith.constant 0 : i32
        %dma_wait3A_142 = tpu.memref_slice %arg9[%multiple_of3A, %dma_wait3A_141] : memref<10000x128xf32, #tpu.memory_space<vmem_shared>> -> memref<1000x128xf32, #tpu.memory_space<vmem_shared>>
        tpu.wait_dma2 semaphore(%run_scoped3A_136 : memref<!tpu.dma_semaphore, #tpu.memory_space<semaphore_mem>>) src(%dma_wait3A_142 : memref<1000x128xf32, #tpu.memory_space<vmem_shared>>) dst(%dma_wait3A_140 : memref<1000x128xf32, #tpu.memory_space<hbm>>)
        tpu.yield
      }) : () -> ()
    } else {
    }
    %barrier3A_135 = arith.constant 0 : index
    tpu.barrier barrier_id(%barrier3A_135)
    return
  }
}

#map = affine_map<(d0, d1) -> (0, 0)>
#map1 = affine_map<(d0, d1) -> (0, 0, 0)>
module attributes {stable_mosaic.version = 14 : i64} {
  func.func @gk(%arg0: i32, %arg1: i32, %arg2: memref<10000x1536xi32, #tpu.memory_space<hbm>>, %arg3: memref<32x125x40xi32, #tpu.memory_space<hbm>>, %arg4: memref<160000x1536xi32, #tpu.memory_space<hbm>>, %arg5: memref<125x40xi32, #tpu.memory_space<vmem>>, %arg6: memref<40x1536xi32, #tpu.memory_space<vmem>>, %arg7: memref<!tpu.dma_semaphore, #tpu.memory_space<semaphore_mem>>) attributes {dimension_semantics = [#tpu.dimension_semantics<core_parallel>, #tpu.dimension_semantics<subcore_parallel>], iteration_bounds = array<i64: 2, 16>, scalar_prefetch = 0 : i64, scratch_operands = 3 : i64, tpu.core_type = #tpu.core_type<sc_vector_subcore>, window_params = [{transform_indices = #map}, {transform_indices = #map1}, {transform_indices = #map}]} {
    %mul3A = arith.constant 2 : i32
    %mul3A_0 = arith.muli %arg1, %mul3A : i32
    %add3A = arith.addi %mul3A_0, %arg0 : i32
    %mul3A_1 = arith.constant 5000 : i32
    %mul3A_2 = arith.muli %add3A, %mul3A_1 : i32
    "tpu.region"() ({
      %run_scoped3A = tpu.sem_alloc : memref<!tpu.dma_semaphore, #tpu.memory_space<semaphore_mem>>
      %dma_start3A = arith.constant 0 : i32
      %dma_start3A_8 = arith.constant 0 : i32
      %dma_start3A_9 = tpu.memref_slice %arg3[%add3A, %dma_start3A, %dma_start3A_8] : memref<32x125x40xi32, #tpu.memory_space<hbm>> -> memref<1x125x40xi32, #tpu.memory_space<hbm>>
      %dma_start3A_10 = tpu.memref_squeeze %dma_start3A_9 : memref<1x125x40xi32, #tpu.memory_space<hbm>> -> memref<125x40xi32, #tpu.memory_space<hbm>>
      %dma_start3A_11 = arith.constant 0 : i32
      %dma_start3A_12 = arith.constant 0 : i32
      %dma_start3A_13 = tpu.memref_slice %arg3[%add3A, %dma_start3A_11, %dma_start3A_12] : memref<32x125x40xi32, #tpu.memory_space<hbm>> -> memref<1x125x40xi32, #tpu.memory_space<hbm>>
      %dma_start3A_14 = tpu.memref_squeeze %dma_start3A_13 : memref<1x125x40xi32, #tpu.memory_space<hbm>> -> memref<125x40xi32, #tpu.memory_space<hbm>>
      tpu.enqueue_dma source(%dma_start3A_14 : memref<125x40xi32, #tpu.memory_space<hbm>>) target(%arg5 : memref<125x40xi32, #tpu.memory_space<vmem>>) target_semaphore(%run_scoped3A : memref<!tpu.dma_semaphore, #tpu.memory_space<semaphore_mem>>)
      %dma_wait3A = arith.constant 0 : i32
      %dma_wait3A_15 = arith.constant 0 : i32
      %dma_wait3A_16 = tpu.memref_slice %arg3[%add3A, %dma_wait3A, %dma_wait3A_15] : memref<32x125x40xi32, #tpu.memory_space<hbm>> -> memref<1x125x40xi32, #tpu.memory_space<hbm>>
      %dma_wait3A_17 = tpu.memref_squeeze %dma_wait3A_16 : memref<1x125x40xi32, #tpu.memory_space<hbm>> -> memref<125x40xi32, #tpu.memory_space<hbm>>
      %dma_wait3A_18 = arith.constant 0 : i32
      %dma_wait3A_19 = arith.constant 0 : i32
      %dma_wait3A_20 = tpu.memref_slice %arg3[%add3A, %dma_wait3A_18, %dma_wait3A_19] : memref<32x125x40xi32, #tpu.memory_space<hbm>> -> memref<1x125x40xi32, #tpu.memory_space<hbm>>
      %dma_wait3A_21 = tpu.memref_squeeze %dma_wait3A_20 : memref<1x125x40xi32, #tpu.memory_space<hbm>> -> memref<125x40xi32, #tpu.memory_space<hbm>>
      tpu.wait_dma2 semaphore(%run_scoped3A : memref<!tpu.dma_semaphore, #tpu.memory_space<semaphore_mem>>) src(%dma_wait3A_21 : memref<125x40xi32, #tpu.memory_space<hbm>>) dst(%arg5 : memref<125x40xi32, #tpu.memory_space<vmem>>)
      tpu.yield
    }) : () -> ()
    %scan3A = arith.constant 0 : i32
    %scan3A_3 = arith.constant 0 : i32
    %scan3A_4 = arith.constant 125 : i32
    %scan3A_5 = arith.addi %scan3A_3, %scan3A_4 : i32
    %scan3A_6 = arith.constant 1 : i32
    scf.for %scan3A_8 = %scan3A_3 to %scan3A_5 step %scan3A_6  : i32 {
      %mul3A_9 = arith.constant 40 : i32
      %mul3A_10 = arith.muli %scan3A_8, %mul3A_9 : i32
      %add3A_11 = arith.addi %mul3A_2, %mul3A_10 : i32
      %multiple_of3A = tpu.assume_multiple %add3A_11, 8 : i32
      %dma_start3A = arith.constant 0 : i32
      %dma_start3A_12 = tpu.memref_slice %arg5[%scan3A_8, %dma_start3A] : memref<125x40xi32, #tpu.memory_space<vmem>> -> memref<1x40xi32, #tpu.memory_space<vmem>>
      %dma_start3A_13 = tpu.memref_squeeze %dma_start3A_12 : memref<1x40xi32, #tpu.memory_space<vmem>> -> memref<40xi32, #tpu.memory_space<vmem>>
      %dma_start3A_14 = arith.constant 0 : i32
      %dma_start3A_15 = arith.constant 0 : i32
      %dma_start3A_16 = tpu.memref_slice %arg2[%dma_start3A_14, %dma_start3A_15] : memref<10000x1536xi32, #tpu.memory_space<hbm>> -> memref<10000x1536xi32, #tpu.memory_space<hbm>>
      tpu.enqueue_indirect_dma source(%dma_start3A_16 : memref<10000x1536xi32, #tpu.memory_space<hbm>>) target(%arg6 : memref<40x1536xi32, #tpu.memory_space<vmem>>) offsets(%dma_start3A_13 : memref<40xi32, #tpu.memory_space<vmem>>) semaphore(%arg7 : memref<!tpu.dma_semaphore, #tpu.memory_space<semaphore_mem>>)
      %dma_wait3A = arith.constant 0 : i32
      %dma_wait3A_17 = tpu.memref_slice %arg5[%scan3A_8, %dma_wait3A] : memref<125x40xi32, #tpu.memory_space<vmem>> -> memref<1x40xi32, #tpu.memory_space<vmem>>
      %dma_wait3A_18 = tpu.memref_squeeze %dma_wait3A_17 : memref<1x40xi32, #tpu.memory_space<vmem>> -> memref<40xi32, #tpu.memory_space<vmem>>
      %dma_wait3A_19 = arith.constant 0 : i32
      %dma_wait3A_20 = arith.constant 0 : i32
      %dma_wait3A_21 = tpu.memref_slice %arg2[%dma_wait3A_19, %dma_wait3A_20] : memref<10000x1536xi32, #tpu.memory_space<hbm>> -> memref<10000x1536xi32, #tpu.memory_space<hbm>>
      tpu.wait_indirect_dma semaphore(%arg7 : memref<!tpu.dma_semaphore, #tpu.memory_space<semaphore_mem>>) src(%dma_wait3A_21 : memref<10000x1536xi32, #tpu.memory_space<hbm>>) dst(%arg6 : memref<40x1536xi32, #tpu.memory_space<vmem>>)
      "tpu.region"() ({
        %run_scoped3A = tpu.sem_alloc : memref<!tpu.dma_semaphore, #tpu.memory_space<semaphore_mem>>
        %dma_start3A_22 = arith.constant 0 : i32
        %dma_start3A_23 = tpu.memref_slice %arg4[%multiple_of3A, %dma_start3A_22] : memref<160000x1536xi32, #tpu.memory_space<hbm>> -> memref<40x1536xi32, #tpu.memory_space<hbm>>
        %dma_start3A_24 = arith.constant 0 : i32
        %dma_start3A_25 = tpu.memref_slice %arg4[%multiple_of3A, %dma_start3A_24] : memref<160000x1536xi32, #tpu.memory_space<hbm>> -> memref<40x1536xi32, #tpu.memory_space<hbm>>
        tpu.enqueue_dma source(%arg6 : memref<40x1536xi32, #tpu.memory_space<vmem>>) target(%dma_start3A_25 : memref<40x1536xi32, #tpu.memory_space<hbm>>) target_semaphore(%run_scoped3A : memref<!tpu.dma_semaphore, #tpu.memory_space<semaphore_mem>>)
        %dma_wait3A_26 = arith.constant 0 : i32
        %dma_wait3A_27 = tpu.memref_slice %arg4[%multiple_of3A, %dma_wait3A_26] : memref<160000x1536xi32, #tpu.memory_space<hbm>> -> memref<40x1536xi32, #tpu.memory_space<hbm>>
        %dma_wait3A_28 = arith.constant 0 : i32
        %dma_wait3A_29 = tpu.memref_slice %arg4[%multiple_of3A, %dma_wait3A_28] : memref<160000x1536xi32, #tpu.memory_space<hbm>> -> memref<40x1536xi32, #tpu.memory_space<hbm>>
        tpu.wait_dma2 semaphore(%run_scoped3A : memref<!tpu.dma_semaphore, #tpu.memory_space<semaphore_mem>>) src(%arg6 : memref<40x1536xi32, #tpu.memory_space<vmem>>) dst(%dma_wait3A_29 : memref<40x1536xi32, #tpu.memory_space<hbm>>)
        tpu.yield
      }) : () -> ()
    }
    %scan3A_7 = arith.constant 125 : i32
    return
  }
}

#map = affine_map<(d0, d1) -> (0, 0)>
#map1 = affine_map<(d0, d1) -> (0, 0, 0)>
module attributes {stable_mosaic.version = 14 : i64} {
  func.func @gk(%arg0: i32, %arg1: i32, %arg2: memref<10000x512xi32, #tpu.memory_space<hbm>>, %arg3: memref<32x125x40xi32, #tpu.memory_space<hbm>>, %arg4: memref<160000x512xi32, #tpu.memory_space<hbm>>, %arg5: memref<125x40xi32, #tpu.memory_space<vmem>>, %arg6: memref<40x512xi32, #tpu.memory_space<vmem>>, %arg7: memref<!tpu.dma_semaphore, #tpu.memory_space<semaphore_mem>>, %arg8: memref<40x512xi32, #tpu.memory_space<vmem>>, %arg9: memref<!tpu.dma_semaphore, #tpu.memory_space<semaphore_mem>>) attributes {dimension_semantics = [#tpu.dimension_semantics<core_parallel>, #tpu.dimension_semantics<subcore_parallel>], iteration_bounds = array<i64: 2, 16>, scalar_prefetch = 0 : i64, scratch_operands = 5 : i64, tpu.core_type = #tpu.core_type<sc_vector_subcore>, window_params = [{transform_indices = #map}, {transform_indices = #map1}, {transform_indices = #map}]} {
    %mul3A = arith.constant 2 : i32
    %mul3A_0 = arith.muli %arg1, %mul3A : i32
    %add3A = arith.addi %mul3A_0, %arg0 : i32
    %mul3A_1 = arith.constant 5000 : i32
    %mul3A_2 = arith.muli %add3A, %mul3A_1 : i32
    "tpu.region"() ({
      %run_scoped3A = tpu.sem_alloc : memref<!tpu.dma_semaphore, #tpu.memory_space<semaphore_mem>>
      %dma_start3A_22 = arith.constant 0 : i32
      %dma_start3A_23 = arith.constant 0 : i32
      %dma_start3A_24 = tpu.memref_slice %arg3[%add3A, %dma_start3A_22, %dma_start3A_23] : memref<32x125x40xi32, #tpu.memory_space<hbm>> -> memref<1x125x40xi32, #tpu.memory_space<hbm>>
      %dma_start3A_25 = tpu.memref_squeeze %dma_start3A_24 : memref<1x125x40xi32, #tpu.memory_space<hbm>> -> memref<125x40xi32, #tpu.memory_space<hbm>>
      %dma_start3A_26 = arith.constant 0 : i32
      %dma_start3A_27 = arith.constant 0 : i32
      %dma_start3A_28 = tpu.memref_slice %arg3[%add3A, %dma_start3A_26, %dma_start3A_27] : memref<32x125x40xi32, #tpu.memory_space<hbm>> -> memref<1x125x40xi32, #tpu.memory_space<hbm>>
      %dma_start3A_29 = tpu.memref_squeeze %dma_start3A_28 : memref<1x125x40xi32, #tpu.memory_space<hbm>> -> memref<125x40xi32, #tpu.memory_space<hbm>>
      tpu.enqueue_dma source(%dma_start3A_29 : memref<125x40xi32, #tpu.memory_space<hbm>>) target(%arg5 : memref<125x40xi32, #tpu.memory_space<vmem>>) target_semaphore(%run_scoped3A : memref<!tpu.dma_semaphore, #tpu.memory_space<semaphore_mem>>)
      %dma_wait3A_30 = arith.constant 0 : i32
      %dma_wait3A_31 = arith.constant 0 : i32
      %dma_wait3A_32 = tpu.memref_slice %arg3[%add3A, %dma_wait3A_30, %dma_wait3A_31] : memref<32x125x40xi32, #tpu.memory_space<hbm>> -> memref<1x125x40xi32, #tpu.memory_space<hbm>>
      %dma_wait3A_33 = tpu.memref_squeeze %dma_wait3A_32 : memref<1x125x40xi32, #tpu.memory_space<hbm>> -> memref<125x40xi32, #tpu.memory_space<hbm>>
      %dma_wait3A_34 = arith.constant 0 : i32
      %dma_wait3A_35 = arith.constant 0 : i32
      %dma_wait3A_36 = tpu.memref_slice %arg3[%add3A, %dma_wait3A_34, %dma_wait3A_35] : memref<32x125x40xi32, #tpu.memory_space<hbm>> -> memref<1x125x40xi32, #tpu.memory_space<hbm>>
      %dma_wait3A_37 = tpu.memref_squeeze %dma_wait3A_36 : memref<1x125x40xi32, #tpu.memory_space<hbm>> -> memref<125x40xi32, #tpu.memory_space<hbm>>
      tpu.wait_dma2 semaphore(%run_scoped3A : memref<!tpu.dma_semaphore, #tpu.memory_space<semaphore_mem>>) src(%dma_wait3A_37 : memref<125x40xi32, #tpu.memory_space<hbm>>) dst(%arg5 : memref<125x40xi32, #tpu.memory_space<vmem>>)
      tpu.yield
    }) : () -> ()
    %scan3A = arith.constant 0 : i32
    %scan3A_3 = arith.constant 0 : i32
    %scan3A_4 = arith.constant 62 : i32
    %scan3A_5 = arith.addi %scan3A_3, %scan3A_4 : i32
    %scan3A_6 = arith.constant 1 : i32
    scf.for %scan3A_22 = %scan3A_3 to %scan3A_5 step %scan3A_6  : i32 {
      %mul3A_23 = arith.constant 2 : i32
      %mul3A_24 = arith.muli %scan3A_22, %mul3A_23 : i32
      %mul3A_25 = arith.constant 40 : i32
      %mul3A_26 = arith.muli %mul3A_24, %mul3A_25 : i32
      %add3A_27 = arith.addi %mul3A_2, %mul3A_26 : i32
      %multiple_of3A_28 = tpu.assume_multiple %add3A_27, 8 : i32
      %add3A_29 = arith.constant 1 : i32
      %add3A_30 = arith.addi %mul3A_24, %add3A_29 : i32
      %mul3A_31 = arith.constant 40 : i32
      %mul3A_32 = arith.muli %add3A_30, %mul3A_31 : i32
      %add3A_33 = arith.addi %mul3A_2, %mul3A_32 : i32
      %multiple_of3A_34 = tpu.assume_multiple %add3A_33, 8 : i32
      %dma_start3A_35 = arith.constant 0 : i32
      %dma_start3A_36 = tpu.memref_slice %arg5[%mul3A_24, %dma_start3A_35] : memref<125x40xi32, #tpu.memory_space<vmem>> -> memref<1x40xi32, #tpu.memory_space<vmem>>
      %dma_start3A_37 = tpu.memref_squeeze %dma_start3A_36 : memref<1x40xi32, #tpu.memory_space<vmem>> -> memref<40xi32, #tpu.memory_space<vmem>>
      %dma_start3A_38 = arith.constant 0 : i32
      %dma_start3A_39 = arith.constant 0 : i32
      %dma_start3A_40 = tpu.memref_slice %arg2[%dma_start3A_38, %dma_start3A_39] : memref<10000x512xi32, #tpu.memory_space<hbm>> -> memref<10000x512xi32, #tpu.memory_space<hbm>>
      tpu.enqueue_indirect_dma source(%dma_start3A_40 : memref<10000x512xi32, #tpu.memory_space<hbm>>) target(%arg6 : memref<40x512xi32, #tpu.memory_space<vmem>>) offsets(%dma_start3A_37 : memref<40xi32, #tpu.memory_space<vmem>>) semaphore(%arg7 : memref<!tpu.dma_semaphore, #tpu.memory_space<semaphore_mem>>)
      %add3A_41 = arith.constant 1 : i32
      %add3A_42 = arith.addi %mul3A_24, %add3A_41 : i32
      %dma_start3A_43 = arith.constant 0 : i32
      %dma_start3A_44 = tpu.memref_slice %arg5[%add3A_42, %dma_start3A_43] : memref<125x40xi32, #tpu.memory_space<vmem>> -> memref<1x40xi32, #tpu.memory_space<vmem>>
      %dma_start3A_45 = tpu.memref_squeeze %dma_start3A_44 : memref<1x40xi32, #tpu.memory_space<vmem>> -> memref<40xi32, #tpu.memory_space<vmem>>
      %dma_start3A_46 = arith.constant 0 : i32
      %dma_start3A_47 = arith.constant 0 : i32
      %dma_start3A_48 = tpu.memref_slice %arg2[%dma_start3A_46, %dma_start3A_47] : memref<10000x512xi32, #tpu.memory_space<hbm>> -> memref<10000x512xi32, #tpu.memory_space<hbm>>
      tpu.enqueue_indirect_dma source(%dma_start3A_48 : memref<10000x512xi32, #tpu.memory_space<hbm>>) target(%arg8 : memref<40x512xi32, #tpu.memory_space<vmem>>) offsets(%dma_start3A_45 : memref<40xi32, #tpu.memory_space<vmem>>) semaphore(%arg9 : memref<!tpu.dma_semaphore, #tpu.memory_space<semaphore_mem>>)
      %dma_wait3A_49 = arith.constant 0 : i32
      %dma_wait3A_50 = tpu.memref_slice %arg5[%mul3A_24, %dma_wait3A_49] : memref<125x40xi32, #tpu.memory_space<vmem>> -> memref<1x40xi32, #tpu.memory_space<vmem>>
      %dma_wait3A_51 = tpu.memref_squeeze %dma_wait3A_50 : memref<1x40xi32, #tpu.memory_space<vmem>> -> memref<40xi32, #tpu.memory_space<vmem>>
      %dma_wait3A_52 = arith.constant 0 : i32
      %dma_wait3A_53 = arith.constant 0 : i32
      %dma_wait3A_54 = tpu.memref_slice %arg2[%dma_wait3A_52, %dma_wait3A_53] : memref<10000x512xi32, #tpu.memory_space<hbm>> -> memref<10000x512xi32, #tpu.memory_space<hbm>>
      tpu.wait_indirect_dma semaphore(%arg7 : memref<!tpu.dma_semaphore, #tpu.memory_space<semaphore_mem>>) src(%dma_wait3A_54 : memref<10000x512xi32, #tpu.memory_space<hbm>>) dst(%arg6 : memref<40x512xi32, #tpu.memory_space<vmem>>)
      "tpu.region"() ({
        %run_scoped3A = tpu.sem_alloc : memref<!tpu.dma_semaphore, #tpu.memory_space<semaphore_mem>>
        %dma_start3A_61 = arith.constant 0 : i32
        %dma_start3A_62 = tpu.memref_slice %arg4[%multiple_of3A_28, %dma_start3A_61] : memref<160000x512xi32, #tpu.memory_space<hbm>> -> memref<40x512xi32, #tpu.memory_space<hbm>>
        %dma_start3A_63 = arith.constant 0 : i32
        %dma_start3A_64 = tpu.memref_slice %arg4[%multiple_of3A_28, %dma_start3A_63] : memref<160000x512xi32, #tpu.memory_space<hbm>> -> memref<40x512xi32, #tpu.memory_space<hbm>>
        tpu.enqueue_dma source(%arg6 : memref<40x512xi32, #tpu.memory_space<vmem>>) target(%dma_start3A_64 : memref<40x512xi32, #tpu.memory_space<hbm>>) target_semaphore(%run_scoped3A : memref<!tpu.dma_semaphore, #tpu.memory_space<semaphore_mem>>)
        %dma_wait3A_65 = arith.constant 0 : i32
        %dma_wait3A_66 = tpu.memref_slice %arg4[%multiple_of3A_28, %dma_wait3A_65] : memref<160000x512xi32, #tpu.memory_space<hbm>> -> memref<40x512xi32, #tpu.memory_space<hbm>>
        %dma_wait3A_67 = arith.constant 0 : i32
        %dma_wait3A_68 = tpu.memref_slice %arg4[%multiple_of3A_28, %dma_wait3A_67] : memref<160000x512xi32, #tpu.memory_space<hbm>> -> memref<40x512xi32, #tpu.memory_space<hbm>>
        tpu.wait_dma2 semaphore(%run_scoped3A : memref<!tpu.dma_semaphore, #tpu.memory_space<semaphore_mem>>) src(%arg6 : memref<40x512xi32, #tpu.memory_space<vmem>>) dst(%dma_wait3A_68 : memref<40x512xi32, #tpu.memory_space<hbm>>)
        tpu.yield
      }) : () -> ()
      %dma_wait3A_55 = arith.constant 0 : i32
      %dma_wait3A_56 = tpu.memref_slice %arg5[%add3A_42, %dma_wait3A_55] : memref<125x40xi32, #tpu.memory_space<vmem>> -> memref<1x40xi32, #tpu.memory_space<vmem>>
      %dma_wait3A_57 = tpu.memref_squeeze %dma_wait3A_56 : memref<1x40xi32, #tpu.memory_space<vmem>> -> memref<40xi32, #tpu.memory_space<vmem>>
      %dma_wait3A_58 = arith.constant 0 : i32
      %dma_wait3A_59 = arith.constant 0 : i32
      %dma_wait3A_60 = tpu.memref_slice %arg2[%dma_wait3A_58, %dma_wait3A_59] : memref<10000x512xi32, #tpu.memory_space<hbm>> -> memref<10000x512xi32, #tpu.memory_space<hbm>>
      tpu.wait_indirect_dma semaphore(%arg9 : memref<!tpu.dma_semaphore, #tpu.memory_space<semaphore_mem>>) src(%dma_wait3A_60 : memref<10000x512xi32, #tpu.memory_space<hbm>>) dst(%arg8 : memref<40x512xi32, #tpu.memory_space<vmem>>)
      "tpu.region"() ({
        %run_scoped3A = tpu.sem_alloc : memref<!tpu.dma_semaphore, #tpu.memory_space<semaphore_mem>>
        %dma_start3A_61 = arith.constant 0 : i32
        %dma_start3A_62 = tpu.memref_slice %arg4[%multiple_of3A_34, %dma_start3A_61] : memref<160000x512xi32, #tpu.memory_space<hbm>> -> memref<40x512xi32, #tpu.memory_space<hbm>>
        %dma_start3A_63 = arith.constant 0 : i32
        %dma_start3A_64 = tpu.memref_slice %arg4[%multiple_of3A_34, %dma_start3A_63] : memref<160000x512xi32, #tpu.memory_space<hbm>> -> memref<40x512xi32, #tpu.memory_space<hbm>>
        tpu.enqueue_dma source(%arg8 : memref<40x512xi32, #tpu.memory_space<vmem>>) target(%dma_start3A_64 : memref<40x512xi32, #tpu.memory_space<hbm>>) target_semaphore(%run_scoped3A : memref<!tpu.dma_semaphore, #tpu.memory_space<semaphore_mem>>)
        %dma_wait3A_65 = arith.constant 0 : i32
        %dma_wait3A_66 = tpu.memref_slice %arg4[%multiple_of3A_34, %dma_wait3A_65] : memref<160000x512xi32, #tpu.memory_space<hbm>> -> memref<40x512xi32, #tpu.memory_space<hbm>>
        %dma_wait3A_67 = arith.constant 0 : i32
        %dma_wait3A_68 = tpu.memref_slice %arg4[%multiple_of3A_34, %dma_wait3A_67] : memref<160000x512xi32, #tpu.memory_space<hbm>> -> memref<40x512xi32, #tpu.memory_space<hbm>>
        tpu.wait_dma2 semaphore(%run_scoped3A : memref<!tpu.dma_semaphore, #tpu.memory_space<semaphore_mem>>) src(%arg8 : memref<40x512xi32, #tpu.memory_space<vmem>>) dst(%dma_wait3A_68 : memref<40x512xi32, #tpu.memory_space<hbm>>)
        tpu.yield
      }) : () -> ()
    }
    %scan3A_7 = arith.constant 62 : i32
    %add3A_8 = arith.constant 4960 : i32
    %add3A_9 = arith.addi %mul3A_2, %add3A_8 : i32
    %multiple_of3A = tpu.assume_multiple %add3A_9, 8 : i32
    %dma_start3A = arith.constant 124 : i32
    %dma_start3A_10 = arith.constant 0 : i32
    %dma_start3A_11 = tpu.memref_slice %arg5[%dma_start3A, %dma_start3A_10] : memref<125x40xi32, #tpu.memory_space<vmem>> -> memref<1x40xi32, #tpu.memory_space<vmem>>
    %dma_start3A_12 = tpu.memref_squeeze %dma_start3A_11 : memref<1x40xi32, #tpu.memory_space<vmem>> -> memref<40xi32, #tpu.memory_space<vmem>>
    %dma_start3A_13 = arith.constant 0 : i32
    %dma_start3A_14 = arith.constant 0 : i32
    %dma_start3A_15 = tpu.memref_slice %arg2[%dma_start3A_13, %dma_start3A_14] : memref<10000x512xi32, #tpu.memory_space<hbm>> -> memref<10000x512xi32, #tpu.memory_space<hbm>>
    tpu.enqueue_indirect_dma source(%dma_start3A_15 : memref<10000x512xi32, #tpu.memory_space<hbm>>) target(%arg6 : memref<40x512xi32, #tpu.memory_space<vmem>>) offsets(%dma_start3A_12 : memref<40xi32, #tpu.memory_space<vmem>>) semaphore(%arg7 : memref<!tpu.dma_semaphore, #tpu.memory_space<semaphore_mem>>)
    %dma_wait3A = arith.constant 124 : i32
    %dma_wait3A_16 = arith.constant 0 : i32
    %dma_wait3A_17 = tpu.memref_slice %arg5[%dma_wait3A, %dma_wait3A_16] : memref<125x40xi32, #tpu.memory_space<vmem>> -> memref<1x40xi32, #tpu.memory_space<vmem>>
    %dma_wait3A_18 = tpu.memref_squeeze %dma_wait3A_17 : memref<1x40xi32, #tpu.memory_space<vmem>> -> memref<40xi32, #tpu.memory_space<vmem>>
    %dma_wait3A_19 = arith.constant 0 : i32
    %dma_wait3A_20 = arith.constant 0 : i32
    %dma_wait3A_21 = tpu.memref_slice %arg2[%dma_wait3A_19, %dma_wait3A_20] : memref<10000x512xi32, #tpu.memory_space<hbm>> -> memref<10000x512xi32, #tpu.memory_space<hbm>>
    tpu.wait_indirect_dma semaphore(%arg7 : memref<!tpu.dma_semaphore, #tpu.memory_space<semaphore_mem>>) src(%dma_wait3A_21 : memref<10000x512xi32, #tpu.memory_space<hbm>>) dst(%arg6 : memref<40x512xi32, #tpu.memory_space<vmem>>)
    "tpu.region"() ({
      %run_scoped3A = tpu.sem_alloc : memref<!tpu.dma_semaphore, #tpu.memory_space<semaphore_mem>>
      %dma_start3A_22 = arith.constant 0 : i32
      %dma_start3A_23 = tpu.memref_slice %arg4[%multiple_of3A, %dma_start3A_22] : memref<160000x512xi32, #tpu.memory_space<hbm>> -> memref<40x512xi32, #tpu.memory_space<hbm>>
      %dma_start3A_24 = arith.constant 0 : i32
      %dma_start3A_25 = tpu.memref_slice %arg4[%multiple_of3A, %dma_start3A_24] : memref<160000x512xi32, #tpu.memory_space<hbm>> -> memref<40x512xi32, #tpu.memory_space<hbm>>
      tpu.enqueue_dma source(%arg6 : memref<40x512xi32, #tpu.memory_space<vmem>>) target(%dma_start3A_25 : memref<40x512xi32, #tpu.memory_space<hbm>>) target_semaphore(%run_scoped3A : memref<!tpu.dma_semaphore, #tpu.memory_space<semaphore_mem>>)
      %dma_wait3A_26 = arith.constant 0 : i32
      %dma_wait3A_27 = tpu.memref_slice %arg4[%multiple_of3A, %dma_wait3A_26] : memref<160000x512xi32, #tpu.memory_space<hbm>> -> memref<40x512xi32, #tpu.memory_space<hbm>>
      %dma_wait3A_28 = arith.constant 0 : i32
      %dma_wait3A_29 = tpu.memref_slice %arg4[%multiple_of3A, %dma_wait3A_28] : memref<160000x512xi32, #tpu.memory_space<hbm>> -> memref<40x512xi32, #tpu.memory_space<hbm>>
      tpu.wait_dma2 semaphore(%run_scoped3A : memref<!tpu.dma_semaphore, #tpu.memory_space<semaphore_mem>>) src(%arg6 : memref<40x512xi32, #tpu.memory_space<vmem>>) dst(%dma_wait3A_29 : memref<40x512xi32, #tpu.memory_space<hbm>>)
      tpu.yield
    }) : () -> ()
    return
  }
}

#map = affine_map<(d0, d1) -> (0, 0)>
#map1 = affine_map<(d0, d1) -> (0, 0, 0)>
module attributes {stable_mosaic.version = 14 : i64} {
  func.func @gk(%arg0: i32, %arg1: i32, %arg2: memref<10000x512xi32, #tpu.memory_space<hbm>>, %arg3: memref<32x125x40xi32, #tpu.memory_space<hbm>>, %arg4: memref<160000x512xi32, #tpu.memory_space<hbm>>, %arg5: memref<125x40xi32, #tpu.memory_space<vmem>>, %arg6: memref<40x512xi32, #tpu.memory_space<vmem>>, %arg7: memref<!tpu.dma_semaphore, #tpu.memory_space<semaphore_mem>>, %arg8: memref<40x512xi32, #tpu.memory_space<vmem>>, %arg9: memref<!tpu.dma_semaphore, #tpu.memory_space<semaphore_mem>>) attributes {dimension_semantics = [#tpu.dimension_semantics<core_parallel>, #tpu.dimension_semantics<subcore_parallel>], iteration_bounds = array<i64: 2, 16>, scalar_prefetch = 0 : i64, scratch_operands = 5 : i64, tpu.core_type = #tpu.core_type<sc_vector_subcore>, window_params = [{transform_indices = #map}, {transform_indices = #map1}, {transform_indices = #map}]} {
    %mul3A = arith.constant 2 : i32
    %mul3A_0 = arith.muli %arg1, %mul3A : i32
    %add3A = arith.addi %mul3A_0, %arg0 : i32
    %mul3A_1 = arith.constant 5000 : i32
    %mul3A_2 = arith.muli %add3A, %mul3A_1 : i32
    "tpu.region"() ({
      %run_scoped3A = tpu.sem_alloc : memref<!tpu.dma_semaphore, #tpu.memory_space<semaphore_mem>>
      %dma_start3A_22 = arith.constant 0 : i32
      %dma_start3A_23 = arith.constant 0 : i32
      %dma_start3A_24 = tpu.memref_slice %arg3[%add3A, %dma_start3A_22, %dma_start3A_23] : memref<32x125x40xi32, #tpu.memory_space<hbm>> -> memref<1x125x40xi32, #tpu.memory_space<hbm>>
      %dma_start3A_25 = tpu.memref_squeeze %dma_start3A_24 : memref<1x125x40xi32, #tpu.memory_space<hbm>> -> memref<125x40xi32, #tpu.memory_space<hbm>>
      %dma_start3A_26 = arith.constant 0 : i32
      %dma_start3A_27 = arith.constant 0 : i32
      %dma_start3A_28 = tpu.memref_slice %arg3[%add3A, %dma_start3A_26, %dma_start3A_27] : memref<32x125x40xi32, #tpu.memory_space<hbm>> -> memref<1x125x40xi32, #tpu.memory_space<hbm>>
      %dma_start3A_29 = tpu.memref_squeeze %dma_start3A_28 : memref<1x125x40xi32, #tpu.memory_space<hbm>> -> memref<125x40xi32, #tpu.memory_space<hbm>>
      tpu.enqueue_dma source(%dma_start3A_29 : memref<125x40xi32, #tpu.memory_space<hbm>>) target(%arg5 : memref<125x40xi32, #tpu.memory_space<vmem>>) target_semaphore(%run_scoped3A : memref<!tpu.dma_semaphore, #tpu.memory_space<semaphore_mem>>)
      %dma_wait3A_30 = arith.constant 0 : i32
      %dma_wait3A_31 = arith.constant 0 : i32
      %dma_wait3A_32 = tpu.memref_slice %arg3[%add3A, %dma_wait3A_30, %dma_wait3A_31] : memref<32x125x40xi32, #tpu.memory_space<hbm>> -> memref<1x125x40xi32, #tpu.memory_space<hbm>>
      %dma_wait3A_33 = tpu.memref_squeeze %dma_wait3A_32 : memref<1x125x40xi32, #tpu.memory_space<hbm>> -> memref<125x40xi32, #tpu.memory_space<hbm>>
      %dma_wait3A_34 = arith.constant 0 : i32
      %dma_wait3A_35 = arith.constant 0 : i32
      %dma_wait3A_36 = tpu.memref_slice %arg3[%add3A, %dma_wait3A_34, %dma_wait3A_35] : memref<32x125x40xi32, #tpu.memory_space<hbm>> -> memref<1x125x40xi32, #tpu.memory_space<hbm>>
      %dma_wait3A_37 = tpu.memref_squeeze %dma_wait3A_36 : memref<1x125x40xi32, #tpu.memory_space<hbm>> -> memref<125x40xi32, #tpu.memory_space<hbm>>
      tpu.wait_dma2 semaphore(%run_scoped3A : memref<!tpu.dma_semaphore, #tpu.memory_space<semaphore_mem>>) src(%dma_wait3A_37 : memref<125x40xi32, #tpu.memory_space<hbm>>) dst(%arg5 : memref<125x40xi32, #tpu.memory_space<vmem>>)
      tpu.yield
    }) : () -> ()
    %scan3A = arith.constant 0 : i32
    %scan3A_3 = arith.constant 0 : i32
    %scan3A_4 = arith.constant 62 : i32
    %scan3A_5 = arith.addi %scan3A_3, %scan3A_4 : i32
    %scan3A_6 = arith.constant 1 : i32
    scf.for %scan3A_22 = %scan3A_3 to %scan3A_5 step %scan3A_6  : i32 {
      %mul3A_23 = arith.constant 2 : i32
      %mul3A_24 = arith.muli %scan3A_22, %mul3A_23 : i32
      %mul3A_25 = arith.constant 40 : i32
      %mul3A_26 = arith.muli %mul3A_24, %mul3A_25 : i32
      %add3A_27 = arith.addi %mul3A_2, %mul3A_26 : i32
      %multiple_of3A_28 = tpu.assume_multiple %add3A_27, 8 : i32
      %add3A_29 = arith.constant 1 : i32
      %add3A_30 = arith.addi %mul3A_24, %add3A_29 : i32
      %mul3A_31 = arith.constant 40 : i32
      %mul3A_32 = arith.muli %add3A_30, %mul3A_31 : i32
      %add3A_33 = arith.addi %mul3A_2, %mul3A_32 : i32
      %multiple_of3A_34 = tpu.assume_multiple %add3A_33, 8 : i32
      %dma_start3A_35 = arith.constant 0 : i32
      %dma_start3A_36 = tpu.memref_slice %arg5[%mul3A_24, %dma_start3A_35] : memref<125x40xi32, #tpu.memory_space<vmem>> -> memref<1x40xi32, #tpu.memory_space<vmem>>
      %dma_start3A_37 = tpu.memref_squeeze %dma_start3A_36 : memref<1x40xi32, #tpu.memory_space<vmem>> -> memref<40xi32, #tpu.memory_space<vmem>>
      %dma_start3A_38 = arith.constant 0 : i32
      %dma_start3A_39 = arith.constant 0 : i32
      %dma_start3A_40 = tpu.memref_slice %arg2[%dma_start3A_38, %dma_start3A_39] : memref<10000x512xi32, #tpu.memory_space<hbm>> -> memref<10000x512xi32, #tpu.memory_space<hbm>>
      tpu.enqueue_indirect_dma source(%dma_start3A_40 : memref<10000x512xi32, #tpu.memory_space<hbm>>) target(%arg6 : memref<40x512xi32, #tpu.memory_space<vmem>>) offsets(%dma_start3A_37 : memref<40xi32, #tpu.memory_space<vmem>>) semaphore(%arg7 : memref<!tpu.dma_semaphore, #tpu.memory_space<semaphore_mem>>)
      %add3A_41 = arith.constant 1 : i32
      %add3A_42 = arith.addi %mul3A_24, %add3A_41 : i32
      %dma_start3A_43 = arith.constant 0 : i32
      %dma_start3A_44 = tpu.memref_slice %arg5[%add3A_42, %dma_start3A_43] : memref<125x40xi32, #tpu.memory_space<vmem>> -> memref<1x40xi32, #tpu.memory_space<vmem>>
      %dma_start3A_45 = tpu.memref_squeeze %dma_start3A_44 : memref<1x40xi32, #tpu.memory_space<vmem>> -> memref<40xi32, #tpu.memory_space<vmem>>
      %dma_start3A_46 = arith.constant 0 : i32
      %dma_start3A_47 = arith.constant 0 : i32
      %dma_start3A_48 = tpu.memref_slice %arg2[%dma_start3A_46, %dma_start3A_47] : memref<10000x512xi32, #tpu.memory_space<hbm>> -> memref<10000x512xi32, #tpu.memory_space<hbm>>
      tpu.enqueue_indirect_dma source(%dma_start3A_48 : memref<10000x512xi32, #tpu.memory_space<hbm>>) target(%arg8 : memref<40x512xi32, #tpu.memory_space<vmem>>) offsets(%dma_start3A_45 : memref<40xi32, #tpu.memory_space<vmem>>) semaphore(%arg9 : memref<!tpu.dma_semaphore, #tpu.memory_space<semaphore_mem>>)
      %dma_wait3A_49 = arith.constant 0 : i32
      %dma_wait3A_50 = tpu.memref_slice %arg5[%mul3A_24, %dma_wait3A_49] : memref<125x40xi32, #tpu.memory_space<vmem>> -> memref<1x40xi32, #tpu.memory_space<vmem>>
      %dma_wait3A_51 = tpu.memref_squeeze %dma_wait3A_50 : memref<1x40xi32, #tpu.memory_space<vmem>> -> memref<40xi32, #tpu.memory_space<vmem>>
      %dma_wait3A_52 = arith.constant 0 : i32
      %dma_wait3A_53 = arith.constant 0 : i32
      %dma_wait3A_54 = tpu.memref_slice %arg2[%dma_wait3A_52, %dma_wait3A_53] : memref<10000x512xi32, #tpu.memory_space<hbm>> -> memref<10000x512xi32, #tpu.memory_space<hbm>>
      tpu.wait_indirect_dma semaphore(%arg7 : memref<!tpu.dma_semaphore, #tpu.memory_space<semaphore_mem>>) src(%dma_wait3A_54 : memref<10000x512xi32, #tpu.memory_space<hbm>>) dst(%arg6 : memref<40x512xi32, #tpu.memory_space<vmem>>)
      "tpu.region"() ({
        %run_scoped3A = tpu.sem_alloc : memref<!tpu.dma_semaphore, #tpu.memory_space<semaphore_mem>>
        %dma_start3A_61 = arith.constant 0 : i32
        %dma_start3A_62 = tpu.memref_slice %arg4[%multiple_of3A_28, %dma_start3A_61] : memref<160000x512xi32, #tpu.memory_space<hbm>> -> memref<40x512xi32, #tpu.memory_space<hbm>>
        %dma_start3A_63 = arith.constant 0 : i32
        %dma_start3A_64 = tpu.memref_slice %arg4[%multiple_of3A_28, %dma_start3A_63] : memref<160000x512xi32, #tpu.memory_space<hbm>> -> memref<40x512xi32, #tpu.memory_space<hbm>>
        tpu.enqueue_dma source(%arg6 : memref<40x512xi32, #tpu.memory_space<vmem>>) target(%dma_start3A_64 : memref<40x512xi32, #tpu.memory_space<hbm>>) target_semaphore(%run_scoped3A : memref<!tpu.dma_semaphore, #tpu.memory_space<semaphore_mem>>)
        %dma_wait3A_65 = arith.constant 0 : i32
        %dma_wait3A_66 = tpu.memref_slice %arg4[%multiple_of3A_28, %dma_wait3A_65] : memref<160000x512xi32, #tpu.memory_space<hbm>> -> memref<40x512xi32, #tpu.memory_space<hbm>>
        %dma_wait3A_67 = arith.constant 0 : i32
        %dma_wait3A_68 = tpu.memref_slice %arg4[%multiple_of3A_28, %dma_wait3A_67] : memref<160000x512xi32, #tpu.memory_space<hbm>> -> memref<40x512xi32, #tpu.memory_space<hbm>>
        tpu.wait_dma2 semaphore(%run_scoped3A : memref<!tpu.dma_semaphore, #tpu.memory_space<semaphore_mem>>) src(%arg6 : memref<40x512xi32, #tpu.memory_space<vmem>>) dst(%dma_wait3A_68 : memref<40x512xi32, #tpu.memory_space<hbm>>)
        tpu.yield
      }) : () -> ()
      %dma_wait3A_55 = arith.constant 0 : i32
      %dma_wait3A_56 = tpu.memref_slice %arg5[%add3A_42, %dma_wait3A_55] : memref<125x40xi32, #tpu.memory_space<vmem>> -> memref<1x40xi32, #tpu.memory_space<vmem>>
      %dma_wait3A_57 = tpu.memref_squeeze %dma_wait3A_56 : memref<1x40xi32, #tpu.memory_space<vmem>> -> memref<40xi32, #tpu.memory_space<vmem>>
      %dma_wait3A_58 = arith.constant 0 : i32
      %dma_wait3A_59 = arith.constant 0 : i32
      %dma_wait3A_60 = tpu.memref_slice %arg2[%dma_wait3A_58, %dma_wait3A_59] : memref<10000x512xi32, #tpu.memory_space<hbm>> -> memref<10000x512xi32, #tpu.memory_space<hbm>>
      tpu.wait_indirect_dma semaphore(%arg9 : memref<!tpu.dma_semaphore, #tpu.memory_space<semaphore_mem>>) src(%dma_wait3A_60 : memref<10000x512xi32, #tpu.memory_space<hbm>>) dst(%arg8 : memref<40x512xi32, #tpu.memory_space<vmem>>)
      "tpu.region"() ({
        %run_scoped3A = tpu.sem_alloc : memref<!tpu.dma_semaphore, #tpu.memory_space<semaphore_mem>>
        %dma_start3A_61 = arith.constant 0 : i32
        %dma_start3A_62 = tpu.memref_slice %arg4[%multiple_of3A_34, %dma_start3A_61] : memref<160000x512xi32, #tpu.memory_space<hbm>> -> memref<40x512xi32, #tpu.memory_space<hbm>>
        %dma_start3A_63 = arith.constant 0 : i32
        %dma_start3A_64 = tpu.memref_slice %arg4[%multiple_of3A_34, %dma_start3A_63] : memref<160000x512xi32, #tpu.memory_space<hbm>> -> memref<40x512xi32, #tpu.memory_space<hbm>>
        tpu.enqueue_dma source(%arg8 : memref<40x512xi32, #tpu.memory_space<vmem>>) target(%dma_start3A_64 : memref<40x512xi32, #tpu.memory_space<hbm>>) target_semaphore(%run_scoped3A : memref<!tpu.dma_semaphore, #tpu.memory_space<semaphore_mem>>)
        %dma_wait3A_65 = arith.constant 0 : i32
        %dma_wait3A_66 = tpu.memref_slice %arg4[%multiple_of3A_34, %dma_wait3A_65] : memref<160000x512xi32, #tpu.memory_space<hbm>> -> memref<40x512xi32, #tpu.memory_space<hbm>>
        %dma_wait3A_67 = arith.constant 0 : i32
        %dma_wait3A_68 = tpu.memref_slice %arg4[%multiple_of3A_34, %dma_wait3A_67] : memref<160000x512xi32, #tpu.memory_space<hbm>> -> memref<40x512xi32, #tpu.memory_space<hbm>>
        tpu.wait_dma2 semaphore(%run_scoped3A : memref<!tpu.dma_semaphore, #tpu.memory_space<semaphore_mem>>) src(%arg8 : memref<40x512xi32, #tpu.memory_space<vmem>>) dst(%dma_wait3A_68 : memref<40x512xi32, #tpu.memory_space<hbm>>)
        tpu.yield
      }) : () -> ()
    }
    %scan3A_7 = arith.constant 62 : i32
    %add3A_8 = arith.constant 4960 : i32
    %add3A_9 = arith.addi %mul3A_2, %add3A_8 : i32
    %multiple_of3A = tpu.assume_multiple %add3A_9, 8 : i32
    %dma_start3A = arith.constant 124 : i32
    %dma_start3A_10 = arith.constant 0 : i32
    %dma_start3A_11 = tpu.memref_slice %arg5[%dma_start3A, %dma_start3A_10] : memref<125x40xi32, #tpu.memory_space<vmem>> -> memref<1x40xi32, #tpu.memory_space<vmem>>
    %dma_start3A_12 = tpu.memref_squeeze %dma_start3A_11 : memref<1x40xi32, #tpu.memory_space<vmem>> -> memref<40xi32, #tpu.memory_space<vmem>>
    %dma_start3A_13 = arith.constant 0 : i32
    %dma_start3A_14 = arith.constant 0 : i32
    %dma_start3A_15 = tpu.memref_slice %arg2[%dma_start3A_13, %dma_start3A_14] : memref<10000x512xi32, #tpu.memory_space<hbm>> -> memref<10000x512xi32, #tpu.memory_space<hbm>>
    tpu.enqueue_indirect_dma source(%dma_start3A_15 : memref<10000x512xi32, #tpu.memory_space<hbm>>) target(%arg6 : memref<40x512xi32, #tpu.memory_space<vmem>>) offsets(%dma_start3A_12 : memref<40xi32, #tpu.memory_space<vmem>>) semaphore(%arg7 : memref<!tpu.dma_semaphore, #tpu.memory_space<semaphore_mem>>)
    %dma_wait3A = arith.constant 124 : i32
    %dma_wait3A_16 = arith.constant 0 : i32
    %dma_wait3A_17 = tpu.memref_slice %arg5[%dma_wait3A, %dma_wait3A_16] : memref<125x40xi32, #tpu.memory_space<vmem>> -> memref<1x40xi32, #tpu.memory_space<vmem>>
    %dma_wait3A_18 = tpu.memref_squeeze %dma_wait3A_17 : memref<1x40xi32, #tpu.memory_space<vmem>> -> memref<40xi32, #tpu.memory_space<vmem>>
    %dma_wait3A_19 = arith.constant 0 : i32
    %dma_wait3A_20 = arith.constant 0 : i32
    %dma_wait3A_21 = tpu.memref_slice %arg2[%dma_wait3A_19, %dma_wait3A_20] : memref<10000x512xi32, #tpu.memory_space<hbm>> -> memref<10000x512xi32, #tpu.memory_space<hbm>>
    tpu.wait_indirect_dma semaphore(%arg7 : memref<!tpu.dma_semaphore, #tpu.memory_space<semaphore_mem>>) src(%dma_wait3A_21 : memref<10000x512xi32, #tpu.memory_space<hbm>>) dst(%arg6 : memref<40x512xi32, #tpu.memory_space<vmem>>)
    "tpu.region"() ({
      %run_scoped3A = tpu.sem_alloc : memref<!tpu.dma_semaphore, #tpu.memory_space<semaphore_mem>>
      %dma_start3A_22 = arith.constant 0 : i32
      %dma_start3A_23 = tpu.memref_slice %arg4[%multiple_of3A, %dma_start3A_22] : memref<160000x512xi32, #tpu.memory_space<hbm>> -> memref<40x512xi32, #tpu.memory_space<hbm>>
      %dma_start3A_24 = arith.constant 0 : i32
      %dma_start3A_25 = tpu.memref_slice %arg4[%multiple_of3A, %dma_start3A_24] : memref<160000x512xi32, #tpu.memory_space<hbm>> -> memref<40x512xi32, #tpu.memory_space<hbm>>
      tpu.enqueue_dma source(%arg6 : memref<40x512xi32, #tpu.memory_space<vmem>>) target(%dma_start3A_25 : memref<40x512xi32, #tpu.memory_space<hbm>>) target_semaphore(%run_scoped3A : memref<!tpu.dma_semaphore, #tpu.memory_space<semaphore_mem>>)
      %dma_wait3A_26 = arith.constant 0 : i32
      %dma_wait3A_27 = tpu.memref_slice %arg4[%multiple_of3A, %dma_wait3A_26] : memref<160000x512xi32, #tpu.memory_space<hbm>> -> memref<40x512xi32, #tpu.memory_space<hbm>>
      %dma_wait3A_28 = arith.constant 0 : i32
      %dma_wait3A_29 = tpu.memref_slice %arg4[%multiple_of3A, %dma_wait3A_28] : memref<160000x512xi32, #tpu.memory_space<hbm>> -> memref<40x512xi32, #tpu.memory_space<hbm>>
      tpu.wait_dma2 semaphore(%run_scoped3A : memref<!tpu.dma_semaphore, #tpu.memory_space<semaphore_mem>>) src(%arg6 : memref<40x512xi32, #tpu.memory_space<vmem>>) dst(%dma_wait3A_29 : memref<40x512xi32, #tpu.memory_space<hbm>>)
      tpu.yield
    }) : () -> ()
    return
  }
}

module attributes {stable_mosaic.version = 14 : i64} {
  func.func @body(%arg0: i32, %arg1: memref<1000x209xf32, #tpu.memory_space<vmem>>, %arg2: memref<209x256xf32, #tpu.memory_space<vmem>>, %arg3: memref<1x256xf32, #tpu.memory_space<vmem>>, %arg4: memref<256x512xf32, #tpu.memory_space<vmem>>, %arg5: memref<1x512xf32, #tpu.memory_space<vmem>>, %arg6: memref<512x512xf32, #tpu.memory_space<vmem>>, %arg7: memref<1x512xf32, #tpu.memory_space<vmem>>, %arg8: memref<512x1024xf32, #tpu.memory_space<vmem>>, %arg9: memref<1x1024xf32, #tpu.memory_space<vmem>>, %arg10: memref<1024x1024xf32, #tpu.memory_space<vmem>>, %arg11: memref<1x1024xf32, #tpu.memory_space<vmem>>, %arg12: memref<1000x1024xf32, #tpu.memory_space<vmem>>) attributes {dimension_semantics = [#tpu.dimension_semantics<arbitrary>], iteration_bounds = array<i64: 10>, scalar_prefetch = 0 : i64, scratch_operands = 0 : i64, tpu.core_type = #tpu.core_type<tc>, window_params = [{transform_indices = @transform_0, window_bounds = array<i64: 1000, 209>}, {pipeline_mode = #tpu.pipeline_mode<synchronous>, transform_indices = @transform_1, window_bounds = array<i64: 209, 256>}, {pipeline_mode = #tpu.pipeline_mode<synchronous>, transform_indices = @transform_2, window_bounds = array<i64: 1, 256>}, {pipeline_mode = #tpu.pipeline_mode<synchronous>, transform_indices = @transform_3, window_bounds = array<i64: 256, 512>}, {pipeline_mode = #tpu.pipeline_mode<synchronous>, transform_indices = @transform_4, window_bounds = array<i64: 1, 512>}, {pipeline_mode = #tpu.pipeline_mode<synchronous>, transform_indices = @transform_5, window_bounds = array<i64: 512, 512>}, {pipeline_mode = #tpu.pipeline_mode<synchronous>, transform_indices = @transform_6, window_bounds = array<i64: 1, 512>}, {pipeline_mode = #tpu.pipeline_mode<synchronous>, transform_indices = @transform_7, window_bounds = array<i64: 512, 1024>}, {pipeline_mode = #tpu.pipeline_mode<synchronous>, transform_indices = @transform_8, window_bounds = array<i64: 1, 1024>}, {pipeline_mode = #tpu.pipeline_mode<synchronous>, transform_indices = @transform_9, window_bounds = array<i64: 1024, 1024>}, {pipeline_mode = #tpu.pipeline_mode<synchronous>, transform_indices = @transform_10, window_bounds = array<i64: 1, 1024>}, {transform_indices = @transform_11, window_bounds = array<i64: 1000, 1024>}]} {
    %get3A = arith.constant 0 : index
    %get3A_0 = arith.constant 0 : index
    %get3A_1 = vector.load %arg1[%get3A, %get3A_0] : memref<1000x209xf32, #tpu.memory_space<vmem>>, vector<1000x209xf32>
    %get3A_2 = arith.constant 0 : index
    %get3A_3 = arith.constant 0 : index
    %get3A_4 = vector.load %arg2[%get3A_2, %get3A_3] : memref<209x256xf32, #tpu.memory_space<vmem>>, vector<209x256xf32>
    %get3A_5 = arith.constant 0 : index
    %get3A_6 = arith.constant 0 : index
    %get3A_7 = vector.load %arg3[%get3A_5, %get3A_6] : memref<1x256xf32, #tpu.memory_space<vmem>>, vector<1x256xf32>
    %dot_general3A = arith.constant dense<0.000000e+00> : vector<1000x256xf32>
    %dot_general3A_8 = tpu.matmul %get3A_1, %get3A_4, %dot_general3A {dimension_numbers = #tpu.dot_dimension_numbers<[1], [0], [0], [1], [0, 0, 1, 1], [], []>, transpose_lhs_hint = false} : vector<1000x209xf32>, vector<209x256xf32>, vector<1000x256xf32> -> vector<1000x256xf32>
    %add3A = vector.broadcast %get3A_7 : vector<1x256xf32> to vector<1000x256xf32>
    %add3A_9 = arith.addf %dot_general3A_8, %add3A : vector<1000x256xf32>
    %ge3A = arith.constant 0.000000e+00 : f32
    %ge3A_10 = vector.broadcast %ge3A : f32 to vector<1000x256xf32>
    %ge3A_11 = arith.cmpf oge, %add3A_9, %ge3A_10 : vector<1000x256xf32>
    %mul3A = arith.constant 0.00999999977 : f32
    %mul3A_12 = vector.broadcast %mul3A : f32 to vector<1000x256xf32>
    %mul3A_13 = arith.mulf %mul3A_12, %add3A_9 : vector<1000x256xf32>
    %select_n3A = arith.select %ge3A_11, %add3A_9, %mul3A_13 : vector<1000x256xi1>, vector<1000x256xf32>
    %get3A_14 = arith.constant 0 : index
    %get3A_15 = arith.constant 0 : index
    %get3A_16 = vector.load %arg4[%get3A_14, %get3A_15] : memref<256x512xf32, #tpu.memory_space<vmem>>, vector<256x512xf32>
    %get3A_17 = arith.constant 0 : index
    %get3A_18 = arith.constant 0 : index
    %get3A_19 = vector.load %arg5[%get3A_17, %get3A_18] : memref<1x512xf32, #tpu.memory_space<vmem>>, vector<1x512xf32>
    %dot_general3A_20 = arith.constant dense<0.000000e+00> : vector<1000x512xf32>
    %dot_general3A_21 = tpu.matmul %select_n3A, %get3A_16, %dot_general3A_20 {dimension_numbers = #tpu.dot_dimension_numbers<[1], [0], [0], [1], [0, 0, 1, 1], [], []>, transpose_lhs_hint = false} : vector<1000x256xf32>, vector<256x512xf32>, vector<1000x512xf32> -> vector<1000x512xf32>
    %add3A_22 = vector.broadcast %get3A_19 : vector<1x512xf32> to vector<1000x512xf32>
    %add3A_23 = arith.addf %dot_general3A_21, %add3A_22 : vector<1000x512xf32>
    %ge3A_24 = arith.constant 0.000000e+00 : f32
    %ge3A_25 = vector.broadcast %ge3A_24 : f32 to vector<1000x512xf32>
    %ge3A_26 = arith.cmpf oge, %add3A_23, %ge3A_25 : vector<1000x512xf32>
    %mul3A_27 = arith.constant 0.00999999977 : f32
    %mul3A_28 = vector.broadcast %mul3A_27 : f32 to vector<1000x512xf32>
    %mul3A_29 = arith.mulf %mul3A_28, %add3A_23 : vector<1000x512xf32>
    %select_n3A_30 = arith.select %ge3A_26, %add3A_23, %mul3A_29 : vector<1000x512xi1>, vector<1000x512xf32>
    %get3A_31 = arith.constant 0 : index
    %get3A_32 = arith.constant 0 : index
    %get3A_33 = vector.load %arg6[%get3A_31, %get3A_32] : memref<512x512xf32, #tpu.memory_space<vmem>>, vector<512x512xf32>
    %get3A_34 = arith.constant 0 : index
    %get3A_35 = arith.constant 0 : index
    %get3A_36 = vector.load %arg7[%get3A_34, %get3A_35] : memref<1x512xf32, #tpu.memory_space<vmem>>, vector<1x512xf32>
    %dot_general3A_37 = arith.constant dense<0.000000e+00> : vector<1000x512xf32>
    %dot_general3A_38 = tpu.matmul %select_n3A_30, %get3A_33, %dot_general3A_37 {dimension_numbers = #tpu.dot_dimension_numbers<[1], [0], [0], [1], [0, 0, 1, 1], [], []>, transpose_lhs_hint = false} : vector<1000x512xf32>, vector<512x512xf32>, vector<1000x512xf32> -> vector<1000x512xf32>
    %add3A_39 = vector.broadcast %get3A_36 : vector<1x512xf32> to vector<1000x512xf32>
    %add3A_40 = arith.addf %dot_general3A_38, %add3A_39 : vector<1000x512xf32>
    %ge3A_41 = arith.constant 0.000000e+00 : f32
    %ge3A_42 = vector.broadcast %ge3A_41 : f32 to vector<1000x512xf32>
    %ge3A_43 = arith.cmpf oge, %add3A_40, %ge3A_42 : vector<1000x512xf32>
    %mul3A_44 = arith.constant 0.00999999977 : f32
    %mul3A_45 = vector.broadcast %mul3A_44 : f32 to vector<1000x512xf32>
    %mul3A_46 = arith.mulf %mul3A_45, %add3A_40 : vector<1000x512xf32>
    %select_n3A_47 = arith.select %ge3A_43, %add3A_40, %mul3A_46 : vector<1000x512xi1>, vector<1000x512xf32>
    %get3A_48 = arith.constant 0 : index
    %get3A_49 = arith.constant 0 : index
    %get3A_50 = vector.load %arg8[%get3A_48, %get3A_49] : memref<512x1024xf32, #tpu.memory_space<vmem>>, vector<512x1024xf32>
    %get3A_51 = arith.constant 0 : index
    %get3A_52 = arith.constant 0 : index
    %get3A_53 = vector.load %arg9[%get3A_51, %get3A_52] : memref<1x1024xf32, #tpu.memory_space<vmem>>, vector<1x1024xf32>
    %dot_general3A_54 = arith.constant dense<0.000000e+00> : vector<1000x1024xf32>
    %dot_general3A_55 = tpu.matmul %select_n3A_47, %get3A_50, %dot_general3A_54 {dimension_numbers = #tpu.dot_dimension_numbers<[1], [0], [0], [1], [0, 0, 1, 1], [], []>, transpose_lhs_hint = false} : vector<1000x512xf32>, vector<512x1024xf32>, vector<1000x1024xf32> -> vector<1000x1024xf32>
    %add3A_56 = vector.broadcast %get3A_53 : vector<1x1024xf32> to vector<1000x1024xf32>
    %add3A_57 = arith.addf %dot_general3A_55, %add3A_56 : vector<1000x1024xf32>
    %ge3A_58 = arith.constant 0.000000e+00 : f32
    %ge3A_59 = vector.broadcast %ge3A_58 : f32 to vector<1000x1024xf32>
    %ge3A_60 = arith.cmpf oge, %add3A_57, %ge3A_59 : vector<1000x1024xf32>
    %mul3A_61 = arith.constant 0.00999999977 : f32
    %mul3A_62 = vector.broadcast %mul3A_61 : f32 to vector<1000x1024xf32>
    %mul3A_63 = arith.mulf %mul3A_62, %add3A_57 : vector<1000x1024xf32>
    %select_n3A_64 = arith.select %ge3A_60, %add3A_57, %mul3A_63 : vector<1000x1024xi1>, vector<1000x1024xf32>
    %get3A_65 = arith.constant 0 : index
    %get3A_66 = arith.constant 0 : index
    %get3A_67 = vector.load %arg10[%get3A_65, %get3A_66] : memref<1024x1024xf32, #tpu.memory_space<vmem>>, vector<1024x1024xf32>
    %get3A_68 = arith.constant 0 : index
    %get3A_69 = arith.constant 0 : index
    %get3A_70 = vector.load %arg11[%get3A_68, %get3A_69] : memref<1x1024xf32, #tpu.memory_space<vmem>>, vector<1x1024xf32>
    %dot_general3A_71 = arith.constant dense<0.000000e+00> : vector<1000x1024xf32>
    %dot_general3A_72 = tpu.matmul %select_n3A_64, %get3A_67, %dot_general3A_71 {dimension_numbers = #tpu.dot_dimension_numbers<[1], [0], [0], [1], [0, 0, 1, 1], [], []>, transpose_lhs_hint = false} : vector<1000x1024xf32>, vector<1024x1024xf32>, vector<1000x1024xf32> -> vector<1000x1024xf32>
    %add3A_73 = vector.broadcast %get3A_70 : vector<1x1024xf32> to vector<1000x1024xf32>
    %add3A_74 = arith.addf %dot_general3A_72, %add3A_73 : vector<1000x1024xf32>
    %ge3A_75 = arith.constant 0.000000e+00 : f32
    %ge3A_76 = vector.broadcast %ge3A_75 : f32 to vector<1000x1024xf32>
    %ge3A_77 = arith.cmpf oge, %add3A_74, %ge3A_76 : vector<1000x1024xf32>
    %mul3A_78 = arith.constant 0.00999999977 : f32
    %mul3A_79 = vector.broadcast %mul3A_78 : f32 to vector<1000x1024xf32>
    %mul3A_80 = arith.mulf %mul3A_79, %add3A_74 : vector<1000x1024xf32>
    %select_n3A_81 = arith.select %ge3A_77, %add3A_74, %mul3A_80 : vector<1000x1024xi1>, vector<1000x1024xf32>
    %swap3A = arith.constant 0 : index
    %swap3A_82 = arith.constant 0 : index
    %swap3A_83 = vector.load %arg12[%swap3A, %swap3A_82] : memref<1000x1024xf32, #tpu.memory_space<vmem>>, vector<1000x1024xf32>
    tpu.vector_store %arg12[%swap3A, %swap3A_82], %select_n3A_81 {strides = array<i32>} : memref<1000x1024xf32, #tpu.memory_space<vmem>>, vector<1000x1024xf32>,
    return
  }
  func.func @transform_0(%arg0: i32) -> (i32, i32) {
    %c0_i32 = arith.constant 0 : i32
    %c0_i32_0 = arith.constant 0 : i32
    return %arg0, %c0_i32 : i32, i32
  }
  func.func @transform_1(%arg0: i32) -> (i32, i32) {
    %c0_i32 = arith.constant 0 : i32
    %c0_i32_0 = arith.constant 0 : i32
    %c0_i32_1 = arith.constant 0 : i32
    return %c0_i32, %c0_i32_0 : i32, i32
  }
  func.func @transform_2(%arg0: i32) -> (i32, i32) {
    %c0_i32 = arith.constant 0 : i32
    %c0_i32_0 = arith.constant 0 : i32
    %c0_i32_1 = arith.constant 0 : i32
    return %c0_i32, %c0_i32_0 : i32, i32
  }
  func.func @transform_3(%arg0: i32) -> (i32, i32) {
    %c0_i32 = arith.constant 0 : i32
    %c0_i32_0 = arith.constant 0 : i32
    %c0_i32_1 = arith.constant 0 : i32
    return %c0_i32, %c0_i32_0 : i32, i32
  }
  func.func @transform_4(%arg0: i32) -> (i32, i32) {
    %c0_i32 = arith.constant 0 : i32
    %c0_i32_0 = arith.constant 0 : i32
    %c0_i32_1 = arith.constant 0 : i32
    return %c0_i32, %c0_i32_0 : i32, i32
  }
  func.func @transform_5(%arg0: i32) -> (i32, i32) {
    %c0_i32 = arith.constant 0 : i32
    %c0_i32_0 = arith.constant 0 : i32
    %c0_i32_1 = arith.constant 0 : i32
    return %c0_i32, %c0_i32_0 : i32, i32
  }
  func.func @transform_6(%arg0: i32) -> (i32, i32) {
    %c0_i32 = arith.constant 0 : i32
    %c0_i32_0 = arith.constant 0 : i32
    %c0_i32_1 = arith.constant 0 : i32
    return %c0_i32, %c0_i32_0 : i32, i32
  }
  func.func @transform_7(%arg0: i32) -> (i32, i32) {
    %c0_i32 = arith.constant 0 : i32
    %c0_i32_0 = arith.constant 0 : i32
    %c0_i32_1 = arith.constant 0 : i32
    return %c0_i32, %c0_i32_0 : i32, i32
  }
  func.func @transform_8(%arg0: i32) -> (i32, i32) {
    %c0_i32 = arith.constant 0 : i32
    %c0_i32_0 = arith.constant 0 : i32
    %c0_i32_1 = arith.constant 0 : i32
    return %c0_i32, %c0_i32_0 : i32, i32
  }
  func.func @transform_9(%arg0: i32) -> (i32, i32) {
    %c0_i32 = arith.constant 0 : i32
    %c0_i32_0 = arith.constant 0 : i32
    %c0_i32_1 = arith.constant 0 : i32
    return %c0_i32, %c0_i32_0 : i32, i32
  }
  func.func @transform_10(%arg0: i32) -> (i32, i32) {
    %c0_i32 = arith.constant 0 : i32
    %c0_i32_0 = arith.constant 0 : i32
    %c0_i32_1 = arith.constant 0 : i32
    return %c0_i32, %c0_i32_0 : i32, i32
  }
  func.func @transform_11(%arg0: i32) -> (i32, i32) {
    %c0_i32 = arith.constant 0 : i32
    %c0_i32_0 = arith.constant 0 : i32
    return %arg0, %c0_i32 : i32, i32
  }
}

module attributes {stable_mosaic.version = 14 : i64} {
  func.func @body(%arg0: i32, %arg1: memref<400x1024xf32, #tpu.memory_space<vmem>>, %arg2: memref<1024x1024xf32, #tpu.memory_space<vmem>>, %arg3: memref<1024x3072xf32, #tpu.memory_space<vmem>>, %arg4: memref<400x1024xbf16, #tpu.memory_space<vmem>>, %arg5: memref<400x3072xbf16, #tpu.memory_space<vmem>>) attributes {dimension_semantics = [#tpu.dimension_semantics<arbitrary>], iteration_bounds = array<i64: 25>, scalar_prefetch = 0 : i64, scratch_operands = 0 : i64, tpu.core_type = #tpu.core_type<tc>, window_params = [{transform_indices = @transform_0, window_bounds = array<i64: 400, 1024>}, {pipeline_mode = #tpu.pipeline_mode<synchronous>, transform_indices = @transform_1, window_bounds = array<i64: 1024, 1024>}, {pipeline_mode = #tpu.pipeline_mode<synchronous>, transform_indices = @transform_2, window_bounds = array<i64: 1024, 3072>}, {transform_indices = @transform_3, window_bounds = array<i64: 400, 1024>}, {transform_indices = @transform_4, window_bounds = array<i64: 400, 3072>}]} {
    %get3A = arith.constant 0 : index
    %get3A_0 = arith.constant 0 : index
    %get3A_1 = vector.load %arg1[%get3A, %get3A_0] : memref<400x1024xf32, #tpu.memory_space<vmem>>, vector<400x1024xf32>
    %get3A_2 = arith.constant 0 : index
    %get3A_3 = arith.constant 0 : index
    %get3A_4 = vector.load %arg2[%get3A_2, %get3A_3] : memref<1024x1024xf32, #tpu.memory_space<vmem>>, vector<1024x1024xf32>
    %dot_general3A = arith.constant dense<0.000000e+00> : vector<400x1024xf32>
    %dot_general3A_5 = tpu.matmul %get3A_1, %get3A_4, %dot_general3A {dimension_numbers = #tpu.dot_dimension_numbers<[1], [0], [0], [1], [0, 0, 1, 1], [], []>, transpose_lhs_hint = false} : vector<400x1024xf32>, vector<1024x1024xf32>, vector<400x1024xf32> -> vector<400x1024xf32>
    %convert_element_type3A = arith.truncf %dot_general3A_5 : vector<400x1024xf32> to vector<400x1024xbf16>
    %swap3A = arith.constant 0 : index
    %swap3A_6 = arith.constant 0 : index
    %swap3A_7 = vector.load %arg4[%swap3A, %swap3A_6] : memref<400x1024xbf16, #tpu.memory_space<vmem>>, vector<400x1024xbf16>
    tpu.vector_store %arg4[%swap3A, %swap3A_6], %convert_element_type3A {strides = array<i32>} : memref<400x1024xbf16, #tpu.memory_space<vmem>>, vector<400x1024xbf16>,
    %get3A_8 = arith.constant 0 : index
    %get3A_9 = arith.constant 0 : index
    %get3A_10 = vector.load %arg3[%get3A_8, %get3A_9] : memref<1024x3072xf32, #tpu.memory_space<vmem>>, vector<1024x3072xf32>
    %dot_general3A_11 = arith.constant dense<0.000000e+00> : vector<400x3072xf32>
    %dot_general3A_12 = tpu.matmul %get3A_1, %get3A_10, %dot_general3A_11 {dimension_numbers = #tpu.dot_dimension_numbers<[1], [0], [0], [1], [0, 0, 1, 1], [], []>, transpose_lhs_hint = false} : vector<400x1024xf32>, vector<1024x3072xf32>, vector<400x3072xf32> -> vector<400x3072xf32>
    %convert_element_type3A_13 = arith.truncf %dot_general3A_12 : vector<400x3072xf32> to vector<400x3072xbf16>
    %swap3A_14 = arith.constant 0 : index
    %swap3A_15 = arith.constant 0 : index
    %swap3A_16 = vector.load %arg5[%swap3A_14, %swap3A_15] : memref<400x3072xbf16, #tpu.memory_space<vmem>>, vector<400x3072xbf16>
    tpu.vector_store %arg5[%swap3A_14, %swap3A_15], %convert_element_type3A_13 {strides = array<i32>} : memref<400x3072xbf16, #tpu.memory_space<vmem>>, vector<400x3072xbf16>,
    return
  }
  func.func @transform_0(%arg0: i32) -> (i32, i32) {
    %c0_i32 = arith.constant 0 : i32
    %c0_i32_0 = arith.constant 0 : i32
    return %arg0, %c0_i32 : i32, i32
  }
  func.func @transform_1(%arg0: i32) -> (i32, i32) {
    %c0_i32 = arith.constant 0 : i32
    %c0_i32_0 = arith.constant 0 : i32
    %c0_i32_1 = arith.constant 0 : i32
    return %c0_i32, %c0_i32_0 : i32, i32
  }
  func.func @transform_2(%arg0: i32) -> (i32, i32) {
    %c0_i32 = arith.constant 0 : i32
    %c0_i32_0 = arith.constant 0 : i32
    %c0_i32_1 = arith.constant 0 : i32
    return %c0_i32, %c0_i32_0 : i32, i32
  }
  func.func @transform_3(%arg0: i32) -> (i32, i32) {
    %c0_i32 = arith.constant 0 : i32
    %c0_i32_0 = arith.constant 0 : i32
    return %arg0, %c0_i32 : i32, i32
  }
  func.func @transform_4(%arg0: i32) -> (i32, i32) {
    %c0_i32 = arith.constant 0 : i32
    %c0_i32_0 = arith.constant 0 : i32
    return %arg0, %c0_i32 : i32, i32
  }
}

module attributes {stable_mosaic.version = 14 : i64} {
  func.func @body(%arg0: i32, %arg1: memref<640x6xf32, #tpu.memory_space<vmem>>, %arg2: memref<6x32xf32, #tpu.memory_space<vmem>>, %arg3: memref<1x32xf32, #tpu.memory_space<vmem>>, %arg4: memref<32x64xf32, #tpu.memory_space<vmem>>, %arg5: memref<1x64xf32, #tpu.memory_space<vmem>>, %arg6: memref<64x128xf32, #tpu.memory_space<vmem>>, %arg7: memref<1x128xf32, #tpu.memory_space<vmem>>, %arg8: memref<128x256xf32, #tpu.memory_space<vmem>>, %arg9: memref<1x256xf32, #tpu.memory_space<vmem>>, %arg10: memref<256x256xf32, #tpu.memory_space<vmem>>, %arg11: memref<1x256xf32, #tpu.memory_space<vmem>>, %arg12: memref<640x256xf32, #tpu.memory_space<vmem>>) attributes {dimension_semantics = [#tpu.dimension_semantics<arbitrary>], iteration_bounds = array<i64: 250>, scalar_prefetch = 0 : i64, scratch_operands = 0 : i64, tpu.core_type = #tpu.core_type<tc>, window_params = [{transform_indices = @transform_0, window_bounds = array<i64: 640, 6>}, {pipeline_mode = #tpu.pipeline_mode<synchronous>, transform_indices = @transform_1, window_bounds = array<i64: 6, 32>}, {pipeline_mode = #tpu.pipeline_mode<synchronous>, transform_indices = @transform_2, window_bounds = array<i64: 1, 32>}, {pipeline_mode = #tpu.pipeline_mode<synchronous>, transform_indices = @transform_3, window_bounds = array<i64: 32, 64>}, {pipeline_mode = #tpu.pipeline_mode<synchronous>, transform_indices = @transform_4, window_bounds = array<i64: 1, 64>}, {pipeline_mode = #tpu.pipeline_mode<synchronous>, transform_indices = @transform_5, window_bounds = array<i64: 64, 128>}, {pipeline_mode = #tpu.pipeline_mode<synchronous>, transform_indices = @transform_6, window_bounds = array<i64: 1, 128>}, {pipeline_mode = #tpu.pipeline_mode<synchronous>, transform_indices = @transform_7, window_bounds = array<i64: 128, 256>}, {pipeline_mode = #tpu.pipeline_mode<synchronous>, transform_indices = @transform_8, window_bounds = array<i64: 1, 256>}, {pipeline_mode = #tpu.pipeline_mode<synchronous>, transform_indices = @transform_9, window_bounds = array<i64: 256, 256>}, {pipeline_mode = #tpu.pipeline_mode<synchronous>, transform_indices = @transform_10, window_bounds = array<i64: 1, 256>}, {transform_indices = @transform_11, window_bounds = array<i64: 640, 256>}]} {
    %get3A = arith.constant 0 : index
    %get3A_0 = arith.constant 0 : index
    %get3A_1 = vector.load %arg1[%get3A, %get3A_0] : memref<640x6xf32, #tpu.memory_space<vmem>>, vector<640x6xf32>
    %get3A_2 = arith.constant 0 : index
    %get3A_3 = arith.constant 0 : index
    %get3A_4 = vector.load %arg2[%get3A_2, %get3A_3] : memref<6x32xf32, #tpu.memory_space<vmem>>, vector<6x32xf32>
    %get3A_5 = arith.constant 0 : index
    %get3A_6 = arith.constant 0 : index
    %get3A_7 = vector.load %arg3[%get3A_5, %get3A_6] : memref<1x32xf32, #tpu.memory_space<vmem>>, vector<1x32xf32>
    %dot_general3A = arith.constant dense<0.000000e+00> : vector<640x32xf32>
    %dot_general3A_8 = tpu.matmul %get3A_1, %get3A_4, %dot_general3A {dimension_numbers = #tpu.dot_dimension_numbers<[1], [0], [0], [1], [0, 0, 1, 1], [], []>, transpose_lhs_hint = false} : vector<640x6xf32>, vector<6x32xf32>, vector<640x32xf32> -> vector<640x32xf32>
    %add3A = vector.broadcast %get3A_7 : vector<1x32xf32> to vector<640x32xf32>
    %add3A_9 = arith.addf %dot_general3A_8, %add3A : vector<640x32xf32>
    %ge3A = arith.constant 0.000000e+00 : f32
    %ge3A_10 = vector.broadcast %ge3A : f32 to vector<640x32xf32>
    %ge3A_11 = arith.cmpf oge, %add3A_9, %ge3A_10 : vector<640x32xf32>
    %mul3A = arith.constant 0.00999999977 : f32
    %mul3A_12 = vector.broadcast %mul3A : f32 to vector<640x32xf32>
    %mul3A_13 = arith.mulf %mul3A_12, %add3A_9 : vector<640x32xf32>
    %select_n3A = arith.select %ge3A_11, %add3A_9, %mul3A_13 : vector<640x32xi1>, vector<640x32xf32>
    %get3A_14 = arith.constant 0 : index
    %get3A_15 = arith.constant 0 : index
    %get3A_16 = vector.load %arg4[%get3A_14, %get3A_15] : memref<32x64xf32, #tpu.memory_space<vmem>>, vector<32x64xf32>
    %get3A_17 = arith.constant 0 : index
    %get3A_18 = arith.constant 0 : index
    %get3A_19 = vector.load %arg5[%get3A_17, %get3A_18] : memref<1x64xf32, #tpu.memory_space<vmem>>, vector<1x64xf32>
    %dot_general3A_20 = arith.constant dense<0.000000e+00> : vector<640x64xf32>
    %dot_general3A_21 = tpu.matmul %select_n3A, %get3A_16, %dot_general3A_20 {dimension_numbers = #tpu.dot_dimension_numbers<[1], [0], [0], [1], [0, 0, 1, 1], [], []>, transpose_lhs_hint = false} : vector<640x32xf32>, vector<32x64xf32>, vector<640x64xf32> -> vector<640x64xf32>
    %add3A_22 = vector.broadcast %get3A_19 : vector<1x64xf32> to vector<640x64xf32>
    %add3A_23 = arith.addf %dot_general3A_21, %add3A_22 : vector<640x64xf32>
    %ge3A_24 = arith.constant 0.000000e+00 : f32
    %ge3A_25 = vector.broadcast %ge3A_24 : f32 to vector<640x64xf32>
    %ge3A_26 = arith.cmpf oge, %add3A_23, %ge3A_25 : vector<640x64xf32>
    %mul3A_27 = arith.constant 0.00999999977 : f32
    %mul3A_28 = vector.broadcast %mul3A_27 : f32 to vector<640x64xf32>
    %mul3A_29 = arith.mulf %mul3A_28, %add3A_23 : vector<640x64xf32>
    %select_n3A_30 = arith.select %ge3A_26, %add3A_23, %mul3A_29 : vector<640x64xi1>, vector<640x64xf32>
    %get3A_31 = arith.constant 0 : index
    %get3A_32 = arith.constant 0 : index
    %get3A_33 = vector.load %arg6[%get3A_31, %get3A_32] : memref<64x128xf32, #tpu.memory_space<vmem>>, vector<64x128xf32>
    %get3A_34 = arith.constant 0 : index
    %get3A_35 = arith.constant 0 : index
    %get3A_36 = vector.load %arg7[%get3A_34, %get3A_35] : memref<1x128xf32, #tpu.memory_space<vmem>>, vector<1x128xf32>
    %dot_general3A_37 = arith.constant dense<0.000000e+00> : vector<640x128xf32>
    %dot_general3A_38 = tpu.matmul %select_n3A_30, %get3A_33, %dot_general3A_37 {dimension_numbers = #tpu.dot_dimension_numbers<[1], [0], [0], [1], [0, 0, 1, 1], [], []>, transpose_lhs_hint = false} : vector<640x64xf32>, vector<64x128xf32>, vector<640x128xf32> -> vector<640x128xf32>
    %add3A_39 = vector.broadcast %get3A_36 : vector<1x128xf32> to vector<640x128xf32>
    %add3A_40 = arith.addf %dot_general3A_38, %add3A_39 : vector<640x128xf32>
    %ge3A_41 = arith.constant 0.000000e+00 : f32
    %ge3A_42 = vector.broadcast %ge3A_41 : f32 to vector<640x128xf32>
    %ge3A_43 = arith.cmpf oge, %add3A_40, %ge3A_42 : vector<640x128xf32>
    %mul3A_44 = arith.constant 0.00999999977 : f32
    %mul3A_45 = vector.broadcast %mul3A_44 : f32 to vector<640x128xf32>
    %mul3A_46 = arith.mulf %mul3A_45, %add3A_40 : vector<640x128xf32>
    %select_n3A_47 = arith.select %ge3A_43, %add3A_40, %mul3A_46 : vector<640x128xi1>, vector<640x128xf32>
    %get3A_48 = arith.constant 0 : index
    %get3A_49 = arith.constant 0 : index
    %get3A_50 = vector.load %arg8[%get3A_48, %get3A_49] : memref<128x256xf32, #tpu.memory_space<vmem>>, vector<128x256xf32>
    %get3A_51 = arith.constant 0 : index
    %get3A_52 = arith.constant 0 : index
    %get3A_53 = vector.load %arg9[%get3A_51, %get3A_52] : memref<1x256xf32, #tpu.memory_space<vmem>>, vector<1x256xf32>
    %dot_general3A_54 = arith.constant dense<0.000000e+00> : vector<640x256xf32>
    %dot_general3A_55 = tpu.matmul %select_n3A_47, %get3A_50, %dot_general3A_54 {dimension_numbers = #tpu.dot_dimension_numbers<[1], [0], [0], [1], [0, 0, 1, 1], [], []>, transpose_lhs_hint = false} : vector<640x128xf32>, vector<128x256xf32>, vector<640x256xf32> -> vector<640x256xf32>
    %add3A_56 = vector.broadcast %get3A_53 : vector<1x256xf32> to vector<640x256xf32>
    %add3A_57 = arith.addf %dot_general3A_55, %add3A_56 : vector<640x256xf32>
    %ge3A_58 = arith.constant 0.000000e+00 : f32
    %ge3A_59 = vector.broadcast %ge3A_58 : f32 to vector<640x256xf32>
    %ge3A_60 = arith.cmpf oge, %add3A_57, %ge3A_59 : vector<640x256xf32>
    %mul3A_61 = arith.constant 0.00999999977 : f32
    %mul3A_62 = vector.broadcast %mul3A_61 : f32 to vector<640x256xf32>
    %mul3A_63 = arith.mulf %mul3A_62, %add3A_57 : vector<640x256xf32>
    %select_n3A_64 = arith.select %ge3A_60, %add3A_57, %mul3A_63 : vector<640x256xi1>, vector<640x256xf32>
    %get3A_65 = arith.constant 0 : index
    %get3A_66 = arith.constant 0 : index
    %get3A_67 = vector.load %arg10[%get3A_65, %get3A_66] : memref<256x256xf32, #tpu.memory_space<vmem>>, vector<256x256xf32>
    %get3A_68 = arith.constant 0 : index
    %get3A_69 = arith.constant 0 : index
    %get3A_70 = vector.load %arg11[%get3A_68, %get3A_69] : memref<1x256xf32, #tpu.memory_space<vmem>>, vector<1x256xf32>
    %dot_general3A_71 = arith.constant dense<0.000000e+00> : vector<640x256xf32>
    %dot_general3A_72 = tpu.matmul %select_n3A_64, %get3A_67, %dot_general3A_71 {dimension_numbers = #tpu.dot_dimension_numbers<[1], [0], [0], [1], [0, 0, 1, 1], [], []>, transpose_lhs_hint = false} : vector<640x256xf32>, vector<256x256xf32>, vector<640x256xf32> -> vector<640x256xf32>
    %add3A_73 = vector.broadcast %get3A_70 : vector<1x256xf32> to vector<640x256xf32>
    %add3A_74 = arith.addf %dot_general3A_72, %add3A_73 : vector<640x256xf32>
    %ge3A_75 = arith.constant 0.000000e+00 : f32
    %ge3A_76 = vector.broadcast %ge3A_75 : f32 to vector<640x256xf32>
    %ge3A_77 = arith.cmpf oge, %add3A_74, %ge3A_76 : vector<640x256xf32>
    %mul3A_78 = arith.constant 0.00999999977 : f32
    %mul3A_79 = vector.broadcast %mul3A_78 : f32 to vector<640x256xf32>
    %mul3A_80 = arith.mulf %mul3A_79, %add3A_74 : vector<640x256xf32>
    %select_n3A_81 = arith.select %ge3A_77, %add3A_74, %mul3A_80 : vector<640x256xi1>, vector<640x256xf32>
    %swap3A = arith.constant 0 : index
    %swap3A_82 = arith.constant 0 : index
    %swap3A_83 = vector.load %arg12[%swap3A, %swap3A_82] : memref<640x256xf32, #tpu.memory_space<vmem>>, vector<640x256xf32>
    tpu.vector_store %arg12[%swap3A, %swap3A_82], %select_n3A_81 {strides = array<i32>} : memref<640x256xf32, #tpu.memory_space<vmem>>, vector<640x256xf32>,
    return
  }
  func.func @transform_0(%arg0: i32) -> (i32, i32) {
    %c0_i32 = arith.constant 0 : i32
    %c0_i32_0 = arith.constant 0 : i32
    return %arg0, %c0_i32 : i32, i32
  }
  func.func @transform_1(%arg0: i32) -> (i32, i32) {
    %c0_i32 = arith.constant 0 : i32
    %c0_i32_0 = arith.constant 0 : i32
    %c0_i32_1 = arith.constant 0 : i32
    return %c0_i32, %c0_i32_0 : i32, i32
  }
  func.func @transform_2(%arg0: i32) -> (i32, i32) {
    %c0_i32 = arith.constant 0 : i32
    %c0_i32_0 = arith.constant 0 : i32
    %c0_i32_1 = arith.constant 0 : i32
    return %c0_i32, %c0_i32_0 : i32, i32
  }
  func.func @transform_3(%arg0: i32) -> (i32, i32) {
    %c0_i32 = arith.constant 0 : i32
    %c0_i32_0 = arith.constant 0 : i32
    %c0_i32_1 = arith.constant 0 : i32
    return %c0_i32, %c0_i32_0 : i32, i32
  }
  func.func @transform_4(%arg0: i32) -> (i32, i32) {
    %c0_i32 = arith.constant 0 : i32
    %c0_i32_0 = arith.constant 0 : i32
    %c0_i32_1 = arith.constant 0 : i32
    return %c0_i32, %c0_i32_0 : i32, i32
  }
  func.func @transform_5(%arg0: i32) -> (i32, i32) {
    %c0_i32 = arith.constant 0 : i32
    %c0_i32_0 = arith.constant 0 : i32
    %c0_i32_1 = arith.constant 0 : i32
    return %c0_i32, %c0_i32_0 : i32, i32
  }
  func.func @transform_6(%arg0: i32) -> (i32, i32) {
    %c0_i32 = arith.constant 0 : i32
    %c0_i32_0 = arith.constant 0 : i32
    %c0_i32_1 = arith.constant 0 : i32
    return %c0_i32, %c0_i32_0 : i32, i32
  }
  func.func @transform_7(%arg0: i32) -> (i32, i32) {
    %c0_i32 = arith.constant 0 : i32
    %c0_i32_0 = arith.constant 0 : i32
    %c0_i32_1 = arith.constant 0 : i32
    return %c0_i32, %c0_i32_0 : i32, i32
  }
  func.func @transform_8(%arg0: i32) -> (i32, i32) {
    %c0_i32 = arith.constant 0 : i32
    %c0_i32_0 = arith.constant 0 : i32
    %c0_i32_1 = arith.constant 0 : i32
    return %c0_i32, %c0_i32_0 : i32, i32
  }
  func.func @transform_9(%arg0: i32) -> (i32, i32) {
    %c0_i32 = arith.constant 0 : i32
    %c0_i32_0 = arith.constant 0 : i32
    %c0_i32_1 = arith.constant 0 : i32
    return %c0_i32, %c0_i32_0 : i32, i32
  }
  func.func @transform_10(%arg0: i32) -> (i32, i32) {
    %c0_i32 = arith.constant 0 : i32
    %c0_i32_0 = arith.constant 0 : i32
    %c0_i32_1 = arith.constant 0 : i32
    return %c0_i32, %c0_i32_0 : i32, i32
  }
  func.func @transform_11(%arg0: i32) -> (i32, i32) {
    %c0_i32 = arith.constant 0 : i32
    %c0_i32_0 = arith.constant 0 : i32
    return %arg0, %c0_i32 : i32, i32
  }
}

module attributes {stable_mosaic.version = 14 : i64} {
  func.func @body(%arg0: i32, %arg1: memref<800x512xi32, #tpu.memory_space<vmem>>, %arg2: memref<800x1536xi32, #tpu.memory_space<vmem>>, %arg3: memref<800x256xf32, #tpu.memory_space<vmem>>, %arg4: memref<800x1xi32, #tpu.memory_space<vmem>>, %arg5: memref<800x1xi32, #tpu.memory_space<vmem>>, %arg6: memref<256x1024xf32, #tpu.memory_space<vmem>>, %arg7: memref<1x1024xf32, #tpu.memory_space<vmem>>, %arg8: memref<1024x512xf32, #tpu.memory_space<vmem>>, %arg9: memref<1x512xf32, #tpu.memory_space<vmem>>, %arg10: memref<512x512xf32, #tpu.memory_space<vmem>>, %arg11: memref<1x512xf32, #tpu.memory_space<vmem>>, %arg12: memref<512x256xf32, #tpu.memory_space<vmem>>, %arg13: memref<1x256xf32, #tpu.memory_space<vmem>>, %arg14: memref<256x1024xf32, #tpu.memory_space<vmem>>, %arg15: memref<1x1024xf32, #tpu.memory_space<vmem>>, %arg16: memref<1024x512xf32, #tpu.memory_space<vmem>>, %arg17: memref<1x512xf32, #tpu.memory_space<vmem>>, %arg18: memref<256x1024xf32, #tpu.memory_space<vmem>>, %arg19: memref<1x1024xf32, #tpu.memory_space<vmem>>, %arg20: memref<1024x512xf32, #tpu.memory_space<vmem>>, %arg21: memref<1x512xf32, #tpu.memory_space<vmem>>, %arg22: memref<800x256xf32, #tpu.memory_space<vmem>>, %arg23: memref<800x1024xf32, #tpu.memory_space<vmem>>) attributes {dimension_semantics = [#tpu.dimension_semantics<arbitrary>], iteration_bounds = array<i64: 200>, scalar_prefetch = 0 : i64, scratch_operands = 0 : i64, tpu.core_type = #tpu.core_type<tc>, window_params = [{transform_indices = @transform_0, window_bounds = array<i64: 800, 512>}, {transform_indices = @transform_1, window_bounds = array<i64: 800, 1536>}, {transform_indices = @transform_2, window_bounds = array<i64: 800, 256>}, {transform_indices = @transform_3, window_bounds = array<i64: 800, 1>}, {transform_indices = @transform_4, window_bounds = array<i64: 800, 1>}, {pipeline_mode = #tpu.pipeline_mode<synchronous>, transform_indices = @transform_5, window_bounds = array<i64: 256, 1024>}, {pipeline_mode = #tpu.pipeline_mode<synchronous>, transform_indices = @transform_6, window_bounds = array<i64: 1, 1024>}, {pipeline_mode = #tpu.pipeline_mode<synchronous>, transform_indices = @transform_7, window_bounds = array<i64: 1024, 512>}, {pipeline_mode = #tpu.pipeline_mode<synchronous>, transform_indices = @transform_8, window_bounds = array<i64: 1, 512>}, {pipeline_mode = #tpu.pipeline_mode<synchronous>, transform_indices = @transform_9, window_bounds = array<i64: 512, 512>}, {pipeline_mode = #tpu.pipeline_mode<synchronous>, transform_indices = @transform_10, window_bounds = array<i64: 1, 512>}, {pipeline_mode = #tpu.pipeline_mode<synchronous>, transform_indices = @transform_11, window_bounds = array<i64: 512, 256>}, {pipeline_mode = #tpu.pipeline_mode<synchronous>, transform_indices = @transform_12, window_bounds = array<i64: 1, 256>}, {pipeline_mode = #tpu.pipeline_mode<synchronous>, transform_indices = @transform_13, window_bounds = array<i64: 256, 1024>}, {pipeline_mode = #tpu.pipeline_mode<synchronous>, transform_indices = @transform_14, window_bounds = array<i64: 1, 1024>}, {pipeline_mode = #tpu.pipeline_mode<synchronous>, transform_indices = @transform_15, window_bounds = array<i64: 1024, 512>}, {pipeline_mode = #tpu.pipeline_mode<synchronous>, transform_indices = @transform_16, window_bounds = array<i64: 1, 512>}, {pipeline_mode = #tpu.pipeline_mode<synchronous>, transform_indices = @transform_17, window_bounds = array<i64: 256, 1024>}, {pipeline_mode = #tpu.pipeline_mode<synchronous>, transform_indices = @transform_18, window_bounds = array<i64: 1, 1024>}, {pipeline_mode = #tpu.pipeline_mode<synchronous>, transform_indices = @transform_19, window_bounds = array<i64: 1024, 512>}, {pipeline_mode = #tpu.pipeline_mode<synchronous>, transform_indices = @transform_20, window_bounds = array<i64: 1, 512>}, {transform_indices = @transform_21, window_bounds = array<i64: 800, 256>}, {transform_indices = @transform_22, window_bounds = array<i64: 800, 1024>}]} {
    %get3A = arith.constant 0 : index
    %get3A_0 = arith.constant 0 : index
    %get3A_1 = vector.load %arg2[%get3A, %get3A_0] : memref<800x1536xi32, #tpu.memory_space<vmem>>, vector<800x1536xi32>
    %shift_left3A = arith.constant 16 : i32
    %shift_left3A_2 = vector.broadcast %shift_left3A : i32 to vector<800x1536xi32>
    %shift_left3A_3 = arith.shli %get3A_1, %shift_left3A_2 : vector<800x1536xi32>
    %bitcast_convert_type3A = tpu.bitcast %shift_left3A_3 : vector<800x1536xi32> -> vector<800x1536xf32>
    %and3A = arith.constant -65536 : i32
    %and3A_4 = vector.broadcast %and3A : i32 to vector<800x1536xi32>
    %and3A_5 = arith.andi %get3A_1, %and3A_4 : vector<800x1536xi32>
    %bitcast_convert_type3A_6 = tpu.bitcast %and3A_5 : vector<800x1536xi32> -> vector<800x1536xf32>
    %concatenate3A = tpu.concatenate %bitcast_convert_type3A, %bitcast_convert_type3A_6 in 1 : vector<800x1536xf32>, vector<800x1536xf32> -> vector<800x3072xf32>
    %get3A_7 = arith.constant 0 : index
    %get3A_8 = arith.constant 0 : index
    %get3A_9 = vector.load %arg1[%get3A_7, %get3A_8] : memref<800x512xi32, #tpu.memory_space<vmem>>, vector<800x512xi32>
    %shift_left3A_10 = arith.constant 16 : i32
    %shift_left3A_11 = vector.broadcast %shift_left3A_10 : i32 to vector<800x512xi32>
    %shift_left3A_12 = arith.shli %get3A_9, %shift_left3A_11 : vector<800x512xi32>
    %bitcast_convert_type3A_13 = tpu.bitcast %shift_left3A_12 : vector<800x512xi32> -> vector<800x512xf32>
    %and3A_14 = arith.constant -65536 : i32
    %and3A_15 = vector.broadcast %and3A_14 : i32 to vector<800x512xi32>
    %and3A_16 = arith.andi %get3A_9, %and3A_15 : vector<800x512xi32>
    %bitcast_convert_type3A_17 = tpu.bitcast %and3A_16 : vector<800x512xi32> -> vector<800x512xf32>
    %concatenate3A_18 = tpu.concatenate %bitcast_convert_type3A_13, %bitcast_convert_type3A_17 in 1 : vector<800x512xf32>, vector<800x512xf32> -> vector<800x1024xf32>
    %slice3A = vector.extract_strided_slice %concatenate3A {offsets = [0, 0], sizes = [800, 1024], strides = [1, 1]} : vector<800x3072xf32> to vector<800x1024xf32>
    %add3A = arith.addf %concatenate3A_18, %slice3A : vector<800x1024xf32>
    %get3A_19 = arith.constant 0 : index
    %get3A_20 = arith.constant 0 : index
    %get3A_21 = vector.load %arg3[%get3A_19, %get3A_20] : memref<800x256xf32, #tpu.memory_space<vmem>>, vector<800x256xf32>
    %get3A_22 = arith.constant 0 : index
    %get3A_23 = arith.constant 0 : index
    %get3A_24 = vector.load %arg6[%get3A_22, %get3A_23] : memref<256x1024xf32, #tpu.memory_space<vmem>>, vector<256x1024xf32>
    %dot_general3A = arith.constant dense<0.000000e+00> : vector<800x1024xf32>
    %dot_general3A_25 = tpu.matmul %get3A_21, %get3A_24, %dot_general3A {dimension_numbers = #tpu.dot_dimension_numbers<[1], [0], [0], [1], [0, 0, 1, 1], [], []>, transpose_lhs_hint = false} : vector<800x256xf32>, vector<256x1024xf32>, vector<800x1024xf32> -> vector<800x1024xf32>
    %add3A_26 = arith.addf %add3A, %dot_general3A_25 : vector<800x1024xf32>
    %get3A_27 = arith.constant 0 : index
    %get3A_28 = arith.constant 0 : index
    %get3A_29 = vector.load %arg7[%get3A_27, %get3A_28] : memref<1x1024xf32, #tpu.memory_space<vmem>>, vector<1x1024xf32>
    %add3A_30 = vector.broadcast %get3A_29 : vector<1x1024xf32> to vector<800x1024xf32>
    %add3A_31 = arith.addf %add3A_26, %add3A_30 : vector<800x1024xf32>
    %ge3A = arith.constant 0.000000e+00 : f32
    %ge3A_32 = vector.broadcast %ge3A : f32 to vector<800x1024xf32>
    %ge3A_33 = arith.cmpf oge, %add3A_31, %ge3A_32 : vector<800x1024xf32>
    %mul3A = arith.constant 0.00999999977 : f32
    %mul3A_34 = vector.broadcast %mul3A : f32 to vector<800x1024xf32>
    %mul3A_35 = arith.mulf %mul3A_34, %add3A_31 : vector<800x1024xf32>
    %select_n3A = arith.select %ge3A_33, %add3A_31, %mul3A_35 : vector<800x1024xi1>, vector<800x1024xf32>
    %get3A_36 = arith.constant 0 : index
    %get3A_37 = arith.constant 0 : index
    %get3A_38 = vector.load %arg8[%get3A_36, %get3A_37] : memref<1024x512xf32, #tpu.memory_space<vmem>>, vector<1024x512xf32>
    %dot_general3A_39 = arith.constant dense<0.000000e+00> : vector<800x512xf32>
    %dot_general3A_40 = tpu.matmul %select_n3A, %get3A_38, %dot_general3A_39 {dimension_numbers = #tpu.dot_dimension_numbers<[1], [0], [0], [1], [0, 0, 1, 1], [], []>, transpose_lhs_hint = false} : vector<800x1024xf32>, vector<1024x512xf32>, vector<800x512xf32> -> vector<800x512xf32>
    %get3A_41 = arith.constant 0 : index
    %get3A_42 = arith.constant 0 : index
    %get3A_43 = vector.load %arg9[%get3A_41, %get3A_42] : memref<1x512xf32, #tpu.memory_space<vmem>>, vector<1x512xf32>
    %add3A_44 = vector.broadcast %get3A_43 : vector<1x512xf32> to vector<800x512xf32>
    %add3A_45 = arith.addf %dot_general3A_40, %add3A_44 : vector<800x512xf32>
    %ge3A_46 = arith.constant 0.000000e+00 : f32
    %ge3A_47 = vector.broadcast %ge3A_46 : f32 to vector<800x512xf32>
    %ge3A_48 = arith.cmpf oge, %add3A_45, %ge3A_47 : vector<800x512xf32>
    %mul3A_49 = arith.constant 0.00999999977 : f32
    %mul3A_50 = vector.broadcast %mul3A_49 : f32 to vector<800x512xf32>
    %mul3A_51 = arith.mulf %mul3A_50, %add3A_45 : vector<800x512xf32>
    %select_n3A_52 = arith.select %ge3A_48, %add3A_45, %mul3A_51 : vector<800x512xi1>, vector<800x512xf32>
    %get3A_53 = arith.constant 0 : index
    %get3A_54 = arith.constant 0 : index
    %get3A_55 = vector.load %arg10[%get3A_53, %get3A_54] : memref<512x512xf32, #tpu.memory_space<vmem>>, vector<512x512xf32>
    %dot_general3A_56 = arith.constant dense<0.000000e+00> : vector<800x512xf32>
    %dot_general3A_57 = tpu.matmul %select_n3A_52, %get3A_55, %dot_general3A_56 {dimension_numbers = #tpu.dot_dimension_numbers<[1], [0], [0], [1], [0, 0, 1, 1], [], []>, transpose_lhs_hint = false} : vector<800x512xf32>, vector<512x512xf32>, vector<800x512xf32> -> vector<800x512xf32>
    %get3A_58 = arith.constant 0 : index
    %get3A_59 = arith.constant 0 : index
    %get3A_60 = vector.load %arg11[%get3A_58, %get3A_59] : memref<1x512xf32, #tpu.memory_space<vmem>>, vector<1x512xf32>
    %add3A_61 = vector.broadcast %get3A_60 : vector<1x512xf32> to vector<800x512xf32>
    %add3A_62 = arith.addf %dot_general3A_57, %add3A_61 : vector<800x512xf32>
    %ge3A_63 = arith.constant 0.000000e+00 : f32
    %ge3A_64 = vector.broadcast %ge3A_63 : f32 to vector<800x512xf32>
    %ge3A_65 = arith.cmpf oge, %add3A_62, %ge3A_64 : vector<800x512xf32>
    %mul3A_66 = arith.constant 0.00999999977 : f32
    %mul3A_67 = vector.broadcast %mul3A_66 : f32 to vector<800x512xf32>
    %mul3A_68 = arith.mulf %mul3A_67, %add3A_62 : vector<800x512xf32>
    %select_n3A_69 = arith.select %ge3A_65, %add3A_62, %mul3A_68 : vector<800x512xi1>, vector<800x512xf32>
    %get3A_70 = arith.constant 0 : index
    %get3A_71 = arith.constant 0 : index
    %get3A_72 = vector.load %arg12[%get3A_70, %get3A_71] : memref<512x256xf32, #tpu.memory_space<vmem>>, vector<512x256xf32>
    %dot_general3A_73 = arith.constant dense<0.000000e+00> : vector<800x256xf32>
    %dot_general3A_74 = tpu.matmul %select_n3A_69, %get3A_72, %dot_general3A_73 {dimension_numbers = #tpu.dot_dimension_numbers<[1], [0], [0], [1], [0, 0, 1, 1], [], []>, transpose_lhs_hint = false} : vector<800x512xf32>, vector<512x256xf32>, vector<800x256xf32> -> vector<800x256xf32>
    %get3A_75 = arith.constant 0 : index
    %get3A_76 = arith.constant 0 : index
    %get3A_77 = vector.load %arg13[%get3A_75, %get3A_76] : memref<1x256xf32, #tpu.memory_space<vmem>>, vector<1x256xf32>
    %add3A_78 = vector.broadcast %get3A_77 : vector<1x256xf32> to vector<800x256xf32>
    %add3A_79 = arith.addf %dot_general3A_74, %add3A_78 : vector<800x256xf32>
    %ge3A_80 = arith.constant 0.000000e+00 : f32
    %ge3A_81 = vector.broadcast %ge3A_80 : f32 to vector<800x256xf32>
    %ge3A_82 = arith.cmpf oge, %add3A_79, %ge3A_81 : vector<800x256xf32>
    %mul3A_83 = arith.constant 0.00999999977 : f32
    %mul3A_84 = vector.broadcast %mul3A_83 : f32 to vector<800x256xf32>
    %mul3A_85 = arith.mulf %mul3A_84, %add3A_79 : vector<800x256xf32>
    %select_n3A_86 = arith.select %ge3A_82, %add3A_79, %mul3A_85 : vector<800x256xi1>, vector<800x256xf32>
    %swap3A = arith.constant 0 : index
    %swap3A_87 = arith.constant 0 : index
    %swap3A_88 = vector.load %arg22[%swap3A, %swap3A_87] : memref<800x256xf32, #tpu.memory_space<vmem>>, vector<800x256xf32>
    tpu.vector_store %arg22[%swap3A, %swap3A_87], %select_n3A_86 {strides = array<i32>} : memref<800x256xf32, #tpu.memory_space<vmem>>, vector<800x256xf32>,
    %slice3A_89 = vector.extract_strided_slice %concatenate3A {offsets = [0, 1024], sizes = [800, 1024], strides = [1, 1]} : vector<800x3072xf32> to vector<800x1024xf32>
    %get3A_90 = arith.constant 0 : index
    %get3A_91 = arith.constant 0 : index
    %get3A_92 = vector.load %arg14[%get3A_90, %get3A_91] : memref<256x1024xf32, #tpu.memory_space<vmem>>, vector<256x1024xf32>
    %dot_general3A_93 = arith.constant dense<0.000000e+00> : vector<800x1024xf32>
    %dot_general3A_94 = tpu.matmul %select_n3A_86, %get3A_92, %dot_general3A_93 {dimension_numbers = #tpu.dot_dimension_numbers<[1], [0], [0], [1], [0, 0, 1, 1], [], []>, transpose_lhs_hint = false} : vector<800x256xf32>, vector<256x1024xf32>, vector<800x1024xf32> -> vector<800x1024xf32>
    %add3A_95 = arith.addf %slice3A_89, %dot_general3A_94 : vector<800x1024xf32>
    %get3A_96 = arith.constant 0 : index
    %get3A_97 = arith.constant 0 : index
    %get3A_98 = vector.load %arg15[%get3A_96, %get3A_97] : memref<1x1024xf32, #tpu.memory_space<vmem>>, vector<1x1024xf32>
    %add3A_99 = vector.broadcast %get3A_98 : vector<1x1024xf32> to vector<800x1024xf32>
    %add3A_100 = arith.addf %add3A_95, %add3A_99 : vector<800x1024xf32>
    %ge3A_101 = arith.constant 0.000000e+00 : f32
    %ge3A_102 = vector.broadcast %ge3A_101 : f32 to vector<800x1024xf32>
    %ge3A_103 = arith.cmpf oge, %add3A_100, %ge3A_102 : vector<800x1024xf32>
    %mul3A_104 = arith.constant 0.00999999977 : f32
    %mul3A_105 = vector.broadcast %mul3A_104 : f32 to vector<800x1024xf32>
    %mul3A_106 = arith.mulf %mul3A_105, %add3A_100 : vector<800x1024xf32>
    %select_n3A_107 = arith.select %ge3A_103, %add3A_100, %mul3A_106 : vector<800x1024xi1>, vector<800x1024xf32>
    %get3A_108 = arith.constant 0 : index
    %get3A_109 = arith.constant 0 : index
    %get3A_110 = vector.load %arg16[%get3A_108, %get3A_109] : memref<1024x512xf32, #tpu.memory_space<vmem>>, vector<1024x512xf32>
    %dot_general3A_111 = arith.constant dense<0.000000e+00> : vector<800x512xf32>
    %dot_general3A_112 = tpu.matmul %select_n3A_107, %get3A_110, %dot_general3A_111 {dimension_numbers = #tpu.dot_dimension_numbers<[1], [0], [0], [1], [0, 0, 1, 1], [], []>, transpose_lhs_hint = false} : vector<800x1024xf32>, vector<1024x512xf32>, vector<800x512xf32> -> vector<800x512xf32>
    %get3A_113 = arith.constant 0 : index
    %get3A_114 = arith.constant 0 : index
    %get3A_115 = vector.load %arg17[%get3A_113, %get3A_114] : memref<1x512xf32, #tpu.memory_space<vmem>>, vector<1x512xf32>
    %add3A_116 = vector.broadcast %get3A_115 : vector<1x512xf32> to vector<800x512xf32>
    %add3A_117 = arith.addf %dot_general3A_112, %add3A_116 : vector<800x512xf32>
    %ge3A_118 = arith.constant 0.000000e+00 : f32
    %ge3A_119 = vector.broadcast %ge3A_118 : f32 to vector<800x512xf32>
    %ge3A_120 = arith.cmpf oge, %add3A_117, %ge3A_119 : vector<800x512xf32>
    %mul3A_121 = arith.constant 0.00999999977 : f32
    %mul3A_122 = vector.broadcast %mul3A_121 : f32 to vector<800x512xf32>
    %mul3A_123 = arith.mulf %mul3A_122, %add3A_117 : vector<800x512xf32>
    %select_n3A_124 = arith.select %ge3A_120, %add3A_117, %mul3A_123 : vector<800x512xi1>, vector<800x512xf32>
    %slice3A_125 = vector.extract_strided_slice %concatenate3A {offsets = [0, 2048], sizes = [800, 1024], strides = [1, 1]} : vector<800x3072xf32> to vector<800x1024xf32>
    %get3A_126 = arith.constant 0 : index
    %get3A_127 = arith.constant 0 : index
    %get3A_128 = vector.load %arg18[%get3A_126, %get3A_127] : memref<256x1024xf32, #tpu.memory_space<vmem>>, vector<256x1024xf32>
    %dot_general3A_129 = arith.constant dense<0.000000e+00> : vector<800x1024xf32>
    %dot_general3A_130 = tpu.matmul %select_n3A_86, %get3A_128, %dot_general3A_129 {dimension_numbers = #tpu.dot_dimension_numbers<[1], [0], [0], [1], [0, 0, 1, 1], [], []>, transpose_lhs_hint = false} : vector<800x256xf32>, vector<256x1024xf32>, vector<800x1024xf32> -> vector<800x1024xf32>
    %add3A_131 = arith.addf %slice3A_125, %dot_general3A_130 : vector<800x1024xf32>
    %get3A_132 = arith.constant 0 : index
    %get3A_133 = arith.constant 0 : index
    %get3A_134 = vector.load %arg19[%get3A_132, %get3A_133] : memref<1x1024xf32, #tpu.memory_space<vmem>>, vector<1x1024xf32>
    %add3A_135 = vector.broadcast %get3A_134 : vector<1x1024xf32> to vector<800x1024xf32>
    %add3A_136 = arith.addf %add3A_131, %add3A_135 : vector<800x1024xf32>
    %ge3A_137 = arith.constant 0.000000e+00 : f32
    %ge3A_138 = vector.broadcast %ge3A_137 : f32 to vector<800x1024xf32>
    %ge3A_139 = arith.cmpf oge, %add3A_136, %ge3A_138 : vector<800x1024xf32>
    %mul3A_140 = arith.constant 0.00999999977 : f32
    %mul3A_141 = vector.broadcast %mul3A_140 : f32 to vector<800x1024xf32>
    %mul3A_142 = arith.mulf %mul3A_141, %add3A_136 : vector<800x1024xf32>
    %select_n3A_143 = arith.select %ge3A_139, %add3A_136, %mul3A_142 : vector<800x1024xi1>, vector<800x1024xf32>
    %get3A_144 = arith.constant 0 : index
    %get3A_145 = arith.constant 0 : index
    %get3A_146 = vector.load %arg20[%get3A_144, %get3A_145] : memref<1024x512xf32, #tpu.memory_space<vmem>>, vector<1024x512xf32>
    %dot_general3A_147 = arith.constant dense<0.000000e+00> : vector<800x512xf32>
    %dot_general3A_148 = tpu.matmul %select_n3A_143, %get3A_146, %dot_general3A_147 {dimension_numbers = #tpu.dot_dimension_numbers<[1], [0], [0], [1], [0, 0, 1, 1], [], []>, transpose_lhs_hint = false} : vector<800x1024xf32>, vector<1024x512xf32>, vector<800x512xf32> -> vector<800x512xf32>
    %get3A_149 = arith.constant 0 : index
    %get3A_150 = arith.constant 0 : index
    %get3A_151 = vector.load %arg21[%get3A_149, %get3A_150] : memref<1x512xf32, #tpu.memory_space<vmem>>, vector<1x512xf32>
    %add3A_152 = vector.broadcast %get3A_151 : vector<1x512xf32> to vector<800x512xf32>
    %add3A_153 = arith.addf %dot_general3A_148, %add3A_152 : vector<800x512xf32>
    %ge3A_154 = arith.constant 0.000000e+00 : f32
    %ge3A_155 = vector.broadcast %ge3A_154 : f32 to vector<800x512xf32>
    %ge3A_156 = arith.cmpf oge, %add3A_153, %ge3A_155 : vector<800x512xf32>
    %mul3A_157 = arith.constant 0.00999999977 : f32
    %mul3A_158 = vector.broadcast %mul3A_157 : f32 to vector<800x512xf32>
    %mul3A_159 = arith.mulf %mul3A_158, %add3A_153 : vector<800x512xf32>
    %select_n3A_160 = arith.select %ge3A_156, %add3A_153, %mul3A_159 : vector<800x512xi1>, vector<800x512xf32>
    %get3A_161 = arith.constant 0 : index
    %get3A_162 = arith.constant 0 : index
    %get3A_163 = vector.load %arg4[%get3A_161, %get3A_162] : memref<800x1xi32, #tpu.memory_space<vmem>>, vector<800x1xi32>
    %get3A_164 = arith.constant 0 : index
    %get3A_165 = arith.constant 0 : index
    %get3A_166 = vector.load %arg5[%get3A_164, %get3A_165] : memref<800x1xi32, #tpu.memory_space<vmem>>, vector<800x1xi32>
    %lt3A = arith.cmpi slt, %get3A_163, %get3A_166 : vector<800x1xi32>
    %jit3A = arith.constant 0.000000e+00 : f32
    %broadcast_in_dim3A = vector.shape_cast %lt3A : vector<800x1xi1> to vector<800x1xi1>
    %broadcast_in_dim3A_167 = vector.broadcast %broadcast_in_dim3A : vector<800x1xi1> to vector<800x512xi1>
    %broadcast_in_dim3A_168 = vector.broadcast %jit3A : f32 to vector<800x512xf32>
    %select_n3A_169 = arith.select %broadcast_in_dim3A_167, %select_n3A_124, %broadcast_in_dim3A_168 : vector<800x512xi1>, vector<800x512xf32>
    %gt3A = arith.cmpi sgt, %get3A_163, %get3A_166 : vector<800x1xi32>
    %jit3A_170 = arith.constant 0.000000e+00 : f32
    %broadcast_in_dim3A_171 = vector.shape_cast %gt3A : vector<800x1xi1> to vector<800x1xi1>
    %broadcast_in_dim3A_172 = vector.broadcast %broadcast_in_dim3A_171 : vector<800x1xi1> to vector<800x512xi1>
    %broadcast_in_dim3A_173 = vector.broadcast %jit3A_170 : f32 to vector<800x512xf32>
    %select_n3A_174 = arith.select %broadcast_in_dim3A_172, %select_n3A_160, %broadcast_in_dim3A_173 : vector<800x512xi1>, vector<800x512xf32>
    %concatenate3A_175 = tpu.concatenate %select_n3A_174, %select_n3A_169 in 1 : vector<800x512xf32>, vector<800x512xf32> -> vector<800x1024xf32>
    %swap3A_176 = arith.constant 0 : index
    %swap3A_177 = arith.constant 0 : index
    %swap3A_178 = vector.load %arg23[%swap3A_176, %swap3A_177] : memref<800x1024xf32, #tpu.memory_space<vmem>>, vector<800x1024xf32>
    tpu.vector_store %arg23[%swap3A_176, %swap3A_177], %concatenate3A_175 {strides = array<i32>} : memref<800x1024xf32, #tpu.memory_space<vmem>>, vector<800x1024xf32>,
    return
  }
  func.func @transform_0(%arg0: i32) -> (i32, i32) {
    %c0_i32 = arith.constant 0 : i32
    %c0_i32_0 = arith.constant 0 : i32
    return %arg0, %c0_i32 : i32, i32
  }
  func.func @transform_1(%arg0: i32) -> (i32, i32) {
    %c0_i32 = arith.constant 0 : i32
    %c0_i32_0 = arith.constant 0 : i32
    return %arg0, %c0_i32 : i32, i32
  }
  func.func @transform_2(%arg0: i32) -> (i32, i32) {
    %c0_i32 = arith.constant 0 : i32
    %c0_i32_0 = arith.constant 0 : i32
    return %arg0, %c0_i32 : i32, i32
  }
  func.func @transform_3(%arg0: i32) -> (i32, i32) {
    %c0_i32 = arith.constant 0 : i32
    %c0_i32_0 = arith.constant 0 : i32
    return %arg0, %c0_i32 : i32, i32
  }
  func.func @transform_4(%arg0: i32) -> (i32, i32) {
    %c0_i32 = arith.constant 0 : i32
    %c0_i32_0 = arith.constant 0 : i32
    return %arg0, %c0_i32 : i32, i32
  }
  func.func @transform_5(%arg0: i32) -> (i32, i32) {
    %c0_i32 = arith.constant 0 : i32
    %c0_i32_0 = arith.constant 0 : i32
    %c0_i32_1 = arith.constant 0 : i32
    return %c0_i32, %c0_i32_0 : i32, i32
  }
  func.func @transform_6(%arg0: i32) -> (i32, i32) {
    %c0_i32 = arith.constant 0 : i32
    %c0_i32_0 = arith.constant 0 : i32
    %c0_i32_1 = arith.constant 0 : i32
    return %c0_i32, %c0_i32_0 : i32, i32
  }
  func.func @transform_7(%arg0: i32) -> (i32, i32) {
    %c0_i32 = arith.constant 0 : i32
    %c0_i32_0 = arith.constant 0 : i32
    %c0_i32_1 = arith.constant 0 : i32
    return %c0_i32, %c0_i32_0 : i32, i32
  }
  func.func @transform_8(%arg0: i32) -> (i32, i32) {
    %c0_i32 = arith.constant 0 : i32
    %c0_i32_0 = arith.constant 0 : i32
    %c0_i32_1 = arith.constant 0 : i32
    return %c0_i32, %c0_i32_0 : i32, i32
  }
  func.func @transform_9(%arg0: i32) -> (i32, i32) {
    %c0_i32 = arith.constant 0 : i32
    %c0_i32_0 = arith.constant 0 : i32
    %c0_i32_1 = arith.constant 0 : i32
    return %c0_i32, %c0_i32_0 : i32, i32
  }
  func.func @transform_10(%arg0: i32) -> (i32, i32) {
    %c0_i32 = arith.constant 0 : i32
    %c0_i32_0 = arith.constant 0 : i32
    %c0_i32_1 = arith.constant 0 : i32
    return %c0_i32, %c0_i32_0 : i32, i32
  }
  func.func @transform_11(%arg0: i32) -> (i32, i32) {
    %c0_i32 = arith.constant 0 : i32
    %c0_i32_0 = arith.constant 0 : i32
    %c0_i32_1 = arith.constant 0 : i32
    return %c0_i32, %c0_i32_0 : i32, i32
  }
  func.func @transform_12(%arg0: i32) -> (i32, i32) {
    %c0_i32 = arith.constant 0 : i32
    %c0_i32_0 = arith.constant 0 : i32
    %c0_i32_1 = arith.constant 0 : i32
    return %c0_i32, %c0_i32_0 : i32, i32
  }
  func.func @transform_13(%arg0: i32) -> (i32, i32) {
    %c0_i32 = arith.constant 0 : i32
    %c0_i32_0 = arith.constant 0 : i32
    %c0_i32_1 = arith.constant 0 : i32
    return %c0_i32, %c0_i32_0 : i32, i32
  }
  func.func @transform_14(%arg0: i32) -> (i32, i32) {
    %c0_i32 = arith.constant 0 : i32
    %c0_i32_0 = arith.constant 0 : i32
    %c0_i32_1 = arith.constant 0 : i32
    return %c0_i32, %c0_i32_0 : i32, i32
  }
  func.func @transform_15(%arg0: i32) -> (i32, i32) {
    %c0_i32 = arith.constant 0 : i32
    %c0_i32_0 = arith.constant 0 : i32
    %c0_i32_1 = arith.constant 0 : i32
    return %c0_i32, %c0_i32_0 : i32, i32
  }
  func.func @transform_16(%arg0: i32) -> (i32, i32) {
    %c0_i32 = arith.constant 0 : i32
    %c0_i32_0 = arith.constant 0 : i32
    %c0_i32_1 = arith.constant 0 : i32
    return %c0_i32, %c0_i32_0 : i32, i32
  }
  func.func @transform_17(%arg0: i32) -> (i32, i32) {
    %c0_i32 = arith.constant 0 : i32
    %c0_i32_0 = arith.constant 0 : i32
    %c0_i32_1 = arith.constant 0 : i32
    return %c0_i32, %c0_i32_0 : i32, i32
  }
  func.func @transform_18(%arg0: i32) -> (i32, i32) {
    %c0_i32 = arith.constant 0 : i32
    %c0_i32_0 = arith.constant 0 : i32
    %c0_i32_1 = arith.constant 0 : i32
    return %c0_i32, %c0_i32_0 : i32, i32
  }
  func.func @transform_19(%arg0: i32) -> (i32, i32) {
    %c0_i32 = arith.constant 0 : i32
    %c0_i32_0 = arith.constant 0 : i32
    %c0_i32_1 = arith.constant 0 : i32
    return %c0_i32, %c0_i32_0 : i32, i32
  }
  func.func @transform_20(%arg0: i32) -> (i32, i32) {
    %c0_i32 = arith.constant 0 : i32
    %c0_i32_0 = arith.constant 0 : i32
    %c0_i32_1 = arith.constant 0 : i32
    return %c0_i32, %c0_i32_0 : i32, i32
  }
  func.func @transform_21(%arg0: i32) -> (i32, i32) {
    %c0_i32 = arith.constant 0 : i32
    %c0_i32_0 = arith.constant 0 : i32
    return %arg0, %c0_i32 : i32, i32
  }
  func.func @transform_22(%arg0: i32) -> (i32, i32) {
    %c0_i32 = arith.constant 0 : i32
    %c0_i32_0 = arith.constant 0 : i32
    return %arg0, %c0_i32 : i32, i32
  }
}

module attributes {stable_mosaic.version = 14 : i64} {
  func.func @body(%arg0: i32, %arg1: memref<1000x1024xf32, #tpu.memory_space<vmem>>, %arg2: memref<1024x1024xf32, #tpu.memory_space<vmem>>, %arg3: memref<1x1024xf32, #tpu.memory_space<vmem>>, %arg4: memref<1000x1024xf32, #tpu.memory_space<vmem>>) attributes {dimension_semantics = [#tpu.dimension_semantics<arbitrary>], iteration_bounds = array<i64: 10>, scalar_prefetch = 0 : i64, scratch_operands = 0 : i64, tpu.core_type = #tpu.core_type<tc>, window_params = [{transform_indices = @transform_0, window_bounds = array<i64: 1000, 1024>}, {pipeline_mode = #tpu.pipeline_mode<synchronous>, transform_indices = @transform_1, window_bounds = array<i64: 1024, 1024>}, {pipeline_mode = #tpu.pipeline_mode<synchronous>, transform_indices = @transform_2, window_bounds = array<i64: 1, 1024>}, {transform_indices = @transform_3, window_bounds = array<i64: 1000, 1024>}]} {
    %get3A = arith.constant 0 : index
    %get3A_0 = arith.constant 0 : index
    %get3A_1 = vector.load %arg1[%get3A, %get3A_0] : memref<1000x1024xf32, #tpu.memory_space<vmem>>, vector<1000x1024xf32>
    %get3A_2 = arith.constant 0 : index
    %get3A_3 = arith.constant 0 : index
    %get3A_4 = vector.load %arg2[%get3A_2, %get3A_3] : memref<1024x1024xf32, #tpu.memory_space<vmem>>, vector<1024x1024xf32>
    %dot_general3A = arith.constant dense<0.000000e+00> : vector<1000x1024xf32>
    %dot_general3A_5 = tpu.matmul %get3A_1, %get3A_4, %dot_general3A {dimension_numbers = #tpu.dot_dimension_numbers<[1], [0], [0], [1], [0, 0, 1, 1], [], []>, transpose_lhs_hint = false} : vector<1000x1024xf32>, vector<1024x1024xf32>, vector<1000x1024xf32> -> vector<1000x1024xf32>
    %get3A_6 = arith.constant 0 : index
    %get3A_7 = arith.constant 0 : index
    %get3A_8 = vector.load %arg3[%get3A_6, %get3A_7] : memref<1x1024xf32, #tpu.memory_space<vmem>>, vector<1x1024xf32>
    %add3A = vector.broadcast %get3A_8 : vector<1x1024xf32> to vector<1000x1024xf32>
    %add3A_9 = arith.addf %dot_general3A_5, %add3A : vector<1000x1024xf32>
    %max3A = arith.constant 0.000000e+00 : f32
    %max3A_10 = vector.broadcast %max3A : f32 to vector<1000x1024xf32>
    %max3A_11 = arith.maximumf %add3A_9, %max3A_10 : vector<1000x1024xf32>
    %swap3A = arith.constant 0 : index
    %swap3A_12 = arith.constant 0 : index
    %swap3A_13 = vector.load %arg4[%swap3A, %swap3A_12] : memref<1000x1024xf32, #tpu.memory_space<vmem>>, vector<1000x1024xf32>
    tpu.vector_store %arg4[%swap3A, %swap3A_12], %max3A_11 {strides = array<i32>} : memref<1000x1024xf32, #tpu.memory_space<vmem>>, vector<1000x1024xf32>,
    return
  }
  func.func @transform_0(%arg0: i32) -> (i32, i32) {
    %c0_i32 = arith.constant 0 : i32
    %c0_i32_0 = arith.constant 0 : i32
    return %arg0, %c0_i32 : i32, i32
  }
  func.func @transform_1(%arg0: i32) -> (i32, i32) {
    %c0_i32 = arith.constant 0 : i32
    %c0_i32_0 = arith.constant 0 : i32
    %c0_i32_1 = arith.constant 0 : i32
    return %c0_i32, %c0_i32_0 : i32, i32
  }
  func.func @transform_2(%arg0: i32) -> (i32, i32) {
    %c0_i32 = arith.constant 0 : i32
    %c0_i32_0 = arith.constant 0 : i32
    %c0_i32_1 = arith.constant 0 : i32
    return %c0_i32, %c0_i32_0 : i32, i32
  }
  func.func @transform_3(%arg0: i32) -> (i32, i32) {
    %c0_i32 = arith.constant 0 : i32
    %c0_i32_0 = arith.constant 0 : i32
    return %arg0, %c0_i32 : i32, i32
  }
}

module attributes {stable_mosaic.version = 14 : i64} {
  func.func @body(%arg0: i32, %arg1: memref<400x1024xf32, #tpu.memory_space<vmem>>, %arg2: memref<1024x1024xf32, #tpu.memory_space<vmem>>, %arg3: memref<1024x1024xf32, #tpu.memory_space<vmem>>, %arg4: memref<400x1024xbf16, #tpu.memory_space<vmem>>, %arg5: memref<400x1024xbf16, #tpu.memory_space<vmem>>) attributes {dimension_semantics = [#tpu.dimension_semantics<arbitrary>], iteration_bounds = array<i64: 25>, scalar_prefetch = 0 : i64, scratch_operands = 0 : i64, tpu.core_type = #tpu.core_type<tc>, window_params = [{transform_indices = @transform_0, window_bounds = array<i64: 400, 1024>}, {pipeline_mode = #tpu.pipeline_mode<synchronous>, transform_indices = @transform_1, window_bounds = array<i64: 1024, 1024>}, {pipeline_mode = #tpu.pipeline_mode<synchronous>, transform_indices = @transform_2, window_bounds = array<i64: 1024, 1024>}, {transform_indices = @transform_3, window_bounds = array<i64: 400, 1024>}, {transform_indices = @transform_4, window_bounds = array<i64: 400, 1024>}]} {
    %get3A = arith.constant 0 : index
    %get3A_0 = arith.constant 0 : index
    %get3A_1 = vector.load %arg1[%get3A, %get3A_0] : memref<400x1024xf32, #tpu.memory_space<vmem>>, vector<400x1024xf32>
    %get3A_2 = arith.constant 0 : index
    %get3A_3 = arith.constant 0 : index
    %get3A_4 = vector.load %arg2[%get3A_2, %get3A_3] : memref<1024x1024xf32, #tpu.memory_space<vmem>>, vector<1024x1024xf32>
    %dot_general3A = arith.constant dense<0.000000e+00> : vector<400x1024xf32>
    %dot_general3A_5 = tpu.matmul %get3A_1, %get3A_4, %dot_general3A {dimension_numbers = #tpu.dot_dimension_numbers<[1], [0], [0], [1], [0, 0, 1, 1], [], []>, transpose_lhs_hint = false} : vector<400x1024xf32>, vector<1024x1024xf32>, vector<400x1024xf32> -> vector<400x1024xf32>
    %convert_element_type3A = arith.truncf %dot_general3A_5 : vector<400x1024xf32> to vector<400x1024xbf16>
    %swap3A = arith.constant 0 : index
    %swap3A_6 = arith.constant 0 : index
    %swap3A_7 = vector.load %arg4[%swap3A, %swap3A_6] : memref<400x1024xbf16, #tpu.memory_space<vmem>>, vector<400x1024xbf16>
    tpu.vector_store %arg4[%swap3A, %swap3A_6], %convert_element_type3A {strides = array<i32>} : memref<400x1024xbf16, #tpu.memory_space<vmem>>, vector<400x1024xbf16>,
    %get3A_8 = arith.constant 0 : index
    %get3A_9 = arith.constant 0 : index
    %get3A_10 = vector.load %arg3[%get3A_8, %get3A_9] : memref<1024x1024xf32, #tpu.memory_space<vmem>>, vector<1024x1024xf32>
    %dot_general3A_11 = arith.constant dense<0.000000e+00> : vector<400x1024xf32>
    %dot_general3A_12 = tpu.matmul %get3A_1, %get3A_10, %dot_general3A_11 {dimension_numbers = #tpu.dot_dimension_numbers<[1], [0], [0], [1], [0, 0, 1, 1], [], []>, transpose_lhs_hint = false} : vector<400x1024xf32>, vector<1024x1024xf32>, vector<400x1024xf32> -> vector<400x1024xf32>
    %convert_element_type3A_13 = arith.truncf %dot_general3A_12 : vector<400x1024xf32> to vector<400x1024xbf16>
    %swap3A_14 = arith.constant 0 : index
    %swap3A_15 = arith.constant 0 : index
    %swap3A_16 = vector.load %arg5[%swap3A_14, %swap3A_15] : memref<400x1024xbf16, #tpu.memory_space<vmem>>, vector<400x1024xbf16>
    tpu.vector_store %arg5[%swap3A_14, %swap3A_15], %convert_element_type3A_13 {strides = array<i32>} : memref<400x1024xbf16, #tpu.memory_space<vmem>>, vector<400x1024xbf16>,
    return
  }
  func.func @transform_0(%arg0: i32) -> (i32, i32) {
    %c0_i32 = arith.constant 0 : i32
    %c0_i32_0 = arith.constant 0 : i32
    return %arg0, %c0_i32 : i32, i32
  }
  func.func @transform_1(%arg0: i32) -> (i32, i32) {
    %c0_i32 = arith.constant 0 : i32
    %c0_i32_0 = arith.constant 0 : i32
    %c0_i32_1 = arith.constant 0 : i32
    return %c0_i32, %c0_i32_0 : i32, i32
  }
  func.func @transform_2(%arg0: i32) -> (i32, i32) {
    %c0_i32 = arith.constant 0 : i32
    %c0_i32_0 = arith.constant 0 : i32
    %c0_i32_1 = arith.constant 0 : i32
    return %c0_i32, %c0_i32_0 : i32, i32
  }
  func.func @transform_3(%arg0: i32) -> (i32, i32) {
    %c0_i32 = arith.constant 0 : i32
    %c0_i32_0 = arith.constant 0 : i32
    return %arg0, %c0_i32 : i32, i32
  }
  func.func @transform_4(%arg0: i32) -> (i32, i32) {
    %c0_i32 = arith.constant 0 : i32
    %c0_i32_0 = arith.constant 0 : i32
    return %arg0, %c0_i32 : i32, i32
  }
}

module attributes {stable_mosaic.version = 14 : i64} {
  func.func @body(%arg0: i32, %arg1: memref<800x512xi32, #tpu.memory_space<vmem>>, %arg2: memref<800x512xi32, #tpu.memory_space<vmem>>, %arg3: memref<800x256xf32, #tpu.memory_space<vmem>>, %arg4: memref<800x256xf32, #tpu.memory_space<vmem>>, %arg5: memref<256x1024xf32, #tpu.memory_space<vmem>>, %arg6: memref<256x1024xf32, #tpu.memory_space<vmem>>, %arg7: memref<1x1024xf32, #tpu.memory_space<vmem>>, %arg8: memref<1024x512xf32, #tpu.memory_space<vmem>>, %arg9: memref<1x512xf32, #tpu.memory_space<vmem>>, %arg10: memref<512x512xf32, #tpu.memory_space<vmem>>, %arg11: memref<1x512xf32, #tpu.memory_space<vmem>>, %arg12: memref<512x256xf32, #tpu.memory_space<vmem>>, %arg13: memref<1x256xf32, #tpu.memory_space<vmem>>, %arg14: memref<256x256xf32, #tpu.memory_space<vmem>>, %arg15: memref<1x256xf32, #tpu.memory_space<vmem>>, %arg16: memref<256x512xf32, #tpu.memory_space<vmem>>, %arg17: memref<1x512xf32, #tpu.memory_space<vmem>>, %arg18: memref<512x256xf32, #tpu.memory_space<vmem>>, %arg19: memref<1x256xf32, #tpu.memory_space<vmem>>, %arg20: memref<256x256xf32, #tpu.memory_space<vmem>>, %arg21: memref<1x256xf32, #tpu.memory_space<vmem>>, %arg22: memref<800x256xf32, #tpu.memory_space<vmem>>) attributes {dimension_semantics = [#tpu.dimension_semantics<arbitrary>], iteration_bounds = array<i64: 200>, scalar_prefetch = 0 : i64, scratch_operands = 0 : i64, tpu.core_type = #tpu.core_type<tc>, window_params = [{transform_indices = @transform_0, window_bounds = array<i64: 800, 512>}, {transform_indices = @transform_1, window_bounds = array<i64: 800, 512>}, {transform_indices = @transform_2, window_bounds = array<i64: 800, 256>}, {transform_indices = @transform_3, window_bounds = array<i64: 800, 256>}, {pipeline_mode = #tpu.pipeline_mode<synchronous>, transform_indices = @transform_4, window_bounds = array<i64: 256, 1024>}, {pipeline_mode = #tpu.pipeline_mode<synchronous>, transform_indices = @transform_5, window_bounds = array<i64: 256, 1024>}, {pipeline_mode = #tpu.pipeline_mode<synchronous>, transform_indices = @transform_6, window_bounds = array<i64: 1, 1024>}, {pipeline_mode = #tpu.pipeline_mode<synchronous>, transform_indices = @transform_7, window_bounds = array<i64: 1024, 512>}, {pipeline_mode = #tpu.pipeline_mode<synchronous>, transform_indices = @transform_8, window_bounds = array<i64: 1, 512>}, {pipeline_mode = #tpu.pipeline_mode<synchronous>, transform_indices = @transform_9, window_bounds = array<i64: 512, 512>}, {pipeline_mode = #tpu.pipeline_mode<synchronous>, transform_indices = @transform_10, window_bounds = array<i64: 1, 512>}, {pipeline_mode = #tpu.pipeline_mode<synchronous>, transform_indices = @transform_11, window_bounds = array<i64: 512, 256>}, {pipeline_mode = #tpu.pipeline_mode<synchronous>, transform_indices = @transform_12, window_bounds = array<i64: 1, 256>}, {pipeline_mode = #tpu.pipeline_mode<synchronous>, transform_indices = @transform_13, window_bounds = array<i64: 256, 256>}, {pipeline_mode = #tpu.pipeline_mode<synchronous>, transform_indices = @transform_14, window_bounds = array<i64: 1, 256>}, {pipeline_mode = #tpu.pipeline_mode<synchronous>, transform_indices = @transform_15, window_bounds = array<i64: 256, 512>}, {pipeline_mode = #tpu.pipeline_mode<synchronous>, transform_indices = @transform_16, window_bounds = array<i64: 1, 512>}, {pipeline_mode = #tpu.pipeline_mode<synchronous>, transform_indices = @transform_17, window_bounds = array<i64: 512, 256>}, {pipeline_mode = #tpu.pipeline_mode<synchronous>, transform_indices = @transform_18, window_bounds = array<i64: 1, 256>}, {pipeline_mode = #tpu.pipeline_mode<synchronous>, transform_indices = @transform_19, window_bounds = array<i64: 256, 256>}, {pipeline_mode = #tpu.pipeline_mode<synchronous>, transform_indices = @transform_20, window_bounds = array<i64: 1, 256>}, {transform_indices = @transform_21, window_bounds = array<i64: 800, 256>}]} {
    %get3A = arith.constant 0 : index
    %get3A_0 = arith.constant 0 : index
    %get3A_1 = vector.load %arg1[%get3A, %get3A_0] : memref<800x512xi32, #tpu.memory_space<vmem>>, vector<800x512xi32>
    %shift_left3A = arith.constant 16 : i32
    %shift_left3A_2 = vector.broadcast %shift_left3A : i32 to vector<800x512xi32>
    %shift_left3A_3 = arith.shli %get3A_1, %shift_left3A_2 : vector<800x512xi32>
    %bitcast_convert_type3A = tpu.bitcast %shift_left3A_3 : vector<800x512xi32> -> vector<800x512xf32>
    %and3A = arith.constant -65536 : i32
    %and3A_4 = vector.broadcast %and3A : i32 to vector<800x512xi32>
    %and3A_5 = arith.andi %get3A_1, %and3A_4 : vector<800x512xi32>
    %bitcast_convert_type3A_6 = tpu.bitcast %and3A_5 : vector<800x512xi32> -> vector<800x512xf32>
    %concatenate3A = tpu.concatenate %bitcast_convert_type3A, %bitcast_convert_type3A_6 in 1 : vector<800x512xf32>, vector<800x512xf32> -> vector<800x1024xf32>
    %get3A_7 = arith.constant 0 : index
    %get3A_8 = arith.constant 0 : index
    %get3A_9 = vector.load %arg2[%get3A_7, %get3A_8] : memref<800x512xi32, #tpu.memory_space<vmem>>, vector<800x512xi32>
    %shift_left3A_10 = arith.constant 16 : i32
    %shift_left3A_11 = vector.broadcast %shift_left3A_10 : i32 to vector<800x512xi32>
    %shift_left3A_12 = arith.shli %get3A_9, %shift_left3A_11 : vector<800x512xi32>
    %bitcast_convert_type3A_13 = tpu.bitcast %shift_left3A_12 : vector<800x512xi32> -> vector<800x512xf32>
    %and3A_14 = arith.constant -65536 : i32
    %and3A_15 = vector.broadcast %and3A_14 : i32 to vector<800x512xi32>
    %and3A_16 = arith.andi %get3A_9, %and3A_15 : vector<800x512xi32>
    %bitcast_convert_type3A_17 = tpu.bitcast %and3A_16 : vector<800x512xi32> -> vector<800x512xf32>
    %concatenate3A_18 = tpu.concatenate %bitcast_convert_type3A_13, %bitcast_convert_type3A_17 in 1 : vector<800x512xf32>, vector<800x512xf32> -> vector<800x1024xf32>
    %add3A = arith.addf %concatenate3A, %concatenate3A_18 : vector<800x1024xf32>
    %get3A_19 = arith.constant 0 : index
    %get3A_20 = arith.constant 0 : index
    %get3A_21 = vector.load %arg3[%get3A_19, %get3A_20] : memref<800x256xf32, #tpu.memory_space<vmem>>, vector<800x256xf32>
    %get3A_22 = arith.constant 0 : index
    %get3A_23 = arith.constant 0 : index
    %get3A_24 = vector.load %arg5[%get3A_22, %get3A_23] : memref<256x1024xf32, #tpu.memory_space<vmem>>, vector<256x1024xf32>
    %dot_general3A = arith.constant dense<0.000000e+00> : vector<800x1024xf32>
    %dot_general3A_25 = tpu.matmul %get3A_21, %get3A_24, %dot_general3A {dimension_numbers = #tpu.dot_dimension_numbers<[1], [0], [0], [1], [0, 0, 1, 1], [], []>, transpose_lhs_hint = false} : vector<800x256xf32>, vector<256x1024xf32>, vector<800x1024xf32> -> vector<800x1024xf32>
    %add3A_26 = arith.addf %add3A, %dot_general3A_25 : vector<800x1024xf32>
    %get3A_27 = arith.constant 0 : index
    %get3A_28 = arith.constant 0 : index
    %get3A_29 = vector.load %arg4[%get3A_27, %get3A_28] : memref<800x256xf32, #tpu.memory_space<vmem>>, vector<800x256xf32>
    %get3A_30 = arith.constant 0 : index
    %get3A_31 = arith.constant 0 : index
    %get3A_32 = vector.load %arg6[%get3A_30, %get3A_31] : memref<256x1024xf32, #tpu.memory_space<vmem>>, vector<256x1024xf32>
    %dot_general3A_33 = arith.constant dense<0.000000e+00> : vector<800x1024xf32>
    %dot_general3A_34 = tpu.matmul %get3A_29, %get3A_32, %dot_general3A_33 {dimension_numbers = #tpu.dot_dimension_numbers<[1], [0], [0], [1], [0, 0, 1, 1], [], []>, transpose_lhs_hint = false} : vector<800x256xf32>, vector<256x1024xf32>, vector<800x1024xf32> -> vector<800x1024xf32>
    %add3A_35 = arith.addf %add3A_26, %dot_general3A_34 : vector<800x1024xf32>
    %get3A_36 = arith.constant 0 : index
    %get3A_37 = arith.constant 0 : index
    %get3A_38 = vector.load %arg7[%get3A_36, %get3A_37] : memref<1x1024xf32, #tpu.memory_space<vmem>>, vector<1x1024xf32>
    %add3A_39 = vector.broadcast %get3A_38 : vector<1x1024xf32> to vector<800x1024xf32>
    %add3A_40 = arith.addf %add3A_35, %add3A_39 : vector<800x1024xf32>
    %ge3A = arith.constant 0.000000e+00 : f32
    %ge3A_41 = vector.broadcast %ge3A : f32 to vector<800x1024xf32>
    %ge3A_42 = arith.cmpf oge, %add3A_40, %ge3A_41 : vector<800x1024xf32>
    %mul3A = arith.constant 0.00999999977 : f32
    %mul3A_43 = vector.broadcast %mul3A : f32 to vector<800x1024xf32>
    %mul3A_44 = arith.mulf %mul3A_43, %add3A_40 : vector<800x1024xf32>
    %select_n3A = arith.select %ge3A_42, %add3A_40, %mul3A_44 : vector<800x1024xi1>, vector<800x1024xf32>
    %get3A_45 = arith.constant 0 : index
    %get3A_46 = arith.constant 0 : index
    %get3A_47 = vector.load %arg8[%get3A_45, %get3A_46] : memref<1024x512xf32, #tpu.memory_space<vmem>>, vector<1024x512xf32>
    %dot_general3A_48 = arith.constant dense<0.000000e+00> : vector<800x512xf32>
    %dot_general3A_49 = tpu.matmul %select_n3A, %get3A_47, %dot_general3A_48 {dimension_numbers = #tpu.dot_dimension_numbers<[1], [0], [0], [1], [0, 0, 1, 1], [], []>, transpose_lhs_hint = false} : vector<800x1024xf32>, vector<1024x512xf32>, vector<800x512xf32> -> vector<800x512xf32>
    %get3A_50 = arith.constant 0 : index
    %get3A_51 = arith.constant 0 : index
    %get3A_52 = vector.load %arg9[%get3A_50, %get3A_51] : memref<1x512xf32, #tpu.memory_space<vmem>>, vector<1x512xf32>
    %add3A_53 = vector.broadcast %get3A_52 : vector<1x512xf32> to vector<800x512xf32>
    %add3A_54 = arith.addf %dot_general3A_49, %add3A_53 : vector<800x512xf32>
    %ge3A_55 = arith.constant 0.000000e+00 : f32
    %ge3A_56 = vector.broadcast %ge3A_55 : f32 to vector<800x512xf32>
    %ge3A_57 = arith.cmpf oge, %add3A_54, %ge3A_56 : vector<800x512xf32>
    %mul3A_58 = arith.constant 0.00999999977 : f32
    %mul3A_59 = vector.broadcast %mul3A_58 : f32 to vector<800x512xf32>
    %mul3A_60 = arith.mulf %mul3A_59, %add3A_54 : vector<800x512xf32>
    %select_n3A_61 = arith.select %ge3A_57, %add3A_54, %mul3A_60 : vector<800x512xi1>, vector<800x512xf32>
    %get3A_62 = arith.constant 0 : index
    %get3A_63 = arith.constant 0 : index
    %get3A_64 = vector.load %arg10[%get3A_62, %get3A_63] : memref<512x512xf32, #tpu.memory_space<vmem>>, vector<512x512xf32>
    %dot_general3A_65 = arith.constant dense<0.000000e+00> : vector<800x512xf32>
    %dot_general3A_66 = tpu.matmul %select_n3A_61, %get3A_64, %dot_general3A_65 {dimension_numbers = #tpu.dot_dimension_numbers<[1], [0], [0], [1], [0, 0, 1, 1], [], []>, transpose_lhs_hint = false} : vector<800x512xf32>, vector<512x512xf32>, vector<800x512xf32> -> vector<800x512xf32>
    %get3A_67 = arith.constant 0 : index
    %get3A_68 = arith.constant 0 : index
    %get3A_69 = vector.load %arg11[%get3A_67, %get3A_68] : memref<1x512xf32, #tpu.memory_space<vmem>>, vector<1x512xf32>
    %add3A_70 = vector.broadcast %get3A_69 : vector<1x512xf32> to vector<800x512xf32>
    %add3A_71 = arith.addf %dot_general3A_66, %add3A_70 : vector<800x512xf32>
    %ge3A_72 = arith.constant 0.000000e+00 : f32
    %ge3A_73 = vector.broadcast %ge3A_72 : f32 to vector<800x512xf32>
    %ge3A_74 = arith.cmpf oge, %add3A_71, %ge3A_73 : vector<800x512xf32>
    %mul3A_75 = arith.constant 0.00999999977 : f32
    %mul3A_76 = vector.broadcast %mul3A_75 : f32 to vector<800x512xf32>
    %mul3A_77 = arith.mulf %mul3A_76, %add3A_71 : vector<800x512xf32>
    %select_n3A_78 = arith.select %ge3A_74, %add3A_71, %mul3A_77 : vector<800x512xi1>, vector<800x512xf32>
    %get3A_79 = arith.constant 0 : index
    %get3A_80 = arith.constant 0 : index
    %get3A_81 = vector.load %arg12[%get3A_79, %get3A_80] : memref<512x256xf32, #tpu.memory_space<vmem>>, vector<512x256xf32>
    %dot_general3A_82 = arith.constant dense<0.000000e+00> : vector<800x256xf32>
    %dot_general3A_83 = tpu.matmul %select_n3A_78, %get3A_81, %dot_general3A_82 {dimension_numbers = #tpu.dot_dimension_numbers<[1], [0], [0], [1], [0, 0, 1, 1], [], []>, transpose_lhs_hint = false} : vector<800x512xf32>, vector<512x256xf32>, vector<800x256xf32> -> vector<800x256xf32>
    %get3A_84 = arith.constant 0 : index
    %get3A_85 = arith.constant 0 : index
    %get3A_86 = vector.load %arg13[%get3A_84, %get3A_85] : memref<1x256xf32, #tpu.memory_space<vmem>>, vector<1x256xf32>
    %add3A_87 = vector.broadcast %get3A_86 : vector<1x256xf32> to vector<800x256xf32>
    %add3A_88 = arith.addf %dot_general3A_83, %add3A_87 : vector<800x256xf32>
    %ge3A_89 = arith.constant 0.000000e+00 : f32
    %ge3A_90 = vector.broadcast %ge3A_89 : f32 to vector<800x256xf32>
    %ge3A_91 = arith.cmpf oge, %add3A_88, %ge3A_90 : vector<800x256xf32>
    %mul3A_92 = arith.constant 0.00999999977 : f32
    %mul3A_93 = vector.broadcast %mul3A_92 : f32 to vector<800x256xf32>
    %mul3A_94 = arith.mulf %mul3A_93, %add3A_88 : vector<800x256xf32>
    %select_n3A_95 = arith.select %ge3A_91, %add3A_88, %mul3A_94 : vector<800x256xi1>, vector<800x256xf32>
    %get3A_96 = arith.constant 0 : index
    %get3A_97 = arith.constant 0 : index
    %get3A_98 = vector.load %arg14[%get3A_96, %get3A_97] : memref<256x256xf32, #tpu.memory_space<vmem>>, vector<256x256xf32>
    %dot_general3A_99 = arith.constant dense<0.000000e+00> : vector<800x256xf32>
    %dot_general3A_100 = tpu.matmul %select_n3A_95, %get3A_98, %dot_general3A_99 {dimension_numbers = #tpu.dot_dimension_numbers<[1], [0], [0], [1], [0, 0, 1, 1], [], []>, transpose_lhs_hint = false} : vector<800x256xf32>, vector<256x256xf32>, vector<800x256xf32> -> vector<800x256xf32>
    %get3A_101 = arith.constant 0 : index
    %get3A_102 = arith.constant 0 : index
    %get3A_103 = vector.load %arg15[%get3A_101, %get3A_102] : memref<1x256xf32, #tpu.memory_space<vmem>>, vector<1x256xf32>
    %add3A_104 = vector.broadcast %get3A_103 : vector<1x256xf32> to vector<800x256xf32>
    %add3A_105 = arith.addf %dot_general3A_100, %add3A_104 : vector<800x256xf32>
    %ge3A_106 = arith.constant 0.000000e+00 : f32
    %ge3A_107 = vector.broadcast %ge3A_106 : f32 to vector<800x256xf32>
    %ge3A_108 = arith.cmpf oge, %add3A_105, %ge3A_107 : vector<800x256xf32>
    %mul3A_109 = arith.constant 0.00999999977 : f32
    %mul3A_110 = vector.broadcast %mul3A_109 : f32 to vector<800x256xf32>
    %mul3A_111 = arith.mulf %mul3A_110, %add3A_105 : vector<800x256xf32>
    %select_n3A_112 = arith.select %ge3A_108, %add3A_105, %mul3A_111 : vector<800x256xi1>, vector<800x256xf32>
    %get3A_113 = arith.constant 0 : index
    %get3A_114 = arith.constant 0 : index
    %get3A_115 = vector.load %arg16[%get3A_113, %get3A_114] : memref<256x512xf32, #tpu.memory_space<vmem>>, vector<256x512xf32>
    %dot_general3A_116 = arith.constant dense<0.000000e+00> : vector<800x512xf32>
    %dot_general3A_117 = tpu.matmul %select_n3A_112, %get3A_115, %dot_general3A_116 {dimension_numbers = #tpu.dot_dimension_numbers<[1], [0], [0], [1], [0, 0, 1, 1], [], []>, transpose_lhs_hint = false} : vector<800x256xf32>, vector<256x512xf32>, vector<800x512xf32> -> vector<800x512xf32>
    %get3A_118 = arith.constant 0 : index
    %get3A_119 = arith.constant 0 : index
    %get3A_120 = vector.load %arg17[%get3A_118, %get3A_119] : memref<1x512xf32, #tpu.memory_space<vmem>>, vector<1x512xf32>
    %add3A_121 = vector.broadcast %get3A_120 : vector<1x512xf32> to vector<800x512xf32>
    %add3A_122 = arith.addf %dot_general3A_117, %add3A_121 : vector<800x512xf32>
    %ge3A_123 = arith.constant 0.000000e+00 : f32
    %ge3A_124 = vector.broadcast %ge3A_123 : f32 to vector<800x512xf32>
    %ge3A_125 = arith.cmpf oge, %add3A_122, %ge3A_124 : vector<800x512xf32>
    %mul3A_126 = arith.constant 0.00999999977 : f32
    %mul3A_127 = vector.broadcast %mul3A_126 : f32 to vector<800x512xf32>
    %mul3A_128 = arith.mulf %mul3A_127, %add3A_122 : vector<800x512xf32>
    %select_n3A_129 = arith.select %ge3A_125, %add3A_122, %mul3A_128 : vector<800x512xi1>, vector<800x512xf32>
    %get3A_130 = arith.constant 0 : index
    %get3A_131 = arith.constant 0 : index
    %get3A_132 = vector.load %arg18[%get3A_130, %get3A_131] : memref<512x256xf32, #tpu.memory_space<vmem>>, vector<512x256xf32>
    %dot_general3A_133 = arith.constant dense<0.000000e+00> : vector<800x256xf32>
    %dot_general3A_134 = tpu.matmul %select_n3A_129, %get3A_132, %dot_general3A_133 {dimension_numbers = #tpu.dot_dimension_numbers<[1], [0], [0], [1], [0, 0, 1, 1], [], []>, transpose_lhs_hint = false} : vector<800x512xf32>, vector<512x256xf32>, vector<800x256xf32> -> vector<800x256xf32>
    %get3A_135 = arith.constant 0 : index
    %get3A_136 = arith.constant 0 : index
    %get3A_137 = vector.load %arg19[%get3A_135, %get3A_136] : memref<1x256xf32, #tpu.memory_space<vmem>>, vector<1x256xf32>
    %add3A_138 = vector.broadcast %get3A_137 : vector<1x256xf32> to vector<800x256xf32>
    %add3A_139 = arith.addf %dot_general3A_134, %add3A_138 : vector<800x256xf32>
    %ge3A_140 = arith.constant 0.000000e+00 : f32
    %ge3A_141 = vector.broadcast %ge3A_140 : f32 to vector<800x256xf32>
    %ge3A_142 = arith.cmpf oge, %add3A_139, %ge3A_141 : vector<800x256xf32>
    %mul3A_143 = arith.constant 0.00999999977 : f32
    %mul3A_144 = vector.broadcast %mul3A_143 : f32 to vector<800x256xf32>
    %mul3A_145 = arith.mulf %mul3A_144, %add3A_139 : vector<800x256xf32>
    %select_n3A_146 = arith.select %ge3A_142, %add3A_139, %mul3A_145 : vector<800x256xi1>, vector<800x256xf32>
    %get3A_147 = arith.constant 0 : index
    %get3A_148 = arith.constant 0 : index
    %get3A_149 = vector.load %arg20[%get3A_147, %get3A_148] : memref<256x256xf32, #tpu.memory_space<vmem>>, vector<256x256xf32>
    %dot_general3A_150 = arith.constant dense<0.000000e+00> : vector<800x256xf32>
    %dot_general3A_151 = tpu.matmul %select_n3A_146, %get3A_149, %dot_general3A_150 {dimension_numbers = #tpu.dot_dimension_numbers<[1], [0], [0], [1], [0, 0, 1, 1], [], []>, transpose_lhs_hint = false} : vector<800x256xf32>, vector<256x256xf32>, vector<800x256xf32> -> vector<800x256xf32>
    %get3A_152 = arith.constant 0 : index
    %get3A_153 = arith.constant 0 : index
    %get3A_154 = vector.load %arg21[%get3A_152, %get3A_153] : memref<1x256xf32, #tpu.memory_space<vmem>>, vector<1x256xf32>
    %add3A_155 = vector.broadcast %get3A_154 : vector<1x256xf32> to vector<800x256xf32>
    %add3A_156 = arith.addf %dot_general3A_151, %add3A_155 : vector<800x256xf32>
    %ge3A_157 = arith.constant 0.000000e+00 : f32
    %ge3A_158 = vector.broadcast %ge3A_157 : f32 to vector<800x256xf32>
    %ge3A_159 = arith.cmpf oge, %add3A_156, %ge3A_158 : vector<800x256xf32>
    %mul3A_160 = arith.constant 0.00999999977 : f32
    %mul3A_161 = vector.broadcast %mul3A_160 : f32 to vector<800x256xf32>
    %mul3A_162 = arith.mulf %mul3A_161, %add3A_156 : vector<800x256xf32>
    %select_n3A_163 = arith.select %ge3A_159, %add3A_156, %mul3A_162 : vector<800x256xi1>, vector<800x256xf32>
    %swap3A = arith.constant 0 : index
    %swap3A_164 = arith.constant 0 : index
    %swap3A_165 = vector.load %arg22[%swap3A, %swap3A_164] : memref<800x256xf32, #tpu.memory_space<vmem>>, vector<800x256xf32>
    tpu.vector_store %arg22[%swap3A, %swap3A_164], %select_n3A_163 {strides = array<i32>} : memref<800x256xf32, #tpu.memory_space<vmem>>, vector<800x256xf32>,
    return
  }
  func.func @transform_0(%arg0: i32) -> (i32, i32) {
    %c0_i32 = arith.constant 0 : i32
    %c0_i32_0 = arith.constant 0 : i32
    return %arg0, %c0_i32 : i32, i32
  }
  func.func @transform_1(%arg0: i32) -> (i32, i32) {
    %c0_i32 = arith.constant 0 : i32
    %c0_i32_0 = arith.constant 0 : i32
    return %arg0, %c0_i32 : i32, i32
  }
  func.func @transform_2(%arg0: i32) -> (i32, i32) {
    %c0_i32 = arith.constant 0 : i32
    %c0_i32_0 = arith.constant 0 : i32
    return %arg0, %c0_i32 : i32, i32
  }
  func.func @transform_3(%arg0: i32) -> (i32, i32) {
    %c0_i32 = arith.constant 0 : i32
    %c0_i32_0 = arith.constant 0 : i32
    return %arg0, %c0_i32 : i32, i32
  }
  func.func @transform_4(%arg0: i32) -> (i32, i32) {
    %c0_i32 = arith.constant 0 : i32
    %c0_i32_0 = arith.constant 0 : i32
    %c0_i32_1 = arith.constant 0 : i32
    return %c0_i32, %c0_i32_0 : i32, i32
  }
  func.func @transform_5(%arg0: i32) -> (i32, i32) {
    %c0_i32 = arith.constant 0 : i32
    %c0_i32_0 = arith.constant 0 : i32
    %c0_i32_1 = arith.constant 0 : i32
    return %c0_i32, %c0_i32_0 : i32, i32
  }
  func.func @transform_6(%arg0: i32) -> (i32, i32) {
    %c0_i32 = arith.constant 0 : i32
    %c0_i32_0 = arith.constant 0 : i32
    %c0_i32_1 = arith.constant 0 : i32
    return %c0_i32, %c0_i32_0 : i32, i32
  }
  func.func @transform_7(%arg0: i32) -> (i32, i32) {
    %c0_i32 = arith.constant 0 : i32
    %c0_i32_0 = arith.constant 0 : i32
    %c0_i32_1 = arith.constant 0 : i32
    return %c0_i32, %c0_i32_0 : i32, i32
  }
  func.func @transform_8(%arg0: i32) -> (i32, i32) {
    %c0_i32 = arith.constant 0 : i32
    %c0_i32_0 = arith.constant 0 : i32
    %c0_i32_1 = arith.constant 0 : i32
    return %c0_i32, %c0_i32_0 : i32, i32
  }
  func.func @transform_9(%arg0: i32) -> (i32, i32) {
    %c0_i32 = arith.constant 0 : i32
    %c0_i32_0 = arith.constant 0 : i32
    %c0_i32_1 = arith.constant 0 : i32
    return %c0_i32, %c0_i32_0 : i32, i32
  }
  func.func @transform_10(%arg0: i32) -> (i32, i32) {
    %c0_i32 = arith.constant 0 : i32
    %c0_i32_0 = arith.constant 0 : i32
    %c0_i32_1 = arith.constant 0 : i32
    return %c0_i32, %c0_i32_0 : i32, i32
  }
  func.func @transform_11(%arg0: i32) -> (i32, i32) {
    %c0_i32 = arith.constant 0 : i32
    %c0_i32_0 = arith.constant 0 : i32
    %c0_i32_1 = arith.constant 0 : i32
    return %c0_i32, %c0_i32_0 : i32, i32
  }
  func.func @transform_12(%arg0: i32) -> (i32, i32) {
    %c0_i32 = arith.constant 0 : i32
    %c0_i32_0 = arith.constant 0 : i32
    %c0_i32_1 = arith.constant 0 : i32
    return %c0_i32, %c0_i32_0 : i32, i32
  }
  func.func @transform_13(%arg0: i32) -> (i32, i32) {
    %c0_i32 = arith.constant 0 : i32
    %c0_i32_0 = arith.constant 0 : i32
    %c0_i32_1 = arith.constant 0 : i32
    return %c0_i32, %c0_i32_0 : i32, i32
  }
  func.func @transform_14(%arg0: i32) -> (i32, i32) {
    %c0_i32 = arith.constant 0 : i32
    %c0_i32_0 = arith.constant 0 : i32
    %c0_i32_1 = arith.constant 0 : i32
    return %c0_i32, %c0_i32_0 : i32, i32
  }
  func.func @transform_15(%arg0: i32) -> (i32, i32) {
    %c0_i32 = arith.constant 0 : i32
    %c0_i32_0 = arith.constant 0 : i32
    %c0_i32_1 = arith.constant 0 : i32
    return %c0_i32, %c0_i32_0 : i32, i32
  }
  func.func @transform_16(%arg0: i32) -> (i32, i32) {
    %c0_i32 = arith.constant 0 : i32
    %c0_i32_0 = arith.constant 0 : i32
    %c0_i32_1 = arith.constant 0 : i32
    return %c0_i32, %c0_i32_0 : i32, i32
  }
  func.func @transform_17(%arg0: i32) -> (i32, i32) {
    %c0_i32 = arith.constant 0 : i32
    %c0_i32_0 = arith.constant 0 : i32
    %c0_i32_1 = arith.constant 0 : i32
    return %c0_i32, %c0_i32_0 : i32, i32
  }
  func.func @transform_18(%arg0: i32) -> (i32, i32) {
    %c0_i32 = arith.constant 0 : i32
    %c0_i32_0 = arith.constant 0 : i32
    %c0_i32_1 = arith.constant 0 : i32
    return %c0_i32, %c0_i32_0 : i32, i32
  }
  func.func @transform_19(%arg0: i32) -> (i32, i32) {
    %c0_i32 = arith.constant 0 : i32
    %c0_i32_0 = arith.constant 0 : i32
    %c0_i32_1 = arith.constant 0 : i32
    return %c0_i32, %c0_i32_0 : i32, i32
  }
  func.func @transform_20(%arg0: i32) -> (i32, i32) {
    %c0_i32 = arith.constant 0 : i32
    %c0_i32_0 = arith.constant 0 : i32
    %c0_i32_1 = arith.constant 0 : i32
    return %c0_i32, %c0_i32_0 : i32, i32
  }
  func.func @transform_21(%arg0: i32) -> (i32, i32) {
    %c0_i32 = arith.constant 0 : i32
    %c0_i32_0 = arith.constant 0 : i32
    return %arg0, %c0_i32 : i32, i32
  }
}

</mosaic_0001>

<sc_bundles>
// kernel: kernel.14.cloned.1.call-start
scs
__scs_entry_jumppad:
0x0: {  	(pc) =	sbr.rel $0x88, $3  }
0x1: {  	(tag) =	ssettag $0x0;
	lr =	simm.s32 $0x1  }
0x2: {  	[smem:$0x3F70] =	sst lr;
	_ =	strace $0xD0000000  }
0x3: {  	_ = 	snop  }
0x4: {  	_ = 	snop  }
0x5: {  	_ = 	snop  }
0x6: {  	_ = 	snop  }
0x7: {  	_ = 	snop  }
__scs_overlays_trampoline_lowered:
0x8: {  	[smem:$0x3F7F] =	sst s0  }
0x9: {  	[smem:$0x3F80] =	sst s1  }
0xa: {  	[smem:$0x3F81] =	sst s2  }
0xb: {  	[smem:$0x3F82] =	sst s3  }
0xc: {  	[smem:$0x3F83] =	sst s4  }
0xd: {  	[smem:$0x3F84] =	sst s5  }
0xe: {  	[smem:$0x3F85] =	sst s6  }
0xf: {  	[smem:$0x3F86] =	sst s7  }
0x10: {  	[smem:$0x3F87] =	sst s8  }
0x11: {  	[smem:$0x3F88] =	sst s9;
	s0 =	simm.s32 @!p0 $0x0  }
0x12: {  	s1 =	sld [smem:$0x3F6E];
	s0 =	simm.s32 @p0 $0x1  }
0x13: {  	[smem:$0x3F89] =	sst s0;
	s0 =	simm.s32 @!p1 $0x0  }
0x14: {  	s2 =	sld [smem:$0x3F6D];
	s0 =	simm.s32 @p1 $0x1  }
0x15: {  	[smem:$0x3F8A] =	sst s0;
	s0 =	simm.s32 @!p2 $0x0  }
0x16: {  	s3 =	sld [smem:$0x3FDB];
	s0 =	simm.s32 @p2 $0x1  }
0x17: {  	s4 =	simm.s32 $0x1BF5;
	[smem:$0x3F8C] =	sst s0  }
0x18: {  	s0 =	sld [smem:$0x3F6F];
	_ =	swait.ge [sflag:s4], $0x0  }
0x19: {  	s7 =	sld [smem:$0x3F70]  }
0x1a: {  	s8 =	sadd.s32 $0xFFFFE003, lr  }
0x1b: {  	s9 =	sadd.s32 $0xFFFFFEF7, lr;
	s5 =	simm.s32 $0xFFFFFFFF;
	p2 =	slt.u32 s8, $0xFFFFF086  }
0x1c: {  	p1 =	slt.u32 s9, $0xF7A;
	s5 =	simm.s32 @!p2 $0x0  }
0x1d: {  	s5 =	simm.s32 @p1 $0x1;
	p0 =	seq.s32 s7, s2  }
0x1e: {  	s7 =	smul.u32 @!p0 $0xF7A, s2;
	p2 =	seq.s32 @!p0 s5, $0x0  }
0x1f: {  	s9 =	smul.u32 $0xF7A, s1;
	s8 =	simm.s32 @!p0 $0x1BF5;
	p2 =	por !p2, p0  }
0x20: {  	[sflag:s8] =	ssyncset.s32 @!p0 $0xFFFFF086;
	s6 =	sadd.s32 @!p0 s3, s7;
	s7 =	simm.s32 @!p0 $0x108  }
0x21: {  	s3 =	sadd.s32 s3, s9;
	s6 =	sadd.s32 @!p0 $0x88, s6;
	s7 =	simm.s32 @p2 $0x1082  }
0x22: {  	[simem:s7], [sflag:s8] =	dma.local @!p0 [hbm:s6], $0xF7A  }
0x23: {  	s9 =	sor.u32 $0xD0000000, s2;
	s6 =	simm.s32 $0x108;
	_ =	swait.ge @!p0 [sflag:s8], $0x0  }
0x24: {  	s3 =	sadd.s32 $0x88, s3;
	s6 =	simm.s32 @!p1 $0x1082;
	[sflag:s4] =	ssyncset.s32 $0xFFFFF086  }
0x25: {  	[simem:s6], [sflag:s4] =	dma.local [hbm:s3], $0xF7A  }
0x26: {  	[smem:$0x3F70] =	sst s1;
	(tag) =	ssettag s2;
	_ =	strace s9  }
0x27: {  	s1 =	sld [smem:$0x3F80]  }
0x28: {  	s2 =	sld [smem:$0x3F81]  }
0x29: {  	s4 =	sld [smem:$0x3F83]  }
0x2a: {  	p0 =	seq.s32 s5, $0x0;
	s5 =	sld [smem:$0x3F84]  }
0x2b: {  	s6 =	sld [smem:$0x3F85]  }
0x2c: {  	s7 =	sld [smem:$0x3F86]  }
0x2d: {  	s3 =	simm.s32 $0x108;
	s8 =	sld [smem:$0x3F87]  }
0x2e: {  	s3 =	simm.s32 @!p0 $0x1082;
	s9 =	sld [smem:$0x3F88]  }
0x2f: {  	lr =	sadd.s32 s0, s3;
	s0 =	sld [smem:$0x3F7F]  }
0x30: {  	s3 =	sld [smem:$0x3F82]  }
0x31: {  	[smem:$0x3F8B] =	sst s10  }
0x32: {  	s10 =	sld [smem:$0x3F89];
	_ =	sdelay $0x3  }
0x33: {  	p0 =	seq.s32 s10, $0x1;
	s10 =	sld [smem:$0x3F8B];
	_ =	sdelay $0x3  }
0x34: {  	[smem:$0x3F8B] =	sst s10  }
0x35: {  	s10 =	sld [smem:$0x3F8A];
	_ =	sdelay $0x3  }
0x36: {  	p1 =	seq.s32 s10, $0x1;
	s10 =	sld [smem:$0x3F8B];
	_ =	sdelay $0x3  }
0x37: {  	[smem:$0x3F8B] =	sst s10  }
0x38: {  	s10 =	sld [smem:$0x3F8C]  }
0x39: {  	_ = 	snop;
	(pc) =	sbr.ind lr, $3  }
0x3a: {  	_ = 	snop  }
0x3b: {  	_ = 	snop  }
0x3c: {  	p2 =	seq.s32 s10, $0x1;
	s10 =	sld [smem:$0x3F8B]  }
0x3d: {  	_ =	shalt  }
0x3e: {  	_ =	shalt  }
0x3f: {  	_ =	shalt  }
0x40: {  	_ =	shalt  }
0x41: {  	_ =	shalt  }
0x42: {  	_ =	shalt  }
0x43: {  	_ =	shalt  }
0x44: {  	_ =	shalt  }
0x45: {  	_ =	shalt  }
0x46: {  	_ =	shalt  }
0x47: {  	_ =	shalt  }
0x48: {  	_ =	shalt  }
0x49: {  	_ =	shalt  }
0x4a: {  	_ =	shalt  }
0x4b: {  	_ =	shalt  }
0x4c: {  	_ =	shalt  }
0x4d: {  	_ =	shalt  }
0x4e: {  	_ =	shalt  }
0x4f: {  	_ =	shalt  }
0x50: {  	_ =	shalt  }
0x51: {  	_ =	shalt  }
0x52: {  	_ =	shalt  }
0x53: {  	_ =	shalt  }
0x54: {  	_ =	shalt  }
0x55: {  	_ =	shalt  }
0x56: {  	_ =	shalt  }
0x57: {  	_ =	shalt  }
0x58: {  	_ =	shalt  }
0x59: {  	_ =	shalt  }
0x5a: {  	_ =	shalt  }
0x5b: {  	_ =	shalt  }
0x5c: {  	_ =	shalt  }
0x5d: {  	_ =	shalt  }
0x5e: {  	_ =	shalt  }
0x5f: {  	_ =	shalt  }
0x60: {  	_ =	shalt  }
0x61: {  	_ =	shalt  }
0x62: {  	_ =	shalt  }
0x63: {  	_ =	shalt  }
0x64: {  	_ =	shalt  }
0x65: {  	_ =	shalt  }
0x66: {  	_ =	shalt  }
0x67: {  	_ =	shalt  }
0x68: {  	_ =	shalt  }
0x69: {  	_ =	shalt  }
0x6a: {  	_ =	shalt  }
0x6b: {  	_ =	shalt  }
0x6c: {  	_ =	shalt  }
0x6d: {  	_ =	shalt  }
0x6e: {  	_ =	shalt  }
0x6f: {  	_ =	shalt  }
0x70: {  	_ =	shalt  }
0x71: {  	_ =	shalt  }
0x72: {  	_ =	shalt  }
0x73: {  	_ =	shalt  }
0x74: {  	_ =	shalt  }
0x75: {  	_ =	shalt  }
0x76: {  	_ =	shalt  }
0x77: {  	_ =	shalt  }
0x78: {  	_ =	shalt  }
0x79: {  	_ =	shalt  }
0x7a: {  	_ =	shalt  }
0x7b: {  	_ =	shalt  }
0x7c: {  	_ =	shalt  }
0x7d: {  	_ =	shalt  }
0x7e: {  	_ =	shalt  }
0x7f: {  	_ =	shalt  }
0x80: {  	_ =	shalt  }
0x81: {  	_ =	shalt  }
0x82: {  	_ =	shalt  }
0x83: {  	_ =	shalt  }
0x84: {  	_ =	shalt  }
0x85: {  	_ =	shalt  }
0x86: {  	_ =	shalt  }
0x87: {  	_ =	shalt  }
.Lfunc_end0:
.L_simem_size_0:
called_computation_lowered:
.L_overlay_start_0:
0x88: {  	s2 =	sld [smem:$0x3FD9]  }
0x89: {  	s3 =	sld [smem:$0x3FFE];
	_ =	sdelay $0x1  }
0x8a: {  	s1 =	srdreg.scid  }
0x8b: {  	s0 =	sand.u32 $0x1, s1  }
0x8c: {  	s16 =	sshll.u32 s0, $0xA;
	s2 =	sadd.s32 s3, s2  }
0x8d: {  	s2 =	sadd.s32 s2, s16  }
0x8e: {  	[smem:$0x3F97] =	sst s2  }
0x8f: {  	_ = 	snop  }
0x90: {  	(tm) =	ssettm $0x1  }
0x91: {  	s17 =	sld [smem:$0x3FFB];
	_ =	sdelay $0x3  }
0x92: {  	_ =	strace s17  }
0x93: {  	s2 =	sld [smem:$0x3FFC];
	_ =	sdelay $0x3  }
0x94: {  	_ =	strace s2  }
0x95: {  	s2 =	sld [smem:$0x3FFD];
	_ =	sdelay $0x3  }
0x96: {  	_ =	strace s2  }
0x97: {  	_ =	strace $0x8FFFFFFF  }
0x98: {  	s18 =	sld [smem:$0x3FDB];
	_ =	sdelay $0x1  }
0x99: {  	s19 =	simm.s32 $_scs_section_size  }
0x9a: {  	s4 =	simm.s32 $_size__tile_overlayer_lowered;
	s5 =	simm.s32 $_tile_overlayer_lowered  }
0x9b: {  	s22 =	simm.s32 $0x1BFF;
	s21 =	sshll.u32 s5, $0x1;
	s2 =	sadd.s32 s19, s18  }
0x9c: {  	s6 =	simm.s32 $0x0;
	s20 =	sshll.u32 s4, $0x1;
	s4 =	sadd.s32 s21, s2  }
0x9d: {  	[timem:s6], [sflag:s22] =	dma.local [hbm:s4], s20  }
0x9e: {  	_ =	swait.ge [sflag:s22], s20  }
0x9f: {  	s3 =	ssub.s32 $0x0, s20;
	[sflag:s22] =	ssyncset.done $0x0  }
0xa0: {  	[sflag:s22] =	ssyncadd.s32 s3;
	_ =	sdelay $0x1  }
0xa1: {  	s23 =	simm.s32 $0x1B8B  }
0xa2: {  	_ =	swait.ge [sflag:s23], $0x1  }
0xa3: {  	[sflag:s23] =	ssyncset.done $0x0  }
0xa4: {  	s25 =	simm.s32 $0x1B8E;
	s24 =	sld [smem:$0x3FFE];
	[sflag:s23] =	ssyncadd.s32 $0xFFFFFFFF  }
0xa5: {  	s26 =	simm.s32 $execute0_lowered;
	[smem:$0x3FD2] =	sst s25  }
0xa6: {  	s4 =	sshll.u32 s26, $0x1;
	_ =	strace $0x80000046;
	[dreg:$0x1] =	wrdreg $0xFFFFFFFF  }
0xa7: {  	s28 =	simm.s32 $_size_execute0_lowered;
	s2 =	sadd.s32 s2, s4;
	[dreg:$0x0] =	wrdreg $0x0  }
0xa8: {  	s4 =	sshll.u32 s28, $0x1;
	[dreg:$0x2] =	wrdreg s2  }
0xa9: {  	[dreg:$0x3] =	wrdreg s4  }
0xaa: {  	[dreg:$0x4] =	wrdreg $0xC0  }
0xab: {  	_ =	task [dreg:s6], $0x5FFFF  }
0xac: {  	[dreg:$0x1] =	wrdreg $0xFFFFFFFF  }
0xad: {  	[dreg:$0x0] =	wrdreg $0x60  }
0xae: {  	[dreg:$0x2] =	wrdreg s24  }
0xaf: {  	[dreg:$0x3] =	wrdreg $0x9  }
0xb0: {  	_ =	task.clear_ibuf [dreg:s6], $0x4FFFF;
	_ =	strace $0x90000046  }
0xb1: {  	s29 =	simm.s32 $0x9;
	_ =	strace $0x80000048  }
0xb2: {  	_ =	swait.ge [sflag:s29], $0x1  }
0xb3: {  	[sflag:s29] =	ssyncadd.s32 $0xFFFFFFFF  }
0xb4: {  	_ =	strace $0x90000048  }
0xb5: {  	_ =	sfence  }
0xb6: {  	s30 =	sld [smem:$0x0];
	_ =	sdelay $0x2  }
0xb7: {  	s31 =	sshll.u32 s1, $0xD;
	s1 =	sshrl.u32 s1, $0x2  }
0xb8: {  	s3 =	sand.u32 $0x4000, s31;
	s1 =	sadd.s32 s1, s30  }
0xb9: {  	s0 =	sor.u32 s3, s0;
	s1 =	sshll.u32 s1, $0x11  }
0xba: {  	s0 =	sor.u32 s1, s0  }
0xbb: {  	s0 =	sadd.s32 $0x8F2B, s0  }
0xbc: {  	[sflag:s0] =	ssyncadd.remote.s32 $0x1  }
0xbd: {  	_ =	sfence.sel $0xFFFF  }
0xbe: {  	[dreg:$0x0] =	wrdreg $0xFFFFFFFF;
	(pc) =	sbr.abs _section_cstart, $3  }
0xbf: {  	[dreg:$0x1] =	wrdreg $0xFFFFFFFF  }
0xc0: {  	_ =	task.clear_ibuf [dreg:s6], $0x2FFFF;
	_ =	strace $0x9FFFFFFF  }
0xc1: {  	(tm) =	ssettm $0x7FFFFFFF  }
tec
execute0_lowered:
.L_overlay_start_1:
0x0: {  	(tag) =	ssettag $0x1  }
0x1: {  	s0 =	rddreg [dreg:$0x0]  }
0x2: {  	s1 =	srdreg.scid;
	s9 =	stileid.u32  }
0x3: {  	s2 =	simm.s32 $0x0;
	s10 =	simm.s32 $0x4800;
	s11 =	simm.s32 $0x5000  }
0x4: {  	s12 =	simm.s32 $0x5800;
	s13 =	simm.s32 $0x6000;
	s14 =	simm.s32 $0x6800  }
0x5: {  	s15 =	simm.s32 $0x7000;
	s16 =	simm.s32 $0x7800;
	s17 =	simm.s32 $0x8000  }
0x6: {  	s18 =	simm.s32 $0x8800;
	s19 =	simm.s32 $0x9000;
	s26 =	simm.s32 $0x9800  }
0x7: {  	s20 =	simm.s32 $0xA000;
	s21 =	simm.s32 $0xA800;
	s22 =	simm.s32 $0xB000  }
0x8: {  	s28 =	simm.s32 $0xD800;
	s29 =	simm.s32 $0x1;
	s30 =	simm.s32 $0x2  }
0x9: {  	s31 =	simm.s32 $0x0;
	s1 =	sand.u32 $0x1, s1;
	s3 =	sshll.u32 s9, $0x1  }
0xa: {  	[smem:$0x7FF] =	sst s2;
	s7 =	sadd.s32 $0x10A200, s0;
	s9 =	smul.u32 $0x9C400, s9  }
0xb: {  	s4 =	sor.u32 s1, s3;
	_ =	strace $0x80000047;
	s3 =	sadd.s32 $0x49E00, s0  }
0xc: {  	s6 =	ssub.s32 $0x2, s1;
	s1 =	smul.u32 $0x4E200, s1;
	[dreg:$0x3] =	wrdreg s26  }
0xd: {  	s5 =	sshll.u32 s4, $0xB;
	s4 =	smul.u32 $0x271000, s4;
	s8 =	sshrl.u32 s6, $0x1  }
0xe: {  	s26 =	simm.s32 $0xD000;
	s5 =	sadd.s32 s5, s0;
	s8 =	ssub.s32 s6, s8  }
0xf: {  	s23 =	sshrl.u32 s4, $0x3;
	s24 =	sadd.s32 $0xFA200, s5;
	s5 =	sadd.s32 $0x49F00, s0  }
0x10: {  	[dreg:$0x4] =	wrdreg s24;
	s6 =	sadd.s32 s7, s23;
	s7 =	sadd.s32 s9, s7  }
0x11: {  	v2 =	vlaneseq.u32;
	s9 =	simm.s32 $0x4000;
	s23 =	simm.s32 $0xB800;
	s24 =	simm.s32 $0xC000  }
0x12: {  	vm0 =	vmmov $0xffff;
	v1 =	vshrl.u32 v2, $0x3;
	s6 =	sadd.s32 $0x4D800, s6;
	s25 =	sadd.s32 s1, s7;
	s7 =	smax.u32 s8, $0x1  }
0x13: {  	v0 =	vand.u32 $0x7, v2;
	v2 =	vor.u32 $0x8, v2;
	v1 =	vmul.u32 $0x8, v1;
	s8 =	simm.s32 $0x3;
	[dreg:$0x2] =	wrdreg s25;
	s25 =	simm.s32 $0xC800  }
.LBB2_1:
0x14: {  	s0 =	rddreg [dreg:$0x4]  }
0x15: {  	[tilespmem:s2], [sflag:$0x3] =	stream.linear.gather [hbm4b:s0+s2], $0x3E80, $0x38;
	[tilespmem:$0xE000] =	vst v63  }
0x16: {  	_ =	swait.ge [sflag:s8], $0x3E80  }
0x17: {  	[sflag:s8] =	ssyncset.done $0x0  }
0x18: {  	s1 =	simm.s32 $0x0;
	s0 =	simm.s32 $0xA0;
	[sflag:s8] =	ssyncadd.s32 $0xFFFFC180  }
.LBB2_2:
0x19: {  	v3 =	vld [tilespmem:s0+$0xFFFFFF60];
	_ =	sdelay $0x4  }
0x1a: {  	v4 =	vshll.u32 v3, $0x2  }
0x1b: {  	v3 =	vand.u32 $0x7, v3;
	v4 =	vand.u32 $0xFFFFFFE0, v4  }
0x1c: {  	v3 =	vor.u32 v3, v4  }
0x1d: {  	v4 =	vperm.xlane v3, v0;
	_ =	sdelay $0x1  }
0x1e: {  	v4 =	vadd.s32 v1, v4;
	_ =	sdelay $0x1  }
0x1f: {  	v3 =	vperm.xlane v3, v2;
	_ =	sdelay $0x1  }
0x20: {  	v3 =	vadd.s32 v1, v3  }
0x21: {  	[tilespmem:s9], [sflag:$0x1] =	stream.indirect_vreg.gather [hbm4b:s3+s2], $0x80, v4, vm0, $0xb8;
	[tilespmem:$0xE000] =	vst v63  }
0x22: {  	_ = 	snop  }
0x23: {  	[tilespmem:s10], [sflag:$0x1] =	stream.indirect_vreg.gather [hbm4b:s5+s2], $0x80, v4, vm0, $0xb8;
	[tilespmem:$0xE000] =	vst v63  }
0x24: {  	_ = 	snop  }
0x25: {  	[tilespmem:s11], [sflag:$0x1] =	stream.indirect_vreg.gather [hbm4b:s3+s2], $0x80, v3, vm0, $0xb8;
	[tilespmem:$0xE000] =	vst v63  }
0x26: {  	_ = 	snop  }
0x27: {  	[tilespmem:s12], [sflag:$0x1] =	stream.indirect_vreg.gather [hbm4b:s5+s2], $0x80, v3, vm0, $0xb8;
	[tilespmem:$0xE000] =	vst v63  }
0x28: {  	v3 =	vld [tilespmem:s0+$0xFFFFFF70];
	_ =	sdelay $0x4  }
0x29: {  	v59 =	vshll.u32 v3, $0x2  }
0x2a: {  	v3 =	vand.u32 $0x7, v3;
	v4 =	vand.u32 $0xFFFFFFE0, v59  }
0x2b: {  	v3 =	vor.u32 v3, v4  }
0x2c: {  	v4 =	vperm.xlane v3, v0;
	_ =	sdelay $0x1  }
0x2d: {  	v4 =	vadd.s32 v1, v4;
	_ =	sdelay $0x1  }
0x2e: {  	v3 =	vperm.xlane v3, v2;
	_ =	sdelay $0x1  }
0x2f: {  	v3 =	vadd.s32 v1, v3  }
0x30: {  	[tilespmem:s13], [sflag:$0x1] =	stream.indirect_vreg.gather [hbm4b:s3+s2], $0x80, v4, vm0, $0xb8;
	[tilespmem:$0xE000] =	vst v63  }
0x31: {  	_ = 	snop  }
0x32: {  	[tilespmem:s14], [sflag:$0x1] =	stream.indirect_vreg.gather [hbm4b:s5+s2], $0x80, v4, vm0, $0xb8;
	[tilespmem:$0xE000] =	vst v63  }
0x33: {  	_ = 	snop  }
0x34: {  	[tilespmem:s15], [sflag:$0x1] =	stream.indirect_vreg.gather [hbm4b:s3+s2], $0x80, v3, vm0, $0xb8;
	[tilespmem:$0xE000] =	vst v63  }
0x35: {  	_ = 	snop  }
0x36: {  	[tilespmem:s16], [sflag:$0x1] =	stream.indirect_vreg.gather [hbm4b:s5+s2], $0x80, v3, vm0, $0xb8;
	[tilespmem:$0xE000] =	vst v63  }
0x37: {  	v3 =	vld.msk [tilespmem:s0+$0xFFFFFF80], $0xff;
	_ =	sdelay $0x4  }
0x38: {  	v60 =	vshll.u32 v3, $0x2  }
0x39: {  	v3 =	vand.u32 $0x7, v3;
	v4 =	vand.u32 $0xFFFFFFE0, v60  }
0x3a: {  	v3 =	vor.u32 v3, v4  }
0x3b: {  	v3 =	vperm.xlane v3, v0;
	_ =	sdelay $0x1  }
0x3c: {  	v3 =	vadd.s32 v1, v3;
	_ =	sdelay $0x4  }
0x3d: {  	[tilespmem:s17], [sflag:$0x1] =	stream.indirect_vreg.gather [hbm4b:s3+s2], $0x80, v3, vm0, $0xb8;
	[tilespmem:$0xE000] =	vst v63  }
0x3e: {  	_ = 	snop  }
0x3f: {  	[tilespmem:s18], [sflag:$0x1] =	stream.indirect_vreg.gather [hbm4b:s5+s2], $0x80, v3, vm0, $0xb8;
	[tilespmem:$0xE000] =	vst v63  }
0x40: {  	v3 =	vld [tilespmem:s0+$0xFFFFFFE0];
	_ =	sdelay $0x4  }
0x41: {  	v61 =	vshll.u32 v3, $0x2  }
0x42: {  	v3 =	vand.u32 $0x7, v3;
	v4 =	vand.u32 $0xFFFFFFE0, v61  }
0x43: {  	v3 =	vor.u32 v3, v4  }
0x44: {  	v4 =	vperm.xlane v3, v0;
	_ =	sdelay $0x1  }
0x45: {  	v4 =	vadd.s32 v1, v4;
	_ =	sdelay $0x1  }
0x46: {  	v3 =	vperm.xlane v3, v2;
	_ =	sdelay $0x1  }
0x47: {  	v3 =	vadd.s32 v1, v3  }
0x48: {  	[tilespmem:s19], [sflag:$0x2] =	stream.indirect_vreg.gather [hbm4b:s3+s2], $0x80, v4, vm0, $0xb8;
	[tilespmem:$0xE000] =	vst v63  }
0x49: {  	s4 =	rddreg [dreg:$0x3]  }
0x4a: {  	[tilespmem:s4], [sflag:$0x2] =	stream.indirect_vreg.gather [hbm4b:s5+s2], $0x80, v4, vm0, $0xb8;
	[tilespmem:$0xE000] =	vst v63  }
0x4b: {  	_ = 	snop  }
0x4c: {  	[tilespmem:s20], [sflag:$0x2] =	stream.indirect_vreg.gather [hbm4b:s3+s2], $0x80, v3, vm0, $0xb8;
	[tilespmem:$0xE000] =	vst v63  }
0x4d: {  	_ = 	snop  }
0x4e: {  	[tilespmem:s21], [sflag:$0x2] =	stream.indirect_vreg.gather [hbm4b:s5+s2], $0x80, v3, vm0, $0xb8;
	[tilespmem:$0xE000] =	vst v63  }
0x4f: {  	v3 =	vld [tilespmem:s0+$0xFFFFFFF0];
	_ =	sdelay $0x4  }
0x50: {  	v62 =	vshll.u32 v3, $0x2  }
0x51: {  	v3 =	vand.u32 $0x7, v3;
	v4 =	vand.u32 $0xFFFFFFE0, v62  }
0x52: {  	v3 =	vor.u32 v3, v4  }
0x53: {  	v4 =	vperm.xlane v3, v0;
	_ =	sdelay $0x1  }
0x54: {  	v4 =	vadd.s32 v1, v4;
	_ =	sdelay $0x1  }
0x55: {  	v3 =	vperm.xlane v3, v2;
	_ =	sdelay $0x1  }
0x56: {  	v3 =	vadd.s32 v1, v3  }
0x57: {  	[tilespmem:s22], [sflag:$0x2] =	stream.indirect_vreg.gather [hbm4b:s3+s2], $0x80, v4, vm0, $0xb8;
	[tilespmem:$0xE000] =	vst v63  }
0x58: {  	_ = 	snop  }
0x59: {  	[tilespmem:s23], [sflag:$0x2] =	stream.indirect_vreg.gather [hbm4b:s5+s2], $0x80, v4, vm0, $0xb8;
	[tilespmem:$0xE000] =	vst v63  }
0x5a: {  	_ = 	snop  }
0x5b: {  	[tilespmem:s24], [sflag:$0x2] =	stream.indirect_vreg.gather [hbm4b:s3+s2], $0x80, v3, vm0, $0xb8;
	[tilespmem:$0xE000] =	vst v63  }
0x5c: {  	_ = 	snop  }
0x5d: {  	[tilespmem:s25], [sflag:$0x2] =	stream.indirect_vreg.gather [hbm4b:s5+s2], $0x80, v3, vm0, $0xb8;
	[tilespmem:$0xE000] =	vst v63  }
0x5e: {  	v3 =	vld.msk [tilespmem:s0+$0x0], $0xff;
	_ =	sdelay $0x4  }
0x5f: {  	v63 =	vshll.u32 v3, $0x2  }
0x60: {  	v3 =	vand.u32 $0x7, v3;
	v4 =	vand.u32 $0xFFFFFFE0, v63  }
0x61: {  	v3 =	vor.u32 v3, v4  }
0x62: {  	v3 =	vperm.xlane v3, v0;
	_ =	sdelay $0x1  }
0x63: {  	v3 =	vadd.s32 v1, v3;
	_ =	sdelay $0x4  }
0x64: {  	[tilespmem:s26], [sflag:$0x2] =	stream.indirect_vreg.gather [hbm4b:s3+s2], $0x80, v3, vm0, $0xb8;
	[tilespmem:$0xE000] =	vst v63  }
0x65: {  	_ = 	snop  }
0x66: {  	[tilespmem:s28], [sflag:$0x2] =	stream.indirect_vreg.gather [hbm4b:s5+s2], $0x80, v3, vm0, $0xb8;
	[tilespmem:$0xE000] =	vst v63  }
0x67: {  	_ =	swait.ge [sflag:s29], $0x5000  }
0x68: {  	s4 =	rddreg [dreg:$0x2];
	[sflag:s29] =	ssyncset.done $0x0  }
0x69: {  	[sflag:s29] =	ssyncadd.s32 $0xFFFFB000;
	s4 =	sadd.s32 s1, s4  }
0x6a: {  	[hbm4b:s4+s2] =	stream.linear.scatter [tilespmem:s9], [sflag:$0x3], $0x5000, $0x38;
	[tilespmem:$0xE000] =	vst v63  }
0x6b: {  	_ =	swait.ge [sflag:s8], $0x5000  }
0x6c: {  	[sflag:s8] =	ssyncset.done $0x0  }
0x6d: {  	[sflag:s8] =	ssyncadd.s32 $0xFFFFB000  }
0x6e: {  	_ =	swait.ge [sflag:s30], $0x5000  }
0x6f: {  	p0 =	sne.s32 s1, $0x4C400;
	[sflag:s30] =	ssyncset.done $0x0  }
.Ltmp0:
0x70: {  	s4 =	sadd.s32 $0xA00, s4;
	[sflag:s30] =	ssyncadd.s32 $0xFFFFB000;
	(pc) =	sbr.rel @p0 .LBB2_2-.Ltmp0, $4  }
0x71: {  	[hbm4b:s4+s2] =	stream.linear.scatter [tilespmem:s19], [sflag:$0x3], $0x5000, $0x38;
	[tilespmem:$0xE000] =	vst v63  }
0x72: {  	_ =	swait.ge [sflag:s8], $0x5000  }
0x73: {  	[sflag:s8] =	ssyncset.done $0x0  }
0x74: {  	s0 =	sadd.s32 $0x100, s0;
	s1 =	sadd.s32 $0x1400, s1;
	[sflag:s8] =	ssyncadd.s32 $0xFFFFB000  }
0x75: {  	v3 =	vld [tilespmem:$0x3E00];
	_ =	sdelay $0x4  }
0x76: {  	v4 =	vshll.u32 v3, $0x2  }
0x77: {  	v3 =	vand.u32 $0x7, v3;
	v4 =	vand.u32 $0xFFFFFFE0, v4  }
0x78: {  	v3 =	vor.u32 v3, v4  }
0x79: {  	v4 =	vperm.xlane v3, v0;
	_ =	sdelay $0x1  }
0x7a: {  	v4 =	vadd.s32 v1, v4;
	_ =	sdelay $0x1  }
0x7b: {  	v3 =	vperm.xlane v3, v2;
	_ =	sdelay $0x1  }
0x7c: {  	v3 =	vadd.s32 v1, v3  }
0x7d: {  	[tilespmem:s9], [sflag:$0x1] =	stream.indirect_vreg.gather [hbm4b:s3+s2], $0x80, v4, vm0, $0xb8;
	[tilespmem:$0xE000] =	vst v63  }
0x7e: {  	_ = 	snop  }
0x7f: {  	[tilespmem:s10], [sflag:$0x1] =	stream.indirect_vreg.gather [hbm4b:s5+s2], $0x80, v4, vm0, $0xb8;
	[tilespmem:$0xE000] =	vst v63  }
0x80: {  	_ = 	snop  }
0x81: {  	[tilespmem:s11], [sflag:$0x1] =	stream.indirect_vreg.gather [hbm4b:s3+s2], $0x80, v3, vm0, $0xb8;
	[tilespmem:$0xE000] =	vst v63  }
0x82: {  	_ = 	snop  }
0x83: {  	[tilespmem:s12], [sflag:$0x1] =	stream.indirect_vreg.gather [hbm4b:s5+s2], $0x80, v3, vm0, $0xb8;
	[tilespmem:$0xE000] =	vst v63  }
0x84: {  	v3 =	vld [tilespmem:$0x3E10];
	_ =	sdelay $0x4  }
0x85: {  	v62 =	vshll.u32 v3, $0x2  }
0x86: {  	v3 =	vand.u32 $0x7, v3;
	v4 =	vand.u32 $0xFFFFFFE0, v62  }
0x87: {  	v3 =	vor.u32 v3, v4  }
0x88: {  	v4 =	vperm.xlane v3, v0;
	_ =	sdelay $0x1  }
0x89: {  	v4 =	vadd.s32 v1, v4;
	_ =	sdelay $0x1  }
0x8a: {  	v3 =	vperm.xlane v3, v2;
	_ =	sdelay $0x1  }
0x8b: {  	v3 =	vadd.s32 v1, v3  }
0x8c: {  	[tilespmem:s13], [sflag:$0x1] =	stream.indirect_vreg.gather [hbm4b:s3+s2], $0x80, v4, vm0, $0xb8;
	[tilespmem:$0xE000] =	vst v63  }
0x8d: {  	_ = 	snop  }
0x8e: {  	[tilespmem:s14], [sflag:$0x1] =	stream.indirect_vreg.gather [hbm4b:s5+s2], $0x80, v4, vm0, $0xb8;
	[tilespmem:$0xE000] =	vst v63  }
0x8f: {  	_ = 	snop  }
0x90: {  	[tilespmem:s15], [sflag:$0x1] =	stream.indirect_vreg.gather [hbm4b:s3+s2], $0x80, v3, vm0, $0xb8;
	[tilespmem:$0xE000] =	vst v63  }
0x91: {  	_ = 	snop  }
0x92: {  	[tilespmem:s16], [sflag:$0x1] =	stream.indirect_vreg.gather [hbm4b:s5+s2], $0x80, v3, vm0, $0xb8;
	[tilespmem:$0xE000] =	vst v63  }
0x93: {  	v3 =	vld.msk [tilespmem:$0x3E20], $0xff;
	_ =	sdelay $0x4  }
0x94: {  	v63 =	vshll.u32 v3, $0x2  }
0x95: {  	v3 =	vand.u32 $0x7, v3;
	v4 =	vand.u32 $0xFFFFFFE0, v63  }
0x96: {  	v3 =	vor.u32 v3, v4  }
0x97: {  	v3 =	vperm.xlane v3, v0;
	_ =	sdelay $0x1  }
0x98: {  	v3 =	vadd.s32 v1, v3;
	_ =	sdelay $0x4  }
0x99: {  	[tilespmem:s17], [sflag:$0x1] =	stream.indirect_vreg.gather [hbm4b:s3+s2], $0x80, v3, vm0, $0xb8;
	[tilespmem:$0xE000] =	vst v63  }
0x9a: {  	_ = 	snop  }
0x9b: {  	[tilespmem:s18], [sflag:$0x1] =	stream.indirect_vreg.gather [hbm4b:s5+s2], $0x80, v3, vm0, $0xb8;
	[tilespmem:$0xE000] =	vst v63  }
0x9c: {  	s31 =	sadd.s32 $0x1, s31;
	_ =	swait.ge [sflag:s29], $0x5000  }
0x9d: {  	p0 =	sne.s32 s31, s7;
	[sflag:s29] =	ssyncset.done $0x0  }
.Ltmp1:
0x9e: {  	[sflag:s29] =	ssyncadd.s32 $0xFFFFB000;
	(pc) =	sbr.rel @p0 .LBB2_1-.Ltmp1, $4  }
0x9f: {  	[hbm4b:s6+s2] =	stream.linear.scatter [tilespmem:s9], [sflag:$0x3], $0x5000, $0x38;
	[tilespmem:$0xE000] =	vst v63  }
0xa0: {  	_ =	swait.ge [sflag:s8], $0x5000  }
0xa1: {  	[sflag:s8] =	ssyncset.done $0x0  }
0xa2: {  	[sflag:s8] =	ssyncadd.s32 $0xFFFFB000  }
0xa3: {  	_ =	sfence.sel $0x180000  }
0xa4: {  	[bflag:$0x0] =	sbarrier.arrive $0xFFFF  }
0xa5: {  	_ =	strace $0x90000047  }
0xa6: {  	s0 =	stileid.u32;
	[bflag:$0x2] =	sbarrier.arrive $0xFFFF  }
0xa7: {  	p0 =	sne.s32 s0, $0x0;
	s0 =	rddreg [dreg:$0x1]  }
0xa8: {  	s0 =	sadd.s32 @!p0 $0x100000, s0  }
0xa9: {  	[sflag:s0] =	ssyncadd.tile.s32 @!p0 $0x1;
	_ =	shalt  }
.Lfunc_end2:
_tile_overlayer_lowered:
.L_overlay_start_2:
0xaa: {  	(tag) =	ssettag $0x2  }
0xab: {  	s0 =	rddreg [dreg:$0x0];
	s2 =	stileid.u32  }
0xac: {  	s1 =	rddreg [dreg:$0x1];
	p0 =	sne.s32 s2, $0x0  }
0xad: {  	s3 =	rddreg [dreg:$0x2];
	[bflag:$0x3] =	sbarrier.arrive $0xFFFF;
	s2 =	simm.s32 @!p0 $0x1C03  }
0xae: {  	[timem:s3], [sflag:s2] =	dma.local @!p0 [hbm:s0], s1  }
0xaf: {  	s0 =	simm.s32 @!p0 $0x3  }
0xb0: {  	_ =	swait.ge @!p0 [sflag:s0], s1  }
0xb1: {  	s1 =	ssub.s32 @!p0 $0x0, s1;
	[sflag:s0] =	ssyncset.done @!p0 $0x0  }
0xb2: {  	[sflag:s0] =	ssyncadd.s32 @!p0 s1  }
0xb3: {  	[bflag:$0x3] =	sbarrier.arrive $0xFFFF  }
0xb4: {  	_ =	shalt  }

// kernel: kernel.17.cloned.1.call-start
scs
__scs_entry_jumppad:
0x0: {  	(pc) =	sbr.rel $0x88, $3  }
0x1: {  	(tag) =	ssettag $0x0;
	lr =	simm.s32 $0x1  }
0x2: {  	[smem:$0x3F70] =	sst lr;
	_ =	strace $0xD0000000  }
0x3: {  	_ = 	snop  }
0x4: {  	_ = 	snop  }
0x5: {  	_ = 	snop  }
0x6: {  	_ = 	snop  }
0x7: {  	_ = 	snop  }
__scs_overlays_trampoline_lowered:
0x8: {  	[smem:$0x3F7F] =	sst s0  }
0x9: {  	[smem:$0x3F80] =	sst s1  }
0xa: {  	[smem:$0x3F81] =	sst s2  }
0xb: {  	[smem:$0x3F82] =	sst s3  }
0xc: {  	[smem:$0x3F83] =	sst s4  }
0xd: {  	[smem:$0x3F84] =	sst s5  }
0xe: {  	[smem:$0x3F85] =	sst s6  }
0xf: {  	[smem:$0x3F86] =	sst s7  }
0x10: {  	[smem:$0x3F87] =	sst s8  }
0x11: {  	[smem:$0x3F88] =	sst s9;
	s0 =	simm.s32 @!p0 $0x0  }
0x12: {  	s1 =	sld [smem:$0x3F6E];
	s0 =	simm.s32 @p0 $0x1  }
0x13: {  	[smem:$0x3F89] =	sst s0;
	s0 =	simm.s32 @!p1 $0x0  }
0x14: {  	s2 =	sld [smem:$0x3F6D];
	s0 =	simm.s32 @p1 $0x1  }
0x15: {  	[smem:$0x3F8A] =	sst s0;
	s0 =	simm.s32 @!p2 $0x0  }
0x16: {  	s3 =	sld [smem:$0x3FDB];
	s0 =	simm.s32 @p2 $0x1  }
0x17: {  	s4 =	simm.s32 $0x1BF5;
	[smem:$0x3F8C] =	sst s0  }
0x18: {  	s0 =	sld [smem:$0x3F6F];
	_ =	swait.ge [sflag:s4], $0x0  }
0x19: {  	s7 =	sld [smem:$0x3F70]  }
0x1a: {  	s8 =	sadd.s32 $0xFFFFE003, lr  }
0x1b: {  	s9 =	sadd.s32 $0xFFFFFEF7, lr;
	s5 =	simm.s32 $0xFFFFFFFF;
	p2 =	slt.u32 s8, $0xFFFFF086  }
0x1c: {  	p1 =	slt.u32 s9, $0xF7A;
	s5 =	simm.s32 @!p2 $0x0  }
0x1d: {  	s5 =	simm.s32 @p1 $0x1;
	p0 =	seq.s32 s7, s2  }
0x1e: {  	s7 =	smul.u32 @!p0 $0xF7A, s2;
	p2 =	seq.s32 @!p0 s5, $0x0  }
0x1f: {  	s9 =	smul.u32 $0xF7A, s1;
	s8 =	simm.s32 @!p0 $0x1BF5;
	p2 =	por !p2, p0  }
0x20: {  	[sflag:s8] =	ssyncset.s32 @!p0 $0xFFFFF086;
	s6 =	sadd.s32 @!p0 s3, s7;
	s7 =	simm.s32 @!p0 $0x108  }
0x21: {  	s3 =	sadd.s32 s3, s9;
	s6 =	sadd.s32 @!p0 $0x88, s6;
	s7 =	simm.s32 @p2 $0x1082  }
0x22: {  	[simem:s7], [sflag:s8] =	dma.local @!p0 [hbm:s6], $0xF7A  }
0x23: {  	s9 =	sor.u32 $0xD0000000, s2;
	s6 =	simm.s32 $0x108;
	_ =	swait.ge @!p0 [sflag:s8], $0x0  }
0x24: {  	s3 =	sadd.s32 $0x88, s3;
	s6 =	simm.s32 @!p1 $0x1082;
	[sflag:s4] =	ssyncset.s32 $0xFFFFF086  }
0x25: {  	[simem:s6], [sflag:s4] =	dma.local [hbm:s3], $0xF7A  }
0x26: {  	[smem:$0x3F70] =	sst s1;
	(tag) =	ssettag s2;
	_ =	strace s9  }
0x27: {  	s1 =	sld [smem:$0x3F80]  }
0x28: {  	s2 =	sld [smem:$0x3F81]  }
0x29: {  	s4 =	sld [smem:$0x3F83]  }
0x2a: {  	p0 =	seq.s32 s5, $0x0;
	s5 =	sld [smem:$0x3F84]  }
0x2b: {  	s6 =	sld [smem:$0x3F85]  }
0x2c: {  	s7 =	sld [smem:$0x3F86]  }
0x2d: {  	s3 =	simm.s32 $0x108;
	s8 =	sld [smem:$0x3F87]  }
0x2e: {  	s3 =	simm.s32 @!p0 $0x1082;
	s9 =	sld [smem:$0x3F88]  }
0x2f: {  	lr =	sadd.s32 s0, s3;
	s0 =	sld [smem:$0x3F7F]  }
0x30: {  	s3 =	sld [smem:$0x3F82]  }
0x31: {  	[smem:$0x3F8B] =	sst s10  }
0x32: {  	s10 =	sld [smem:$0x3F89];
	_ =	sdelay $0x3  }
0x33: {  	p0 =	seq.s32 s10, $0x1;
	s10 =	sld [smem:$0x3F8B];
	_ =	sdelay $0x3  }
0x34: {  	[smem:$0x3F8B] =	sst s10  }
0x35: {  	s10 =	sld [smem:$0x3F8A];
	_ =	sdelay $0x3  }
0x36: {  	p1 =	seq.s32 s10, $0x1;
	s10 =	sld [smem:$0x3F8B];
	_ =	sdelay $0x3  }
0x37: {  	[smem:$0x3F8B] =	sst s10  }
0x38: {  	s10 =	sld [smem:$0x3F8C]  }
0x39: {  	_ = 	snop;
	(pc) =	sbr.ind lr, $3  }
0x3a: {  	_ = 	snop  }
0x3b: {  	_ = 	snop  }
0x3c: {  	p2 =	seq.s32 s10, $0x1;
	s10 =	sld [smem:$0x3F8B]  }
0x3d: {  	_ =	shalt  }
0x3e: {  	_ =	shalt  }
0x3f: {  	_ =	shalt  }
0x40: {  	_ =	shalt  }
0x41: {  	_ =	shalt  }
0x42: {  	_ =	shalt  }
0x43: {  	_ =	shalt  }
0x44: {  	_ =	shalt  }
0x45: {  	_ =	shalt  }
0x46: {  	_ =	shalt  }
0x47: {  	_ =	shalt  }
0x48: {  	_ =	shalt  }
0x49: {  	_ =	shalt  }
0x4a: {  	_ =	shalt  }
0x4b: {  	_ =	shalt  }
0x4c: {  	_ =	shalt  }
0x4d: {  	_ =	shalt  }
0x4e: {  	_ =	shalt  }
0x4f: {  	_ =	shalt  }
0x50: {  	_ =	shalt  }
0x51: {  	_ =	shalt  }
0x52: {  	_ =	shalt  }
0x53: {  	_ =	shalt  }
0x54: {  	_ =	shalt  }
0x55: {  	_ =	shalt  }
0x56: {  	_ =	shalt  }
0x57: {  	_ =	shalt  }
0x58: {  	_ =	shalt  }
0x59: {  	_ =	shalt  }
0x5a: {  	_ =	shalt  }
0x5b: {  	_ =	shalt  }
0x5c: {  	_ =	shalt  }
0x5d: {  	_ =	shalt  }
0x5e: {  	_ =	shalt  }
0x5f: {  	_ =	shalt  }
0x60: {  	_ =	shalt  }
0x61: {  	_ =	shalt  }
0x62: {  	_ =	shalt  }
0x63: {  	_ =	shalt  }
0x64: {  	_ =	shalt  }
0x65: {  	_ =	shalt  }
0x66: {  	_ =	shalt  }
0x67: {  	_ =	shalt  }
0x68: {  	_ =	shalt  }
0x69: {  	_ =	shalt  }
0x6a: {  	_ =	shalt  }
0x6b: {  	_ =	shalt  }
0x6c: {  	_ =	shalt  }
0x6d: {  	_ =	shalt  }
0x6e: {  	_ =	shalt  }
0x6f: {  	_ =	shalt  }
0x70: {  	_ =	shalt  }
0x71: {  	_ =	shalt  }
0x72: {  	_ =	shalt  }
0x73: {  	_ =	shalt  }
0x74: {  	_ =	shalt  }
0x75: {  	_ =	shalt  }
0x76: {  	_ =	shalt  }
0x77: {  	_ =	shalt  }
0x78: {  	_ =	shalt  }
0x79: {  	_ =	shalt  }
0x7a: {  	_ =	shalt  }
0x7b: {  	_ =	shalt  }
0x7c: {  	_ =	shalt  }
0x7d: {  	_ =	shalt  }
0x7e: {  	_ =	shalt  }
0x7f: {  	_ =	shalt  }
0x80: {  	_ =	shalt  }
0x81: {  	_ =	shalt  }
0x82: {  	_ =	shalt  }
0x83: {  	_ =	shalt  }
0x84: {  	_ =	shalt  }
0x85: {  	_ =	shalt  }
0x86: {  	_ =	shalt  }
0x87: {  	_ =	shalt  }
.Lfunc_end0:
.L_simem_size_0:
called_computation.1_lowered:
.L_overlay_start_0:
0x88: {  	s2 =	sld [smem:$0x3FD9]  }
0x89: {  	s3 =	sld [smem:$0x3FFE];
	_ =	sdelay $0x1  }
0x8a: {  	s1 =	srdreg.scid  }
0x8b: {  	s0 =	sand.u32 $0x1, s1  }
0x8c: {  	s17 =	sshll.u32 s0, $0xA;
	s2 =	sadd.s32 s3, s2  }
0x8d: {  	s2 =	sadd.s32 s2, s17  }
0x8e: {  	[smem:$0x3F97] =	sst s2  }
0x8f: {  	_ = 	snop  }
0x90: {  	(tm) =	ssettm $0x1  }
0x91: {  	s18 =	sld [smem:$0x3FFB];
	_ =	sdelay $0x3  }
0x92: {  	_ =	strace s18  }
0x93: {  	s2 =	sld [smem:$0x3FFC];
	_ =	sdelay $0x3  }
0x94: {  	_ =	strace s2  }
0x95: {  	s2 =	sld [smem:$0x3FFD];
	_ =	sdelay $0x3  }
0x96: {  	_ =	strace s2  }
0x97: {  	_ =	strace $0x8FFFFFFF  }
0x98: {  	s19 =	sld [smem:$0x3FDB];
	_ =	sdelay $0x1  }
0x99: {  	s20 =	simm.s32 $_scs_section_size  }
0x9a: {  	s4 =	simm.s32 $_size__tile_overlayer_lowered;
	s5 =	simm.s32 $_tile_overlayer_lowered  }
0x9b: {  	s6 =	simm.s32 $0x1BFF;
	s21 =	sshll.u32 s5, $0x1;
	s3 =	sadd.s32 s20, s19  }
0x9c: {  	s22 =	simm.s32 $0x0;
	s4 =	sshll.u32 s4, $0x1;
	s5 =	sadd.s32 s21, s3  }
0x9d: {  	[timem:s22], [sflag:s6] =	dma.local [hbm:s5], s4  }
0x9e: {  	_ =	swait.ge [sflag:s6], s4  }
0x9f: {  	s4 =	ssub.s32 $0x0, s4;
	[sflag:s6] =	ssyncset.done $0x0  }
0xa0: {  	[sflag:s6] =	ssyncadd.s32 s4;
	_ =	sdelay $0x1  }
0xa1: {  	s23 =	simm.s32 $0x1B8B  }
0xa2: {  	_ =	swait.ge [sflag:s23], $0x1  }
0xa3: {  	[sflag:s23] =	ssyncset.done $0x0  }
0xa4: {  	[sflag:s23] =	ssyncadd.s32 $0xFFFFFFFF  }
0xa5: {  	s4 =	sld [smem:$0x0]  }
0xa6: {  	s5 =	sand.u32 $0xFFFFFFFE, s1  }
0xa7: {  	p0 =	sne.s32 s1, s5  }
0xa8: {  	s5 =	sshll.u32 @p0 s5, $0xE  }
0xa9: {  	s5 =	sadd.s32 @p0 $0x11B8D, s5;
	s6 =	sshll.u32 @p0 s4, $0x11  }
0xaa: {  	s5 =	sor.u32 @p0 s6, s5  }
0xab: {  	[sflag:s5] =	ssyncadd.remote.s32 @p0 $0x1;
	_ =	sdelay $0x1  }
0xac: {  	s5 =	simm.s32 @p0 $0x1B8D  }
0xad: {  	_ =	swait.eq @p0 [sflag:s5], $0x1  }
0xae: {  	[sflag:s5] =	ssyncadd.s32 @p0 $0xFFFFFFFF  }
0xaf: {  	s6 =	sshll.u32 @!p0 s1, $0xE  }
0xb0: {  	s6 =	sor.u32 @!p0 $0x4000, s6;
	s5 =	simm.s32 @!p0 $0x1B8D  }
0xb1: {  	s4 =	sshll.u32 @!p0 s4, $0x11;
	s6 =	sadd.s32 @!p0 $0x11B8D, s6;
	_ =	swait.eq @!p0 [sflag:s5], $0x1  }
0xb2: {  	s4 =	sor.u32 @!p0 s4, s6;
	[sflag:s5] =	ssyncadd.s32 @!p0 $0xFFFFFFFF  }
0xb3: {  	s25 =	simm.s32 $0x1B8E;
	s24 =	sld [smem:$0x3FFE];
	[sflag:s4] =	ssyncadd.remote.s32 @!p0 $0x1  }
0xb4: {  	s26 =	simm.s32 $execute0_lowered;
	[smem:$0x3FD2] =	sst s25  }
0xb5: {  	s5 =	sshll.u32 s26, $0x1;
	_ =	strace $0x80000049;
	[dreg:$0x1] =	wrdreg $0xFFFFFFFF  }
0xb6: {  	s28 =	simm.s32 $_size_execute0_lowered;
	s3 =	sadd.s32 s3, s5;
	[dreg:$0x0] =	wrdreg $0x0  }
0xb7: {  	s5 =	sshll.u32 s28, $0x1;
	[dreg:$0x2] =	wrdreg s3  }
0xb8: {  	[dreg:$0x3] =	wrdreg s5  }
0xb9: {  	[dreg:$0x4] =	wrdreg $0xC0  }
0xba: {  	_ =	task [dreg:s22], $0x5FFFF  }
0xbb: {  	[dreg:$0x1] =	wrdreg $0xFFFFFFFF  }
0xbc: {  	[dreg:$0x0] =	wrdreg $0x60  }
0xbd: {  	[dreg:$0x2] =	wrdreg s24  }
0xbe: {  	[dreg:$0x3] =	wrdreg $0xA  }
0xbf: {  	_ =	task.clear_ibuf [dreg:s22], $0x4FFFF;
	_ =	strace $0x90000049  }
0xc0: {  	s29 =	simm.s32 $0xA;
	_ =	strace $0x8000004B  }
0xc1: {  	_ =	swait.ge [sflag:s29], $0x1  }
0xc2: {  	[sflag:s29] =	ssyncadd.s32 $0xFFFFFFFF  }
0xc3: {  	_ =	strace $0x9000004B  }
0xc4: {  	_ =	sfence  }
0xc5: {  	s30 =	sld [smem:$0x0];
	_ =	sdelay $0x2  }
0xc6: {  	s31 =	sshll.u32 s1, $0xD;
	s1 =	sshrl.u32 s1, $0x2  }
0xc7: {  	s4 =	sand.u32 $0x4000, s31;
	s1 =	sadd.s32 s1, s30  }
0xc8: {  	s0 =	sor.u32 s4, s0;
	s1 =	sshll.u32 s1, $0x11  }
0xc9: {  	s0 =	sor.u32 s1, s0  }
0xca: {  	s0 =	sadd.s32 $0x8F2B, s0  }
0xcb: {  	[sflag:s0] =	ssyncadd.remote.s32 $0x1  }
0xcc: {  	_ =	sfence.sel $0xFFFF  }
0xcd: {  	[dreg:$0x0] =	wrdreg $0xFFFFFFFF;
	(pc) =	sbr.abs _section_cstart, $3  }
0xce: {  	[dreg:$0x1] =	wrdreg $0xFFFFFFFF  }
0xcf: {  	_ =	task.clear_ibuf [dreg:s22], $0x2FFFF;
	_ =	strace $0x9FFFFFFF  }
0xd0: {  	(tm) =	ssettm $0x7FFFFFFF  }
0xd1: {  	_ =	shalt  }
tec
execute0_lowered:
.L_overlay_start_1:
0x0: {  	(tag) =	ssettag $0x1  }
0x1: {  	s0 =	srdreg.scid  }
0x2: {  	s4 =	stileid.u32;
	s9 =	rddreg [dreg:$0x0]  }
0x3: {  	s13 =	simm.s32 $0x4800;
	s0 =	sand.u32 $0x1, s0;
	s1 =	smul.u32 $0x2710, s4  }
0x4: {  	s14 =	simm.s32 $0x5000;
	s15 =	simm.s32 $0x5800;
	s2 =	smul.u32 $0x1388, s0  }
0x5: {  	s16 =	simm.s32 $0x6000;
	s18 =	simm.s32 $0x6800;
	s19 =	simm.s32 $0x7000  }
0x6: {  	s20 =	simm.s32 $0x7800;
	s1 =	sadd.s32 s2, s1;
	s2 =	simm.s32 $0x0  }
0x7: {  	s21 =	simm.s32 $0x8000;
	s22 =	simm.s32 $0x8800;
	[smem:$0x7FF] =	sst s2  }
0x8: {  	s23 =	simm.s32 $0x9000;
	_ =	strace $0x8000004A;
	[dreg:$0x3] =	wrdreg s13  }
0x9: {  	s4 =	sshll.u32 s4, $0xC;
	s5 =	sshll.u32 s0, $0xB;
	[dreg:$0x4] =	wrdreg s14  }
0xa: {  	s24 =	simm.s32 $0x9800;
	s4 =	sor.u32 s5, s4;
	[dreg:$0x5] =	wrdreg s15  }
0xb: {  	s25 =	simm.s32 $0xA000;
	s4 =	sadd.s32 s4, s9;
	[dreg:$0x6] =	wrdreg s16  }
0xc: {  	s26 =	simm.s32 $0xA800;
	s4 =	sadd.s32 $0xCA2E00, s4;
	[dreg:$0x7] =	wrdreg s18  }
0xd: {  	s11 =	simm.s32 $0x2;
	s12 =	simm.s32 $0x4000;
	[dreg:$0x10] =	wrdreg s4  }
0xe: {  	s28 =	simm.s32 $0x12000;
	s29 =	simm.s32 $0x12800;
	[dreg:$0x8] =	wrdreg s19  }
0xf: {  	s30 =	simm.s32 $0x1;
	s31 =	simm.s32 $0x0;
	[dreg:$0x9] =	wrdreg s20  }
0x10: {  	s3 =	sadd.s32 $0xACE200, s9;
	s0 =	ssub.s32 $0x2, s0;
	[dreg:$0xa] =	wrdreg s21  }
0x11: {  	s6 =	sadd.s32 $0xACE400, s9;
	s17 =	sshrl.u32 s0, $0x1;
	[dreg:$0xb] =	wrdreg s22  }
0x12: {  	s7 =	sadd.s32 $0xACE500, s9;
	s0 =	ssub.s32 s0, s17;
	[dreg:$0xc] =	wrdreg s23  }
0x13: {  	s8 =	sadd.s32 $0xACE600, s9;
	s0 =	smax.u32 s0, $0x1;
	[dreg:$0xd] =	wrdreg s24  }
0x14: {  	s5 =	sadd.s32 $0xACE300, s9;
	s1 =	sshrl.u32 s1, $0x3;
	[dreg:$0x11] =	wrdreg s0  }
0x15: {  	s17 =	simm.s32 $0xD000;
	s1 =	smul.u32 $0x600, s1;
	[dreg:$0xe] =	wrdreg s25  }
0x16: {  	[dreg:$0xf] =	wrdreg s26;
	s13 =	simm.s32 $0xB000;
	s14 =	simm.s32 $0xB800  }
0x17: {  	s15 =	simm.s32 $0xC000;
	s16 =	simm.s32 $0xC800;
	s18 =	simm.s32 $0xD800  }
0x18: {  	s19 =	simm.s32 $0xE000;
	s20 =	simm.s32 $0xE800;
	s21 =	simm.s32 $0xF000  }
0x19: {  	v2 =	vlaneseq.u32;
	s22 =	simm.s32 $0xF800;
	s23 =	simm.s32 $0x10000;
	s1 =	sadd.s32 s1, s9  }
0x1a: {  	vm0 =	vmmov $0xffff;
	v1 =	vshrl.u32 v2, $0x3;
	s24 =	simm.s32 $0x10800;
	s25 =	simm.s32 $0x11000;
	s1 =	sadd.s32 $0xCB2E00, s1  }
0x1b: {  	v0 =	vand.u32 $0x7, v2;
	v2 =	vor.u32 $0x8, v2;
	v1 =	vmul.u32 $0x8, v1;
	s26 =	simm.s32 $0x11800;
	s9 =	sadd.s32 $0xACE700, s9;
	[dreg:$0x2] =	wrdreg s1  }
.LBB2_1:
0x1c: {  	s0 =	rddreg [dreg:$0x10]  }
0x1d: {  	[tilespmem:s2], [sflag:$0x2] =	stream.linear.gather [hbm4b:s0+s2], $0x3E80, $0x38;
	[tilespmem:$0x13000] =	vst v63  }
0x1e: {  	_ =	swait.ge [sflag:s11], $0x3E80  }
0x1f: {  	[sflag:s11] =	ssyncset.done $0x0  }
0x20: {  	s1 =	simm.s32 $0x20;
	s0 =	simm.s32 $0x0;
	[sflag:s11] =	ssyncadd.s32 $0xFFFFC180  }
.LBB2_2:
0x21: {  	v3 =	vld [tilespmem:s1+$0xFFFFFFE0];
	_ =	sdelay $0x4  }
0x22: {  	v4 =	vshrl.u32 v3, $0x3  }
0x23: {  	v4 =	vmul.u32 $0x60, v4  }
0x24: {  	v3 =	vand.u32 $0x7, v3  }
0x25: {  	v3 =	vor.u32 v3, v4  }
0x26: {  	v4 =	vperm.xlane v3, v0;
	_ =	sdelay $0x1  }
0x27: {  	v4 =	vadd.s32 v1, v4;
	_ =	sdelay $0x4  }
0x28: {  	[tilespmem:s12], [sflag:$0x1] =	stream.indirect_vreg.gather [hbm4b:s3+s2], $0x80, v4, vm0, $0xb8;
	[tilespmem:$0x13000] =	vst v63  }
0x29: {  	s4 =	rddreg [dreg:$0x3]  }
0x2a: {  	[tilespmem:s4], [sflag:$0x1] =	stream.indirect_vreg.gather [hbm4b:s5+s2], $0x80, v4, vm0, $0xb8;
	[tilespmem:$0x13000] =	vst v63  }
0x2b: {  	s10 =	rddreg [dreg:$0x4]  }
0x2c: {  	[tilespmem:s10], [sflag:$0x1] =	stream.indirect_vreg.gather [hbm4b:s6+s2], $0x80, v4, vm0, $0xb8;
	[tilespmem:$0x13000] =	vst v63  }
0x2d: {  	v3 =	vperm.xlane v3, v2;
	s4 =	rddreg [dreg:$0x5]  }
0x2e: {  	[tilespmem:s4], [sflag:$0x1] =	stream.indirect_vreg.gather [hbm4b:s7+s2], $0x80, v4, vm0, $0xb8;
	[tilespmem:$0x13000] =	vst v63  }
0x2f: {  	v3 =	vadd.s32 v1, v3;
	s10 =	rddreg [dreg:$0x6]  }
0x30: {  	[tilespmem:s10], [sflag:$0x1] =	stream.indirect_vreg.gather [hbm4b:s8+s2], $0x80, v4, vm0, $0xb8;
	[tilespmem:$0x13000] =	vst v63  }
0x31: {  	s4 =	rddreg [dreg:$0x7]  }
0x32: {  	[tilespmem:s4], [sflag:$0x1] =	stream.indirect_vreg.gather [hbm4b:s9+s2], $0x80, v4, vm0, $0xb8;
	[tilespmem:$0x13000] =	vst v63  }
0x33: {  	s10 =	rddreg [dreg:$0x8]  }
0x34: {  	[tilespmem:s10], [sflag:$0x1] =	stream.indirect_vreg.gather [hbm4b:s3+s2], $0x80, v3, vm0, $0xb8;
	[tilespmem:$0x13000] =	vst v63  }
0x35: {  	s4 =	rddreg [dreg:$0x9]  }
0x36: {  	[tilespmem:s4], [sflag:$0x1] =	stream.indirect_vreg.gather [hbm4b:s5+s2], $0x80, v3, vm0, $0xb8;
	[tilespmem:$0x13000] =	vst v63  }
0x37: {  	s10 =	rddreg [dreg:$0xa]  }
0x38: {  	[tilespmem:s10], [sflag:$0x1] =	stream.indirect_vreg.gather [hbm4b:s6+s2], $0x80, v3, vm0, $0xb8;
	[tilespmem:$0x13000] =	vst v63  }
0x39: {  	s4 =	rddreg [dreg:$0xb]  }
0x3a: {  	[tilespmem:s4], [sflag:$0x1] =	stream.indirect_vreg.gather [hbm4b:s7+s2], $0x80, v3, vm0, $0xb8;
	[tilespmem:$0x13000] =	vst v63  }
0x3b: {  	s10 =	rddreg [dreg:$0xc]  }
0x3c: {  	[tilespmem:s10], [sflag:$0x1] =	stream.indirect_vreg.gather [hbm4b:s8+s2], $0x80, v3, vm0, $0xb8;
	[tilespmem:$0x13000] =	vst v63  }
0x3d: {  	s4 =	rddreg [dreg:$0xd]  }
0x3e: {  	[tilespmem:s4], [sflag:$0x1] =	stream.indirect_vreg.gather [hbm4b:s9+s2], $0x80, v3, vm0, $0xb8;
	[tilespmem:$0x13000] =	vst v63  }
0x3f: {  	v3 =	vld [tilespmem:s1+$0xFFFFFFF0];
	_ =	sdelay $0x4  }
0x40: {  	v62 =	vshrl.u32 v3, $0x3  }
0x41: {  	v4 =	vmul.u32 $0x60, v62  }
0x42: {  	v3 =	vand.u32 $0x7, v3  }
0x43: {  	v3 =	vor.u32 v3, v4  }
0x44: {  	v4 =	vperm.xlane v3, v0;
	_ =	sdelay $0x1  }
0x45: {  	v4 =	vadd.s32 v1, v4;
	_ =	sdelay $0x3  }
0x46: {  	s4 =	rddreg [dreg:$0xe]  }
0x47: {  	[tilespmem:s4], [sflag:$0x1] =	stream.indirect_vreg.gather [hbm4b:s3+s2], $0x80, v4, vm0, $0xb8;
	[tilespmem:$0x13000] =	vst v63  }
0x48: {  	s10 =	rddreg [dreg:$0xf]  }
0x49: {  	[tilespmem:s10], [sflag:$0x1] =	stream.indirect_vreg.gather [hbm4b:s5+s2], $0x80, v4, vm0, $0xb8;
	[tilespmem:$0x13000] =	vst v63  }
0x4a: {  	_ = 	snop  }
0x4b: {  	[tilespmem:s13], [sflag:$0x1] =	stream.indirect_vreg.gather [hbm4b:s6+s2], $0x80, v4, vm0, $0xb8;
	[tilespmem:$0x13000] =	vst v63  }
0x4c: {  	v3 =	vperm.xlane v3, v2  }
0x4d: {  	[tilespmem:s14], [sflag:$0x1] =	stream.indirect_vreg.gather [hbm4b:s7+s2], $0x80, v4, vm0, $0xb8;
	[tilespmem:$0x13000] =	vst v63  }
0x4e: {  	v3 =	vadd.s32 v1, v3  }
0x4f: {  	[tilespmem:s15], [sflag:$0x1] =	stream.indirect_vreg.gather [hbm4b:s8+s2], $0x80, v4, vm0, $0xb8;
	[tilespmem:$0x13000] =	vst v63  }
0x50: {  	_ = 	snop  }
0x51: {  	[tilespmem:s16], [sflag:$0x1] =	stream.indirect_vreg.gather [hbm4b:s9+s2], $0x80, v4, vm0, $0xb8;
	[tilespmem:$0x13000] =	vst v63  }
0x52: {  	_ = 	snop  }
0x53: {  	[tilespmem:s17], [sflag:$0x1] =	stream.indirect_vreg.gather [hbm4b:s3+s2], $0x80, v3, vm0, $0xb8;
	[tilespmem:$0x13000] =	vst v63  }
0x54: {  	_ = 	snop  }
0x55: {  	[tilespmem:s18], [sflag:$0x1] =	stream.indirect_vreg.gather [hbm4b:s5+s2], $0x80, v3, vm0, $0xb8;
	[tilespmem:$0x13000] =	vst v63  }
0x56: {  	_ = 	snop  }
0x57: {  	[tilespmem:s19], [sflag:$0x1] =	stream.indirect_vreg.gather [hbm4b:s6+s2], $0x80, v3, vm0, $0xb8;
	[tilespmem:$0x13000] =	vst v63  }
0x58: {  	_ = 	snop  }
0x59: {  	[tilespmem:s20], [sflag:$0x1] =	stream.indirect_vreg.gather [hbm4b:s7+s2], $0x80, v3, vm0, $0xb8;
	[tilespmem:$0x13000] =	vst v63  }
0x5a: {  	_ = 	snop  }
0x5b: {  	[tilespmem:s21], [sflag:$0x1] =	stream.indirect_vreg.gather [hbm4b:s8+s2], $0x80, v3, vm0, $0xb8;
	[tilespmem:$0x13000] =	vst v63  }
0x5c: {  	_ = 	snop  }
0x5d: {  	[tilespmem:s22], [sflag:$0x1] =	stream.indirect_vreg.gather [hbm4b:s9+s2], $0x80, v3, vm0, $0xb8;
	[tilespmem:$0x13000] =	vst v63  }
0x5e: {  	v3 =	vld.msk [tilespmem:s1+$0x0], $0xff;
	_ =	sdelay $0x4  }
0x5f: {  	v63 =	vshrl.u32 v3, $0x3  }
0x60: {  	v4 =	vmul.u32 $0x60, v63  }
0x61: {  	v3 =	vand.u32 $0x7, v3  }
0x62: {  	v3 =	vor.u32 v3, v4  }
0x63: {  	v3 =	vperm.xlane v3, v0;
	_ =	sdelay $0x1  }
0x64: {  	v3 =	vadd.s32 v1, v3;
	_ =	sdelay $0x4  }
0x65: {  	[tilespmem:s23], [sflag:$0x1] =	stream.indirect_vreg.gather [hbm4b:s3+s2], $0x80, v3, vm0, $0xb8;
	[tilespmem:$0x13000] =	vst v63  }
0x66: {  	_ = 	snop  }
0x67: {  	[tilespmem:s24], [sflag:$0x1] =	stream.indirect_vreg.gather [hbm4b:s5+s2], $0x80, v3, vm0, $0xb8;
	[tilespmem:$0x13000] =	vst v63  }
0x68: {  	_ = 	snop  }
0x69: {  	[tilespmem:s25], [sflag:$0x1] =	stream.indirect_vreg.gather [hbm4b:s6+s2], $0x80, v3, vm0, $0xb8;
	[tilespmem:$0x13000] =	vst v63  }
0x6a: {  	_ = 	snop  }
0x6b: {  	[tilespmem:s26], [sflag:$0x1] =	stream.indirect_vreg.gather [hbm4b:s7+s2], $0x80, v3, vm0, $0xb8;
	[tilespmem:$0x13000] =	vst v63  }
0x6c: {  	_ = 	snop  }
0x6d: {  	[tilespmem:s28], [sflag:$0x1] =	stream.indirect_vreg.gather [hbm4b:s8+s2], $0x80, v3, vm0, $0xb8;
	[tilespmem:$0x13000] =	vst v63  }
0x6e: {  	_ = 	snop  }
0x6f: {  	[tilespmem:s29], [sflag:$0x1] =	stream.indirect_vreg.gather [hbm4b:s9+s2], $0x80, v3, vm0, $0xb8;
	[tilespmem:$0x13000] =	vst v63  }
0x70: {  	_ =	swait.ge [sflag:s30], $0xF000  }
0x71: {  	p0 =	sne.s32 s0, $0xE8800;
	s10 =	rddreg [dreg:$0x2];
	[sflag:s30] =	ssyncset.done $0x0  }
.Ltmp0:
0x72: {  	[sflag:s30] =	ssyncadd.s32 $0xFFFF1000;
	s4 =	sadd.s32 s0, s10;
	(pc) =	sbr.rel @p0 .LBB2_2-.Ltmp0, $4  }
0x73: {  	[hbm4b:s4+s2] =	stream.linear.scatter [tilespmem:s12], [sflag:$0x2], $0xF000, $0x38;
	[tilespmem:$0x13000] =	vst v63  }
0x74: {  	_ =	swait.ge [sflag:s11], $0xF000  }
0x75: {  	[sflag:s11] =	ssyncset.done $0x0  }
0x76: {  	s1 =	sadd.s32 $0x80, s1;
	s0 =	sadd.s32 $0x1E00, s0;
	[sflag:s11] =	ssyncadd.s32 $0xFFFF1000  }
0x77: {  	s31 =	sadd.s32 $0x1, s31;
	s0 =	rddreg [dreg:$0x11]  }
0x78: {  	p0 =	sne.s32 s31, s0  }
.Ltmp1:
0x79: {  	_ = 	snop;
	(pc) =	sbr.rel @p0 .LBB2_1-.Ltmp1, $1  }
0x7a: {  	_ =	sdelay $0x3  }
0x7b: {  	_ =	sfence.sel $0x180000  }
0x7c: {  	[bflag:$0x0] =	sbarrier.arrive $0xFFFF  }
0x7d: {  	_ =	strace $0x9000004A  }
0x7e: {  	s0 =	stileid.u32;
	[bflag:$0x2] =	sbarrier.arrive $0xFFFF  }
0x7f: {  	p0 =	sne.s32 s0, $0x0;
	s0 =	rddreg [dreg:$0x1]  }
0x80: {  	s0 =	sadd.s32 @!p0 $0x100000, s0  }
0x81: {  	[sflag:s0] =	ssyncadd.tile.s32 @!p0 $0x1;
	_ =	shalt  }
.Lfunc_end2:
_tile_overlayer_lowered:
.L_overlay_start_2:
0x82: {  	(tag) =	ssettag $0x2  }
0x83: {  	s0 =	rddreg [dreg:$0x0];
	s2 =	stileid.u32  }
0x84: {  	s1 =	rddreg [dreg:$0x1];
	p0 =	sne.s32 s2, $0x0  }
0x85: {  	s3 =	rddreg [dreg:$0x2];
	[bflag:$0x3] =	sbarrier.arrive $0xFFFF;
	s2 =	simm.s32 @!p0 $0x1C02  }
0x86: {  	[timem:s3], [sflag:s2] =	dma.local @!p0 [hbm:s0], s1  }
0x87: {  	s0 =	simm.s32 @!p0 $0x2  }
0x88: {  	_ =	swait.ge @!p0 [sflag:s0], s1  }
0x89: {  	s1 =	ssub.s32 @!p0 $0x0, s1;
	[sflag:s0] =	ssyncset.done @!p0 $0x0  }
0x8a: {  	[sflag:s0] =	ssyncadd.s32 @!p0 s1  }
0x8b: {  	[bflag:$0x3] =	sbarrier.arrive $0xFFFF  }
0x8c: {  	_ =	shalt  }

// kernel: kernel.20.cloned.1.call-start
scs
__scs_entry_jumppad:
0x0: {  	(pc) =	sbr.rel $0x88, $3  }
0x1: {  	(tag) =	ssettag $0x0;
	lr =	simm.s32 $0x1  }
0x2: {  	[smem:$0x3F70] =	sst lr;
	_ =	strace $0xD0000000  }
0x3: {  	_ = 	snop  }
0x4: {  	_ = 	snop  }
0x5: {  	_ = 	snop  }
0x6: {  	_ = 	snop  }
0x7: {  	_ = 	snop  }
__scs_overlays_trampoline_lowered:
0x8: {  	[smem:$0x3F7F] =	sst s0  }
0x9: {  	[smem:$0x3F80] =	sst s1  }
0xa: {  	[smem:$0x3F81] =	sst s2  }
0xb: {  	[smem:$0x3F82] =	sst s3  }
0xc: {  	[smem:$0x3F83] =	sst s4  }
0xd: {  	[smem:$0x3F84] =	sst s5  }
0xe: {  	[smem:$0x3F85] =	sst s6  }
0xf: {  	[smem:$0x3F86] =	sst s7  }
0x10: {  	[smem:$0x3F87] =	sst s8  }
0x11: {  	[smem:$0x3F88] =	sst s9;
	s0 =	simm.s32 @!p0 $0x0  }
0x12: {  	s1 =	sld [smem:$0x3F6E];
	s0 =	simm.s32 @p0 $0x1  }
0x13: {  	[smem:$0x3F89] =	sst s0;
	s0 =	simm.s32 @!p1 $0x0  }
0x14: {  	s2 =	sld [smem:$0x3F6D];
	s0 =	simm.s32 @p1 $0x1  }
0x15: {  	[smem:$0x3F8A] =	sst s0;
	s0 =	simm.s32 @!p2 $0x0  }
0x16: {  	s3 =	sld [smem:$0x3FDB];
	s0 =	simm.s32 @p2 $0x1  }
0x17: {  	s4 =	simm.s32 $0x1BF5;
	[smem:$0x3F8C] =	sst s0  }
0x18: {  	s0 =	sld [smem:$0x3F6F];
	_ =	swait.ge [sflag:s4], $0x0  }
0x19: {  	s7 =	sld [smem:$0x3F70]  }
0x1a: {  	s8 =	sadd.s32 $0xFFFFE003, lr  }
0x1b: {  	s9 =	sadd.s32 $0xFFFFFEF7, lr;
	s5 =	simm.s32 $0xFFFFFFFF;
	p2 =	slt.u32 s8, $0xFFFFF086  }
0x1c: {  	p1 =	slt.u32 s9, $0xF7A;
	s5 =	simm.s32 @!p2 $0x0  }
0x1d: {  	s5 =	simm.s32 @p1 $0x1;
	p0 =	seq.s32 s7, s2  }
0x1e: {  	s7 =	smul.u32 @!p0 $0xF7A, s2;
	p2 =	seq.s32 @!p0 s5, $0x0  }
0x1f: {  	s9 =	smul.u32 $0xF7A, s1;
	s8 =	simm.s32 @!p0 $0x1BF5;
	p2 =	por !p2, p0  }
0x20: {  	[sflag:s8] =	ssyncset.s32 @!p0 $0xFFFFF086;
	s6 =	sadd.s32 @!p0 s3, s7;
	s7 =	simm.s32 @!p0 $0x108  }
0x21: {  	s3 =	sadd.s32 s3, s9;
	s6 =	sadd.s32 @!p0 $0x88, s6;
	s7 =	simm.s32 @p2 $0x1082  }
0x22: {  	[simem:s7], [sflag:s8] =	dma.local @!p0 [hbm:s6], $0xF7A  }
0x23: {  	s9 =	sor.u32 $0xD0000000, s2;
	s6 =	simm.s32 $0x108;
	_ =	swait.ge @!p0 [sflag:s8], $0x0  }
0x24: {  	s3 =	sadd.s32 $0x88, s3;
	s6 =	simm.s32 @!p1 $0x1082;
	[sflag:s4] =	ssyncset.s32 $0xFFFFF086  }
0x25: {  	[simem:s6], [sflag:s4] =	dma.local [hbm:s3], $0xF7A  }
0x26: {  	[smem:$0x3F70] =	sst s1;
	(tag) =	ssettag s2;
	_ =	strace s9  }
0x27: {  	s1 =	sld [smem:$0x3F80]  }
0x28: {  	s2 =	sld [smem:$0x3F81]  }
0x29: {  	s4 =	sld [smem:$0x3F83]  }
0x2a: {  	p0 =	seq.s32 s5, $0x0;
	s5 =	sld [smem:$0x3F84]  }
0x2b: {  	s6 =	sld [smem:$0x3F85]  }
0x2c: {  	s7 =	sld [smem:$0x3F86]  }
0x2d: {  	s3 =	simm.s32 $0x108;
	s8 =	sld [smem:$0x3F87]  }
0x2e: {  	s3 =	simm.s32 @!p0 $0x1082;
	s9 =	sld [smem:$0x3F88]  }
0x2f: {  	lr =	sadd.s32 s0, s3;
	s0 =	sld [smem:$0x3F7F]  }
0x30: {  	s3 =	sld [smem:$0x3F82]  }
0x31: {  	[smem:$0x3F8B] =	sst s10  }
0x32: {  	s10 =	sld [smem:$0x3F89];
	_ =	sdelay $0x3  }
0x33: {  	p0 =	seq.s32 s10, $0x1;
	s10 =	sld [smem:$0x3F8B];
	_ =	sdelay $0x3  }
0x34: {  	[smem:$0x3F8B] =	sst s10  }
0x35: {  	s10 =	sld [smem:$0x3F8A];
	_ =	sdelay $0x3  }
0x36: {  	p1 =	seq.s32 s10, $0x1;
	s10 =	sld [smem:$0x3F8B];
	_ =	sdelay $0x3  }
0x37: {  	[smem:$0x3F8B] =	sst s10  }
0x38: {  	s10 =	sld [smem:$0x3F8C]  }
0x39: {  	_ = 	snop;
	(pc) =	sbr.ind lr, $3  }
0x3a: {  	_ = 	snop  }
0x3b: {  	_ = 	snop  }
0x3c: {  	p2 =	seq.s32 s10, $0x1;
	s10 =	sld [smem:$0x3F8B]  }
0x3d: {  	_ =	shalt  }
0x3e: {  	_ =	shalt  }
0x3f: {  	_ =	shalt  }
0x40: {  	_ =	shalt  }
0x41: {  	_ =	shalt  }
0x42: {  	_ =	shalt  }
0x43: {  	_ =	shalt  }
0x44: {  	_ =	shalt  }
0x45: {  	_ =	shalt  }
0x46: {  	_ =	shalt  }
0x47: {  	_ =	shalt  }
0x48: {  	_ =	shalt  }
0x49: {  	_ =	shalt  }
0x4a: {  	_ =	shalt  }
0x4b: {  	_ =	shalt  }
0x4c: {  	_ =	shalt  }
0x4d: {  	_ =	shalt  }
0x4e: {  	_ =	shalt  }
0x4f: {  	_ =	shalt  }
0x50: {  	_ =	shalt  }
0x51: {  	_ =	shalt  }
0x52: {  	_ =	shalt  }
0x53: {  	_ =	shalt  }
0x54: {  	_ =	shalt  }
0x55: {  	_ =	shalt  }
0x56: {  	_ =	shalt  }
0x57: {  	_ =	shalt  }
0x58: {  	_ =	shalt  }
0x59: {  	_ =	shalt  }
0x5a: {  	_ =	shalt  }
0x5b: {  	_ =	shalt  }
0x5c: {  	_ =	shalt  }
0x5d: {  	_ =	shalt  }
0x5e: {  	_ =	shalt  }
0x5f: {  	_ =	shalt  }
0x60: {  	_ =	shalt  }
0x61: {  	_ =	shalt  }
0x62: {  	_ =	shalt  }
0x63: {  	_ =	shalt  }
0x64: {  	_ =	shalt  }
0x65: {  	_ =	shalt  }
0x66: {  	_ =	shalt  }
0x67: {  	_ =	shalt  }
0x68: {  	_ =	shalt  }
0x69: {  	_ =	shalt  }
0x6a: {  	_ =	shalt  }
0x6b: {  	_ =	shalt  }
0x6c: {  	_ =	shalt  }
0x6d: {  	_ =	shalt  }
0x6e: {  	_ =	shalt  }
0x6f: {  	_ =	shalt  }
0x70: {  	_ =	shalt  }
0x71: {  	_ =	shalt  }
0x72: {  	_ =	shalt  }
0x73: {  	_ =	shalt  }
0x74: {  	_ =	shalt  }
0x75: {  	_ =	shalt  }
0x76: {  	_ =	shalt  }
0x77: {  	_ =	shalt  }
0x78: {  	_ =	shalt  }
0x79: {  	_ =	shalt  }
0x7a: {  	_ =	shalt  }
0x7b: {  	_ =	shalt  }
0x7c: {  	_ =	shalt  }
0x7d: {  	_ =	shalt  }
0x7e: {  	_ =	shalt  }
0x7f: {  	_ =	shalt  }
0x80: {  	_ =	shalt  }
0x81: {  	_ =	shalt  }
0x82: {  	_ =	shalt  }
0x83: {  	_ =	shalt  }
0x84: {  	_ =	shalt  }
0x85: {  	_ =	shalt  }
0x86: {  	_ =	shalt  }
0x87: {  	_ =	shalt  }
.Lfunc_end0:
.L_simem_size_0:
called_computation.2_lowered:
.L_overlay_start_0:
0x88: {  	s2 =	sld [smem:$0x3FD9]  }
0x89: {  	s3 =	sld [smem:$0x3FFE];
	_ =	sdelay $0x1  }
0x8a: {  	s1 =	srdreg.scid  }
0x8b: {  	s0 =	sand.u32 $0x1, s1  }
0x8c: {  	s17 =	sshll.u32 s0, $0xA;
	s2 =	sadd.s32 s3, s2  }
0x8d: {  	s2 =	sadd.s32 s2, s17  }
0x8e: {  	[smem:$0x3F97] =	sst s2  }
0x8f: {  	_ = 	snop  }
0x90: {  	s2 =	sld [smem:$0x3FD0];
	(tm) =	ssettm $0x1  }
0x91: {  	s18 =	sld [smem:$0x3FFB];
	_ =	sdelay $0x3  }
0x92: {  	_ =	strace s18  }
0x93: {  	s3 =	sld [smem:$0x3FFC];
	_ =	sdelay $0x3  }
0x94: {  	_ =	strace s3  }
0x95: {  	s3 =	sld [smem:$0x3FFD];
	_ =	sdelay $0x3  }
0x96: {  	_ =	strace s3  }
0x97: {  	_ =	strace $0x8FFFFFFF  }
0x98: {  	s19 =	sld [smem:$0x3FDB];
	_ =	sdelay $0x1  }
0x99: {  	s4 =	simm.s32 $_scs_section_size  }
0x9a: {  	s5 =	simm.s32 $_size__tile_overlayer_lowered;
	s6 =	simm.s32 $_tile_overlayer_lowered  }
0x9b: {  	s22 =	simm.s32 $0x1BFF;
	s21 =	sshll.u32 s6, $0x1;
	s3 =	sadd.s32 s4, s19  }
0x9c: {  	s7 =	simm.s32 $0x0;
	s20 =	sshll.u32 s5, $0x1;
	s5 =	sadd.s32 s21, s3  }
0x9d: {  	[timem:s7], [sflag:s22] =	dma.local [hbm:s5], s20  }
0x9e: {  	_ =	swait.ge [sflag:s22], s20  }
0x9f: {  	s4 =	ssub.s32 $0x0, s20;
	[sflag:s22] =	ssyncset.done $0x0  }
0xa0: {  	[sflag:s22] =	ssyncadd.s32 s4;
	_ =	sdelay $0x1  }
0xa1: {  	s23 =	simm.s32 $0x1B8B  }
0xa2: {  	_ =	swait.ge [sflag:s23], $0x1  }
0xa3: {  	[sflag:s23] =	ssyncset.done $0x0  }
0xa4: {  	s25 =	simm.s32 $0x1B8E;
	s24 =	sld [smem:$0x3FFE];
	[sflag:s23] =	ssyncadd.s32 $0xFFFFFFFF  }
0xa5: {  	s26 =	simm.s32 $execute0_lowered;
	[smem:$0x3FD2] =	sst s25  }
0xa6: {  	s5 =	sshll.u32 s26, $0x1;
	_ =	strace $0x8000004C;
	[dreg:$0x1] =	wrdreg $0xFFFFFFFF  }
0xa7: {  	s28 =	simm.s32 $_size_execute0_lowered;
	s3 =	sadd.s32 s3, s5;
	[dreg:$0x0] =	wrdreg $0x0  }
0xa8: {  	s5 =	sshll.u32 s28, $0x1;
	[dreg:$0x2] =	wrdreg s3  }
0xa9: {  	[dreg:$0x3] =	wrdreg s5  }
0xaa: {  	[dreg:$0x4] =	wrdreg $0xC0  }
0xab: {  	_ =	task [dreg:s7], $0x5FFFF  }
0xac: {  	[dreg:$0x1] =	wrdreg $0xFFFFFFFF  }
0xad: {  	[dreg:$0x0] =	wrdreg $0x60  }
0xae: {  	[dreg:$0x2] =	wrdreg s24  }
0xaf: {  	[dreg:$0x3] =	wrdreg s2  }
0xb0: {  	[dreg:$0x4] =	wrdreg $0x90000  }
0xb1: {  	[dreg:$0x5] =	wrdreg $0x9  }
0xb2: {  	_ =	task.clear_ibuf [dreg:s7], $0x6FFFF;
	_ =	strace $0x9000004C  }
0xb3: {  	s29 =	simm.s32 $0x9;
	_ =	strace $0x8000004E  }
0xb4: {  	_ =	swait.ge [sflag:s29], $0x1  }
0xb5: {  	[sflag:s29] =	ssyncadd.s32 $0xFFFFFFFF  }
0xb6: {  	_ =	strace $0x9000004E  }
0xb7: {  	_ =	sfence  }
0xb8: {  	s30 =	sld [smem:$0x0];
	_ =	sdelay $0x2  }
0xb9: {  	s31 =	sshll.u32 s1, $0xD;
	s1 =	sshrl.u32 s1, $0x2  }
0xba: {  	s3 =	sand.u32 $0x4000, s31;
	s1 =	sadd.s32 s1, s30  }
0xbb: {  	s0 =	sor.u32 s3, s0;
	s1 =	sshll.u32 s1, $0x11  }
0xbc: {  	s0 =	sor.u32 s1, s0  }
0xbd: {  	s0 =	sadd.s32 $0x8F2B, s0  }
0xbe: {  	[sflag:s0] =	ssyncadd.remote.s32 $0x1  }
0xbf: {  	_ =	sfence.sel $0xFFFF  }
0xc0: {  	[dreg:$0x0] =	wrdreg $0xFFFFFFFF;
	(pc) =	sbr.abs _section_cstart, $3  }
0xc1: {  	[dreg:$0x1] =	wrdreg $0xFFFFFFFF  }
0xc2: {  	_ =	task.clear_ibuf [dreg:s7], $0x2FFFF;
	_ =	strace $0x9FFFFFFF  }
0xc3: {  	(tm) =	ssettm $0x7FFFFFFF  }
tec
execute0_lowered:
.L_overlay_start_1:
0x0: {  	(tag) =	ssettag $0x1  }
0x1: {  	s0 =	rddreg [dreg:$0x0]  }
0x2: {  	s1 =	rddreg [dreg:$0x1]  }
0x3: {  	s2 =	rddreg [dreg:$0x2]  }
0x4: {  	s3 =	simm.s32 $0x0;
	s4 =	srdreg.scid;
	s28 =	simm.s32 $0x50  }
0x5: {  	s29 =	simm.s32 $0x2;
	[smem:$0x7FF] =	sst s3;
	s3 =	stileid.u32  }
0x6: {  	s30 =	simm.s32 $0x3E00;
	s31 =	simm.s32 $0x0;
	s8 =	smul.u32 $0x9C4000, s3  }
0x7: {  	s5 =	sadd.s32 $0x33CAE00, s0;
	s4 =	sand.u32 $0x1, s4;
	s10 =	smul.u32 $0x7D000, s3  }
0x8: {  	_ =	strace $0x8000004D;
	s6 =	sshll.u32 s3, $0xB;
	s13 =	smul.u32 $0xFA000, s3  }
0x9: {  	s7 =	ssub.s32 $0x2, s4;
	s26 =	sshll.u32 s4, $0xC;
	s16 =	smul.u32 $0x1F400, s3  }
0xa: {  	s4 =	sshll.u32 s4, $0x9;
	s22 =	smul.u32 $0x138800, s3;
	p0 =	sgt.u32 s3, $0x9  }
0xb: {  	p1 =	slt.u32 s3, $0xA;
	s6 =	sadd.s32 s6, s0;
	s0 =	sadd.s32 $0x2A06E00, s0  }
0xc: {  	s9 =	sshrl.u32 s7, $0x1;
	s15 =	sor.u32 $0x80, s4;
	s18 =	sor.u32 $0x100, s4  }
0xd: {  	s7 =	ssub.s32 s7, s9;
	s11 =	sadd.s32 $0x9B0000, s8;
	s10 =	sshrl.u32 s10, $0x2  }
0xe: {  	s6 =	sadd.s32 $0x29FEE00, s6;
	s14 =	sor.u32 s26, s13;
	s17 =	sadd.s32 s5, s15  }
0xf: {  	s20 =	sadd.s32 s5, s18;
	s8 =	sor.u32 s26, s8;
	s25 =	sadd.s32 s22, s5  }
0x10: {  	s22 =	simm.s32 $0x400;
	s12 =	sor.u32 s26, s11;
	[dreg:$0x4] =	wrdreg s6  }
0x11: {  	s6 =	sadd.s32 s10, s2;
	s23 =	sadd.s32 $0x14000, s8;
	s12 =	sshrl.u32 s12, $0x3  }
0x12: {  	s24 =	sshrl.u32 s8, $0x3;
	s26 =	sadd.s32 s4, s25;
	s10 =	sadd.s32 s5, s12  }
0x13: {  	s25 =	simm.s32 $0x6800;
	[dreg:$0x5] =	wrdreg s10;
	s10 =	sshrl.u32 s14, $0x3  }
0x14: {  	s14 =	sshrl.u32 s11, $0x3;
	s10 =	sadd.s32 s0, s10;
	s0 =	sadd.s32 s0, s16  }
0x15: {  	s11 =	sadd.s32 s14, s20;
	s16 =	sadd.s32 s24, s5;
	[dreg:$0x6] =	wrdreg s10  }
0x16: {  	s20 =	sadd.s32 $0x2980, s26;
	s10 =	sadd.s32 s14, s17;
	[dreg:$0x9] =	wrdreg s11  }
0x17: {  	s24 =	simm.s32 $0x4000;
	s19 =	sadd.s32 s15, s0;
	[dreg:$0x7] =	wrdreg s10  }
0x18: {  	s15 =	sor.u32 $0x180, s4;
	[dreg:$0x8] =	wrdreg s19;
	s10 =	sadd.s32 s18, s0  }
0x19: {  	s21 =	sadd.s32 s5, s15;
	s18 =	sadd.s32 $0x2880, s26;
	s19 =	sadd.s32 $0x2900, s26  }
0x1a: {  	s26 =	simm.s32 $0x1;
	[dreg:$0xa] =	wrdreg s10;
	s13 =	sadd.s32 s14, s21  }
0x1b: {  	s14 =	sadd.s32 s15, s0;
	s15 =	smax.u32 s7, $0x1;
	s0 =	sshrl.u32 s23, $0x3  }
0x1c: {  	s21 =	simm.s32 $0x3;
	s23 =	simm.s32 $0x2000;
	s17 =	sadd.s32 s0, s5  }
.LBB2_1:
0x1d: {  	s7 =	simm.s32 $0x0;
	s0 =	rddreg [dreg:$0x4]  }
0x1e: {  	[tilespmem:s7], [sflag:$0x3] =	stream.linear.gather [hbm4b:s0+s7], $0x3E80, $0x38;
	[tilespmem:$0x1C880] =	vst v63  }
0x1f: {  	_ =	swait.ge [sflag:s21], $0x3E80  }
0x20: {  	s4 =	sshrl.u32 @!p0 s6, $0x3;
	s0 =	sshll.u32 @!p0 s3, $0x6;
	[sflag:s21] =	ssyncset.done $0x0  }
0x21: {  	s5 =	simm.s32 @!p0 $0x3;
	s0 =	sor.u32 @!p0 $0x1C03, s0;
	[sflag:s21] =	ssyncadd.s32 $0xFFFFC180  }
0x22: {  	[spmem:s4], [sflag:s0] =	dma.local @!p0 [hbm:s1], $0x3E80  }
0x23: {  	_ =	swait.ge @!p0 [sflag:s5], $0x3E80  }
0x24: {  	[sflag:s5] =	ssyncset.done @!p0 $0x0  }
0x25: {  	[sflag:s5] =	ssyncadd.s32 @!p0 $0xFFFFC180  }
0x26: {  	s10 =	sadd.s32 $0x0, s16;
	[bflag:$0x0] =	sbarrier.arrive $0xFFFF  }
0x27: {  	[tilespmem:s24], [sflag:$0x1] =	stream.strided.gather [hbm4b:s10+s22], $0x2800, s23, s22, $0x38;
	[tilespmem:$0x1C880] =	vst v63  }
0x28: {  	s11 =	sadd.s32 $0x0, s17  }
0x29: {  	[tilespmem:s25], [sflag:$0x2] =	stream.strided.gather [hbm4b:s11+s22], $0x2800, s23, s22, $0x38;
	[tilespmem:$0x1C880] =	vst v63  }
0x2a: {  	_ =	swait.ge [sflag:s26], $0x2800  }
0x2b: {  	[sflag:s26] =	ssyncset.done $0x0  }
0x2c: {  	[sflag:s26] =	ssyncadd.s32 $0xFFFFD800  }
0x2d: {  	[spmem:s2] =	stream.indirect.scatter.add.f32 [tilespmem:s24], [sflag:$0x3], $0x80, s7, s28, $0xb8;
	[tilespmem:$0x1C880] =	vst v63  }
0x2e: {  	_ =	swait.ge [sflag:s21], $0x2800  }
0x2f: {  	[sflag:s21] =	ssyncset.done $0x0  }
0x30: {  	[sflag:s21] =	ssyncadd.s32 $0xFFFFD800  }
0x31: {  	_ =	swait.ge [sflag:s29], $0x2800  }
0x32: {  	[sflag:s29] =	ssyncset.done $0x0  }
0x33: {  	s12 =	simm.s32 $0x80;
	[sflag:s29] =	ssyncadd.s32 $0xFFFFD800  }
0x34: {  	[spmem:s2] =	stream.indirect.scatter.add.f32 [tilespmem:s25], [sflag:$0x3], $0x80, s12, s28, $0xb8;
	[tilespmem:$0x1C880] =	vst v63  }
0x35: {  	s8 =	simm.s32 $0xA000;
	_ =	swait.ge [sflag:s21], $0x2800  }
0x36: {  	s5 =	simm.s32 $0x100;
	s7 =	simm.s32 $0x5000;
	[sflag:s21] =	ssyncset.done $0x0  }
.LBB2_2:
0x37: {  	s9 =	sadd.s32 s7, s16  }
0x38: {  	[sflag:s21] =	ssyncadd.s32 $0xFFFFD800;
	s10 =	smov.u32 s8;
	s11 =	sadd.s32 $0x5000, s8  }
0x39: {  	[tilespmem:s24], [sflag:$0x1] =	stream.strided.gather [hbm4b:s9+s22], $0x2800, s23, s22, $0x38;
	[tilespmem:$0x1C880] =	vst v63  }
0x3a: {  	p2 =	sne.s32 s8, $0x131000;
	s8 =	sadd.s32 s7, s17;
	s7 =	smov.u32 s10  }
0x3b: {  	[tilespmem:s25], [sflag:$0x2] =	stream.strided.gather [hbm4b:s8+s22], $0x2800, s23, s22, $0x38;
	[tilespmem:$0x1C880] =	vst v63  }
0x3c: {  	_ =	swait.ge [sflag:s26], $0x2800  }
0x3d: {  	[sflag:s26] =	ssyncset.done $0x0  }
0x3e: {  	[sflag:s26] =	ssyncadd.s32 $0xFFFFD800  }
0x3f: {  	[spmem:s2] =	stream.indirect.scatter.add.f32 [tilespmem:s24], [sflag:$0x3], $0x80, s5, s28, $0xb8;
	[tilespmem:$0x1C880] =	vst v63  }
0x40: {  	_ =	swait.ge [sflag:s21], $0x2800  }
0x41: {  	[sflag:s21] =	ssyncset.done $0x0  }
0x42: {  	[sflag:s21] =	ssyncadd.s32 $0xFFFFD800  }
0x43: {  	_ =	swait.ge [sflag:s29], $0x2800  }
.Ltmp0:
0x44: {  	[sflag:s29] =	ssyncset.done $0x0;
	(pc) =	sbr.rel @p2 .LBB2_2-.Ltmp0, $4  }
0x45: {  	s8 =	sadd.s32 $0x80, s5;
	[sflag:s29] =	ssyncadd.s32 $0xFFFFD800  }
0x46: {  	[spmem:s2] =	stream.indirect.scatter.add.f32 [tilespmem:s25], [sflag:$0x3], $0x80, s8, s28, $0xb8;
	[tilespmem:$0x1C880] =	vst v63  }
0x47: {  	_ =	swait.ge [sflag:s21], $0x2800  }
0x48: {  	s5 =	sadd.s32 $0x100, s5;
	s8 =	smov.u32 s11;
	[sflag:s21] =	ssyncset.done $0x0  }
0x49: {  	s8 =	sadd.s32 s7, s16;
	[sflag:s21] =	ssyncadd.s32 $0xFFFFD800  }
0x4a: {  	[tilespmem:s24], [sflag:$0x1] =	stream.strided.gather [hbm4b:s8+s22], $0x2800, s23, s22, $0x38;
	[tilespmem:$0x1C880] =	vst v63  }
0x4b: {  	s12 =	sadd.s32 s7, s17  }
0x4c: {  	[tilespmem:s25], [sflag:$0x2] =	stream.strided.gather [hbm4b:s12+s22], $0x2800, s23, s22, $0x38;
	[tilespmem:$0x1C880] =	vst v63  }
0x4d: {  	_ =	swait.ge [sflag:s26], $0x2800  }
0x4e: {  	[sflag:s26] =	ssyncset.done $0x0  }
0x4f: {  	[sflag:s26] =	ssyncadd.s32 $0xFFFFD800  }
0x50: {  	[spmem:s2] =	stream.indirect.scatter.add.f32 [tilespmem:s24], [sflag:$0x3], $0x80, s5, s28, $0xb8;
	[tilespmem:$0x1C880] =	vst v63  }
0x51: {  	_ =	swait.ge [sflag:s21], $0x2800  }
0x52: {  	[sflag:s21] =	ssyncset.done $0x0  }
0x53: {  	[sflag:s21] =	ssyncadd.s32 $0xFFFFD800  }
0x54: {  	_ =	swait.ge [sflag:s29], $0x2800  }
0x55: {  	[sflag:s29] =	ssyncset.done $0x0  }
0x56: {  	s8 =	sadd.s32 $0x80, s5;
	[sflag:s29] =	ssyncadd.s32 $0xFFFFD800  }
0x57: {  	[spmem:s2] =	stream.indirect.scatter.add.f32 [tilespmem:s25], [sflag:$0x3], $0x80, s8, s28, $0xb8;
	[tilespmem:$0x1C880] =	vst v63  }
0x58: {  	_ =	swait.ge [sflag:s21], $0x2800  }
0x59: {  	[sflag:s21] =	ssyncset.done $0x0  }
0x5a: {  	s9 =	rddreg [dreg:$0x5];
	[sflag:s21] =	ssyncadd.s32 $0xFFFFD800  }
0x5b: {  	[tilespmem:s24], [sflag:$0x1] =	stream.strided.gather [hbm4b:s9+s22], $0x2800, s23, s22, $0x38;
	[tilespmem:$0x1C880] =	vst v63  }
0x5c: {  	_ =	swait.ge [sflag:s26], $0x2800  }
0x5d: {  	[sflag:s26] =	ssyncset.done $0x0  }
0x5e: {  	[sflag:s26] =	ssyncadd.s32 $0xFFFFD800  }
0x5f: {  	[spmem:s2] =	stream.indirect.scatter.add.f32 [tilespmem:s24], [sflag:$0x3], $0x80, s30, s28, $0xb8;
	[tilespmem:$0x1C880] =	vst v63  }
0x60: {  	_ =	swait.ge [sflag:s21], $0x2800  }
0x61: {  	[sflag:s21] =	ssyncset.done $0x0  }
0x62: {  	s7 =	sshrl.u32 @p1 s6, $0x3;
	s5 =	sshll.u32 @p1 s3, $0x6;
	[sflag:s21] =	ssyncadd.s32 $0xFFFFD800  }
0x63: {  	s10 =	simm.s32 @p1 $0x80;
	s5 =	sor.u32 @p1 $0x1C03, s5;
	[bflag:$0x0] =	sbarrier.arrive $0xFFFF  }
0x64: {  	s8 =	simm.s32 @p1 $0x8;
	s9 =	simm.s32 @p1 $0x400;
	s11 =	rddreg [dreg:$0x6]  }
0x65: {  	[hbm:s11@s9], [sflag:s5] =	dma.strided @p1 [spmem:s7@s10], $0x3E80, s8, $0x10   }
0x66: {  	s8 =	simm.s32 @p1 $0x3  }
0x67: {  	_ =	swait.ge @p1 [sflag:s8], $0x3E80  }
0x68: {  	[sflag:s8] =	ssyncset.done @p1 $0x0  }
0x69: {  	[sflag:s8] =	ssyncadd.s32 @p1 $0xFFFFC180  }
0x6a: {  	[bflag:$0x0] =	sbarrier.arrive @p1 $0xFFFF  }
0x6b: {  	[spmem:s7], [sflag:s5] =	dma.local @p1 [hbm:s1], $0x3E80  }
0x6c: {  	_ =	swait.ge @p1 [sflag:s8], $0x3E80  }
0x6d: {  	[sflag:s8] =	ssyncset.done @p1 $0x0  }
0x6e: {  	[sflag:s8] =	ssyncadd.s32 @p1 $0xFFFFC180  }
0x6f: {  	[bflag:$0x0] =	sbarrier.arrive @!p1 $0xFFFF  }
0x70: {  	s10 =	sadd.s32 $0xFFFFD800, s18;
	[bflag:$0x0] =	sbarrier.arrive $0xFFFF  }
0x71: {  	[tilespmem:s24], [sflag:$0x1] =	stream.strided.gather [hbm4b:s10+s22], $0x2800, s23, s22, $0x38;
	[tilespmem:$0x1C880] =	vst v63  }
0x72: {  	_ = 	snop  }
0x73: {  	[tilespmem:s25], [sflag:$0x2] =	stream.strided.gather [hbm4b:s18+s22], $0x2800, s23, s22, $0x38;
	[tilespmem:$0x1C880] =	vst v63  }
0x74: {  	_ =	swait.ge [sflag:s26], $0x2800  }
0x75: {  	[sflag:s26] =	ssyncset.done $0x0  }
0x76: {  	s11 =	simm.s32 $0x0;
	[sflag:s26] =	ssyncadd.s32 $0xFFFFD800  }
0x77: {  	[spmem:s2] =	stream.indirect.scatter.add.f32 [tilespmem:s24], [sflag:$0x3], $0x80, s11, s28, $0xb8;
	[tilespmem:$0x1C880] =	vst v63  }
0x78: {  	_ =	swait.ge [sflag:s21], $0x2800  }
0x79: {  	[sflag:s21] =	ssyncset.done $0x0  }
0x7a: {  	[sflag:s21] =	ssyncadd.s32 $0xFFFFD800  }
0x7b: {  	_ =	swait.ge [sflag:s29], $0x2800  }
0x7c: {  	[sflag:s29] =	ssyncset.done $0x0  }
0x7d: {  	s12 =	simm.s32 $0x80;
	[sflag:s29] =	ssyncadd.s32 $0xFFFFD800  }
0x7e: {  	[spmem:s2] =	stream.indirect.scatter.add.f32 [tilespmem:s25], [sflag:$0x3], $0x80, s12, s28, $0xb8;
	[tilespmem:$0x1C880] =	vst v63  }
0x7f: {  	s9 =	sadd.s32 $0x5000, s18;
	_ =	swait.ge [sflag:s21], $0x2800  }
0x80: {  	s8 =	simm.s32 $0x400;
	s10 =	simm.s32 $0x800;
	[sflag:s21] =	ssyncset.done $0x0  }
.LBB2_4:
0x81: {  	p2 =	sne.s32 s10, $0xF400;
	s11 =	sadd.s32 $0xFFFFD800, s9;
	[sflag:s21] =	ssyncadd.s32 $0xFFFFD800  }
0x82: {  	[tilespmem:s24], [sflag:$0x1] =	stream.strided.gather [hbm4b:s11+s22], $0x2800, s23, s22, $0x38;
	[tilespmem:$0x1C880] =	vst v63  }
0x83: {  	s11 =	smov.u32 s10;
	s10 =	sadd.s32 $0x400, s10  }
0x84: {  	[tilespmem:s25], [sflag:$0x2] =	stream.strided.gather [hbm4b:s9+s22], $0x2800, s23, s22, $0x38;
	[tilespmem:$0x1C880] =	vst v63  }
0x85: {  	_ =	swait.ge [sflag:s26], $0x2800  }
0x86: {  	[sflag:s26] =	ssyncset.done $0x0  }
0x87: {  	s12 =	sshra.s32 s8, $0x2;
	s8 =	smov.u32 s11;
	[sflag:s26] =	ssyncadd.s32 $0xFFFFD800  }
0x88: {  	[spmem:s2] =	stream.indirect.scatter.add.f32 [tilespmem:s24], [sflag:$0x3], $0x80, s12, s28, $0xb8;
	[tilespmem:$0x1C880] =	vst v63  }
0x89: {  	_ =	swait.ge [sflag:s21], $0x2800  }
0x8a: {  	[sflag:s21] =	ssyncset.done $0x0  }
0x8b: {  	[sflag:s21] =	ssyncadd.s32 $0xFFFFD800  }
0x8c: {  	_ =	swait.ge [sflag:s29], $0x2800  }
.Ltmp1:
0x8d: {  	[sflag:s29] =	ssyncset.done $0x0;
	(pc) =	sbr.rel @p2 .LBB2_4-.Ltmp1, $4  }
0x8e: {  	s11 =	sadd.s32 $0x80, s12;
	[sflag:s29] =	ssyncadd.s32 $0xFFFFD800  }
0x8f: {  	[spmem:s2] =	stream.indirect.scatter.add.f32 [tilespmem:s25], [sflag:$0x3], $0x80, s11, s28, $0xb8;
	[tilespmem:$0x1C880] =	vst v63  }
0x90: {  	_ =	swait.ge [sflag:s21], $0x2800  }
0x91: {  	s9 =	sadd.s32 $0x5000, s9;
	[sflag:s21] =	ssyncset.done $0x0  }
0x92: {  	s10 =	sadd.s32 $0xFFFFD800, s9;
	[sflag:s21] =	ssyncadd.s32 $0xFFFFD800  }
0x93: {  	[tilespmem:s24], [sflag:$0x1] =	stream.strided.gather [hbm4b:s10+s22], $0x2800, s23, s22, $0x38;
	[tilespmem:$0x1C880] =	vst v63  }
0x94: {  	_ = 	snop  }
0x95: {  	[tilespmem:s25], [sflag:$0x2] =	stream.strided.gather [hbm4b:s9+s22], $0x2800, s23, s22, $0x38;
	[tilespmem:$0x1C880] =	vst v63  }
0x96: {  	_ =	swait.ge [sflag:s26], $0x2800  }
0x97: {  	[sflag:s26] =	ssyncset.done $0x0  }
0x98: {  	s8 =	sshra.s32 s8, $0x2;
	[sflag:s26] =	ssyncadd.s32 $0xFFFFD800  }
0x99: {  	[spmem:s2] =	stream.indirect.scatter.add.f32 [tilespmem:s24], [sflag:$0x3], $0x80, s8, s28, $0xb8;
	[tilespmem:$0x1C880] =	vst v63  }
0x9a: {  	_ =	swait.ge [sflag:s21], $0x2800  }
0x9b: {  	[sflag:s21] =	ssyncset.done $0x0  }
0x9c: {  	[sflag:s21] =	ssyncadd.s32 $0xFFFFD800  }
0x9d: {  	_ =	swait.ge [sflag:s29], $0x2800  }
0x9e: {  	[sflag:s29] =	ssyncset.done $0x0  }
0x9f: {  	s8 =	sadd.s32 $0x80, s8;
	[sflag:s29] =	ssyncadd.s32 $0xFFFFD800  }
0xa0: {  	[spmem:s2] =	stream.indirect.scatter.add.f32 [tilespmem:s25], [sflag:$0x3], $0x80, s8, s28, $0xb8;
	[tilespmem:$0x1C880] =	vst v63  }
0xa1: {  	_ =	swait.ge [sflag:s21], $0x2800  }
0xa2: {  	[sflag:s21] =	ssyncset.done $0x0  }
0xa3: {  	s9 =	rddreg [dreg:$0x7];
	[sflag:s21] =	ssyncadd.s32 $0xFFFFD800  }
0xa4: {  	[tilespmem:s24], [sflag:$0x1] =	stream.strided.gather [hbm4b:s9+s22], $0x2800, s23, s22, $0x38;
	[tilespmem:$0x1C880] =	vst v63  }
0xa5: {  	_ =	swait.ge [sflag:s26], $0x2800  }
0xa6: {  	[sflag:s26] =	ssyncset.done $0x0  }
0xa7: {  	[sflag:s26] =	ssyncadd.s32 $0xFFFFD800  }
0xa8: {  	[spmem:s2] =	stream.indirect.scatter.add.f32 [tilespmem:s24], [sflag:$0x3], $0x80, s30, s28, $0xb8;
	[tilespmem:$0x1C880] =	vst v63  }
0xa9: {  	_ =	swait.ge [sflag:s21], $0x2800  }
0xaa: {  	[sflag:s21] =	ssyncset.done $0x0  }
0xab: {  	[sflag:s21] =	ssyncadd.s32 $0xFFFFD800  }
0xac: {  	s10 =	simm.s32 @p1 $0x80;
	[bflag:$0x0] =	sbarrier.arrive $0xFFFF  }
0xad: {  	s8 =	simm.s32 @p1 $0x8;
	s9 =	simm.s32 @p1 $0x400;
	s11 =	rddreg [dreg:$0x8]  }
0xae: {  	[hbm:s11@s9], [sflag:s5] =	dma.strided @p1 [spmem:s7@s10], $0x3E80, s8, $0x10   }
0xaf: {  	s8 =	simm.s32 @p1 $0x3  }
0xb0: {  	_ =	swait.ge @p1 [sflag:s8], $0x3E80  }
0xb1: {  	[sflag:s8] =	ssyncset.done @p1 $0x0  }
0xb2: {  	[sflag:s8] =	ssyncadd.s32 @p1 $0xFFFFC180  }
0xb3: {  	[bflag:$0x0] =	sbarrier.arrive @p1 $0xFFFF  }
0xb4: {  	[spmem:s7], [sflag:s5] =	dma.local @p1 [hbm:s1], $0x3E80  }
0xb5: {  	_ =	swait.ge @p1 [sflag:s8], $0x3E80  }
0xb6: {  	[sflag:s8] =	ssyncset.done @p1 $0x0  }
0xb7: {  	[sflag:s8] =	ssyncadd.s32 @p1 $0xFFFFC180  }
0xb8: {  	[bflag:$0x0] =	sbarrier.arrive @!p1 $0xFFFF  }
0xb9: {  	s10 =	sadd.s32 $0xFFFFD800, s19;
	[bflag:$0x0] =	sbarrier.arrive $0xFFFF  }
0xba: {  	[tilespmem:s24], [sflag:$0x1] =	stream.strided.gather [hbm4b:s10+s22], $0x2800, s23, s22, $0x38;
	[tilespmem:$0x1C880] =	vst v63  }
0xbb: {  	_ = 	snop  }
0xbc: {  	[tilespmem:s25], [sflag:$0x2] =	stream.strided.gather [hbm4b:s19+s22], $0x2800, s23, s22, $0x38;
	[tilespmem:$0x1C880] =	vst v63  }
0xbd: {  	_ =	swait.ge [sflag:s26], $0x2800  }
0xbe: {  	[sflag:s26] =	ssyncset.done $0x0  }
0xbf: {  	s11 =	simm.s32 $0x0;
	[sflag:s26] =	ssyncadd.s32 $0xFFFFD800  }
0xc0: {  	[spmem:s2] =	stream.indirect.scatter.add.f32 [tilespmem:s24], [sflag:$0x3], $0x80, s11, s28, $0xb8;
	[tilespmem:$0x1C880] =	vst v63  }
0xc1: {  	_ =	swait.ge [sflag:s21], $0x2800  }
0xc2: {  	[sflag:s21] =	ssyncset.done $0x0  }
0xc3: {  	[sflag:s21] =	ssyncadd.s32 $0xFFFFD800  }
0xc4: {  	_ =	swait.ge [sflag:s29], $0x2800  }
0xc5: {  	[sflag:s29] =	ssyncset.done $0x0  }
0xc6: {  	s12 =	simm.s32 $0x80;
	[sflag:s29] =	ssyncadd.s32 $0xFFFFD800  }
0xc7: {  	[spmem:s2] =	stream.indirect.scatter.add.f32 [tilespmem:s25], [sflag:$0x3], $0x80, s12, s28, $0xb8;
	[tilespmem:$0x1C880] =	vst v63  }
0xc8: {  	s9 =	sadd.s32 $0x5000, s19;
	_ =	swait.ge [sflag:s21], $0x2800  }
0xc9: {  	s8 =	simm.s32 $0x400;
	s10 =	simm.s32 $0x800;
	[sflag:s21] =	ssyncset.done $0x0  }
.LBB2_6:
0xca: {  	p2 =	sne.s32 s10, $0xF400;
	s11 =	sadd.s32 $0xFFFFD800, s9;
	[sflag:s21] =	ssyncadd.s32 $0xFFFFD800  }
0xcb: {  	[tilespmem:s24], [sflag:$0x1] =	stream.strided.gather [hbm4b:s11+s22], $0x2800, s23, s22, $0x38;
	[tilespmem:$0x1C880] =	vst v63  }
0xcc: {  	s11 =	smov.u32 s10;
	s10 =	sadd.s32 $0x400, s10  }
0xcd: {  	[tilespmem:s25], [sflag:$0x2] =	stream.strided.gather [hbm4b:s9+s22], $0x2800, s23, s22, $0x38;
	[tilespmem:$0x1C880] =	vst v63  }
0xce: {  	_ =	swait.ge [sflag:s26], $0x2800  }
0xcf: {  	[sflag:s26] =	ssyncset.done $0x0  }
0xd0: {  	s12 =	sshra.s32 s8, $0x2;
	s8 =	smov.u32 s11;
	[sflag:s26] =	ssyncadd.s32 $0xFFFFD800  }
0xd1: {  	[spmem:s2] =	stream.indirect.scatter.add.f32 [tilespmem:s24], [sflag:$0x3], $0x80, s12, s28, $0xb8;
	[tilespmem:$0x1C880] =	vst v63  }
0xd2: {  	_ =	swait.ge [sflag:s21], $0x2800  }
0xd3: {  	[sflag:s21] =	ssyncset.done $0x0  }
0xd4: {  	[sflag:s21] =	ssyncadd.s32 $0xFFFFD800  }
0xd5: {  	_ =	swait.ge [sflag:s29], $0x2800  }
.Ltmp2:
0xd6: {  	[sflag:s29] =	ssyncset.done $0x0;
	(pc) =	sbr.rel @p2 .LBB2_6-.Ltmp2, $4  }
0xd7: {  	s11 =	sadd.s32 $0x80, s12;
	[sflag:s29] =	ssyncadd.s32 $0xFFFFD800  }
0xd8: {  	[spmem:s2] =	stream.indirect.scatter.add.f32 [tilespmem:s25], [sflag:$0x3], $0x80, s11, s28, $0xb8;
	[tilespmem:$0x1C880] =	vst v63  }
0xd9: {  	_ =	swait.ge [sflag:s21], $0x2800  }
0xda: {  	s9 =	sadd.s32 $0x5000, s9;
	[sflag:s21] =	ssyncset.done $0x0  }
0xdb: {  	s10 =	sadd.s32 $0xFFFFD800, s9;
	[sflag:s21] =	ssyncadd.s32 $0xFFFFD800  }
0xdc: {  	[tilespmem:s24], [sflag:$0x1] =	stream.strided.gather [hbm4b:s10+s22], $0x2800, s23, s22, $0x38;
	[tilespmem:$0x1C880] =	vst v63  }
0xdd: {  	_ = 	snop  }
0xde: {  	[tilespmem:s25], [sflag:$0x2] =	stream.strided.gather [hbm4b:s9+s22], $0x2800, s23, s22, $0x38;
	[tilespmem:$0x1C880] =	vst v63  }
0xdf: {  	_ =	swait.ge [sflag:s26], $0x2800  }
0xe0: {  	[sflag:s26] =	ssyncset.done $0x0  }
0xe1: {  	s8 =	sshra.s32 s8, $0x2;
	[sflag:s26] =	ssyncadd.s32 $0xFFFFD800  }
0xe2: {  	[spmem:s2] =	stream.indirect.scatter.add.f32 [tilespmem:s24], [sflag:$0x3], $0x80, s8, s28, $0xb8;
	[tilespmem:$0x1C880] =	vst v63  }
0xe3: {  	_ =	swait.ge [sflag:s21], $0x2800  }
0xe4: {  	[sflag:s21] =	ssyncset.done $0x0  }
0xe5: {  	[sflag:s21] =	ssyncadd.s32 $0xFFFFD800  }
0xe6: {  	_ =	swait.ge [sflag:s29], $0x2800  }
0xe7: {  	[sflag:s29] =	ssyncset.done $0x0  }
0xe8: {  	s8 =	sadd.s32 $0x80, s8;
	[sflag:s29] =	ssyncadd.s32 $0xFFFFD800  }
0xe9: {  	[spmem:s2] =	stream.indirect.scatter.add.f32 [tilespmem:s25], [sflag:$0x3], $0x80, s8, s28, $0xb8;
	[tilespmem:$0x1C880] =	vst v63  }
0xea: {  	_ =	swait.ge [sflag:s21], $0x2800  }
0xeb: {  	[sflag:s21] =	ssyncset.done $0x0  }
0xec: {  	s9 =	rddreg [dreg:$0x9];
	[sflag:s21] =	ssyncadd.s32 $0xFFFFD800  }
0xed: {  	[tilespmem:s24], [sflag:$0x1] =	stream.strided.gather [hbm4b:s9+s22], $0x2800, s23, s22, $0x38;
	[tilespmem:$0x1C880] =	vst v63  }
0xee: {  	_ =	swait.ge [sflag:s26], $0x2800  }
0xef: {  	[sflag:s26] =	ssyncset.done $0x0  }
0xf0: {  	[sflag:s26] =	ssyncadd.s32 $0xFFFFD800  }
0xf1: {  	[spmem:s2] =	stream.indirect.scatter.add.f32 [tilespmem:s24], [sflag:$0x3], $0x80, s30, s28, $0xb8;
	[tilespmem:$0x1C880] =	vst v63  }
0xf2: {  	_ =	swait.ge [sflag:s21], $0x2800  }
0xf3: {  	[sflag:s21] =	ssyncset.done $0x0  }
0xf4: {  	[sflag:s21] =	ssyncadd.s32 $0xFFFFD800  }
0xf5: {  	s10 =	simm.s32 @p1 $0x80;
	[bflag:$0x0] =	sbarrier.arrive $0xFFFF  }
0xf6: {  	s8 =	simm.s32 @p1 $0x8;
	s9 =	simm.s32 @p1 $0x400;
	s11 =	rddreg [dreg:$0xa]  }
0xf7: {  	[hbm:s11@s9], [sflag:s5] =	dma.strided @p1 [spmem:s7@s10], $0x3E80, s8, $0x10   }
0xf8: {  	s8 =	simm.s32 @p1 $0x3  }
0xf9: {  	_ =	swait.ge @p1 [sflag:s8], $0x3E80  }
0xfa: {  	[sflag:s8] =	ssyncset.done @p1 $0x0  }
0xfb: {  	[sflag:s8] =	ssyncadd.s32 @p1 $0xFFFFC180  }
0xfc: {  	[bflag:$0x0] =	sbarrier.arrive @p1 $0xFFFF  }
0xfd: {  	[spmem:s7], [sflag:s5] =	dma.local @p1 [hbm:s1], $0x3E80  }
0xfe: {  	_ =	swait.ge @p1 [sflag:s8], $0x3E80  }
0xff: {  	[sflag:s8] =	ssyncset.done @p1 $0x0  }
0x100: {  	[sflag:s8] =	ssyncadd.s32 @p1 $0xFFFFC180  }
0x101: {  	[bflag:$0x0] =	sbarrier.arrive @!p1 $0xFFFF  }
0x102: {  	s10 =	sadd.s32 $0xFFFFD800, s20;
	[bflag:$0x0] =	sbarrier.arrive $0xFFFF  }
0x103: {  	[tilespmem:s24], [sflag:$0x1] =	stream.strided.gather [hbm4b:s10+s22], $0x2800, s23, s22, $0x38;
	[tilespmem:$0x1C880] =	vst v63  }
0x104: {  	_ = 	snop  }
0x105: {  	[tilespmem:s25], [sflag:$0x2] =	stream.strided.gather [hbm4b:s20+s22], $0x2800, s23, s22, $0x38;
	[tilespmem:$0x1C880] =	vst v63  }
0x106: {  	_ =	swait.ge [sflag:s26], $0x2800  }
0x107: {  	[sflag:s26] =	ssyncset.done $0x0  }
0x108: {  	s11 =	simm.s32 $0x0;
	[sflag:s26] =	ssyncadd.s32 $0xFFFFD800  }
0x109: {  	[spmem:s2] =	stream.indirect.scatter.add.f32 [tilespmem:s24], [sflag:$0x3], $0x80, s11, s28, $0xb8;
	[tilespmem:$0x1C880] =	vst v63  }
0x10a: {  	_ =	swait.ge [sflag:s21], $0x2800  }
0x10b: {  	[sflag:s21] =	ssyncset.done $0x0  }
0x10c: {  	[sflag:s21] =	ssyncadd.s32 $0xFFFFD800  }
0x10d: {  	_ =	swait.ge [sflag:s29], $0x2800  }
0x10e: {  	[sflag:s29] =	ssyncset.done $0x0  }
0x10f: {  	s12 =	simm.s32 $0x80;
	[sflag:s29] =	ssyncadd.s32 $0xFFFFD800  }
0x110: {  	[spmem:s2] =	stream.indirect.scatter.add.f32 [tilespmem:s25], [sflag:$0x3], $0x80, s12, s28, $0xb8;
	[tilespmem:$0x1C880] =	vst v63  }
0x111: {  	s5 =	simm.s32 $0x400;
	_ =	swait.ge [sflag:s21], $0x2800  }
0x112: {  	s7 =	sadd.s32 $0x5000, s20;
	s8 =	simm.s32 $0x800;
	[sflag:s21] =	ssyncset.done $0x0  }
.LBB2_8:
0x113: {  	p2 =	sne.s32 s8, $0xF400;
	s9 =	sadd.s32 $0xFFFFD800, s7;
	[sflag:s21] =	ssyncadd.s32 $0xFFFFD800  }
0x114: {  	[tilespmem:s24], [sflag:$0x1] =	stream.strided.gather [hbm4b:s9+s22], $0x2800, s23, s22, $0x38;
	[tilespmem:$0x1C880] =	vst v63  }
0x115: {  	s9 =	smov.u32 s8;
	s8 =	sadd.s32 $0x400, s8  }
0x116: {  	[tilespmem:s25], [sflag:$0x2] =	stream.strided.gather [hbm4b:s7+s22], $0x2800, s23, s22, $0x38;
	[tilespmem:$0x1C880] =	vst v63  }
0x117: {  	_ =	swait.ge [sflag:s26], $0x2800  }
0x118: {  	[sflag:s26] =	ssyncset.done $0x0  }
0x119: {  	s10 =	sshra.s32 s5, $0x2;
	s5 =	smov.u32 s9;
	[sflag:s26] =	ssyncadd.s32 $0xFFFFD800  }
0x11a: {  	[spmem:s2] =	stream.indirect.scatter.add.f32 [tilespmem:s24], [sflag:$0x3], $0x80, s10, s28, $0xb8;
	[tilespmem:$0x1C880] =	vst v63  }
0x11b: {  	_ =	swait.ge [sflag:s21], $0x2800  }
0x11c: {  	[sflag:s21] =	ssyncset.done $0x0  }
0x11d: {  	[sflag:s21] =	ssyncadd.s32 $0xFFFFD800  }
0x11e: {  	_ =	swait.ge [sflag:s29], $0x2800  }
.Ltmp3:
0x11f: {  	[sflag:s29] =	ssyncset.done $0x0;
	(pc) =	sbr.rel @p2 .LBB2_8-.Ltmp3, $4  }
0x120: {  	s9 =	sadd.s32 $0x80, s10;
	[sflag:s29] =	ssyncadd.s32 $0xFFFFD800  }
0x121: {  	[spmem:s2] =	stream.indirect.scatter.add.f32 [tilespmem:s25], [sflag:$0x3], $0x80, s9, s28, $0xb8;
	[tilespmem:$0x1C880] =	vst v63  }
0x122: {  	_ =	swait.ge [sflag:s21], $0x2800  }
0x123: {  	s7 =	sadd.s32 $0x5000, s7;
	[sflag:s21] =	ssyncset.done $0x0  }
0x124: {  	s8 =	sadd.s32 $0xFFFFD800, s7;
	[sflag:s21] =	ssyncadd.s32 $0xFFFFD800  }
0x125: {  	[tilespmem:s24], [sflag:$0x1] =	stream.strided.gather [hbm4b:s8+s22], $0x2800, s23, s22, $0x38;
	[tilespmem:$0x1C880] =	vst v63  }
0x126: {  	_ = 	snop  }
0x127: {  	[tilespmem:s25], [sflag:$0x2] =	stream.strided.gather [hbm4b:s7+s22], $0x2800, s23, s22, $0x38;
	[tilespmem:$0x1C880] =	vst v63  }
0x128: {  	_ =	swait.ge [sflag:s26], $0x2800  }
0x129: {  	[sflag:s26] =	ssyncset.done $0x0  }
0x12a: {  	s5 =	sshra.s32 s5, $0x2;
	[sflag:s26] =	ssyncadd.s32 $0xFFFFD800  }
0x12b: {  	[spmem:s2] =	stream.indirect.scatter.add.f32 [tilespmem:s24], [sflag:$0x3], $0x80, s5, s28, $0xb8;
	[tilespmem:$0x1C880] =	vst v63  }
0x12c: {  	_ =	swait.ge [sflag:s21], $0x2800  }
0x12d: {  	[sflag:s21] =	ssyncset.done $0x0  }
0x12e: {  	[sflag:s21] =	ssyncadd.s32 $0xFFFFD800  }
0x12f: {  	_ =	swait.ge [sflag:s29], $0x2800  }
0x130: {  	[sflag:s29] =	ssyncset.done $0x0  }
0x131: {  	s5 =	sadd.s32 $0x80, s5;
	[sflag:s29] =	ssyncadd.s32 $0xFFFFD800  }
0x132: {  	[spmem:s2] =	stream.indirect.scatter.add.f32 [tilespmem:s25], [sflag:$0x3], $0x80, s5, s28, $0xb8;
	[tilespmem:$0x1C880] =	vst v63  }
0x133: {  	_ =	swait.ge [sflag:s21], $0x2800  }
0x134: {  	[sflag:s21] =	ssyncset.done $0x0  }
0x135: {  	[sflag:s21] =	ssyncadd.s32 $0xFFFFD800  }
0x136: {  	[tilespmem:s24], [sflag:$0x1] =	stream.strided.gather [hbm4b:s13+s22], $0x2800, s23, s22, $0x38;
	[tilespmem:$0x1C880] =	vst v63  }
0x137: {  	_ =	swait.ge [sflag:s26], $0x2800  }
0x138: {  	[sflag:s26] =	ssyncset.done $0x0  }
0x139: {  	[sflag:s26] =	ssyncadd.s32 $0xFFFFD800  }
0x13a: {  	[spmem:s2] =	stream.indirect.scatter.add.f32 [tilespmem:s24], [sflag:$0x3], $0x80, s30, s28, $0xb8;
	[tilespmem:$0x1C880] =	vst v63  }
0x13b: {  	_ =	swait.ge [sflag:s21], $0x2800  }
0x13c: {  	[sflag:s21] =	ssyncset.done $0x0  }
0x13d: {  	s31 =	sadd.s32 $0x1, s31;
	s8 =	simm.s32 @!p0 $0x80;
	[sflag:s21] =	ssyncadd.s32 $0xFFFFD800  }
0x13e: {  	s7 =	simm.s32 @!p0 $0x400;
	s5 =	simm.s32 @!p0 $0x8;
	[bflag:$0x0] =	sbarrier.arrive $0xFFFF  }
0x13f: {  	[hbm:s14@s7], [sflag:s0] =	dma.strided @!p0 [spmem:s4@s8], $0x3E80, s5, $0x10   }
0x140: {  	p2 =	sne.s32 s31, s15;
	s0 =	simm.s32 @!p0 $0x3  }
.Ltmp4:
0x141: {  	_ =	swait.ge @!p0 [sflag:s0], $0x3E80;
	(pc) =	sbr.rel @p2 .LBB2_1-.Ltmp4, $3  }
0x142: {  	[sflag:s0] =	ssyncset.done @!p0 $0x0  }
0x143: {  	[sflag:s0] =	ssyncadd.s32 @!p0 $0xFFFFC180  }
0x144: {  	[bflag:$0x0] =	sbarrier.arrive $0xFFFF;
	_ =	sdelay $0x1  }
0x145: {  	_ =	sfence.sel $0x180000  }
0x146: {  	[bflag:$0x0] =	sbarrier.arrive $0xFFFF  }
0x147: {  	_ =	strace $0x9000004D  }
0x148: {  	[bflag:$0x2] =	sbarrier.arrive $0xFFFF  }
0x149: {  	p0 =	sne.s32 s3, $0x0;
	s0 =	rddreg [dreg:$0x3]  }
0x14a: {  	s0 =	sadd.s32 @!p0 $0x100000, s0  }
0x14b: {  	[sflag:s0] =	ssyncadd.tile.s32 @!p0 $0x1;
	_ =	shalt  }
.Lfunc_end2:
_tile_overlayer_lowered:
.L_overlay_start_2:
0x14c: {  	(tag) =	ssettag $0x2  }
0x14d: {  	s0 =	rddreg [dreg:$0x0];
	s2 =	stileid.u32  }
0x14e: {  	s1 =	rddreg [dreg:$0x1];
	p0 =	sne.s32 s2, $0x0  }
0x14f: {  	s3 =	rddreg [dreg:$0x2];
	[bflag:$0x3] =	sbarrier.arrive $0xFFFF;
	s2 =	simm.s32 @!p0 $0x1C03  }
0x150: {  	[timem:s3], [sflag:s2] =	dma.local @!p0 [hbm:s0], s1  }
0x151: {  	s0 =	simm.s32 @!p0 $0x3  }
0x152: {  	_ =	swait.ge @!p0 [sflag:s0], s1  }
0x153: {  	s1 =	ssub.s32 @!p0 $0x0, s1;
	[sflag:s0] =	ssyncset.done @!p0 $0x0  }
0x154: {  	[sflag:s0] =	ssyncadd.s32 @!p0 s1  }
0x155: {  	[bflag:$0x3] =	sbarrier.arrive $0xFFFF  }
0x156: {  	_ =	shalt  }

// kernel: kernel.23.cloned.1.call-start
scs
__scs_entry_jumppad:
0x0: {  	(pc) =	sbr.rel $0x88, $3  }
0x1: {  	(tag) =	ssettag $0x0;
	lr =	simm.s32 $0x1  }
0x2: {  	[smem:$0x3F70] =	sst lr;
	_ =	strace $0xD0000000  }
0x3: {  	_ = 	snop  }
0x4: {  	_ = 	snop  }
0x5: {  	_ = 	snop  }
0x6: {  	_ = 	snop  }
0x7: {  	_ = 	snop  }
__scs_overlays_trampoline_lowered:
0x8: {  	[smem:$0x3F7F] =	sst s0  }
0x9: {  	[smem:$0x3F80] =	sst s1  }
0xa: {  	[smem:$0x3F81] =	sst s2  }
0xb: {  	[smem:$0x3F82] =	sst s3  }
0xc: {  	[smem:$0x3F83] =	sst s4  }
0xd: {  	[smem:$0x3F84] =	sst s5  }
0xe: {  	[smem:$0x3F85] =	sst s6  }
0xf: {  	[smem:$0x3F86] =	sst s7  }
0x10: {  	[smem:$0x3F87] =	sst s8  }
0x11: {  	[smem:$0x3F88] =	sst s9;
	s0 =	simm.s32 @!p0 $0x0  }
0x12: {  	s1 =	sld [smem:$0x3F6E];
	s0 =	simm.s32 @p0 $0x1  }
0x13: {  	[smem:$0x3F89] =	sst s0;
	s0 =	simm.s32 @!p1 $0x0  }
0x14: {  	s2 =	sld [smem:$0x3F6D];
	s0 =	simm.s32 @p1 $0x1  }
0x15: {  	[smem:$0x3F8A] =	sst s0;
	s0 =	simm.s32 @!p2 $0x0  }
0x16: {  	s3 =	sld [smem:$0x3FDB];
	s0 =	simm.s32 @p2 $0x1  }
0x17: {  	s4 =	simm.s32 $0x1BF5;
	[smem:$0x3F8C] =	sst s0  }
0x18: {  	s0 =	sld [smem:$0x3F6F];
	_ =	swait.ge [sflag:s4], $0x0  }
0x19: {  	s7 =	sld [smem:$0x3F70]  }
0x1a: {  	s8 =	sadd.s32 $0xFFFFE003, lr  }
0x1b: {  	s9 =	sadd.s32 $0xFFFFFEF7, lr;
	s5 =	simm.s32 $0xFFFFFFFF;
	p2 =	slt.u32 s8, $0xFFFFF086  }
0x1c: {  	p1 =	slt.u32 s9, $0xF7A;
	s5 =	simm.s32 @!p2 $0x0  }
0x1d: {  	s5 =	simm.s32 @p1 $0x1;
	p0 =	seq.s32 s7, s2  }
0x1e: {  	s7 =	smul.u32 @!p0 $0xF7A, s2;
	p2 =	seq.s32 @!p0 s5, $0x0  }
0x1f: {  	s9 =	smul.u32 $0xF7A, s1;
	s8 =	simm.s32 @!p0 $0x1BF5;
	p2 =	por !p2, p0  }
0x20: {  	[sflag:s8] =	ssyncset.s32 @!p0 $0xFFFFF086;
	s6 =	sadd.s32 @!p0 s3, s7;
	s7 =	simm.s32 @!p0 $0x108  }
0x21: {  	s3 =	sadd.s32 s3, s9;
	s6 =	sadd.s32 @!p0 $0x88, s6;
	s7 =	simm.s32 @p2 $0x1082  }
0x22: {  	[simem:s7], [sflag:s8] =	dma.local @!p0 [hbm:s6], $0xF7A  }
0x23: {  	s9 =	sor.u32 $0xD0000000, s2;
	s6 =	simm.s32 $0x108;
	_ =	swait.ge @!p0 [sflag:s8], $0x0  }
0x24: {  	s3 =	sadd.s32 $0x88, s3;
	s6 =	simm.s32 @!p1 $0x1082;
	[sflag:s4] =	ssyncset.s32 $0xFFFFF086  }
0x25: {  	[simem:s6], [sflag:s4] =	dma.local [hbm:s3], $0xF7A  }
0x26: {  	[smem:$0x3F70] =	sst s1;
	(tag) =	ssettag s2;
	_ =	strace s9  }
0x27: {  	s1 =	sld [smem:$0x3F80]  }
0x28: {  	s2 =	sld [smem:$0x3F81]  }
0x29: {  	s4 =	sld [smem:$0x3F83]  }
0x2a: {  	p0 =	seq.s32 s5, $0x0;
	s5 =	sld [smem:$0x3F84]  }
0x2b: {  	s6 =	sld [smem:$0x3F85]  }
0x2c: {  	s7 =	sld [smem:$0x3F86]  }
0x2d: {  	s3 =	simm.s32 $0x108;
	s8 =	sld [smem:$0x3F87]  }
0x2e: {  	s3 =	simm.s32 @!p0 $0x1082;
	s9 =	sld [smem:$0x3F88]  }
0x2f: {  	lr =	sadd.s32 s0, s3;
	s0 =	sld [smem:$0x3F7F]  }
0x30: {  	s3 =	sld [smem:$0x3F82]  }
0x31: {  	[smem:$0x3F8B] =	sst s10  }
0x32: {  	s10 =	sld [smem:$0x3F89];
	_ =	sdelay $0x3  }
0x33: {  	p0 =	seq.s32 s10, $0x1;
	s10 =	sld [smem:$0x3F8B];
	_ =	sdelay $0x3  }
0x34: {  	[smem:$0x3F8B] =	sst s10  }
0x35: {  	s10 =	sld [smem:$0x3F8A];
	_ =	sdelay $0x3  }
0x36: {  	p1 =	seq.s32 s10, $0x1;
	s10 =	sld [smem:$0x3F8B];
	_ =	sdelay $0x3  }
0x37: {  	[smem:$0x3F8B] =	sst s10  }
0x38: {  	s10 =	sld [smem:$0x3F8C]  }
0x39: {  	_ = 	snop;
	(pc) =	sbr.ind lr, $3  }
0x3a: {  	_ = 	snop  }
0x3b: {  	_ = 	snop  }
0x3c: {  	p2 =	seq.s32 s10, $0x1;
	s10 =	sld [smem:$0x3F8B]  }
0x3d: {  	_ =	shalt  }
0x3e: {  	_ =	shalt  }
0x3f: {  	_ =	shalt  }
0x40: {  	_ =	shalt  }
0x41: {  	_ =	shalt  }
0x42: {  	_ =	shalt  }
0x43: {  	_ =	shalt  }
0x44: {  	_ =	shalt  }
0x45: {  	_ =	shalt  }
0x46: {  	_ =	shalt  }
0x47: {  	_ =	shalt  }
0x48: {  	_ =	shalt  }
0x49: {  	_ =	shalt  }
0x4a: {  	_ =	shalt  }
0x4b: {  	_ =	shalt  }
0x4c: {  	_ =	shalt  }
0x4d: {  	_ =	shalt  }
0x4e: {  	_ =	shalt  }
0x4f: {  	_ =	shalt  }
0x50: {  	_ =	shalt  }
0x51: {  	_ =	shalt  }
0x52: {  	_ =	shalt  }
0x53: {  	_ =	shalt  }
0x54: {  	_ =	shalt  }
0x55: {  	_ =	shalt  }
0x56: {  	_ =	shalt  }
0x57: {  	_ =	shalt  }
0x58: {  	_ =	shalt  }
0x59: {  	_ =	shalt  }
0x5a: {  	_ =	shalt  }
0x5b: {  	_ =	shalt  }
0x5c: {  	_ =	shalt  }
0x5d: {  	_ =	shalt  }
0x5e: {  	_ =	shalt  }
0x5f: {  	_ =	shalt  }
0x60: {  	_ =	shalt  }
0x61: {  	_ =	shalt  }
0x62: {  	_ =	shalt  }
0x63: {  	_ =	shalt  }
0x64: {  	_ =	shalt  }
0x65: {  	_ =	shalt  }
0x66: {  	_ =	shalt  }
0x67: {  	_ =	shalt  }
0x68: {  	_ =	shalt  }
0x69: {  	_ =	shalt  }
0x6a: {  	_ =	shalt  }
0x6b: {  	_ =	shalt  }
0x6c: {  	_ =	shalt  }
0x6d: {  	_ =	shalt  }
0x6e: {  	_ =	shalt  }
0x6f: {  	_ =	shalt  }
0x70: {  	_ =	shalt  }
0x71: {  	_ =	shalt  }
0x72: {  	_ =	shalt  }
0x73: {  	_ =	shalt  }
0x74: {  	_ =	shalt  }
0x75: {  	_ =	shalt  }
0x76: {  	_ =	shalt  }
0x77: {  	_ =	shalt  }
0x78: {  	_ =	shalt  }
0x79: {  	_ =	shalt  }
0x7a: {  	_ =	shalt  }
0x7b: {  	_ =	shalt  }
0x7c: {  	_ =	shalt  }
0x7d: {  	_ =	shalt  }
0x7e: {  	_ =	shalt  }
0x7f: {  	_ =	shalt  }
0x80: {  	_ =	shalt  }
0x81: {  	_ =	shalt  }
0x82: {  	_ =	shalt  }
0x83: {  	_ =	shalt  }
0x84: {  	_ =	shalt  }
0x85: {  	_ =	shalt  }
0x86: {  	_ =	shalt  }
0x87: {  	_ =	shalt  }
.Lfunc_end0:
.L_simem_size_0:
called_computation.3_lowered:
.L_overlay_start_0:
0x88: {  	s2 =	sld [smem:$0x3FD9]  }
0x89: {  	s3 =	sld [smem:$0x3FFE];
	_ =	sdelay $0x1  }
0x8a: {  	s1 =	srdreg.scid  }
0x8b: {  	s0 =	sand.u32 $0x1, s1  }
0x8c: {  	s17 =	sshll.u32 s0, $0xA;
	s2 =	sadd.s32 s3, s2  }
0x8d: {  	s2 =	sadd.s32 s2, s17  }
0x8e: {  	[smem:$0x3F97] =	sst s2  }
0x8f: {  	_ = 	snop  }
0x90: {  	s18 =	sld [smem:$0x3FD0];
	(tm) =	ssettm $0x1  }
0x91: {  	s19 =	sld [smem:$0x3FFB];
	_ =	sdelay $0x3  }
0x92: {  	_ =	strace s19  }
0x93: {  	s2 =	sld [smem:$0x3FFC];
	_ =	sdelay $0x3  }
0x94: {  	_ =	strace s2  }
0x95: {  	s2 =	sld [smem:$0x3FFD];
	_ =	sdelay $0x3  }
0x96: {  	_ =	strace s2  }
0x97: {  	_ =	strace $0x8FFFFFFF  }
0x98: {  	s20 =	sld [smem:$0x3FDB];
	_ =	sdelay $0x1  }
0x99: {  	s4 =	simm.s32 $_scs_section_size  }
0x9a: {  	s5 =	simm.s32 $_size__tile_overlayer_lowered;
	s6 =	simm.s32 $_tile_overlayer_lowered  }
0x9b: {  	s7 =	simm.s32 $0x1BFF;
	s21 =	sshll.u32 s6, $0x1;
	s4 =	sadd.s32 s4, s20  }
0x9c: {  	s22 =	simm.s32 $0x0;
	s5 =	sshll.u32 s5, $0x1;
	s6 =	sadd.s32 s21, s4  }
0x9d: {  	[timem:s22], [sflag:s7] =	dma.local [hbm:s6], s5  }
0x9e: {  	_ =	swait.ge [sflag:s7], s5  }
0x9f: {  	s5 =	ssub.s32 $0x0, s5;
	[sflag:s7] =	ssyncset.done $0x0  }
0xa0: {  	[sflag:s7] =	ssyncadd.s32 s5;
	_ =	sdelay $0x1  }
0xa1: {  	s23 =	simm.s32 $0x1B8B  }
0xa2: {  	_ =	swait.ge [sflag:s23], $0x1  }
0xa3: {  	[sflag:s23] =	ssyncset.done $0x0  }
0xa4: {  	[sflag:s23] =	ssyncadd.s32 $0xFFFFFFFF  }
0xa5: {  	s5 =	sld [smem:$0x0]  }
0xa6: {  	s6 =	sand.u32 $0xFFFFFFFE, s1  }
0xa7: {  	p0 =	sne.s32 s1, s6  }
0xa8: {  	s6 =	sshll.u32 @p0 s6, $0xE  }
0xa9: {  	s6 =	sadd.s32 @p0 $0x11B8D, s6;
	s7 =	sshll.u32 @p0 s5, $0x11  }
0xaa: {  	s6 =	sor.u32 @p0 s7, s6  }
0xab: {  	[sflag:s6] =	ssyncadd.remote.s32 @p0 $0x1;
	_ =	sdelay $0x1  }
0xac: {  	s6 =	simm.s32 @p0 $0x1B8D  }
0xad: {  	_ =	swait.eq @p0 [sflag:s6], $0x1  }
0xae: {  	[sflag:s6] =	ssyncadd.s32 @p0 $0xFFFFFFFF  }
0xaf: {  	s7 =	sshll.u32 @!p0 s1, $0xE  }
0xb0: {  	s7 =	sor.u32 @!p0 $0x4000, s7;
	s6 =	simm.s32 @!p0 $0x1B8D  }
0xb1: {  	s5 =	sshll.u32 @!p0 s5, $0x11;
	s7 =	sadd.s32 @!p0 $0x11B8D, s7;
	_ =	swait.eq @!p0 [sflag:s6], $0x1  }
0xb2: {  	s5 =	sor.u32 @!p0 s5, s7;
	[sflag:s6] =	ssyncadd.s32 @!p0 $0xFFFFFFFF  }
0xb3: {  	s25 =	simm.s32 $0x1B8E;
	s24 =	sld [smem:$0x3FFE];
	[sflag:s5] =	ssyncadd.remote.s32 @!p0 $0x1  }
0xb4: {  	s26 =	simm.s32 $execute0_lowered;
	[smem:$0x3FD2] =	sst s25  }
0xb5: {  	s6 =	sshll.u32 s26, $0x1;
	_ =	strace $0x80000052;
	[dreg:$0x1] =	wrdreg $0xFFFFFFFF  }
0xb6: {  	s28 =	simm.s32 $_size_execute0_lowered;
	s4 =	sadd.s32 s4, s6;
	[dreg:$0x0] =	wrdreg $0x0  }
0xb7: {  	s6 =	sshll.u32 s28, $0x1;
	[dreg:$0x2] =	wrdreg s4  }
0xb8: {  	[dreg:$0x3] =	wrdreg s6  }
0xb9: {  	[dreg:$0x4] =	wrdreg $0xC0  }
0xba: {  	_ =	task [dreg:s22], $0x5FFFF  }
0xbb: {  	[dreg:$0x1] =	wrdreg $0xFFFFFFFF  }
0xbc: {  	[dreg:$0x0] =	wrdreg $0x60  }
0xbd: {  	[dreg:$0x2] =	wrdreg s18  }
0xbe: {  	[dreg:$0x3] =	wrdreg s24  }
0xbf: {  	[dreg:$0x4] =	wrdreg $0x9  }
0xc0: {  	_ =	task.clear_ibuf [dreg:s22], $0x5FFFF;
	_ =	strace $0x90000052  }
0xc1: {  	s29 =	simm.s32 $0x9;
	_ =	strace $0x80000054  }
0xc2: {  	_ =	swait.ge [sflag:s29], $0x1  }
0xc3: {  	[sflag:s29] =	ssyncadd.s32 $0xFFFFFFFF  }
0xc4: {  	_ =	strace $0x90000054  }
0xc5: {  	_ =	sfence  }
0xc6: {  	s30 =	sld [smem:$0x0];
	_ =	sdelay $0x2  }
0xc7: {  	s31 =	sshll.u32 s1, $0xD;
	s1 =	sshrl.u32 s1, $0x2  }
0xc8: {  	s4 =	sand.u32 $0x4000, s31;
	s1 =	sadd.s32 s1, s30  }
0xc9: {  	s0 =	sor.u32 s4, s0;
	s1 =	sshll.u32 s1, $0x11  }
0xca: {  	s0 =	sor.u32 s1, s0  }
0xcb: {  	s0 =	sadd.s32 $0x8F2B, s0  }
0xcc: {  	[sflag:s0] =	ssyncadd.remote.s32 $0x1  }
0xcd: {  	_ =	sfence.sel $0xFFFF  }
0xce: {  	[dreg:$0x0] =	wrdreg $0xFFFFFFFF;
	(pc) =	sbr.abs _section_cstart, $3  }
0xcf: {  	[dreg:$0x1] =	wrdreg $0xFFFFFFFF  }
0xd0: {  	_ =	task.clear_ibuf [dreg:s22], $0x2FFFF;
	_ =	strace $0x9FFFFFFF  }
0xd1: {  	(tm) =	ssettm $0x7FFFFFFF  }
tec
execute0_lowered:
.L_overlay_start_1:
0x0: {  	(tag) =	ssettag $0x1  }
0x1: {  	s2 =	rddreg [dreg:$0x0]  }
0x2: {  	s0 =	rddreg [dreg:$0x1];
	s1 =	srdreg.scid  }
0x3: {  	s8 =	stileid.u32;
	s3 =	simm.s32 $0x0;
	s9 =	simm.s32 $0x4000  }
0x4: {  	s10 =	simm.s32 $0x4800;
	s11 =	simm.s32 $0x5000;
	s12 =	simm.s32 $0x5800  }
0x5: {  	s13 =	simm.s32 $0x6000;
	s14 =	simm.s32 $0x6800;
	s15 =	simm.s32 $0x7000  }
0x6: {  	s16 =	simm.s32 $0x7800;
	s17 =	simm.s32 $0x8000;
	s18 =	simm.s32 $0x8800  }
0x7: {  	s19 =	simm.s32 $0x9000;
	s26 =	simm.s32 $0x9800;
	s20 =	simm.s32 $0xA000  }
0x8: {  	s21 =	simm.s32 $0xA800;
	s22 =	simm.s32 $0xB000;
	s23 =	simm.s32 $0xB800  }
0x9: {  	s28 =	simm.s32 $0xD800;
	s29 =	simm.s32 $0x1;
	s30 =	simm.s32 $0x2  }
0xa: {  	s31 =	simm.s32 $0x0;
	s1 =	sand.u32 $0x1, s1;
	s4 =	sshll.u32 s8, $0x1  }
0xb: {  	[smem:$0x7FF] =	sst s3;
	s8 =	smul.u32 $0x9C400, s8;
	s4 =	sor.u32 s1, s4  }
0xc: {  	_ =	strace $0x80000053;
	s6 =	ssub.s32 $0x2, s1;
	s1 =	smul.u32 $0x4E200, s1  }
0xd: {  	[dreg:$0x4] =	wrdreg s26;
	s5 =	sshll.u32 s4, $0xB;
	s4 =	smul.u32 $0x271000, s4  }
0xe: {  	s26 =	simm.s32 $0xD000;
	s7 =	sshrl.u32 s6, $0x1;
	s5 =	sadd.s32 s5, s0  }
0xf: {  	s0 =	sadd.s32 $0x33CAE00, s0;
	s7 =	ssub.s32 s6, s7;
	s24 =	sshrl.u32 s4, $0x3  }
0x10: {  	s25 =	sadd.s32 $0xFA200, s5;
	s5 =	sadd.s32 $0x100, s2;
	s7 =	smax.u32 s7, $0x1  }
0x11: {  	v2 =	vlaneseq.u32;
	[dreg:$0x5] =	wrdreg s25;
	s6 =	sadd.s32 s0, s24;
	s0 =	sadd.s32 s8, s0  }
0x12: {  	vm0 =	vmmov $0xffff;
	v1 =	vshrl.u32 v2, $0x3;
	s8 =	simm.s32 $0x3;
	s24 =	simm.s32 $0xC000;
	s0 =	sadd.s32 s1, s0  }
0x13: {  	v0 =	vand.u32 $0x7, v2;
	v2 =	vor.u32 $0x8, v2;
	v1 =	vmul.u32 $0x8, v1;
	s25 =	simm.s32 $0xC800;
	s6 =	sadd.s32 $0x4D800, s6;
	[dreg:$0x3] =	wrdreg s0  }
.LBB2_1:
0x14: {  	s0 =	rddreg [dreg:$0x5]  }
0x15: {  	[tilespmem:s3], [sflag:$0x3] =	stream.linear.gather [hbm4b:s0+s3], $0x3E80, $0x38;
	[tilespmem:$0xE000] =	vst v63  }
0x16: {  	_ =	swait.ge [sflag:s8], $0x3E80  }
0x17: {  	[sflag:s8] =	ssyncset.done $0x0  }
0x18: {  	s1 =	simm.s32 $0x0;
	s0 =	simm.s32 $0xA0;
	[sflag:s8] =	ssyncadd.s32 $0xFFFFC180  }
.LBB2_2:
0x19: {  	v3 =	vld [tilespmem:s0+$0xFFFFFF60];
	_ =	sdelay $0x4  }
0x1a: {  	v4 =	vshll.u32 v3, $0x2  }
0x1b: {  	v3 =	vand.u32 $0x7, v3;
	v4 =	vand.u32 $0xFFFFFFE0, v4  }
0x1c: {  	v3 =	vor.u32 v3, v4  }
0x1d: {  	v4 =	vperm.xlane v3, v0;
	_ =	sdelay $0x1  }
0x1e: {  	v4 =	vadd.s32 v1, v4;
	_ =	sdelay $0x1  }
0x1f: {  	v3 =	vperm.xlane v3, v2;
	_ =	sdelay $0x1  }
0x20: {  	v3 =	vadd.s32 v1, v3  }
0x21: {  	[tilespmem:s9], [sflag:$0x1] =	stream.indirect_vreg.gather [hbm4b:s2+s3], $0x80, v4, vm0, $0xb8;
	[tilespmem:$0xE000] =	vst v63  }
0x22: {  	_ = 	snop  }
0x23: {  	[tilespmem:s10], [sflag:$0x1] =	stream.indirect_vreg.gather [hbm4b:s5+s3], $0x80, v4, vm0, $0xb8;
	[tilespmem:$0xE000] =	vst v63  }
0x24: {  	_ = 	snop  }
0x25: {  	[tilespmem:s11], [sflag:$0x1] =	stream.indirect_vreg.gather [hbm4b:s2+s3], $0x80, v3, vm0, $0xb8;
	[tilespmem:$0xE000] =	vst v63  }
0x26: {  	_ = 	snop  }
0x27: {  	[tilespmem:s12], [sflag:$0x1] =	stream.indirect_vreg.gather [hbm4b:s5+s3], $0x80, v3, vm0, $0xb8;
	[tilespmem:$0xE000] =	vst v63  }
0x28: {  	v3 =	vld [tilespmem:s0+$0xFFFFFF70];
	_ =	sdelay $0x4  }
0x29: {  	v59 =	vshll.u32 v3, $0x2  }
0x2a: {  	v3 =	vand.u32 $0x7, v3;
	v4 =	vand.u32 $0xFFFFFFE0, v59  }
0x2b: {  	v3 =	vor.u32 v3, v4  }
0x2c: {  	v4 =	vperm.xlane v3, v0;
	_ =	sdelay $0x1  }
0x2d: {  	v4 =	vadd.s32 v1, v4;
	_ =	sdelay $0x1  }
0x2e: {  	v3 =	vperm.xlane v3, v2;
	_ =	sdelay $0x1  }
0x2f: {  	v3 =	vadd.s32 v1, v3  }
0x30: {  	[tilespmem:s13], [sflag:$0x1] =	stream.indirect_vreg.gather [hbm4b:s2+s3], $0x80, v4, vm0, $0xb8;
	[tilespmem:$0xE000] =	vst v63  }
0x31: {  	_ = 	snop  }
0x32: {  	[tilespmem:s14], [sflag:$0x1] =	stream.indirect_vreg.gather [hbm4b:s5+s3], $0x80, v4, vm0, $0xb8;
	[tilespmem:$0xE000] =	vst v63  }
0x33: {  	_ = 	snop  }
0x34: {  	[tilespmem:s15], [sflag:$0x1] =	stream.indirect_vreg.gather [hbm4b:s2+s3], $0x80, v3, vm0, $0xb8;
	[tilespmem:$0xE000] =	vst v63  }
0x35: {  	_ = 	snop  }
0x36: {  	[tilespmem:s16], [sflag:$0x1] =	stream.indirect_vreg.gather [hbm4b:s5+s3], $0x80, v3, vm0, $0xb8;
	[tilespmem:$0xE000] =	vst v63  }
0x37: {  	v3 =	vld.msk [tilespmem:s0+$0xFFFFFF80], $0xff;
	_ =	sdelay $0x4  }
0x38: {  	v60 =	vshll.u32 v3, $0x2  }
0x39: {  	v3 =	vand.u32 $0x7, v3;
	v4 =	vand.u32 $0xFFFFFFE0, v60  }
0x3a: {  	v3 =	vor.u32 v3, v4  }
0x3b: {  	v3 =	vperm.xlane v3, v0;
	_ =	sdelay $0x1  }
0x3c: {  	v3 =	vadd.s32 v1, v3;
	_ =	sdelay $0x4  }
0x3d: {  	[tilespmem:s17], [sflag:$0x1] =	stream.indirect_vreg.gather [hbm4b:s2+s3], $0x80, v3, vm0, $0xb8;
	[tilespmem:$0xE000] =	vst v63  }
0x3e: {  	_ = 	snop  }
0x3f: {  	[tilespmem:s18], [sflag:$0x1] =	stream.indirect_vreg.gather [hbm4b:s5+s3], $0x80, v3, vm0, $0xb8;
	[tilespmem:$0xE000] =	vst v63  }
0x40: {  	v3 =	vld [tilespmem:s0+$0xFFFFFFE0];
	_ =	sdelay $0x4  }
0x41: {  	v61 =	vshll.u32 v3, $0x2  }
0x42: {  	v3 =	vand.u32 $0x7, v3;
	v4 =	vand.u32 $0xFFFFFFE0, v61  }
0x43: {  	v3 =	vor.u32 v3, v4  }
0x44: {  	v4 =	vperm.xlane v3, v0;
	_ =	sdelay $0x1  }
0x45: {  	v4 =	vadd.s32 v1, v4;
	_ =	sdelay $0x1  }
0x46: {  	v3 =	vperm.xlane v3, v2;
	_ =	sdelay $0x1  }
0x47: {  	v3 =	vadd.s32 v1, v3  }
0x48: {  	[tilespmem:s19], [sflag:$0x2] =	stream.indirect_vreg.gather [hbm4b:s2+s3], $0x80, v4, vm0, $0xb8;
	[tilespmem:$0xE000] =	vst v63  }
0x49: {  	s4 =	rddreg [dreg:$0x4]  }
0x4a: {  	[tilespmem:s4], [sflag:$0x2] =	stream.indirect_vreg.gather [hbm4b:s5+s3], $0x80, v4, vm0, $0xb8;
	[tilespmem:$0xE000] =	vst v63  }
0x4b: {  	_ = 	snop  }
0x4c: {  	[tilespmem:s20], [sflag:$0x2] =	stream.indirect_vreg.gather [hbm4b:s2+s3], $0x80, v3, vm0, $0xb8;
	[tilespmem:$0xE000] =	vst v63  }
0x4d: {  	_ = 	snop  }
0x4e: {  	[tilespmem:s21], [sflag:$0x2] =	stream.indirect_vreg.gather [hbm4b:s5+s3], $0x80, v3, vm0, $0xb8;
	[tilespmem:$0xE000] =	vst v63  }
0x4f: {  	v3 =	vld [tilespmem:s0+$0xFFFFFFF0];
	_ =	sdelay $0x4  }
0x50: {  	v62 =	vshll.u32 v3, $0x2  }
0x51: {  	v3 =	vand.u32 $0x7, v3;
	v4 =	vand.u32 $0xFFFFFFE0, v62  }
0x52: {  	v3 =	vor.u32 v3, v4  }
0x53: {  	v4 =	vperm.xlane v3, v0;
	_ =	sdelay $0x1  }
0x54: {  	v4 =	vadd.s32 v1, v4;
	_ =	sdelay $0x1  }
0x55: {  	v3 =	vperm.xlane v3, v2;
	_ =	sdelay $0x1  }
0x56: {  	v3 =	vadd.s32 v1, v3  }
0x57: {  	[tilespmem:s22], [sflag:$0x2] =	stream.indirect_vreg.gather [hbm4b:s2+s3], $0x80, v4, vm0, $0xb8;
	[tilespmem:$0xE000] =	vst v63  }
0x58: {  	_ = 	snop  }
0x59: {  	[tilespmem:s23], [sflag:$0x2] =	stream.indirect_vreg.gather [hbm4b:s5+s3], $0x80, v4, vm0, $0xb8;
	[tilespmem:$0xE000] =	vst v63  }
0x5a: {  	_ = 	snop  }
0x5b: {  	[tilespmem:s24], [sflag:$0x2] =	stream.indirect_vreg.gather [hbm4b:s2+s3], $0x80, v3, vm0, $0xb8;
	[tilespmem:$0xE000] =	vst v63  }
0x5c: {  	_ = 	snop  }
0x5d: {  	[tilespmem:s25], [sflag:$0x2] =	stream.indirect_vreg.gather [hbm4b:s5+s3], $0x80, v3, vm0, $0xb8;
	[tilespmem:$0xE000] =	vst v63  }
0x5e: {  	v3 =	vld.msk [tilespmem:s0+$0x0], $0xff;
	_ =	sdelay $0x4  }
0x5f: {  	v63 =	vshll.u32 v3, $0x2  }
0x60: {  	v3 =	vand.u32 $0x7, v3;
	v4 =	vand.u32 $0xFFFFFFE0, v63  }
0x61: {  	v3 =	vor.u32 v3, v4  }
0x62: {  	v3 =	vperm.xlane v3, v0;
	_ =	sdelay $0x1  }
0x63: {  	v3 =	vadd.s32 v1, v3;
	_ =	sdelay $0x4  }
0x64: {  	[tilespmem:s26], [sflag:$0x2] =	stream.indirect_vreg.gather [hbm4b:s2+s3], $0x80, v3, vm0, $0xb8;
	[tilespmem:$0xE000] =	vst v63  }
0x65: {  	_ = 	snop  }
0x66: {  	[tilespmem:s28], [sflag:$0x2] =	stream.indirect_vreg.gather [hbm4b:s5+s3], $0x80, v3, vm0, $0xb8;
	[tilespmem:$0xE000] =	vst v63  }
0x67: {  	_ =	swait.ge [sflag:s29], $0x5000  }
0x68: {  	s4 =	rddreg [dreg:$0x3];
	[sflag:s29] =	ssyncset.done $0x0  }
0x69: {  	[sflag:s29] =	ssyncadd.s32 $0xFFFFB000;
	s4 =	sadd.s32 s1, s4  }
0x6a: {  	[hbm4b:s4+s3] =	stream.linear.scatter [tilespmem:s9], [sflag:$0x3], $0x5000, $0x38;
	[tilespmem:$0xE000] =	vst v63  }
0x6b: {  	_ =	swait.ge [sflag:s8], $0x5000  }
0x6c: {  	[sflag:s8] =	ssyncset.done $0x0  }
0x6d: {  	[sflag:s8] =	ssyncadd.s32 $0xFFFFB000  }
0x6e: {  	_ =	swait.ge [sflag:s30], $0x5000  }
0x6f: {  	p0 =	sne.s32 s1, $0x4C400;
	[sflag:s30] =	ssyncset.done $0x0  }
.Ltmp0:
0x70: {  	s4 =	sadd.s32 $0xA00, s4;
	[sflag:s30] =	ssyncadd.s32 $0xFFFFB000;
	(pc) =	sbr.rel @p0 .LBB2_2-.Ltmp0, $4  }
0x71: {  	[hbm4b:s4+s3] =	stream.linear.scatter [tilespmem:s19], [sflag:$0x3], $0x5000, $0x38;
	[tilespmem:$0xE000] =	vst v63  }
0x72: {  	_ =	swait.ge [sflag:s8], $0x5000  }
0x73: {  	[sflag:s8] =	ssyncset.done $0x0  }
0x74: {  	s0 =	sadd.s32 $0x100, s0;
	s1 =	sadd.s32 $0x1400, s1;
	[sflag:s8] =	ssyncadd.s32 $0xFFFFB000  }
0x75: {  	v3 =	vld [tilespmem:$0x3E00];
	_ =	sdelay $0x4  }
0x76: {  	v4 =	vshll.u32 v3, $0x2  }
0x77: {  	v3 =	vand.u32 $0x7, v3;
	v4 =	vand.u32 $0xFFFFFFE0, v4  }
0x78: {  	v3 =	vor.u32 v3, v4  }
0x79: {  	v4 =	vperm.xlane v3, v0;
	_ =	sdelay $0x1  }
0x7a: {  	v4 =	vadd.s32 v1, v4;
	_ =	sdelay $0x1  }
0x7b: {  	v3 =	vperm.xlane v3, v2;
	_ =	sdelay $0x1  }
0x7c: {  	v3 =	vadd.s32 v1, v3  }
0x7d: {  	[tilespmem:s9], [sflag:$0x1] =	stream.indirect_vreg.gather [hbm4b:s2+s3], $0x80, v4, vm0, $0xb8;
	[tilespmem:$0xE000] =	vst v63  }
0x7e: {  	_ = 	snop  }
0x7f: {  	[tilespmem:s10], [sflag:$0x1] =	stream.indirect_vreg.gather [hbm4b:s5+s3], $0x80, v4, vm0, $0xb8;
	[tilespmem:$0xE000] =	vst v63  }
0x80: {  	_ = 	snop  }
0x81: {  	[tilespmem:s11], [sflag:$0x1] =	stream.indirect_vreg.gather [hbm4b:s2+s3], $0x80, v3, vm0, $0xb8;
	[tilespmem:$0xE000] =	vst v63  }
0x82: {  	_ = 	snop  }
0x83: {  	[tilespmem:s12], [sflag:$0x1] =	stream.indirect_vreg.gather [hbm4b:s5+s3], $0x80, v3, vm0, $0xb8;
	[tilespmem:$0xE000] =	vst v63  }
0x84: {  	v3 =	vld [tilespmem:$0x3E10];
	_ =	sdelay $0x4  }
0x85: {  	v62 =	vshll.u32 v3, $0x2  }
0x86: {  	v3 =	vand.u32 $0x7, v3;
	v4 =	vand.u32 $0xFFFFFFE0, v62  }
0x87: {  	v3 =	vor.u32 v3, v4  }
0x88: {  	v4 =	vperm.xlane v3, v0;
	_ =	sdelay $0x1  }
0x89: {  	v4 =	vadd.s32 v1, v4;
	_ =	sdelay $0x1  }
0x8a: {  	v3 =	vperm.xlane v3, v2;
	_ =	sdelay $0x1  }
0x8b: {  	v3 =	vadd.s32 v1, v3  }
0x8c: {  	[tilespmem:s13], [sflag:$0x1] =	stream.indirect_vreg.gather [hbm4b:s2+s3], $0x80, v4, vm0, $0xb8;
	[tilespmem:$0xE000] =	vst v63  }
0x8d: {  	_ = 	snop  }
0x8e: {  	[tilespmem:s14], [sflag:$0x1] =	stream.indirect_vreg.gather [hbm4b:s5+s3], $0x80, v4, vm0, $0xb8;
	[tilespmem:$0xE000] =	vst v63  }
0x8f: {  	_ = 	snop  }
0x90: {  	[tilespmem:s15], [sflag:$0x1] =	stream.indirect_vreg.gather [hbm4b:s2+s3], $0x80, v3, vm0, $0xb8;
	[tilespmem:$0xE000] =	vst v63  }
0x91: {  	_ = 	snop  }
0x92: {  	[tilespmem:s16], [sflag:$0x1] =	stream.indirect_vreg.gather [hbm4b:s5+s3], $0x80, v3, vm0, $0xb8;
	[tilespmem:$0xE000] =	vst v63  }
0x93: {  	v3 =	vld.msk [tilespmem:$0x3E20], $0xff;
	_ =	sdelay $0x4  }
0x94: {  	v63 =	vshll.u32 v3, $0x2  }
0x95: {  	v3 =	vand.u32 $0x7, v3;
	v4 =	vand.u32 $0xFFFFFFE0, v63  }
0x96: {  	v3 =	vor.u32 v3, v4  }
0x97: {  	v3 =	vperm.xlane v3, v0;
	_ =	sdelay $0x1  }
0x98: {  	v3 =	vadd.s32 v1, v3;
	_ =	sdelay $0x4  }
0x99: {  	[tilespmem:s17], [sflag:$0x1] =	stream.indirect_vreg.gather [hbm4b:s2+s3], $0x80, v3, vm0, $0xb8;
	[tilespmem:$0xE000] =	vst v63  }
0x9a: {  	_ = 	snop  }
0x9b: {  	[tilespmem:s18], [sflag:$0x1] =	stream.indirect_vreg.gather [hbm4b:s5+s3], $0x80, v3, vm0, $0xb8;
	[tilespmem:$0xE000] =	vst v63  }
0x9c: {  	s31 =	sadd.s32 $0x1, s31;
	_ =	swait.ge [sflag:s29], $0x5000  }
0x9d: {  	p0 =	sne.s32 s31, s7;
	[sflag:s29] =	ssyncset.done $0x0  }
.Ltmp1:
0x9e: {  	[sflag:s29] =	ssyncadd.s32 $0xFFFFB000;
	(pc) =	sbr.rel @p0 .LBB2_1-.Ltmp1, $4  }
0x9f: {  	[hbm4b:s6+s3] =	stream.linear.scatter [tilespmem:s9], [sflag:$0x3], $0x5000, $0x38;
	[tilespmem:$0xE000] =	vst v63  }
0xa0: {  	_ =	swait.ge [sflag:s8], $0x5000  }
0xa1: {  	[sflag:s8] =	ssyncset.done $0x0  }
0xa2: {  	[sflag:s8] =	ssyncadd.s32 $0xFFFFB000  }
0xa3: {  	_ =	sfence.sel $0x180000  }
0xa4: {  	[bflag:$0x0] =	sbarrier.arrive $0xFFFF  }
0xa5: {  	_ =	strace $0x90000053  }
0xa6: {  	s0 =	stileid.u32;
	[bflag:$0x2] =	sbarrier.arrive $0xFFFF  }
0xa7: {  	p0 =	sne.s32 s0, $0x0;
	s0 =	rddreg [dreg:$0x2]  }
0xa8: {  	s0 =	sadd.s32 @!p0 $0x100000, s0  }
0xa9: {  	[sflag:s0] =	ssyncadd.tile.s32 @!p0 $0x1;
	_ =	shalt  }
.Lfunc_end2:
_tile_overlayer_lowered:
.L_overlay_start_2:
0xaa: {  	(tag) =	ssettag $0x2  }
0xab: {  	s0 =	rddreg [dreg:$0x0];
	s2 =	stileid.u32  }
0xac: {  	s1 =	rddreg [dreg:$0x1];
	p0 =	sne.s32 s2, $0x0  }
0xad: {  	s3 =	rddreg [dreg:$0x2];
	[bflag:$0x3] =	sbarrier.arrive $0xFFFF;
	s2 =	simm.s32 @!p0 $0x1C03  }
0xae: {  	[timem:s3], [sflag:s2] =	dma.local @!p0 [hbm:s0], s1  }
0xaf: {  	s0 =	simm.s32 @!p0 $0x3  }
0xb0: {  	_ =	swait.ge @!p0 [sflag:s0], s1  }
0xb1: {  	s1 =	ssub.s32 @!p0 $0x0, s1;
	[sflag:s0] =	ssyncset.done @!p0 $0x0  }
0xb2: {  	[sflag:s0] =	ssyncadd.s32 @!p0 s1  }
0xb3: {  	[bflag:$0x3] =	sbarrier.arrive $0xFFFF  }
0xb4: {  	_ =	shalt  }

// kernel: kernel.26.cloned.1.call-start
scs
__scs_entry_jumppad:
0x0: {  	(pc) =	sbr.rel $0x88, $3  }
0x1: {  	(tag) =	ssettag $0x0;
	lr =	simm.s32 $0x1  }
0x2: {  	[smem:$0x3F70] =	sst lr;
	_ =	strace $0xD0000000  }
0x3: {  	_ = 	snop  }
0x4: {  	_ = 	snop  }
0x5: {  	_ = 	snop  }
0x6: {  	_ = 	snop  }
0x7: {  	_ = 	snop  }
__scs_overlays_trampoline_lowered:
0x8: {  	[smem:$0x3F7F] =	sst s0  }
0x9: {  	[smem:$0x3F80] =	sst s1  }
0xa: {  	[smem:$0x3F81] =	sst s2  }
0xb: {  	[smem:$0x3F82] =	sst s3  }
0xc: {  	[smem:$0x3F83] =	sst s4  }
0xd: {  	[smem:$0x3F84] =	sst s5  }
0xe: {  	[smem:$0x3F85] =	sst s6  }
0xf: {  	[smem:$0x3F86] =	sst s7  }
0x10: {  	[smem:$0x3F87] =	sst s8  }
0x11: {  	[smem:$0x3F88] =	sst s9;
	s0 =	simm.s32 @!p0 $0x0  }
0x12: {  	s1 =	sld [smem:$0x3F6E];
	s0 =	simm.s32 @p0 $0x1  }
0x13: {  	[smem:$0x3F89] =	sst s0;
	s0 =	simm.s32 @!p1 $0x0  }
0x14: {  	s2 =	sld [smem:$0x3F6D];
	s0 =	simm.s32 @p1 $0x1  }
0x15: {  	[smem:$0x3F8A] =	sst s0;
	s0 =	simm.s32 @!p2 $0x0  }
0x16: {  	s3 =	sld [smem:$0x3FDB];
	s0 =	simm.s32 @p2 $0x1  }
0x17: {  	s4 =	simm.s32 $0x1BF5;
	[smem:$0x3F8C] =	sst s0  }
0x18: {  	s0 =	sld [smem:$0x3F6F];
	_ =	swait.ge [sflag:s4], $0x0  }
0x19: {  	s7 =	sld [smem:$0x3F70]  }
0x1a: {  	s8 =	sadd.s32 $0xFFFFE003, lr  }
0x1b: {  	s9 =	sadd.s32 $0xFFFFFEF7, lr;
	s5 =	simm.s32 $0xFFFFFFFF;
	p2 =	slt.u32 s8, $0xFFFFF086  }
0x1c: {  	p1 =	slt.u32 s9, $0xF7A;
	s5 =	simm.s32 @!p2 $0x0  }
0x1d: {  	s5 =	simm.s32 @p1 $0x1;
	p0 =	seq.s32 s7, s2  }
0x1e: {  	s7 =	smul.u32 @!p0 $0xF7A, s2;
	p2 =	seq.s32 @!p0 s5, $0x0  }
0x1f: {  	s9 =	smul.u32 $0xF7A, s1;
	s8 =	simm.s32 @!p0 $0x1BF5;
	p2 =	por !p2, p0  }
0x20: {  	[sflag:s8] =	ssyncset.s32 @!p0 $0xFFFFF086;
	s6 =	sadd.s32 @!p0 s3, s7;
	s7 =	simm.s32 @!p0 $0x108  }
0x21: {  	s3 =	sadd.s32 s3, s9;
	s6 =	sadd.s32 @!p0 $0x88, s6;
	s7 =	simm.s32 @p2 $0x1082  }
0x22: {  	[simem:s7], [sflag:s8] =	dma.local @!p0 [hbm:s6], $0xF7A  }
0x23: {  	s9 =	sor.u32 $0xD0000000, s2;
	s6 =	simm.s32 $0x108;
	_ =	swait.ge @!p0 [sflag:s8], $0x0  }
0x24: {  	s3 =	sadd.s32 $0x88, s3;
	s6 =	simm.s32 @!p1 $0x1082;
	[sflag:s4] =	ssyncset.s32 $0xFFFFF086  }
0x25: {  	[simem:s6], [sflag:s4] =	dma.local [hbm:s3], $0xF7A  }
0x26: {  	[smem:$0x3F70] =	sst s1;
	(tag) =	ssettag s2;
	_ =	strace s9  }
0x27: {  	s1 =	sld [smem:$0x3F80]  }
0x28: {  	s2 =	sld [smem:$0x3F81]  }
0x29: {  	s4 =	sld [smem:$0x3F83]  }
0x2a: {  	p0 =	seq.s32 s5, $0x0;
	s5 =	sld [smem:$0x3F84]  }
0x2b: {  	s6 =	sld [smem:$0x3F85]  }
0x2c: {  	s7 =	sld [smem:$0x3F86]  }
0x2d: {  	s3 =	simm.s32 $0x108;
	s8 =	sld [smem:$0x3F87]  }
0x2e: {  	s3 =	simm.s32 @!p0 $0x1082;
	s9 =	sld [smem:$0x3F88]  }
0x2f: {  	lr =	sadd.s32 s0, s3;
	s0 =	sld [smem:$0x3F7F]  }
0x30: {  	s3 =	sld [smem:$0x3F82]  }
0x31: {  	[smem:$0x3F8B] =	sst s10  }
0x32: {  	s10 =	sld [smem:$0x3F89];
	_ =	sdelay $0x3  }
0x33: {  	p0 =	seq.s32 s10, $0x1;
	s10 =	sld [smem:$0x3F8B];
	_ =	sdelay $0x3  }
0x34: {  	[smem:$0x3F8B] =	sst s10  }
0x35: {  	s10 =	sld [smem:$0x3F8A];
	_ =	sdelay $0x3  }
0x36: {  	p1 =	seq.s32 s10, $0x1;
	s10 =	sld [smem:$0x3F8B];
	_ =	sdelay $0x3  }
0x37: {  	[smem:$0x3F8B] =	sst s10  }
0x38: {  	s10 =	sld [smem:$0x3F8C]  }
0x39: {  	_ = 	snop;
	(pc) =	sbr.ind lr, $3  }
0x3a: {  	_ = 	snop  }
0x3b: {  	_ = 	snop  }
0x3c: {  	p2 =	seq.s32 s10, $0x1;
	s10 =	sld [smem:$0x3F8B]  }
0x3d: {  	_ =	shalt  }
0x3e: {  	_ =	shalt  }
0x3f: {  	_ =	shalt  }
0x40: {  	_ =	shalt  }
0x41: {  	_ =	shalt  }
0x42: {  	_ =	shalt  }
0x43: {  	_ =	shalt  }
0x44: {  	_ =	shalt  }
0x45: {  	_ =	shalt  }
0x46: {  	_ =	shalt  }
0x47: {  	_ =	shalt  }
0x48: {  	_ =	shalt  }
0x49: {  	_ =	shalt  }
0x4a: {  	_ =	shalt  }
0x4b: {  	_ =	shalt  }
0x4c: {  	_ =	shalt  }
0x4d: {  	_ =	shalt  }
0x4e: {  	_ =	shalt  }
0x4f: {  	_ =	shalt  }
0x50: {  	_ =	shalt  }
0x51: {  	_ =	shalt  }
0x52: {  	_ =	shalt  }
0x53: {  	_ =	shalt  }
0x54: {  	_ =	shalt  }
0x55: {  	_ =	shalt  }
0x56: {  	_ =	shalt  }
0x57: {  	_ =	shalt  }
0x58: {  	_ =	shalt  }
0x59: {  	_ =	shalt  }
0x5a: {  	_ =	shalt  }
0x5b: {  	_ =	shalt  }
0x5c: {  	_ =	shalt  }
0x5d: {  	_ =	shalt  }
0x5e: {  	_ =	shalt  }
0x5f: {  	_ =	shalt  }
0x60: {  	_ =	shalt  }
0x61: {  	_ =	shalt  }
0x62: {  	_ =	shalt  }
0x63: {  	_ =	shalt  }
0x64: {  	_ =	shalt  }
0x65: {  	_ =	shalt  }
0x66: {  	_ =	shalt  }
0x67: {  	_ =	shalt  }
0x68: {  	_ =	shalt  }
0x69: {  	_ =	shalt  }
0x6a: {  	_ =	shalt  }
0x6b: {  	_ =	shalt  }
0x6c: {  	_ =	shalt  }
0x6d: {  	_ =	shalt  }
0x6e: {  	_ =	shalt  }
0x6f: {  	_ =	shalt  }
0x70: {  	_ =	shalt  }
0x71: {  	_ =	shalt  }
0x72: {  	_ =	shalt  }
0x73: {  	_ =	shalt  }
0x74: {  	_ =	shalt  }
0x75: {  	_ =	shalt  }
0x76: {  	_ =	shalt  }
0x77: {  	_ =	shalt  }
0x78: {  	_ =	shalt  }
0x79: {  	_ =	shalt  }
0x7a: {  	_ =	shalt  }
0x7b: {  	_ =	shalt  }
0x7c: {  	_ =	shalt  }
0x7d: {  	_ =	shalt  }
0x7e: {  	_ =	shalt  }
0x7f: {  	_ =	shalt  }
0x80: {  	_ =	shalt  }
0x81: {  	_ =	shalt  }
0x82: {  	_ =	shalt  }
0x83: {  	_ =	shalt  }
0x84: {  	_ =	shalt  }
0x85: {  	_ =	shalt  }
0x86: {  	_ =	shalt  }
0x87: {  	_ =	shalt  }
.Lfunc_end0:
.L_simem_size_0:
called_computation.4_lowered:
.L_overlay_start_0:
0x88: {  	s2 =	sld [smem:$0x3FD9]  }
0x89: {  	s3 =	sld [smem:$0x3FFE];
	_ =	sdelay $0x1  }
0x8a: {  	s1 =	srdreg.scid  }
0x8b: {  	s0 =	sand.u32 $0x1, s1  }
0x8c: {  	s16 =	sshll.u32 s0, $0xA;
	s2 =	sadd.s32 s3, s2  }
0x8d: {  	s2 =	sadd.s32 s2, s16  }
0x8e: {  	[smem:$0x3F97] =	sst s2  }
0x8f: {  	_ = 	snop  }
0x90: {  	(tm) =	ssettm $0x1  }
0x91: {  	s17 =	sld [smem:$0x3FFB];
	_ =	sdelay $0x3  }
0x92: {  	_ =	strace s17  }
0x93: {  	s2 =	sld [smem:$0x3FFC];
	_ =	sdelay $0x3  }
0x94: {  	_ =	strace s2  }
0x95: {  	s2 =	sld [smem:$0x3FFD];
	_ =	sdelay $0x3  }
0x96: {  	_ =	strace s2  }
0x97: {  	_ =	strace $0x8FFFFFFF  }
0x98: {  	s18 =	sld [smem:$0x3FDB];
	_ =	sdelay $0x1  }
0x99: {  	s19 =	simm.s32 $_scs_section_size  }
0x9a: {  	s4 =	simm.s32 $_size__tile_overlayer_lowered;
	s5 =	simm.s32 $_tile_overlayer_lowered  }
0x9b: {  	s22 =	simm.s32 $0x1BFF;
	s21 =	sshll.u32 s5, $0x1;
	s2 =	sadd.s32 s19, s18  }
0x9c: {  	s6 =	simm.s32 $0x0;
	s20 =	sshll.u32 s4, $0x1;
	s4 =	sadd.s32 s21, s2  }
0x9d: {  	[timem:s6], [sflag:s22] =	dma.local [hbm:s4], s20  }
0x9e: {  	_ =	swait.ge [sflag:s22], s20  }
0x9f: {  	s3 =	ssub.s32 $0x0, s20;
	[sflag:s22] =	ssyncset.done $0x0  }
0xa0: {  	[sflag:s22] =	ssyncadd.s32 s3;
	_ =	sdelay $0x1  }
0xa1: {  	s23 =	simm.s32 $0x1B8B  }
0xa2: {  	_ =	swait.ge [sflag:s23], $0x1  }
0xa3: {  	[sflag:s23] =	ssyncset.done $0x0  }
0xa4: {  	s25 =	simm.s32 $0x1B8E;
	s24 =	sld [smem:$0x3FFE];
	[sflag:s23] =	ssyncadd.s32 $0xFFFFFFFF  }
0xa5: {  	s26 =	simm.s32 $execute0_lowered;
	[smem:$0x3FD2] =	sst s25  }
0xa6: {  	s4 =	sshll.u32 s26, $0x1;
	_ =	strace $0x8000004F;
	[dreg:$0x1] =	wrdreg $0xFFFFFFFF  }
0xa7: {  	s28 =	simm.s32 $_size_execute0_lowered;
	s2 =	sadd.s32 s2, s4;
	[dreg:$0x0] =	wrdreg $0x0  }
0xa8: {  	s4 =	sshll.u32 s28, $0x1;
	[dreg:$0x2] =	wrdreg s2  }
0xa9: {  	[dreg:$0x3] =	wrdreg s4  }
0xaa: {  	[dreg:$0x4] =	wrdreg $0xC0  }
0xab: {  	_ =	task [dreg:s6], $0x5FFFF  }
0xac: {  	[dreg:$0x1] =	wrdreg $0xFFFFFFFF  }
0xad: {  	[dreg:$0x0] =	wrdreg $0x60  }
0xae: {  	[dreg:$0x2] =	wrdreg s24  }
0xaf: {  	[dreg:$0x3] =	wrdreg $0xA  }
0xb0: {  	_ =	task.clear_ibuf [dreg:s6], $0x4FFFF;
	_ =	strace $0x9000004F  }
0xb1: {  	s29 =	simm.s32 $0xA;
	_ =	strace $0x80000051  }
0xb2: {  	_ =	swait.ge [sflag:s29], $0x1  }
0xb3: {  	[sflag:s29] =	ssyncadd.s32 $0xFFFFFFFF  }
0xb4: {  	_ =	strace $0x90000051  }
0xb5: {  	_ =	sfence  }
0xb6: {  	s30 =	sld [smem:$0x0];
	_ =	sdelay $0x2  }
0xb7: {  	s31 =	sshll.u32 s1, $0xD;
	s1 =	sshrl.u32 s1, $0x2  }
0xb8: {  	s3 =	sand.u32 $0x4000, s31;
	s1 =	sadd.s32 s1, s30  }
0xb9: {  	s0 =	sor.u32 s3, s0;
	s1 =	sshll.u32 s1, $0x11  }
0xba: {  	s0 =	sor.u32 s1, s0  }
0xbb: {  	s0 =	sadd.s32 $0x8F2B, s0  }
0xbc: {  	[sflag:s0] =	ssyncadd.remote.s32 $0x1  }
0xbd: {  	_ =	sfence.sel $0xFFFF  }
0xbe: {  	[dreg:$0x0] =	wrdreg $0xFFFFFFFF;
	(pc) =	sbr.abs _section_cstart, $3  }
0xbf: {  	[dreg:$0x1] =	wrdreg $0xFFFFFFFF  }
0xc0: {  	_ =	task.clear_ibuf [dreg:s6], $0x2FFFF;
	_ =	strace $0x9FFFFFFF  }
0xc1: {  	(tm) =	ssettm $0x7FFFFFFF  }
tec
execute0_lowered:
.L_overlay_start_1:
0x0: {  	(tag) =	ssettag $0x1  }
0x1: {  	s0 =	rddreg [dreg:$0x0];
	s2 =	simm.s32 $0x0;
	s1 =	srdreg.scid  }
0x2: {  	s9 =	stileid.u32;
	s10 =	simm.s32 $0x4800;
	s11 =	simm.s32 $0x5000  }
0x3: {  	s12 =	simm.s32 $0x5800;
	s13 =	simm.s32 $0x6000;
	s14 =	simm.s32 $0x6800  }
0x4: {  	s15 =	simm.s32 $0x7000;
	s16 =	simm.s32 $0x7800;
	s17 =	simm.s32 $0x8000  }
0x5: {  	s18 =	simm.s32 $0x8800;
	s19 =	simm.s32 $0x9000;
	s26 =	simm.s32 $0x9800  }
0x6: {  	s20 =	simm.s32 $0xA000;
	s21 =	simm.s32 $0xA800;
	s22 =	simm.s32 $0xB000  }
0x7: {  	s28 =	simm.s32 $0xD800;
	s29 =	simm.s32 $0x1;
	s30 =	simm.s32 $0x2  }
0x8: {  	s31 =	simm.s32 $0x0;
	[smem:$0x7FF] =	sst s2;
	s1 =	sand.u32 $0x1, s1  }
0x9: {  	s3 =	sshll.u32 s9, $0x1;
	s7 =	sadd.s32 $0x242A00, s0;
	s9 =	smul.u32 $0x9C400, s9  }
0xa: {  	_ =	strace $0x80000050;
	s4 =	sor.u32 s1, s3;
	s3 =	sadd.s32 $0x10A200, s0  }
0xb: {  	s6 =	ssub.s32 $0x2, s1;
	s1 =	smul.u32 $0x4E200, s1;
	[dreg:$0x3] =	wrdreg s26  }
0xc: {  	s5 =	sshll.u32 s4, $0xB;
	s4 =	smul.u32 $0x271000, s4;
	s8 =	sshrl.u32 s6, $0x1  }
0xd: {  	s26 =	simm.s32 $0xD000;
	s5 =	sadd.s32 s5, s0;
	s8 =	ssub.s32 s6, s8  }
0xe: {  	s23 =	sshrl.u32 s4, $0x3;
	s24 =	sadd.s32 $0xCA2E00, s5;
	s5 =	sadd.s32 $0x10A300, s0  }
0xf: {  	[dreg:$0x4] =	wrdreg s24;
	s6 =	sadd.s32 s7, s23;
	s7 =	sadd.s32 s9, s7  }
0x10: {  	v2 =	vlaneseq.u32;
	s9 =	simm.s32 $0x4000;
	s23 =	simm.s32 $0xB800;
	s24 =	simm.s32 $0xC000  }
0x11: {  	vm0 =	vmmov $0xffff;
	v1 =	vshrl.u32 v2, $0x3;
	s6 =	sadd.s32 $0x4D800, s6;
	s25 =	sadd.s32 s1, s7;
	s7 =	smax.u32 s8, $0x1  }
0x12: {  	v0 =	vand.u32 $0x7, v2;
	v2 =	vor.u32 $0x8, v2;
	v1 =	vmul.u32 $0x8, v1;
	s8 =	simm.s32 $0x3;
	[dreg:$0x2] =	wrdreg s25;
	s25 =	simm.s32 $0xC800  }
.LBB2_1:
0x13: {  	s0 =	rddreg [dreg:$0x4]  }
0x14: {  	[tilespmem:s2], [sflag:$0x3] =	stream.linear.gather [hbm4b:s0+s2], $0x3E80, $0x38;
	[tilespmem:$0xE000] =	vst v63  }
0x15: {  	_ =	swait.ge [sflag:s8], $0x3E80  }
0x16: {  	[sflag:s8] =	ssyncset.done $0x0  }
0x17: {  	s1 =	simm.s32 $0x0;
	s0 =	simm.s32 $0xA0;
	[sflag:s8] =	ssyncadd.s32 $0xFFFFC180  }
.LBB2_2:
0x18: {  	v3 =	vld [tilespmem:s0+$0xFFFFFF60];
	_ =	sdelay $0x4  }
0x19: {  	v4 =	vshll.u32 v3, $0x2  }
0x1a: {  	v3 =	vand.u32 $0x7, v3;
	v4 =	vand.u32 $0xFFFFFFE0, v4  }
0x1b: {  	v3 =	vor.u32 v3, v4  }
0x1c: {  	v4 =	vperm.xlane v3, v0;
	_ =	sdelay $0x1  }
0x1d: {  	v4 =	vadd.s32 v1, v4;
	_ =	sdelay $0x1  }
0x1e: {  	v3 =	vperm.xlane v3, v2;
	_ =	sdelay $0x1  }
0x1f: {  	v3 =	vadd.s32 v1, v3  }
0x20: {  	[tilespmem:s9], [sflag:$0x1] =	stream.indirect_vreg.gather [hbm4b:s3+s2], $0x80, v4, vm0, $0xb8;
	[tilespmem:$0xE000] =	vst v63  }
0x21: {  	_ = 	snop  }
0x22: {  	[tilespmem:s10], [sflag:$0x1] =	stream.indirect_vreg.gather [hbm4b:s5+s2], $0x80, v4, vm0, $0xb8;
	[tilespmem:$0xE000] =	vst v63  }
0x23: {  	_ = 	snop  }
0x24: {  	[tilespmem:s11], [sflag:$0x1] =	stream.indirect_vreg.gather [hbm4b:s3+s2], $0x80, v3, vm0, $0xb8;
	[tilespmem:$0xE000] =	vst v63  }
0x25: {  	_ = 	snop  }
0x26: {  	[tilespmem:s12], [sflag:$0x1] =	stream.indirect_vreg.gather [hbm4b:s5+s2], $0x80, v3, vm0, $0xb8;
	[tilespmem:$0xE000] =	vst v63  }
0x27: {  	v3 =	vld [tilespmem:s0+$0xFFFFFF70];
	_ =	sdelay $0x4  }
0x28: {  	v59 =	vshll.u32 v3, $0x2  }
0x29: {  	v3 =	vand.u32 $0x7, v3;
	v4 =	vand.u32 $0xFFFFFFE0, v59  }
0x2a: {  	v3 =	vor.u32 v3, v4  }
0x2b: {  	v4 =	vperm.xlane v3, v0;
	_ =	sdelay $0x1  }
0x2c: {  	v4 =	vadd.s32 v1, v4;
	_ =	sdelay $0x1  }
0x2d: {  	v3 =	vperm.xlane v3, v2;
	_ =	sdelay $0x1  }
0x2e: {  	v3 =	vadd.s32 v1, v3  }
0x2f: {  	[tilespmem:s13], [sflag:$0x1] =	stream.indirect_vreg.gather [hbm4b:s3+s2], $0x80, v4, vm0, $0xb8;
	[tilespmem:$0xE000] =	vst v63  }
0x30: {  	_ = 	snop  }
0x31: {  	[tilespmem:s14], [sflag:$0x1] =	stream.indirect_vreg.gather [hbm4b:s5+s2], $0x80, v4, vm0, $0xb8;
	[tilespmem:$0xE000] =	vst v63  }
0x32: {  	_ = 	snop  }
0x33: {  	[tilespmem:s15], [sflag:$0x1] =	stream.indirect_vreg.gather [hbm4b:s3+s2], $0x80, v3, vm0, $0xb8;
	[tilespmem:$0xE000] =	vst v63  }
0x34: {  	_ = 	snop  }
0x35: {  	[tilespmem:s16], [sflag:$0x1] =	stream.indirect_vreg.gather [hbm4b:s5+s2], $0x80, v3, vm0, $0xb8;
	[tilespmem:$0xE000] =	vst v63  }
0x36: {  	v3 =	vld.msk [tilespmem:s0+$0xFFFFFF80], $0xff;
	_ =	sdelay $0x4  }
0x37: {  	v60 =	vshll.u32 v3, $0x2  }
0x38: {  	v3 =	vand.u32 $0x7, v3;
	v4 =	vand.u32 $0xFFFFFFE0, v60  }
0x39: {  	v3 =	vor.u32 v3, v4  }
0x3a: {  	v3 =	vperm.xlane v3, v0;
	_ =	sdelay $0x1  }
0x3b: {  	v3 =	vadd.s32 v1, v3;
	_ =	sdelay $0x4  }
0x3c: {  	[tilespmem:s17], [sflag:$0x1] =	stream.indirect_vreg.gather [hbm4b:s3+s2], $0x80, v3, vm0, $0xb8;
	[tilespmem:$0xE000] =	vst v63  }
0x3d: {  	_ = 	snop  }
0x3e: {  	[tilespmem:s18], [sflag:$0x1] =	stream.indirect_vreg.gather [hbm4b:s5+s2], $0x80, v3, vm0, $0xb8;
	[tilespmem:$0xE000] =	vst v63  }
0x3f: {  	v3 =	vld [tilespmem:s0+$0xFFFFFFE0];
	_ =	sdelay $0x4  }
0x40: {  	v61 =	vshll.u32 v3, $0x2  }
0x41: {  	v3 =	vand.u32 $0x7, v3;
	v4 =	vand.u32 $0xFFFFFFE0, v61  }
0x42: {  	v3 =	vor.u32 v3, v4  }
0x43: {  	v4 =	vperm.xlane v3, v0;
	_ =	sdelay $0x1  }
0x44: {  	v4 =	vadd.s32 v1, v4;
	_ =	sdelay $0x1  }
0x45: {  	v3 =	vperm.xlane v3, v2;
	_ =	sdelay $0x1  }
0x46: {  	v3 =	vadd.s32 v1, v3  }
0x47: {  	[tilespmem:s19], [sflag:$0x2] =	stream.indirect_vreg.gather [hbm4b:s3+s2], $0x80, v4, vm0, $0xb8;
	[tilespmem:$0xE000] =	vst v63  }
0x48: {  	s4 =	rddreg [dreg:$0x3]  }
0x49: {  	[tilespmem:s4], [sflag:$0x2] =	stream.indirect_vreg.gather [hbm4b:s5+s2], $0x80, v4, vm0, $0xb8;
	[tilespmem:$0xE000] =	vst v63  }
0x4a: {  	_ = 	snop  }
0x4b: {  	[tilespmem:s20], [sflag:$0x2] =	stream.indirect_vreg.gather [hbm4b:s3+s2], $0x80, v3, vm0, $0xb8;
	[tilespmem:$0xE000] =	vst v63  }
0x4c: {  	_ = 	snop  }
0x4d: {  	[tilespmem:s21], [sflag:$0x2] =	stream.indirect_vreg.gather [hbm4b:s5+s2], $0x80, v3, vm0, $0xb8;
	[tilespmem:$0xE000] =	vst v63  }
0x4e: {  	v3 =	vld [tilespmem:s0+$0xFFFFFFF0];
	_ =	sdelay $0x4  }
0x4f: {  	v62 =	vshll.u32 v3, $0x2  }
0x50: {  	v3 =	vand.u32 $0x7, v3;
	v4 =	vand.u32 $0xFFFFFFE0, v62  }
0x51: {  	v3 =	vor.u32 v3, v4  }
0x52: {  	v4 =	vperm.xlane v3, v0;
	_ =	sdelay $0x1  }
0x53: {  	v4 =	vadd.s32 v1, v4;
	_ =	sdelay $0x1  }
0x54: {  	v3 =	vperm.xlane v3, v2;
	_ =	sdelay $0x1  }
0x55: {  	v3 =	vadd.s32 v1, v3  }
0x56: {  	[tilespmem:s22], [sflag:$0x2] =	stream.indirect_vreg.gather [hbm4b:s3+s2], $0x80, v4, vm0, $0xb8;
	[tilespmem:$0xE000] =	vst v63  }
0x57: {  	_ = 	snop  }
0x58: {  	[tilespmem:s23], [sflag:$0x2] =	stream.indirect_vreg.gather [hbm4b:s5+s2], $0x80, v4, vm0, $0xb8;
	[tilespmem:$0xE000] =	vst v63  }
0x59: {  	_ = 	snop  }
0x5a: {  	[tilespmem:s24], [sflag:$0x2] =	stream.indirect_vreg.gather [hbm4b:s3+s2], $0x80, v3, vm0, $0xb8;
	[tilespmem:$0xE000] =	vst v63  }
0x5b: {  	_ = 	snop  }
0x5c: {  	[tilespmem:s25], [sflag:$0x2] =	stream.indirect_vreg.gather [hbm4b:s5+s2], $0x80, v3, vm0, $0xb8;
	[tilespmem:$0xE000] =	vst v63  }
0x5d: {  	v3 =	vld.msk [tilespmem:s0+$0x0], $0xff;
	_ =	sdelay $0x4  }
0x5e: {  	v63 =	vshll.u32 v3, $0x2  }
0x5f: {  	v3 =	vand.u32 $0x7, v3;
	v4 =	vand.u32 $0xFFFFFFE0, v63  }
0x60: {  	v3 =	vor.u32 v3, v4  }
0x61: {  	v3 =	vperm.xlane v3, v0;
	_ =	sdelay $0x1  }
0x62: {  	v3 =	vadd.s32 v1, v3;
	_ =	sdelay $0x4  }
0x63: {  	[tilespmem:s26], [sflag:$0x2] =	stream.indirect_vreg.gather [hbm4b:s3+s2], $0x80, v3, vm0, $0xb8;
	[tilespmem:$0xE000] =	vst v63  }
0x64: {  	_ = 	snop  }
0x65: {  	[tilespmem:s28], [sflag:$0x2] =	stream.indirect_vreg.gather [hbm4b:s5+s2], $0x80, v3, vm0, $0xb8;
	[tilespmem:$0xE000] =	vst v63  }
0x66: {  	_ =	swait.ge [sflag:s29], $0x5000  }
0x67: {  	s4 =	rddreg [dreg:$0x2];
	[sflag:s29] =	ssyncset.done $0x0  }
0x68: {  	[sflag:s29] =	ssyncadd.s32 $0xFFFFB000;
	s4 =	sadd.s32 s1, s4  }
0x69: {  	[hbm4b:s4+s2] =	stream.linear.scatter [tilespmem:s9], [sflag:$0x3], $0x5000, $0x38;
	[tilespmem:$0xE000] =	vst v63  }
0x6a: {  	_ =	swait.ge [sflag:s8], $0x5000  }
0x6b: {  	[sflag:s8] =	ssyncset.done $0x0  }
0x6c: {  	[sflag:s8] =	ssyncadd.s32 $0xFFFFB000  }
0x6d: {  	_ =	swait.ge [sflag:s30], $0x5000  }
0x6e: {  	p0 =	sne.s32 s1, $0x4C400;
	[sflag:s30] =	ssyncset.done $0x0  }
.Ltmp0:
0x6f: {  	s4 =	sadd.s32 $0xA00, s4;
	[sflag:s30] =	ssyncadd.s32 $0xFFFFB000;
	(pc) =	sbr.rel @p0 .LBB2_2-.Ltmp0, $4  }
0x70: {  	[hbm4b:s4+s2] =	stream.linear.scatter [tilespmem:s19], [sflag:$0x3], $0x5000, $0x38;
	[tilespmem:$0xE000] =	vst v63  }
0x71: {  	_ =	swait.ge [sflag:s8], $0x5000  }
0x72: {  	[sflag:s8] =	ssyncset.done $0x0  }
0x73: {  	s0 =	sadd.s32 $0x100, s0;
	s1 =	sadd.s32 $0x1400, s1;
	[sflag:s8] =	ssyncadd.s32 $0xFFFFB000  }
0x74: {  	v3 =	vld [tilespmem:$0x3E00];
	_ =	sdelay $0x4  }
0x75: {  	v4 =	vshll.u32 v3, $0x2  }
0x76: {  	v3 =	vand.u32 $0x7, v3;
	v4 =	vand.u32 $0xFFFFFFE0, v4  }
0x77: {  	v3 =	vor.u32 v3, v4  }
0x78: {  	v4 =	vperm.xlane v3, v0;
	_ =	sdelay $0x1  }
0x79: {  	v4 =	vadd.s32 v1, v4;
	_ =	sdelay $0x1  }
0x7a: {  	v3 =	vperm.xlane v3, v2;
	_ =	sdelay $0x1  }
0x7b: {  	v3 =	vadd.s32 v1, v3  }
0x7c: {  	[tilespmem:s9], [sflag:$0x1] =	stream.indirect_vreg.gather [hbm4b:s3+s2], $0x80, v4, vm0, $0xb8;
	[tilespmem:$0xE000] =	vst v63  }
0x7d: {  	_ = 	snop  }
0x7e: {  	[tilespmem:s10], [sflag:$0x1] =	stream.indirect_vreg.gather [hbm4b:s5+s2], $0x80, v4, vm0, $0xb8;
	[tilespmem:$0xE000] =	vst v63  }
0x7f: {  	_ = 	snop  }
0x80: {  	[tilespmem:s11], [sflag:$0x1] =	stream.indirect_vreg.gather [hbm4b:s3+s2], $0x80, v3, vm0, $0xb8;
	[tilespmem:$0xE000] =	vst v63  }
0x81: {  	_ = 	snop  }
0x82: {  	[tilespmem:s12], [sflag:$0x1] =	stream.indirect_vreg.gather [hbm4b:s5+s2], $0x80, v3, vm0, $0xb8;
	[tilespmem:$0xE000] =	vst v63  }
0x83: {  	v3 =	vld [tilespmem:$0x3E10];
	_ =	sdelay $0x4  }
0x84: {  	v62 =	vshll.u32 v3, $0x2  }
0x85: {  	v3 =	vand.u32 $0x7, v3;
	v4 =	vand.u32 $0xFFFFFFE0, v62  }
0x86: {  	v3 =	vor.u32 v3, v4  }
0x87: {  	v4 =	vperm.xlane v3, v0;
	_ =	sdelay $0x1  }
0x88: {  	v4 =	vadd.s32 v1, v4;
	_ =	sdelay $0x1  }
0x89: {  	v3 =	vperm.xlane v3, v2;
	_ =	sdelay $0x1  }
0x8a: {  	v3 =	vadd.s32 v1, v3  }
0x8b: {  	[tilespmem:s13], [sflag:$0x1] =	stream.indirect_vreg.gather [hbm4b:s3+s2], $0x80, v4, vm0, $0xb8;
	[tilespmem:$0xE000] =	vst v63  }
0x8c: {  	_ = 	snop  }
0x8d: {  	[tilespmem:s14], [sflag:$0x1] =	stream.indirect_vreg.gather [hbm4b:s5+s2], $0x80, v4, vm0, $0xb8;
	[tilespmem:$0xE000] =	vst v63  }
0x8e: {  	_ = 	snop  }
0x8f: {  	[tilespmem:s15], [sflag:$0x1] =	stream.indirect_vreg.gather [hbm4b:s3+s2], $0x80, v3, vm0, $0xb8;
	[tilespmem:$0xE000] =	vst v63  }
0x90: {  	_ = 	snop  }
0x91: {  	[tilespmem:s16], [sflag:$0x1] =	stream.indirect_vreg.gather [hbm4b:s5+s2], $0x80, v3, vm0, $0xb8;
	[tilespmem:$0xE000] =	vst v63  }
0x92: {  	v3 =	vld.msk [tilespmem:$0x3E20], $0xff;
	_ =	sdelay $0x4  }
0x93: {  	v63 =	vshll.u32 v3, $0x2  }
0x94: {  	v3 =	vand.u32 $0x7, v3;
	v4 =	vand.u32 $0xFFFFFFE0, v63  }
0x95: {  	v3 =	vor.u32 v3, v4  }
0x96: {  	v3 =	vperm.xlane v3, v0;
	_ =	sdelay $0x1  }
0x97: {  	v3 =	vadd.s32 v1, v3;
	_ =	sdelay $0x4  }
0x98: {  	[tilespmem:s17], [sflag:$0x1] =	stream.indirect_vreg.gather [hbm4b:s3+s2], $0x80, v3, vm0, $0xb8;
	[tilespmem:$0xE000] =	vst v63  }
0x99: {  	_ = 	snop  }
0x9a: {  	[tilespmem:s18], [sflag:$0x1] =	stream.indirect_vreg.gather [hbm4b:s5+s2], $0x80, v3, vm0, $0xb8;
	[tilespmem:$0xE000] =	vst v63  }
0x9b: {  	s31 =	sadd.s32 $0x1, s31;
	_ =	swait.ge [sflag:s29], $0x5000  }
0x9c: {  	p0 =	sne.s32 s31, s7;
	[sflag:s29] =	ssyncset.done $0x0  }
.Ltmp1:
0x9d: {  	[sflag:s29] =	ssyncadd.s32 $0xFFFFB000;
	(pc) =	sbr.rel @p0 .LBB2_1-.Ltmp1, $4  }
0x9e: {  	[hbm4b:s6+s2] =	stream.linear.scatter [tilespmem:s9], [sflag:$0x3], $0x5000, $0x38;
	[tilespmem:$0xE000] =	vst v63  }
0x9f: {  	_ =	swait.ge [sflag:s8], $0x5000  }
0xa0: {  	[sflag:s8] =	ssyncset.done $0x0  }
0xa1: {  	[sflag:s8] =	ssyncadd.s32 $0xFFFFB000  }
0xa2: {  	_ =	sfence.sel $0x180000  }
0xa3: {  	[bflag:$0x0] =	sbarrier.arrive $0xFFFF  }
0xa4: {  	_ =	strace $0x90000050  }
0xa5: {  	s0 =	stileid.u32;
	[bflag:$0x2] =	sbarrier.arrive $0xFFFF  }
0xa6: {  	p0 =	sne.s32 s0, $0x0;
	s0 =	rddreg [dreg:$0x1]  }
0xa7: {  	s0 =	sadd.s32 @!p0 $0x100000, s0  }
0xa8: {  	[sflag:s0] =	ssyncadd.tile.s32 @!p0 $0x1;
	_ =	shalt  }
.Lfunc_end2:
_tile_overlayer_lowered:
.L_overlay_start_2:
0xa9: {  	(tag) =	ssettag $0x2  }
0xaa: {  	s0 =	rddreg [dreg:$0x0];
	s2 =	stileid.u32  }
0xab: {  	s1 =	rddreg [dreg:$0x1];
	p0 =	sne.s32 s2, $0x0  }
0xac: {  	s3 =	rddreg [dreg:$0x2];
	[bflag:$0x3] =	sbarrier.arrive $0xFFFF;
	s2 =	simm.s32 @!p0 $0x1C03  }
0xad: {  	[timem:s3], [sflag:s2] =	dma.local @!p0 [hbm:s0], s1  }
0xae: {  	s0 =	simm.s32 @!p0 $0x3  }
0xaf: {  	_ =	swait.ge @!p0 [sflag:s0], s1  }
0xb0: {  	s1 =	ssub.s32 @!p0 $0x0, s1;
	[sflag:s0] =	ssyncset.done @!p0 $0x0  }
0xb1: {  	[sflag:s0] =	ssyncadd.s32 @!p0 s1  }
0xb2: {  	[bflag:$0x3] =	sbarrier.arrive $0xFFFF  }
0xb3: {  	_ =	shalt  }

</sc_bundles>
